<compile_context>
chip_gen: v7x
topology: tpu7x:2x2x1
jax: 0.10.2.dev20260603
libtpu: 0.0.44.dev20260713+nightly
codegen_flags: <defaults>
</compile_context>

<pallas_src>
import functools

import jax
import jax.numpy as jnp
from jax import lax
from jax.experimental import pallas as pl
from jax.experimental.pallas import tpu as pltpu
from jax.experimental.pallas import tpu_sc as plsc

N = 10000
E = 160000
D = 256
DH = 128
DOUT = 40

NC = 2
NS = 16
DEG_W = 16

DEG_B = 40
ACC_ROWS = 10240
ZCH = ACC_ROWS // NS // DEG_B
DEG_EB = 128
DEG_KG = 8
DEG_EPT = 5120
DEG_NG = DEG_EPT // (DEG_KG * DEG_EB)

E_PER_TILE = E // NS
EB = 80
ESTEPS = E_PER_TILE // EB
N_PAD = ACC_ROWS
ROWS_PER_TILE = N_PAD // NS

def _copy_row(mat, k, out, n):
    for j in range(n // 16):
        out[pl.ds(j * 16, 16)] = mat[k, pl.ds(j * 16, 16)]


def _deg_body(dstd_hbm, degp_hbm, acc, idx8, dk, ones_v, fill_v, dsem):
    c = lax.axis_index("c")
    s = lax.axis_index("s")
    t = c * NS + s

    def fill(i, _):
        fill_v[i, :] = jnp.zeros((DEG_W,), jnp.float32)
        return 0
    lax.fori_loop(0, DEG_B, fill, 0)
    def zchunk(j, _):
        pltpu.sync_copy(
            fill_v, acc.at[pl.ds(s * (ACC_ROWS // NS) + j * DEG_B, DEG_B), :])
        return 0
    lax.fori_loop(0, ZCH, zchunk, 0)
    def ofill(i, _):
        ones_v[i, :] = jnp.ones((DEG_W,), jnp.float32)
        return 0
    lax.fori_loop(0, DEG_EB, ofill, 0)
    plsc.subcore_barrier()

    def dgroup(g, _):
        pltpu.async_copy(dstd_hbm.at[t, g], idx8, dsem).wait()
        for b in range(DEG_KG):
            _copy_row(idx8, b, dk, DEG_EB)
            pltpu.sync_copy(ones_v, acc.at[dk], add=True)
        return 0
    lax.fori_loop(0, DEG_NG, dgroup, 0)
    plsc.subcore_barrier()

    @pl.when(s == 0)
    def _():
        pltpu.sync_copy(acc.at[pl.ds(0, N_PAD), :], degp_hbm.at[c])


@functools.cache
def _deg_call():
    mesh = plsc.VectorSubcoreMesh(
        core_axis_name="c", subcore_axis_name="s",
        num_cores=NC, num_subcores=NS)
    return pl.kernel(
        _deg_body,
        out_type=jax.ShapeDtypeStruct((NC, N_PAD, DEG_W), jnp.float32),
        mesh=mesh,
        scratch_types=[
            pltpu.VMEM_SHARED((ACC_ROWS, DEG_W), jnp.float32),
            pltpu.VMEM((DEG_KG, DEG_EB), jnp.int32),
            pltpu.VMEM((DEG_EB,), jnp.int32),
            pltpu.VMEM((DEG_EB, DEG_W), jnp.float32),
            pltpu.VMEM((DEG_B, DEG_W), jnp.float32),
            pltpu.SemaphoreType.DMA,
        ],
    )


KG = 4
EPT_PAD = 10240
NG = EPT_PAD // (KG * EB)


def _scat_body(z_hbm, srcm_hbm, dstm_hbm, s_hbm,
               acc, src_g, dst_g, src_k, dst_k, rows_v, isem, jsem, gsem, ssem):
    c = lax.axis_index("c")
    s = lax.axis_index("s")
    r0 = s * ROWS_PER_TILE
    pltpu.sync_copy(z_hbm.at[c, pl.ds(r0, ROWS_PER_TILE), :],
                    acc.at[pl.ds(r0, ROWS_PER_TILE), :])
    plsc.subcore_barrier()

    zc = z_hbm.at[c]

    def group(g, _):
        di = pltpu.async_copy(srcm_hbm.at[s, g], src_g, isem)
        dj = pltpu.async_copy(dstm_hbm.at[s, g], dst_g, jsem)
        di.wait()
        dj.wait()
        for k in range(KG):
            _copy_row(src_g, k, src_k[k], EB)
            _copy_row(dst_g, k, dst_k[k], EB)
        dg = []
        for k in range(KG):
            dg.append(pltpu.async_copy(zc.at[src_k[k]], rows_v[k], gsem[k]))
        ds = []
        for k in range(KG):
            dg[k].wait()
            ds.append(pltpu.async_copy(rows_v[k], acc.at[dst_k[k]], ssem[k],
                                       add=True))
        for k in range(KG):
            ds[k].wait()
        return 0
    lax.fori_loop(0, NG, group, 0)
    plsc.subcore_barrier()

    pltpu.sync_copy(acc.at[pl.ds(r0, ROWS_PER_TILE), :],
                    s_hbm.at[c, pl.ds(r0, ROWS_PER_TILE), :])


@functools.cache
def _scat_call():
    mesh = plsc.VectorSubcoreMesh(
        core_axis_name="c", subcore_axis_name="s",
        num_cores=NC, num_subcores=NS)
    return pl.kernel(
        _scat_body,
        out_type=jax.ShapeDtypeStruct((NC, N_PAD, DH), jnp.float32),
        mesh=mesh,
        scratch_types=[
            pltpu.VMEM_SHARED((N_PAD, DH), jnp.float32),
            pltpu.VMEM((KG, EB), jnp.int32),
            pltpu.VMEM((KG, EB), jnp.int32),
            [pltpu.VMEM((EB,), jnp.int32)] * KG,
            [pltpu.VMEM((EB,), jnp.int32)] * KG,
            [pltpu.VMEM((EB, DH), jnp.float32)] * KG,
            pltpu.SemaphoreType.DMA,
            pltpu.SemaphoreType.DMA,
            [pltpu.SemaphoreType.DMA] * KG,
            [pltpu.SemaphoreType.DMA] * KG,
        ],
    )


RB = 640
GRID = N_PAD // RB


def _dinv_of(degp_ref):
    deg = 1.0 + degp_ref[0][:, 0:1] + degp_ref[1][:, 0:1]
    return lax.rsqrt(deg)


def _tc_first_body(degp_ref, x_ref, w_ref, z_ref):
    dinv = _dinv_of(degp_ref)
    z = dinv * jnp.dot(x_ref[...], w_ref[...], preferred_element_type=jnp.float32)
    z_ref[0] = z[:, :DH]
    z_ref[1] = z[:, DH:]


def _tc_mid_body(degp_ref, s_ref, b_ref, w_ref, h_ref, zn_ref):
    dinv = _dinv_of(degp_ref)
    agg = jnp.concatenate([s_ref[0], s_ref[1]], axis=1)
    h = jnp.maximum(dinv * agg + b_ref[...][None, :], 0.0)
    h_ref[...] = h
    zn = dinv * jnp.dot(h, w_ref[...], preferred_element_type=jnp.float32)
    zn_ref[0] = zn[:, :DH]
    zn_ref[1] = zn[:, DH:]


def _tc_last_body(degp_ref, s_ref, b_ref, wc_ref, bc_ref, h_ref, y_ref):
    dinv = _dinv_of(degp_ref)
    agg = jnp.concatenate([s_ref[0], s_ref[1]], axis=1)
    h = jnp.maximum(dinv * agg + b_ref[...][None, :], 0.0)
    h_ref[...] = h
    y_ref[...] = (jnp.dot(h, wc_ref[...], preferred_element_type=jnp.float32)
                  + bc_ref[...][None, :])


_degp_spec = pl.BlockSpec((NC, RB, DEG_W), lambda i: (0, i, 0))
_half_spec = pl.BlockSpec((NC, RB, DH), lambda i: (0, i, 0))
_full_spec = pl.BlockSpec((RB, D), lambda i: (i, 0))
_w_spec = pl.BlockSpec((D, D), lambda i: (0, 0))
_b_spec = pl.BlockSpec((D,), lambda i: (0,))

_tc_first = pl.pallas_call(
    _tc_first_body,
    grid=(GRID,),
    in_specs=[_degp_spec, _full_spec, _w_spec],
    out_specs=_half_spec,
    out_shape=jax.ShapeDtypeStruct((NC, N_PAD, DH), jnp.float32),
)

_tc_mid = pl.pallas_call(
    _tc_mid_body,
    grid=(GRID,),
    in_specs=[_degp_spec, _half_spec, _b_spec, _w_spec],
    out_specs=[_full_spec, _half_spec],
    out_shape=[
        jax.ShapeDtypeStruct((N, D), jnp.float32),
        jax.ShapeDtypeStruct((NC, N_PAD, DH), jnp.float32),
    ],
)

_tc_last = pl.pallas_call(
    _tc_last_body,
    grid=(GRID,),
    in_specs=[_degp_spec, _half_spec, _b_spec,
              pl.BlockSpec((D, DOUT), lambda i: (0, 0)),
              pl.BlockSpec((DOUT,), lambda i: (0,))],
    out_specs=[_full_spec, pl.BlockSpec((RB, DOUT), lambda i: (i, 0))],
    out_shape=[
        jax.ShapeDtypeStruct((N, D), jnp.float32),
        jax.ShapeDtypeStruct((N, DOUT), jnp.float32),
    ],
)


def kernel(x, edge_index, W1, b1, W2, b2, W3, b3, Wc, bc):
    src = edge_index[0]
    dst = edge_index[1]
    pad = EPT_PAD - E_PER_TILE
    srcm = jnp.pad(src.reshape(NS, E_PER_TILE), ((0, 0), (0, pad)),
                   constant_values=0).reshape(NS, NG, KG, EB)
    pad_rows = jnp.broadcast_to(N + jnp.arange(pad, dtype=dst.dtype), (NS, pad))
    dstm = jnp.concatenate([dst.reshape(NS, E_PER_TILE), pad_rows],
                           axis=1).reshape(NS, NG, KG, EB)
    dpad = DEG_EPT - E // (NC * NS)
    dstd = jnp.pad(dst.reshape(NC * NS, E // (NC * NS)), ((0, 0), (0, dpad)),
                   constant_values=N).reshape(NC * NS, DEG_NG, DEG_KG, DEG_EB)
    degp = _deg_call()(dstd)
    z1 = _tc_first(degp, x, W1)
    s1 = _scat_call()(z1, srcm, dstm)
    h1, z2 = _tc_mid(degp, s1, b1, W2)
    s2 = _scat_call()(z2, srcm, dstm)
    h2, z3 = _tc_mid(degp, s2, b2, W3)
    s3 = _scat_call()(z3, srcm, dstm)
    h3, y = _tc_last(degp, s3, b3, Wc, bc)
    return (h1, h2, h3, y)

# --- scband reference (transcript-rebuilt; emitter-appended) ---
"""Pipeline reference for scband-base-gnn-73126113181863 (READ-ONLY COPY).

The authoritative reference and input builder live on the scoring server;
editing this copy changes nothing except your own understanding.
"""

import jax, jax.numpy as jnp
import numpy as np

N = 10000
E = 160000
D_IN = 256
D_HID = 256
D_OUT = 40


def setup_inputs(seed: int = 0) -> dict:
    key = jax.random.key(seed)
    ks = jax.random.split(key, 12)
    x = jax.random.normal(ks[0], (N, D_IN), dtype=jnp.float32)
    edge_index = jax.random.randint(ks[1], (2, E), 0, N, dtype=jnp.int32)
    s_in = 1.0 / np.sqrt(D_IN)
    s_hid = 1.0 / np.sqrt(D_HID)
    W1 = jax.random.normal(ks[2], (D_IN, D_HID), dtype=jnp.float32) * s_in
    b1 = jnp.zeros((D_HID,), dtype=jnp.float32)
    W2 = jax.random.normal(ks[3], (D_HID, D_HID), dtype=jnp.float32) * s_hid
    b2 = jnp.zeros((D_HID,), dtype=jnp.float32)
    W3 = jax.random.normal(ks[4], (D_HID, D_HID), dtype=jnp.float32) * s_hid
    b3 = jnp.zeros((D_HID,), dtype=jnp.float32)
    Wc = jax.random.normal(ks[5], (D_HID, D_OUT), dtype=jnp.float32) * s_hid
    bc = jnp.zeros((D_OUT,), dtype=jnp.float32)
    return {"x": x, "edge_index": edge_index, "W1": W1, "b1": b1, "W2": W2, "b2": b2, "W3": W3, "b3": b3, "Wc": Wc, "bc": bc}


def gcn_conv(x, edge_index, W, b):
    # GCNConv with add_self_loops=True (augmented) and symmetric normalization.
    n = x.shape[0]
    src = edge_index[0]
    dst = edge_index[1]
    loop = jnp.arange(n, dtype=src.dtype)
    src = jnp.concatenate([src, loop])
    dst = jnp.concatenate([dst, loop])
    deg = jnp.zeros((n,), dtype=x.dtype).at[dst].add(1.0)
    dinv = 1.0 / jnp.sqrt(deg)
    xw = x @ W
    norm = (jnp.take(dinv, src) * jnp.take(dinv, dst))[:, None]
    msg = jnp.take(xw, src, axis=0) * norm
    out = jnp.zeros((n, W.shape[1]), dtype=x.dtype).at[dst].add(msg)
    return out + b


def reference(x, edge_index, W1, b1, W2, b2, W3, b3, Wc, bc):
    # Eval mode: dropout (p_dropout=0.5, p_input_dropout=0.0) is identity.
    h1 = jax.nn.relu(gcn_conv(x, edge_index, W1, b1))
    h2 = jax.nn.relu(gcn_conv(h1, edge_index, W2, b2))
    h3 = jax.nn.relu(gcn_conv(h2, edge_index, W3, b3))
    y_pred = h3 @ Wc + bc
    # Matches torch forward: (h_list, [y_pred], [None]) with e_w_list empty -> [None]
    return (h1, h2, h3, y_pred)

if __name__ == "__main__":
    import jax
    _d = setup_inputs()
    print(jax.jit(kernel)(*tuple(_d.values())))

</pallas_src>

<mosaic_0001>
#map = affine_map<(d0, d1) -> (0, 0, 0)>
#map1 = affine_map<(d0, d1) -> (0, 0, 0, 0)>
module attributes {stable_mosaic.version = 14 : i64} {
  func.func @_scat_body(%arg0: i32, %arg1: i32, %arg2: memref<2x10240x128xf32, #tpu.memory_space<hbm>>, %arg3: memref<16x32x4x80xi32, #tpu.memory_space<hbm>>, %arg4: memref<16x32x4x80xi32, #tpu.memory_space<hbm>>, %arg5: memref<2x10240x128xf32, #tpu.memory_space<hbm>>, %arg6: memref<10240x128xf32, #tpu.memory_space<vmem_shared>>, %arg7: memref<4x80xi32, #tpu.memory_space<vmem>>, %arg8: memref<4x80xi32, #tpu.memory_space<vmem>>, %arg9: memref<80xi32, #tpu.memory_space<vmem>>, %arg10: memref<80xi32, #tpu.memory_space<vmem>>, %arg11: memref<80xi32, #tpu.memory_space<vmem>>, %arg12: memref<80xi32, #tpu.memory_space<vmem>>, %arg13: memref<80xi32, #tpu.memory_space<vmem>>, %arg14: memref<80xi32, #tpu.memory_space<vmem>>, %arg15: memref<80xi32, #tpu.memory_space<vmem>>, %arg16: memref<80xi32, #tpu.memory_space<vmem>>, %arg17: memref<80x128xf32, #tpu.memory_space<vmem>>, %arg18: memref<80x128xf32, #tpu.memory_space<vmem>>, %arg19: memref<80x128xf32, #tpu.memory_space<vmem>>, %arg20: memref<80x128xf32, #tpu.memory_space<vmem>>, %arg21: memref<!tpu.dma_semaphore, #tpu.memory_space<semaphore_mem>>, %arg22: memref<!tpu.dma_semaphore, #tpu.memory_space<semaphore_mem>>, %arg23: memref<!tpu.dma_semaphore, #tpu.memory_space<semaphore_mem>>, %arg24: memref<!tpu.dma_semaphore, #tpu.memory_space<semaphore_mem>>, %arg25: memref<!tpu.dma_semaphore, #tpu.memory_space<semaphore_mem>>, %arg26: memref<!tpu.dma_semaphore, #tpu.memory_space<semaphore_mem>>, %arg27: memref<!tpu.dma_semaphore, #tpu.memory_space<semaphore_mem>>, %arg28: memref<!tpu.dma_semaphore, #tpu.memory_space<semaphore_mem>>, %arg29: memref<!tpu.dma_semaphore, #tpu.memory_space<semaphore_mem>>, %arg30: memref<!tpu.dma_semaphore, #tpu.memory_space<semaphore_mem>>) attributes {dimension_semantics = [#tpu.dimension_semantics<core_parallel>, #tpu.dimension_semantics<subcore_parallel>], iteration_bounds = array<i64: 2, 16>, scalar_prefetch = 0 : i64, scratch_operands = 25 : i64, tpu.core_type = #tpu.core_type<sc_vector_subcore>, window_params = [{transform_indices = #map}, {transform_indices = #map1}, {transform_indices = #map1}, {transform_indices = #map}]} {
    %mul3A = arith.constant 640 : i32
    %mul3A_0 = arith.muli %arg1, %mul3A : i32
    "tpu.region"() ({
      %run_scoped3A = tpu.sem_alloc : memref<!tpu.dma_semaphore, #tpu.memory_space<semaphore_mem>>
      %dma_start3A = arith.constant 0 : i32
      %dma_start3A_8 = tpu.memref_slice %arg6[%mul3A_0, %dma_start3A] : memref<10240x128xf32, #tpu.memory_space<vmem_shared>> -> memref<640x128xf32, #tpu.memory_space<vmem_shared>>
      %dma_start3A_9 = arith.constant 0 : i32
      %dma_start3A_10 = tpu.memref_slice %arg2[%arg0, %mul3A_0, %dma_start3A_9] : memref<2x10240x128xf32, #tpu.memory_space<hbm>> -> memref<1x640x128xf32, #tpu.memory_space<hbm>>
      %dma_start3A_11 = tpu.memref_squeeze %dma_start3A_10 : memref<1x640x128xf32, #tpu.memory_space<hbm>> -> memref<640x128xf32, #tpu.memory_space<hbm>>
      tpu.enqueue_dma source(%dma_start3A_11 : memref<640x128xf32, #tpu.memory_space<hbm>>) target(%dma_start3A_8 : memref<640x128xf32, #tpu.memory_space<vmem_shared>>) target_semaphore(%run_scoped3A : memref<!tpu.dma_semaphore, #tpu.memory_space<semaphore_mem>>)
      %dma_wait3A = arith.constant 0 : i32
      %dma_wait3A_12 = tpu.memref_slice %arg6[%mul3A_0, %dma_wait3A] : memref<10240x128xf32, #tpu.memory_space<vmem_shared>> -> memref<640x128xf32, #tpu.memory_space<vmem_shared>>
      %dma_wait3A_13 = arith.constant 0 : i32
      %dma_wait3A_14 = tpu.memref_slice %arg2[%arg0, %mul3A_0, %dma_wait3A_13] : memref<2x10240x128xf32, #tpu.memory_space<hbm>> -> memref<1x640x128xf32, #tpu.memory_space<hbm>>
      %dma_wait3A_15 = tpu.memref_squeeze %dma_wait3A_14 : memref<1x640x128xf32, #tpu.memory_space<hbm>> -> memref<640x128xf32, #tpu.memory_space<hbm>>
      tpu.wait_dma2 semaphore(%run_scoped3A : memref<!tpu.dma_semaphore, #tpu.memory_space<semaphore_mem>>) src(%dma_wait3A_15 : memref<640x128xf32, #tpu.memory_space<hbm>>) dst(%dma_wait3A_12 : memref<640x128xf32, #tpu.memory_space<vmem_shared>>)
      tpu.yield
    }) : () -> ()
    %barrier3A = arith.constant 0 : index
    tpu.barrier barrier_id(%barrier3A)
    %scan3A = arith.constant 0 : i32
    %scan3A_1 = arith.constant 0 : i32
    %scan3A_2 = arith.constant 32 : i32
    %scan3A_3 = arith.addi %scan3A_1, %scan3A_2 : i32
    %scan3A_4 = arith.constant 1 : i32
    %scan3A_5 = scf.for %scan3A_8 = %scan3A_1 to %scan3A_3 step %scan3A_4 iter_args(%scan3A_9 = %scan3A) -> (i32)  : i32 {
      %dma_start3A = arith.constant 0 : i32
      %dma_start3A_10 = arith.constant 0 : i32
      %dma_start3A_11 = tpu.memref_slice %arg3[%arg1, %scan3A_8, %dma_start3A, %dma_start3A_10] : memref<16x32x4x80xi32, #tpu.memory_space<hbm>> -> memref<1x1x4x80xi32, #tpu.memory_space<hbm>>
      %dma_start3A_12 = tpu.memref_squeeze %dma_start3A_11 : memref<1x1x4x80xi32, #tpu.memory_space<hbm>> -> memref<4x80xi32, #tpu.memory_space<hbm>>
      %dma_start3A_13 = arith.constant 0 : i32
      %dma_start3A_14 = arith.constant 0 : i32
      %dma_start3A_15 = tpu.memref_slice %arg3[%arg1, %scan3A_8, %dma_start3A_13, %dma_start3A_14] : memref<16x32x4x80xi32, #tpu.memory_space<hbm>> -> memref<1x1x4x80xi32, #tpu.memory_space<hbm>>
      %dma_start3A_16 = tpu.memref_squeeze %dma_start3A_15 : memref<1x1x4x80xi32, #tpu.memory_space<hbm>> -> memref<4x80xi32, #tpu.memory_space<hbm>>
      tpu.enqueue_dma source(%dma_start3A_16 : memref<4x80xi32, #tpu.memory_space<hbm>>) target(%arg7 : memref<4x80xi32, #tpu.memory_space<vmem>>) target_semaphore(%arg21 : memref<!tpu.dma_semaphore, #tpu.memory_space<semaphore_mem>>)
      %dma_start3A_17 = arith.constant 0 : i32
      %dma_start3A_18 = arith.constant 0 : i32
      %dma_start3A_19 = tpu.memref_slice %arg4[%arg1, %scan3A_8, %dma_start3A_17, %dma_start3A_18] : memref<16x32x4x80xi32, #tpu.memory_space<hbm>> -> memref<1x1x4x80xi32, #tpu.memory_space<hbm>>
      %dma_start3A_20 = tpu.memref_squeeze %dma_start3A_19 : memref<1x1x4x80xi32, #tpu.memory_space<hbm>> -> memref<4x80xi32, #tpu.memory_space<hbm>>
      %dma_start3A_21 = arith.constant 0 : i32
      %dma_start3A_22 = arith.constant 0 : i32
      %dma_start3A_23 = tpu.memref_slice %arg4[%arg1, %scan3A_8, %dma_start3A_21, %dma_start3A_22] : memref<16x32x4x80xi32, #tpu.memory_space<hbm>> -> memref<1x1x4x80xi32, #tpu.memory_space<hbm>>
      %dma_start3A_24 = tpu.memref_squeeze %dma_start3A_23 : memref<1x1x4x80xi32, #tpu.memory_space<hbm>> -> memref<4x80xi32, #tpu.memory_space<hbm>>
      tpu.enqueue_dma source(%dma_start3A_24 : memref<4x80xi32, #tpu.memory_space<hbm>>) target(%arg8 : memref<4x80xi32, #tpu.memory_space<vmem>>) target_semaphore(%arg22 : memref<!tpu.dma_semaphore, #tpu.memory_space<semaphore_mem>>)
      %dma_wait3A = arith.constant 0 : i32
      %dma_wait3A_25 = arith.constant 0 : i32
      %dma_wait3A_26 = tpu.memref_slice %arg3[%arg1, %scan3A_8, %dma_wait3A, %dma_wait3A_25] : memref<16x32x4x80xi32, #tpu.memory_space<hbm>> -> memref<1x1x4x80xi32, #tpu.memory_space<hbm>>
      %dma_wait3A_27 = tpu.memref_squeeze %dma_wait3A_26 : memref<1x1x4x80xi32, #tpu.memory_space<hbm>> -> memref<4x80xi32, #tpu.memory_space<hbm>>
      %dma_wait3A_28 = arith.constant 0 : i32
      %dma_wait3A_29 = arith.constant 0 : i32
      %dma_wait3A_30 = tpu.memref_slice %arg3[%arg1, %scan3A_8, %dma_wait3A_28, %dma_wait3A_29] : memref<16x32x4x80xi32, #tpu.memory_space<hbm>> -> memref<1x1x4x80xi32, #tpu.memory_space<hbm>>
      %dma_wait3A_31 = tpu.memref_squeeze %dma_wait3A_30 : memref<1x1x4x80xi32, #tpu.memory_space<hbm>> -> memref<4x80xi32, #tpu.memory_space<hbm>>
      tpu.wait_dma2 semaphore(%arg21 : memref<!tpu.dma_semaphore, #tpu.memory_space<semaphore_mem>>) src(%dma_wait3A_31 : memref<4x80xi32, #tpu.memory_space<hbm>>) dst(%arg7 : memref<4x80xi32, #tpu.memory_space<vmem>>)
      %dma_wait3A_32 = arith.constant 0 : i32
      %dma_wait3A_33 = arith.constant 0 : i32
      %dma_wait3A_34 = tpu.memref_slice %arg4[%arg1, %scan3A_8, %dma_wait3A_32, %dma_wait3A_33] : memref<16x32x4x80xi32, #tpu.memory_space<hbm>> -> memref<1x1x4x80xi32, #tpu.memory_space<hbm>>
      %dma_wait3A_35 = tpu.memref_squeeze %dma_wait3A_34 : memref<1x1x4x80xi32, #tpu.memory_space<hbm>> -> memref<4x80xi32, #tpu.memory_space<hbm>>
      %dma_wait3A_36 = arith.constant 0 : i32
      %dma_wait3A_37 = arith.constant 0 : i32
      %dma_wait3A_38 = tpu.memref_slice %arg4[%arg1, %scan3A_8, %dma_wait3A_36, %dma_wait3A_37] : memref<16x32x4x80xi32, #tpu.memory_space<hbm>> -> memref<1x1x4x80xi32, #tpu.memory_space<hbm>>
      %dma_wait3A_39 = tpu.memref_squeeze %dma_wait3A_38 : memref<1x1x4x80xi32, #tpu.memory_space<hbm>> -> memref<4x80xi32, #tpu.memory_space<hbm>>
      tpu.wait_dma2 semaphore(%arg22 : memref<!tpu.dma_semaphore, #tpu.memory_space<semaphore_mem>>) src(%dma_wait3A_39 : memref<4x80xi32, #tpu.memory_space<hbm>>) dst(%arg8 : memref<4x80xi32, #tpu.memory_space<vmem>>)
      %get3A = arith.constant 0 : i32
      %get3A_40 = arith.index_cast %get3A : i32 to index
      %get3A_41 = arith.constant 0 : index
      %get3A_42 = tpu.vector_load %arg7[%get3A_40, %get3A_41] {strides = array<i32>} : memref<4x80xi32, #tpu.memory_space<vmem>>, vector<1x16xi32>,
      %get3A_43 = vector.shape_cast %get3A_42 : vector<1x16xi32> to vector<16xi32>
      %swap3A = arith.constant 0 : index
      %swap3A_44 = tpu.vector_load %arg9[%swap3A] {strides = array<i32>} : memref<80xi32, #tpu.memory_space<vmem>>, vector<16xi32>,
      %swap3A_45 = vector.shape_cast %swap3A_44 : vector<16xi32> to vector<16xi32>
      %swap3A_46 = vector.shape_cast %get3A_43 : vector<16xi32> to vector<16xi32>
      tpu.vector_store %arg9[%swap3A], %swap3A_46 {strides = array<i32>} : memref<80xi32, #tpu.memory_space<vmem>>, vector<16xi32>,
      %get3A_47 = arith.constant 0 : i32
      %get3A_48 = arith.index_cast %get3A_47 : i32 to index
      %get3A_49 = arith.constant 16 : index
      %get3A_50 = tpu.vector_load %arg7[%get3A_48, %get3A_49] {strides = array<i32>} : memref<4x80xi32, #tpu.memory_space<vmem>>, vector<1x16xi32>,
      %get3A_51 = vector.shape_cast %get3A_50 : vector<1x16xi32> to vector<16xi32>
      %swap3A_52 = arith.constant 16 : index
      %swap3A_53 = tpu.vector_load %arg9[%swap3A_52] {strides = array<i32>} : memref<80xi32, #tpu.memory_space<vmem>>, vector<16xi32>,
      %swap3A_54 = vector.shape_cast %swap3A_53 : vector<16xi32> to vector<16xi32>
      %swap3A_55 = vector.shape_cast %get3A_51 : vector<16xi32> to vector<16xi32>
      tpu.vector_store %arg9[%swap3A_52], %swap3A_55 {strides = array<i32>} : memref<80xi32, #tpu.memory_space<vmem>>, vector<16xi32>,
      %get3A_56 = arith.constant 0 : i32
      %get3A_57 = arith.index_cast %get3A_56 : i32 to index
      %get3A_58 = arith.constant 32 : index
      %get3A_59 = tpu.vector_load %arg7[%get3A_57, %get3A_58] {strides = array<i32>} : memref<4x80xi32, #tpu.memory_space<vmem>>, vector<1x16xi32>,
      %get3A_60 = vector.shape_cast %get3A_59 : vector<1x16xi32> to vector<16xi32>
      %swap3A_61 = arith.constant 32 : index
      %swap3A_62 = tpu.vector_load %arg9[%swap3A_61] {strides = array<i32>} : memref<80xi32, #tpu.memory_space<vmem>>, vector<16xi32>,
      %swap3A_63 = vector.shape_cast %swap3A_62 : vector<16xi32> to vector<16xi32>
      %swap3A_64 = vector.shape_cast %get3A_60 : vector<16xi32> to vector<16xi32>
      tpu.vector_store %arg9[%swap3A_61], %swap3A_64 {strides = array<i32>} : memref<80xi32, #tpu.memory_space<vmem>>, vector<16xi32>,
      %get3A_65 = arith.constant 0 : i32
      %get3A_66 = arith.index_cast %get3A_65 : i32 to index
      %get3A_67 = arith.constant 48 : index
      %get3A_68 = tpu.vector_load %arg7[%get3A_66, %get3A_67] {strides = array<i32>} : memref<4x80xi32, #tpu.memory_space<vmem>>, vector<1x16xi32>,
      %get3A_69 = vector.shape_cast %get3A_68 : vector<1x16xi32> to vector<16xi32>
      %swap3A_70 = arith.constant 48 : index
      %swap3A_71 = tpu.vector_load %arg9[%swap3A_70] {strides = array<i32>} : memref<80xi32, #tpu.memory_space<vmem>>, vector<16xi32>,
      %swap3A_72 = vector.shape_cast %swap3A_71 : vector<16xi32> to vector<16xi32>
      %swap3A_73 = vector.shape_cast %get3A_69 : vector<16xi32> to vector<16xi32>
      tpu.vector_store %arg9[%swap3A_70], %swap3A_73 {strides = array<i32>} : memref<80xi32, #tpu.memory_space<vmem>>, vector<16xi32>,
      %get3A_74 = arith.constant 0 : i32
      %get3A_75 = arith.index_cast %get3A_74 : i32 to index
      %get3A_76 = arith.constant 64 : index
      %get3A_77 = tpu.vector_load %arg7[%get3A_75, %get3A_76] {strides = array<i32>} : memref<4x80xi32, #tpu.memory_space<vmem>>, vector<1x16xi32>,
      %get3A_78 = vector.shape_cast %get3A_77 : vector<1x16xi32> to vector<16xi32>
      %swap3A_79 = arith.constant 64 : index
      %swap3A_80 = tpu.vector_load %arg9[%swap3A_79] {strides = array<i32>} : memref<80xi32, #tpu.memory_space<vmem>>, vector<16xi32>,
      %swap3A_81 = vector.shape_cast %swap3A_80 : vector<16xi32> to vector<16xi32>
      %swap3A_82 = vector.shape_cast %get3A_78 : vector<16xi32> to vector<16xi32>
      tpu.vector_store %arg9[%swap3A_79], %swap3A_82 {strides = array<i32>} : memref<80xi32, #tpu.memory_space<vmem>>, vector<16xi32>,
      %get3A_83 = arith.constant 0 : i32
      %get3A_84 = arith.index_cast %get3A_83 : i32 to index
      %get3A_85 = arith.constant 0 : index
      %get3A_86 = tpu.vector_load %arg8[%get3A_84, %get3A_85] {strides = array<i32>} : memref<4x80xi32, #tpu.memory_space<vmem>>, vector<1x16xi32>,
      %get3A_87 = vector.shape_cast %get3A_86 : vector<1x16xi32> to vector<16xi32>
      %swap3A_88 = arith.constant 0 : index
      %swap3A_89 = tpu.vector_load %arg13[%swap3A_88] {strides = array<i32>} : memref<80xi32, #tpu.memory_space<vmem>>, vector<16xi32>,
      %swap3A_90 = vector.shape_cast %swap3A_89 : vector<16xi32> to vector<16xi32>
      %swap3A_91 = vector.shape_cast %get3A_87 : vector<16xi32> to vector<16xi32>
      tpu.vector_store %arg13[%swap3A_88], %swap3A_91 {strides = array<i32>} : memref<80xi32, #tpu.memory_space<vmem>>, vector<16xi32>,
      %get3A_92 = arith.constant 0 : i32
      %get3A_93 = arith.index_cast %get3A_92 : i32 to index
      %get3A_94 = arith.constant 16 : index
      %get3A_95 = tpu.vector_load %arg8[%get3A_93, %get3A_94] {strides = array<i32>} : memref<4x80xi32, #tpu.memory_space<vmem>>, vector<1x16xi32>,
      %get3A_96 = vector.shape_cast %get3A_95 : vector<1x16xi32> to vector<16xi32>
      %swap3A_97 = arith.constant 16 : index
      %swap3A_98 = tpu.vector_load %arg13[%swap3A_97] {strides = array<i32>} : memref<80xi32, #tpu.memory_space<vmem>>, vector<16xi32>,
      %swap3A_99 = vector.shape_cast %swap3A_98 : vector<16xi32> to vector<16xi32>
      %swap3A_100 = vector.shape_cast %get3A_96 : vector<16xi32> to vector<16xi32>
      tpu.vector_store %arg13[%swap3A_97], %swap3A_100 {strides = array<i32>} : memref<80xi32, #tpu.memory_space<vmem>>, vector<16xi32>,
      %get3A_101 = arith.constant 0 : i32
      %get3A_102 = arith.index_cast %get3A_101 : i32 to index
      %get3A_103 = arith.constant 32 : index
      %get3A_104 = tpu.vector_load %arg8[%get3A_102, %get3A_103] {strides = array<i32>} : memref<4x80xi32, #tpu.memory_space<vmem>>, vector<1x16xi32>,
      %get3A_105 = vector.shape_cast %get3A_104 : vector<1x16xi32> to vector<16xi32>
      %swap3A_106 = arith.constant 32 : index
      %swap3A_107 = tpu.vector_load %arg13[%swap3A_106] {strides = array<i32>} : memref<80xi32, #tpu.memory_space<vmem>>, vector<16xi32>,
      %swap3A_108 = vector.shape_cast %swap3A_107 : vector<16xi32> to vector<16xi32>
      %swap3A_109 = vector.shape_cast %get3A_105 : vector<16xi32> to vector<16xi32>
      tpu.vector_store %arg13[%swap3A_106], %swap3A_109 {strides = array<i32>} : memref<80xi32, #tpu.memory_space<vmem>>, vector<16xi32>,
      %get3A_110 = arith.constant 0 : i32
      %get3A_111 = arith.index_cast %get3A_110 : i32 to index
      %get3A_112 = arith.constant 48 : index
      %get3A_113 = tpu.vector_load %arg8[%get3A_111, %get3A_112] {strides = array<i32>} : memref<4x80xi32, #tpu.memory_space<vmem>>, vector<1x16xi32>,
      %get3A_114 = vector.shape_cast %get3A_113 : vector<1x16xi32> to vector<16xi32>
      %swap3A_115 = arith.constant 48 : index
      %swap3A_116 = tpu.vector_load %arg13[%swap3A_115] {strides = array<i32>} : memref<80xi32, #tpu.memory_space<vmem>>, vector<16xi32>,
      %swap3A_117 = vector.shape_cast %swap3A_116 : vector<16xi32> to vector<16xi32>
      %swap3A_118 = vector.shape_cast %get3A_114 : vector<16xi32> to vector<16xi32>
      tpu.vector_store %arg13[%swap3A_115], %swap3A_118 {strides = array<i32>} : memref<80xi32, #tpu.memory_space<vmem>>, vector<16xi32>,
      %get3A_119 = arith.constant 0 : i32
      %get3A_120 = arith.index_cast %get3A_119 : i32 to index
      %get3A_121 = arith.constant 64 : index
      %get3A_122 = tpu.vector_load %arg8[%get3A_120, %get3A_121] {strides = array<i32>} : memref<4x80xi32, #tpu.memory_space<vmem>>, vector<1x16xi32>,
      %get3A_123 = vector.shape_cast %get3A_122 : vector<1x16xi32> to vector<16xi32>
      %swap3A_124 = arith.constant 64 : index
      %swap3A_125 = tpu.vector_load %arg13[%swap3A_124] {strides = array<i32>} : memref<80xi32, #tpu.memory_space<vmem>>, vector<16xi32>,
      %swap3A_126 = vector.shape_cast %swap3A_125 : vector<16xi32> to vector<16xi32>
      %swap3A_127 = vector.shape_cast %get3A_123 : vector<16xi32> to vector<16xi32>
      tpu.vector_store %arg13[%swap3A_124], %swap3A_127 {strides = array<i32>} : memref<80xi32, #tpu.memory_space<vmem>>, vector<16xi32>,
      %get3A_128 = arith.constant 1 : i32
      %get3A_129 = arith.index_cast %get3A_128 : i32 to index
      %get3A_130 = arith.constant 0 : index
      %get3A_131 = tpu.vector_load %arg7[%get3A_129, %get3A_130] {strides = array<i32>} : memref<4x80xi32, #tpu.memory_space<vmem>>, vector<1x16xi32>,
      %get3A_132 = vector.shape_cast %get3A_131 : vector<1x16xi32> to vector<16xi32>
      %swap3A_133 = arith.constant 0 : index
      %swap3A_134 = tpu.vector_load %arg10[%swap3A_133] {strides = array<i32>} : memref<80xi32, #tpu.memory_space<vmem>>, vector<16xi32>,
      %swap3A_135 = vector.shape_cast %swap3A_134 : vector<16xi32> to vector<16xi32>
      %swap3A_136 = vector.shape_cast %get3A_132 : vector<16xi32> to vector<16xi32>
      tpu.vector_store %arg10[%swap3A_133], %swap3A_136 {strides = array<i32>} : memref<80xi32, #tpu.memory_space<vmem>>, vector<16xi32>,
      %get3A_137 = arith.constant 1 : i32
      %get3A_138 = arith.index_cast %get3A_137 : i32 to index
      %get3A_139 = arith.constant 16 : index
      %get3A_140 = tpu.vector_load %arg7[%get3A_138, %get3A_139] {strides = array<i32>} : memref<4x80xi32, #tpu.memory_space<vmem>>, vector<1x16xi32>,
      %get3A_141 = vector.shape_cast %get3A_140 : vector<1x16xi32> to vector<16xi32>
      %swap3A_142 = arith.constant 16 : index
      %swap3A_143 = tpu.vector_load %arg10[%swap3A_142] {strides = array<i32>} : memref<80xi32, #tpu.memory_space<vmem>>, vector<16xi32>,
      %swap3A_144 = vector.shape_cast %swap3A_143 : vector<16xi32> to vector<16xi32>
      %swap3A_145 = vector.shape_cast %get3A_141 : vector<16xi32> to vector<16xi32>
      tpu.vector_store %arg10[%swap3A_142], %swap3A_145 {strides = array<i32>} : memref<80xi32, #tpu.memory_space<vmem>>, vector<16xi32>,
      %get3A_146 = arith.constant 1 : i32
      %get3A_147 = arith.index_cast %get3A_146 : i32 to index
      %get3A_148 = arith.constant 32 : index
      %get3A_149 = tpu.vector_load %arg7[%get3A_147, %get3A_148] {strides = array<i32>} : memref<4x80xi32, #tpu.memory_space<vmem>>, vector<1x16xi32>,
      %get3A_150 = vector.shape_cast %get3A_149 : vector<1x16xi32> to vector<16xi32>
      %swap3A_151 = arith.constant 32 : index
      %swap3A_152 = tpu.vector_load %arg10[%swap3A_151] {strides = array<i32>} : memref<80xi32, #tpu.memory_space<vmem>>, vector<16xi32>,
      %swap3A_153 = vector.shape_cast %swap3A_152 : vector<16xi32> to vector<16xi32>
      %swap3A_154 = vector.shape_cast %get3A_150 : vector<16xi32> to vector<16xi32>
      tpu.vector_store %arg10[%swap3A_151], %swap3A_154 {strides = array<i32>} : memref<80xi32, #tpu.memory_space<vmem>>, vector<16xi32>,
      %get3A_155 = arith.constant 1 : i32
      %get3A_156 = arith.index_cast %get3A_155 : i32 to index
      %get3A_157 = arith.constant 48 : index
      %get3A_158 = tpu.vector_load %arg7[%get3A_156, %get3A_157] {strides = array<i32>} : memref<4x80xi32, #tpu.memory_space<vmem>>, vector<1x16xi32>,
      %get3A_159 = vector.shape_cast %get3A_158 : vector<1x16xi32> to vector<16xi32>
      %swap3A_160 = arith.constant 48 : index
      %swap3A_161 = tpu.vector_load %arg10[%swap3A_160] {strides = array<i32>} : memref<80xi32, #tpu.memory_space<vmem>>, vector<16xi32>,
      %swap3A_162 = vector.shape_cast %swap3A_161 : vector<16xi32> to vector<16xi32>
      %swap3A_163 = vector.shape_cast %get3A_159 : vector<16xi32> to vector<16xi32>
      tpu.vector_store %arg10[%swap3A_160], %swap3A_163 {strides = array<i32>} : memref<80xi32, #tpu.memory_space<vmem>>, vector<16xi32>,
      %get3A_164 = arith.constant 1 : i32
      %get3A_165 = arith.index_cast %get3A_164 : i32 to index
      %get3A_166 = arith.constant 64 : index
      %get3A_167 = tpu.vector_load %arg7[%get3A_165, %get3A_166] {strides = array<i32>} : memref<4x80xi32, #tpu.memory_space<vmem>>, vector<1x16xi32>,
      %get3A_168 = vector.shape_cast %get3A_167 : vector<1x16xi32> to vector<16xi32>
      %swap3A_169 = arith.constant 64 : index
      %swap3A_170 = tpu.vector_load %arg10[%swap3A_169] {strides = array<i32>} : memref<80xi32, #tpu.memory_space<vmem>>, vector<16xi32>,
      %swap3A_171 = vector.shape_cast %swap3A_170 : vector<16xi32> to vector<16xi32>
      %swap3A_172 = vector.shape_cast %get3A_168 : vector<16xi32> to vector<16xi32>
      tpu.vector_store %arg10[%swap3A_169], %swap3A_172 {strides = array<i32>} : memref<80xi32, #tpu.memory_space<vmem>>, vector<16xi32>,
      %get3A_173 = arith.constant 1 : i32
      %get3A_174 = arith.index_cast %get3A_173 : i32 to index
      %get3A_175 = arith.constant 0 : index
      %get3A_176 = tpu.vector_load %arg8[%get3A_174, %get3A_175] {strides = array<i32>} : memref<4x80xi32, #tpu.memory_space<vmem>>, vector<1x16xi32>,
      %get3A_177 = vector.shape_cast %get3A_176 : vector<1x16xi32> to vector<16xi32>
      %swap3A_178 = arith.constant 0 : index
      %swap3A_179 = tpu.vector_load %arg14[%swap3A_178] {strides = array<i32>} : memref<80xi32, #tpu.memory_space<vmem>>, vector<16xi32>,
      %swap3A_180 = vector.shape_cast %swap3A_179 : vector<16xi32> to vector<16xi32>
      %swap3A_181 = vector.shape_cast %get3A_177 : vector<16xi32> to vector<16xi32>
      tpu.vector_store %arg14[%swap3A_178], %swap3A_181 {strides = array<i32>} : memref<80xi32, #tpu.memory_space<vmem>>, vector<16xi32>,
      %get3A_182 = arith.constant 1 : i32
      %get3A_183 = arith.index_cast %get3A_182 : i32 to index
      %get3A_184 = arith.constant 16 : index
      %get3A_185 = tpu.vector_load %arg8[%get3A_183, %get3A_184] {strides = array<i32>} : memref<4x80xi32, #tpu.memory_space<vmem>>, vector<1x16xi32>,
      %get3A_186 = vector.shape_cast %get3A_185 : vector<1x16xi32> to vector<16xi32>
      %swap3A_187 = arith.constant 16 : index
      %swap3A_188 = tpu.vector_load %arg14[%swap3A_187] {strides = array<i32>} : memref<80xi32, #tpu.memory_space<vmem>>, vector<16xi32>,
      %swap3A_189 = vector.shape_cast %swap3A_188 : vector<16xi32> to vector<16xi32>
      %swap3A_190 = vector.shape_cast %get3A_186 : vector<16xi32> to vector<16xi32>
      tpu.vector_store %arg14[%swap3A_187], %swap3A_190 {strides = array<i32>} : memref<80xi32, #tpu.memory_space<vmem>>, vector<16xi32>,
      %get3A_191 = arith.constant 1 : i32
      %get3A_192 = arith.index_cast %get3A_191 : i32 to index
      %get3A_193 = arith.constant 32 : index
      %get3A_194 = tpu.vector_load %arg8[%get3A_192, %get3A_193] {strides = array<i32>} : memref<4x80xi32, #tpu.memory_space<vmem>>, vector<1x16xi32>,
      %get3A_195 = vector.shape_cast %get3A_194 : vector<1x16xi32> to vector<16xi32>
      %swap3A_196 = arith.constant 32 : index
      %swap3A_197 = tpu.vector_load %arg14[%swap3A_196] {strides = array<i32>} : memref<80xi32, #tpu.memory_space<vmem>>, vector<16xi32>,
      %swap3A_198 = vector.shape_cast %swap3A_197 : vector<16xi32> to vector<16xi32>
      %swap3A_199 = vector.shape_cast %get3A_195 : vector<16xi32> to vector<16xi32>
      tpu.vector_store %arg14[%swap3A_196], %swap3A_199 {strides = array<i32>} : memref<80xi32, #tpu.memory_space<vmem>>, vector<16xi32>,
      %get3A_200 = arith.constant 1 : i32
      %get3A_201 = arith.index_cast %get3A_200 : i32 to index
      %get3A_202 = arith.constant 48 : index
      %get3A_203 = tpu.vector_load %arg8[%get3A_201, %get3A_202] {strides = array<i32>} : memref<4x80xi32, #tpu.memory_space<vmem>>, vector<1x16xi32>,
      %get3A_204 = vector.shape_cast %get3A_203 : vector<1x16xi32> to vector<16xi32>
      %swap3A_205 = arith.constant 48 : index
      %swap3A_206 = tpu.vector_load %arg14[%swap3A_205] {strides = array<i32>} : memref<80xi32, #tpu.memory_space<vmem>>, vector<16xi32>,
      %swap3A_207 = vector.shape_cast %swap3A_206 : vector<16xi32> to vector<16xi32>
      %swap3A_208 = vector.shape_cast %get3A_204 : vector<16xi32> to vector<16xi32>
      tpu.vector_store %arg14[%swap3A_205], %swap3A_208 {strides = array<i32>} : memref<80xi32, #tpu.memory_space<vmem>>, vector<16xi32>,
      %get3A_209 = arith.constant 1 : i32
      %get3A_210 = arith.index_cast %get3A_209 : i32 to index
      %get3A_211 = arith.constant 64 : index
      %get3A_212 = tpu.vector_load %arg8[%get3A_210, %get3A_211] {strides = array<i32>} : memref<4x80xi32, #tpu.memory_space<vmem>>, vector<1x16xi32>,
      %get3A_213 = vector.shape_cast %get3A_212 : vector<1x16xi32> to vector<16xi32>
      %swap3A_214 = arith.constant 64 : index
      %swap3A_215 = tpu.vector_load %arg14[%swap3A_214] {strides = array<i32>} : memref<80xi32, #tpu.memory_space<vmem>>, vector<16xi32>,
      %swap3A_216 = vector.shape_cast %swap3A_215 : vector<16xi32> to vector<16xi32>
      %swap3A_217 = vector.shape_cast %get3A_213 : vector<16xi32> to vector<16xi32>
      tpu.vector_store %arg14[%swap3A_214], %swap3A_217 {strides = array<i32>} : memref<80xi32, #tpu.memory_space<vmem>>, vector<16xi32>,
      %get3A_218 = arith.constant 2 : i32
      %get3A_219 = arith.index_cast %get3A_218 : i32 to index
      %get3A_220 = arith.constant 0 : index
      %get3A_221 = tpu.vector_load %arg7[%get3A_219, %get3A_220] {strides = array<i32>} : memref<4x80xi32, #tpu.memory_space<vmem>>, vector<1x16xi32>,
      %get3A_222 = vector.shape_cast %get3A_221 : vector<1x16xi32> to vector<16xi32>
      %swap3A_223 = arith.constant 0 : index
      %swap3A_224 = tpu.vector_load %arg11[%swap3A_223] {strides = array<i32>} : memref<80xi32, #tpu.memory_space<vmem>>, vector<16xi32>,
      %swap3A_225 = vector.shape_cast %swap3A_224 : vector<16xi32> to vector<16xi32>
      %swap3A_226 = vector.shape_cast %get3A_222 : vector<16xi32> to vector<16xi32>
      tpu.vector_store %arg11[%swap3A_223], %swap3A_226 {strides = array<i32>} : memref<80xi32, #tpu.memory_space<vmem>>, vector<16xi32>,
      %get3A_227 = arith.constant 2 : i32
      %get3A_228 = arith.index_cast %get3A_227 : i32 to index
      %get3A_229 = arith.constant 16 : index
      %get3A_230 = tpu.vector_load %arg7[%get3A_228, %get3A_229] {strides = array<i32>} : memref<4x80xi32, #tpu.memory_space<vmem>>, vector<1x16xi32>,
      %get3A_231 = vector.shape_cast %get3A_230 : vector<1x16xi32> to vector<16xi32>
      %swap3A_232 = arith.constant 16 : index
      %swap3A_233 = tpu.vector_load %arg11[%swap3A_232] {strides = array<i32>} : memref<80xi32, #tpu.memory_space<vmem>>, vector<16xi32>,
      %swap3A_234 = vector.shape_cast %swap3A_233 : vector<16xi32> to vector<16xi32>
      %swap3A_235 = vector.shape_cast %get3A_231 : vector<16xi32> to vector<16xi32>
      tpu.vector_store %arg11[%swap3A_232], %swap3A_235 {strides = array<i32>} : memref<80xi32, #tpu.memory_space<vmem>>, vector<16xi32>,
      %get3A_236 = arith.constant 2 : i32
      %get3A_237 = arith.index_cast %get3A_236 : i32 to index
      %get3A_238 = arith.constant 32 : index
      %get3A_239 = tpu.vector_load %arg7[%get3A_237, %get3A_238] {strides = array<i32>} : memref<4x80xi32, #tpu.memory_space<vmem>>, vector<1x16xi32>,
      %get3A_240 = vector.shape_cast %get3A_239 : vector<1x16xi32> to vector<16xi32>
      %swap3A_241 = arith.constant 32 : index
      %swap3A_242 = tpu.vector_load %arg11[%swap3A_241] {strides = array<i32>} : memref<80xi32, #tpu.memory_space<vmem>>, vector<16xi32>,
      %swap3A_243 = vector.shape_cast %swap3A_242 : vector<16xi32> to vector<16xi32>
      %swap3A_244 = vector.shape_cast %get3A_240 : vector<16xi32> to vector<16xi32>
      tpu.vector_store %arg11[%swap3A_241], %swap3A_244 {strides = array<i32>} : memref<80xi32, #tpu.memory_space<vmem>>, vector<16xi32>,
      %get3A_245 = arith.constant 2 : i32
      %get3A_246 = arith.index_cast %get3A_245 : i32 to index
      %get3A_247 = arith.constant 48 : index
      %get3A_248 = tpu.vector_load %arg7[%get3A_246, %get3A_247] {strides = array<i32>} : memref<4x80xi32, #tpu.memory_space<vmem>>, vector<1x16xi32>,
      %get3A_249 = vector.shape_cast %get3A_248 : vector<1x16xi32> to vector<16xi32>
      %swap3A_250 = arith.constant 48 : index
      %swap3A_251 = tpu.vector_load %arg11[%swap3A_250] {strides = array<i32>} : memref<80xi32, #tpu.memory_space<vmem>>, vector<16xi32>,
      %swap3A_252 = vector.shape_cast %swap3A_251 : vector<16xi32> to vector<16xi32>
      %swap3A_253 = vector.shape_cast %get3A_249 : vector<16xi32> to vector<16xi32>
      tpu.vector_store %arg11[%swap3A_250], %swap3A_253 {strides = array<i32>} : memref<80xi32, #tpu.memory_space<vmem>>, vector<16xi32>,
      %get3A_254 = arith.constant 2 : i32
      %get3A_255 = arith.index_cast %get3A_254 : i32 to index
      %get3A_256 = arith.constant 64 : index
      %get3A_257 = tpu.vector_load %arg7[%get3A_255, %get3A_256] {strides = array<i32>} : memref<4x80xi32, #tpu.memory_space<vmem>>, vector<1x16xi32>,
      %get3A_258 = vector.shape_cast %get3A_257 : vector<1x16xi32> to vector<16xi32>
      %swap3A_259 = arith.constant 64 : index
      %swap3A_260 = tpu.vector_load %arg11[%swap3A_259] {strides = array<i32>} : memref<80xi32, #tpu.memory_space<vmem>>, vector<16xi32>,
      %swap3A_261 = vector.shape_cast %swap3A_260 : vector<16xi32> to vector<16xi32>
      %swap3A_262 = vector.shape_cast %get3A_258 : vector<16xi32> to vector<16xi32>
      tpu.vector_store %arg11[%swap3A_259], %swap3A_262 {strides = array<i32>} : memref<80xi32, #tpu.memory_space<vmem>>, vector<16xi32>,
      %get3A_263 = arith.constant 2 : i32
      %get3A_264 = arith.index_cast %get3A_263 : i32 to index
      %get3A_265 = arith.constant 0 : index
      %get3A_266 = tpu.vector_load %arg8[%get3A_264, %get3A_265] {strides = array<i32>} : memref<4x80xi32, #tpu.memory_space<vmem>>, vector<1x16xi32>,
      %get3A_267 = vector.shape_cast %get3A_266 : vector<1x16xi32> to vector<16xi32>
      %swap3A_268 = arith.constant 0 : index
      %swap3A_269 = tpu.vector_load %arg15[%swap3A_268] {strides = array<i32>} : memref<80xi32, #tpu.memory_space<vmem>>, vector<16xi32>,
      %swap3A_270 = vector.shape_cast %swap3A_269 : vector<16xi32> to vector<16xi32>
      %swap3A_271 = vector.shape_cast %get3A_267 : vector<16xi32> to vector<16xi32>
      tpu.vector_store %arg15[%swap3A_268], %swap3A_271 {strides = array<i32>} : memref<80xi32, #tpu.memory_space<vmem>>, vector<16xi32>,
      %get3A_272 = arith.constant 2 : i32
      %get3A_273 = arith.index_cast %get3A_272 : i32 to index
      %get3A_274 = arith.constant 16 : index
      %get3A_275 = tpu.vector_load %arg8[%get3A_273, %get3A_274] {strides = array<i32>} : memref<4x80xi32, #tpu.memory_space<vmem>>, vector<1x16xi32>,
      %get3A_276 = vector.shape_cast %get3A_275 : vector<1x16xi32> to vector<16xi32>
      %swap3A_277 = arith.constant 16 : index
      %swap3A_278 = tpu.vector_load %arg15[%swap3A_277] {strides = array<i32>} : memref<80xi32, #tpu.memory_space<vmem>>, vector<16xi32>,
      %swap3A_279 = vector.shape_cast %swap3A_278 : vector<16xi32> to vector<16xi32>
      %swap3A_280 = vector.shape_cast %get3A_276 : vector<16xi32> to vector<16xi32>
      tpu.vector_store %arg15[%swap3A_277], %swap3A_280 {strides = array<i32>} : memref<80xi32, #tpu.memory_space<vmem>>, vector<16xi32>,
      %get3A_281 = arith.constant 2 : i32
      %get3A_282 = arith.index_cast %get3A_281 : i32 to index
      %get3A_283 = arith.constant 32 : index
      %get3A_284 = tpu.vector_load %arg8[%get3A_282, %get3A_283] {strides = array<i32>} : memref<4x80xi32, #tpu.memory_space<vmem>>, vector<1x16xi32>,
      %get3A_285 = vector.shape_cast %get3A_284 : vector<1x16xi32> to vector<16xi32>
      %swap3A_286 = arith.constant 32 : index
      %swap3A_287 = tpu.vector_load %arg15[%swap3A_286] {strides = array<i32>} : memref<80xi32, #tpu.memory_space<vmem>>, vector<16xi32>,
      %swap3A_288 = vector.shape_cast %swap3A_287 : vector<16xi32> to vector<16xi32>
      %swap3A_289 = vector.shape_cast %get3A_285 : vector<16xi32> to vector<16xi32>
      tpu.vector_store %arg15[%swap3A_286], %swap3A_289 {strides = array<i32>} : memref<80xi32, #tpu.memory_space<vmem>>, vector<16xi32>,
      %get3A_290 = arith.constant 2 : i32
      %get3A_291 = arith.index_cast %get3A_290 : i32 to index
      %get3A_292 = arith.constant 48 : index
      %get3A_293 = tpu.vector_load %arg8[%get3A_291, %get3A_292] {strides = array<i32>} : memref<4x80xi32, #tpu.memory_space<vmem>>, vector<1x16xi32>,
      %get3A_294 = vector.shape_cast %get3A_293 : vector<1x16xi32> to vector<16xi32>
      %swap3A_295 = arith.constant 48 : index
      %swap3A_296 = tpu.vector_load %arg15[%swap3A_295] {strides = array<i32>} : memref<80xi32, #tpu.memory_space<vmem>>, vector<16xi32>,
      %swap3A_297 = vector.shape_cast %swap3A_296 : vector<16xi32> to vector<16xi32>
      %swap3A_298 = vector.shape_cast %get3A_294 : vector<16xi32> to vector<16xi32>
      tpu.vector_store %arg15[%swap3A_295], %swap3A_298 {strides = array<i32>} : memref<80xi32, #tpu.memory_space<vmem>>, vector<16xi32>,
      %get3A_299 = arith.constant 2 : i32
      %get3A_300 = arith.index_cast %get3A_299 : i32 to index
      %get3A_301 = arith.constant 64 : index
      %get3A_302 = tpu.vector_load %arg8[%get3A_300, %get3A_301] {strides = array<i32>} : memref<4x80xi32, #tpu.memory_space<vmem>>, vector<1x16xi32>,
      %get3A_303 = vector.shape_cast %get3A_302 : vector<1x16xi32> to vector<16xi32>
      %swap3A_304 = arith.constant 64 : index
      %swap3A_305 = tpu.vector_load %arg15[%swap3A_304] {strides = array<i32>} : memref<80xi32, #tpu.memory_space<vmem>>, vector<16xi32>,
      %swap3A_306 = vector.shape_cast %swap3A_305 : vector<16xi32> to vector<16xi32>
      %swap3A_307 = vector.shape_cast %get3A_303 : vector<16xi32> to vector<16xi32>
      tpu.vector_store %arg15[%swap3A_304], %swap3A_307 {strides = array<i32>} : memref<80xi32, #tpu.memory_space<vmem>>, vector<16xi32>,
      %get3A_308 = arith.constant 3 : i32
      %get3A_309 = arith.index_cast %get3A_308 : i32 to index
      %get3A_310 = arith.constant 0 : index
      %get3A_311 = tpu.vector_load %arg7[%get3A_309, %get3A_310] {strides = array<i32>} : memref<4x80xi32, #tpu.memory_space<vmem>>, vector<1x16xi32>,
      %get3A_312 = vector.shape_cast %get3A_311 : vector<1x16xi32> to vector<16xi32>
      %swap3A_313 = arith.constant 0 : index
      %swap3A_314 = tpu.vector_load %arg12[%swap3A_313] {strides = array<i32>} : memref<80xi32, #tpu.memory_space<vmem>>, vector<16xi32>,
      %swap3A_315 = vector.shape_cast %swap3A_314 : vector<16xi32> to vector<16xi32>
      %swap3A_316 = vector.shape_cast %get3A_312 : vector<16xi32> to vector<16xi32>
      tpu.vector_store %arg12[%swap3A_313], %swap3A_316 {strides = array<i32>} : memref<80xi32, #tpu.memory_space<vmem>>, vector<16xi32>,
      %get3A_317 = arith.constant 3 : i32
      %get3A_318 = arith.index_cast %get3A_317 : i32 to index
      %get3A_319 = arith.constant 16 : index
      %get3A_320 = tpu.vector_load %arg7[%get3A_318, %get3A_319] {strides = array<i32>} : memref<4x80xi32, #tpu.memory_space<vmem>>, vector<1x16xi32>,
      %get3A_321 = vector.shape_cast %get3A_320 : vector<1x16xi32> to vector<16xi32>
      %swap3A_322 = arith.constant 16 : index
      %swap3A_323 = tpu.vector_load %arg12[%swap3A_322] {strides = array<i32>} : memref<80xi32, #tpu.memory_space<vmem>>, vector<16xi32>,
      %swap3A_324 = vector.shape_cast %swap3A_323 : vector<16xi32> to vector<16xi32>
      %swap3A_325 = vector.shape_cast %get3A_321 : vector<16xi32> to vector<16xi32>
      tpu.vector_store %arg12[%swap3A_322], %swap3A_325 {strides = array<i32>} : memref<80xi32, #tpu.memory_space<vmem>>, vector<16xi32>,
      %get3A_326 = arith.constant 3 : i32
      %get3A_327 = arith.index_cast %get3A_326 : i32 to index
      %get3A_328 = arith.constant 32 : index
      %get3A_329 = tpu.vector_load %arg7[%get3A_327, %get3A_328] {strides = array<i32>} : memref<4x80xi32, #tpu.memory_space<vmem>>, vector<1x16xi32>,
      %get3A_330 = vector.shape_cast %get3A_329 : vector<1x16xi32> to vector<16xi32>
      %swap3A_331 = arith.constant 32 : index
      %swap3A_332 = tpu.vector_load %arg12[%swap3A_331] {strides = array<i32>} : memref<80xi32, #tpu.memory_space<vmem>>, vector<16xi32>,
      %swap3A_333 = vector.shape_cast %swap3A_332 : vector<16xi32> to vector<16xi32>
      %swap3A_334 = vector.shape_cast %get3A_330 : vector<16xi32> to vector<16xi32>
      tpu.vector_store %arg12[%swap3A_331], %swap3A_334 {strides = array<i32>} : memref<80xi32, #tpu.memory_space<vmem>>, vector<16xi32>,
      %get3A_335 = arith.constant 3 : i32
      %get3A_336 = arith.index_cast %get3A_335 : i32 to index
      %get3A_337 = arith.constant 48 : index
      %get3A_338 = tpu.vector_load %arg7[%get3A_336, %get3A_337] {strides = array<i32>} : memref<4x80xi32, #tpu.memory_space<vmem>>, vector<1x16xi32>,
      %get3A_339 = vector.shape_cast %get3A_338 : vector<1x16xi32> to vector<16xi32>
      %swap3A_340 = arith.constant 48 : index
      %swap3A_341 = tpu.vector_load %arg12[%swap3A_340] {strides = array<i32>} : memref<80xi32, #tpu.memory_space<vmem>>, vector<16xi32>,
      %swap3A_342 = vector.shape_cast %swap3A_341 : vector<16xi32> to vector<16xi32>
      %swap3A_343 = vector.shape_cast %get3A_339 : vector<16xi32> to vector<16xi32>
      tpu.vector_store %arg12[%swap3A_340], %swap3A_343 {strides = array<i32>} : memref<80xi32, #tpu.memory_space<vmem>>, vector<16xi32>,
      %get3A_344 = arith.constant 3 : i32
      %get3A_345 = arith.index_cast %get3A_344 : i32 to index
      %get3A_346 = arith.constant 64 : index
      %get3A_347 = tpu.vector_load %arg7[%get3A_345, %get3A_346] {strides = array<i32>} : memref<4x80xi32, #tpu.memory_space<vmem>>, vector<1x16xi32>,
      %get3A_348 = vector.shape_cast %get3A_347 : vector<1x16xi32> to vector<16xi32>
      %swap3A_349 = arith.constant 64 : index
      %swap3A_350 = tpu.vector_load %arg12[%swap3A_349] {strides = array<i32>} : memref<80xi32, #tpu.memory_space<vmem>>, vector<16xi32>,
      %swap3A_351 = vector.shape_cast %swap3A_350 : vector<16xi32> to vector<16xi32>
      %swap3A_352 = vector.shape_cast %get3A_348 : vector<16xi32> to vector<16xi32>
      tpu.vector_store %arg12[%swap3A_349], %swap3A_352 {strides = array<i32>} : memref<80xi32, #tpu.memory_space<vmem>>, vector<16xi32>,
      %get3A_353 = arith.constant 3 : i32
      %get3A_354 = arith.index_cast %get3A_353 : i32 to index
      %get3A_355 = arith.constant 0 : index
      %get3A_356 = tpu.vector_load %arg8[%get3A_354, %get3A_355] {strides = array<i32>} : memref<4x80xi32, #tpu.memory_space<vmem>>, vector<1x16xi32>,
      %get3A_357 = vector.shape_cast %get3A_356 : vector<1x16xi32> to vector<16xi32>
      %swap3A_358 = arith.constant 0 : index
      %swap3A_359 = tpu.vector_load %arg16[%swap3A_358] {strides = array<i32>} : memref<80xi32, #tpu.memory_space<vmem>>, vector<16xi32>,
      %swap3A_360 = vector.shape_cast %swap3A_359 : vector<16xi32> to vector<16xi32>
      %swap3A_361 = vector.shape_cast %get3A_357 : vector<16xi32> to vector<16xi32>
      tpu.vector_store %arg16[%swap3A_358], %swap3A_361 {strides = array<i32>} : memref<80xi32, #tpu.memory_space<vmem>>, vector<16xi32>,
      %get3A_362 = arith.constant 3 : i32
      %get3A_363 = arith.index_cast %get3A_362 : i32 to index
      %get3A_364 = arith.constant 16 : index
      %get3A_365 = tpu.vector_load %arg8[%get3A_363, %get3A_364] {strides = array<i32>} : memref<4x80xi32, #tpu.memory_space<vmem>>, vector<1x16xi32>,
      %get3A_366 = vector.shape_cast %get3A_365 : vector<1x16xi32> to vector<16xi32>
      %swap3A_367 = arith.constant 16 : index
      %swap3A_368 = tpu.vector_load %arg16[%swap3A_367] {strides = array<i32>} : memref<80xi32, #tpu.memory_space<vmem>>, vector<16xi32>,
      %swap3A_369 = vector.shape_cast %swap3A_368 : vector<16xi32> to vector<16xi32>
      %swap3A_370 = vector.shape_cast %get3A_366 : vector<16xi32> to vector<16xi32>
      tpu.vector_store %arg16[%swap3A_367], %swap3A_370 {strides = array<i32>} : memref<80xi32, #tpu.memory_space<vmem>>, vector<16xi32>,
      %get3A_371 = arith.constant 3 : i32
      %get3A_372 = arith.index_cast %get3A_371 : i32 to index
      %get3A_373 = arith.constant 32 : index
      %get3A_374 = tpu.vector_load %arg8[%get3A_372, %get3A_373] {strides = array<i32>} : memref<4x80xi32, #tpu.memory_space<vmem>>, vector<1x16xi32>,
      %get3A_375 = vector.shape_cast %get3A_374 : vector<1x16xi32> to vector<16xi32>
      %swap3A_376 = arith.constant 32 : index
      %swap3A_377 = tpu.vector_load %arg16[%swap3A_376] {strides = array<i32>} : memref<80xi32, #tpu.memory_space<vmem>>, vector<16xi32>,
      %swap3A_378 = vector.shape_cast %swap3A_377 : vector<16xi32> to vector<16xi32>
      %swap3A_379 = vector.shape_cast %get3A_375 : vector<16xi32> to vector<16xi32>
      tpu.vector_store %arg16[%swap3A_376], %swap3A_379 {strides = array<i32>} : memref<80xi32, #tpu.memory_space<vmem>>, vector<16xi32>,
      %get3A_380 = arith.constant 3 : i32
      %get3A_381 = arith.index_cast %get3A_380 : i32 to index
      %get3A_382 = arith.constant 48 : index
      %get3A_383 = tpu.vector_load %arg8[%get3A_381, %get3A_382] {strides = array<i32>} : memref<4x80xi32, #tpu.memory_space<vmem>>, vector<1x16xi32>,
      %get3A_384 = vector.shape_cast %get3A_383 : vector<1x16xi32> to vector<16xi32>
      %swap3A_385 = arith.constant 48 : index
      %swap3A_386 = tpu.vector_load %arg16[%swap3A_385] {strides = array<i32>} : memref<80xi32, #tpu.memory_space<vmem>>, vector<16xi32>,
      %swap3A_387 = vector.shape_cast %swap3A_386 : vector<16xi32> to vector<16xi32>
      %swap3A_388 = vector.shape_cast %get3A_384 : vector<16xi32> to vector<16xi32>
      tpu.vector_store %arg16[%swap3A_385], %swap3A_388 {strides = array<i32>} : memref<80xi32, #tpu.memory_space<vmem>>, vector<16xi32>,
      %get3A_389 = arith.constant 3 : i32
      %get3A_390 = arith.index_cast %get3A_389 : i32 to index
      %get3A_391 = arith.constant 64 : index
      %get3A_392 = tpu.vector_load %arg8[%get3A_390, %get3A_391] {strides = array<i32>} : memref<4x80xi32, #tpu.memory_space<vmem>>, vector<1x16xi32>,
      %get3A_393 = vector.shape_cast %get3A_392 : vector<1x16xi32> to vector<16xi32>
      %swap3A_394 = arith.constant 64 : index
      %swap3A_395 = tpu.vector_load %arg16[%swap3A_394] {strides = array<i32>} : memref<80xi32, #tpu.memory_space<vmem>>, vector<16xi32>,
      %swap3A_396 = vector.shape_cast %swap3A_395 : vector<16xi32> to vector<16xi32>
      %swap3A_397 = vector.shape_cast %get3A_393 : vector<16xi32> to vector<16xi32>
      tpu.vector_store %arg16[%swap3A_394], %swap3A_397 {strides = array<i32>} : memref<80xi32, #tpu.memory_space<vmem>>, vector<16xi32>,
      %dma_start3A_398 = arith.constant 0 : i32
      %dma_start3A_399 = arith.constant 0 : i32
      %dma_start3A_400 = tpu.memref_slice %arg2[%arg0, %dma_start3A_398, %dma_start3A_399] : memref<2x10240x128xf32, #tpu.memory_space<hbm>> -> memref<1x10240x128xf32, #tpu.memory_space<hbm>>
      %dma_start3A_401 = tpu.memref_squeeze %dma_start3A_400 : memref<1x10240x128xf32, #tpu.memory_space<hbm>> -> memref<10240x128xf32, #tpu.memory_space<hbm>>
      %dma_start3A_402 = arith.constant 0 : i32
      %dma_start3A_403 = arith.constant 0 : i32
      %dma_start3A_404 = tpu.memref_slice %dma_start3A_401[%dma_start3A_402, %dma_start3A_403] : memref<10240x128xf32, #tpu.memory_space<hbm>> -> memref<10240x128xf32, #tpu.memory_space<hbm>>
      tpu.enqueue_indirect_dma source(%dma_start3A_404 : memref<10240x128xf32, #tpu.memory_space<hbm>>) target(%arg17 : memref<80x128xf32, #tpu.memory_space<vmem>>) offsets(%arg9 : memref<80xi32, #tpu.memory_space<vmem>>) semaphore(%arg23 : memref<!tpu.dma_semaphore, #tpu.memory_space<semaphore_mem>>)
      %dma_start3A_405 = arith.constant 0 : i32
      %dma_start3A_406 = arith.constant 0 : i32
      %dma_start3A_407 = tpu.memref_slice %arg2[%arg0, %dma_start3A_405, %dma_start3A_406] : memref<2x10240x128xf32, #tpu.memory_space<hbm>> -> memref<1x10240x128xf32, #tpu.memory_space<hbm>>
      %dma_start3A_408 = tpu.memref_squeeze %dma_start3A_407 : memref<1x10240x128xf32, #tpu.memory_space<hbm>> -> memref<10240x128xf32, #tpu.memory_space<hbm>>
      %dma_start3A_409 = arith.constant 0 : i32
      %dma_start3A_410 = arith.constant 0 : i32
      %dma_start3A_411 = tpu.memref_slice %dma_start3A_408[%dma_start3A_409, %dma_start3A_410] : memref<10240x128xf32, #tpu.memory_space<hbm>> -> memref<10240x128xf32, #tpu.memory_space<hbm>>
      tpu.enqueue_indirect_dma source(%dma_start3A_411 : memref<10240x128xf32, #tpu.memory_space<hbm>>) target(%arg18 : memref<80x128xf32, #tpu.memory_space<vmem>>) offsets(%arg10 : memref<80xi32, #tpu.memory_space<vmem>>) semaphore(%arg24 : memref<!tpu.dma_semaphore, #tpu.memory_space<semaphore_mem>>)
      %dma_start3A_412 = arith.constant 0 : i32
      %dma_start3A_413 = arith.constant 0 : i32
      %dma_start3A_414 = tpu.memref_slice %arg2[%arg0, %dma_start3A_412, %dma_start3A_413] : memref<2x10240x128xf32, #tpu.memory_space<hbm>> -> memref<1x10240x128xf32, #tpu.memory_space<hbm>>
      %dma_start3A_415 = tpu.memref_squeeze %dma_start3A_414 : memref<1x10240x128xf32, #tpu.memory_space<hbm>> -> memref<10240x128xf32, #tpu.memory_space<hbm>>
      %dma_start3A_416 = arith.constant 0 : i32
      %dma_start3A_417 = arith.constant 0 : i32
      %dma_start3A_418 = tpu.memref_slice %dma_start3A_415[%dma_start3A_416, %dma_start3A_417] : memref<10240x128xf32, #tpu.memory_space<hbm>> -> memref<10240x128xf32, #tpu.memory_space<hbm>>
      tpu.enqueue_indirect_dma source(%dma_start3A_418 : memref<10240x128xf32, #tpu.memory_space<hbm>>) target(%arg19 : memref<80x128xf32, #tpu.memory_space<vmem>>) offsets(%arg11 : memref<80xi32, #tpu.memory_space<vmem>>) semaphore(%arg25 : memref<!tpu.dma_semaphore, #tpu.memory_space<semaphore_mem>>)
      %dma_start3A_419 = arith.constant 0 : i32
      %dma_start3A_420 = arith.constant 0 : i32
      %dma_start3A_421 = tpu.memref_slice %arg2[%arg0, %dma_start3A_419, %dma_start3A_420] : memref<2x10240x128xf32, #tpu.memory_space<hbm>> -> memref<1x10240x128xf32, #tpu.memory_space<hbm>>
      %dma_start3A_422 = tpu.memref_squeeze %dma_start3A_421 : memref<1x10240x128xf32, #tpu.memory_space<hbm>> -> memref<10240x128xf32, #tpu.memory_space<hbm>>
      %dma_start3A_423 = arith.constant 0 : i32
      %dma_start3A_424 = arith.constant 0 : i32
      %dma_start3A_425 = tpu.memref_slice %dma_start3A_422[%dma_start3A_423, %dma_start3A_424] : memref<10240x128xf32, #tpu.memory_space<hbm>> -> memref<10240x128xf32, #tpu.memory_space<hbm>>
      tpu.enqueue_indirect_dma source(%dma_start3A_425 : memref<10240x128xf32, #tpu.memory_space<hbm>>) target(%arg20 : memref<80x128xf32, #tpu.memory_space<vmem>>) offsets(%arg12 : memref<80xi32, #tpu.memory_space<vmem>>) semaphore(%arg26 : memref<!tpu.dma_semaphore, #tpu.memory_space<semaphore_mem>>)
      %dma_wait3A_426 = arith.constant 0 : i32
      %dma_wait3A_427 = arith.constant 0 : i32
      %dma_wait3A_428 = tpu.memref_slice %arg2[%arg0, %dma_wait3A_426, %dma_wait3A_427] : memref<2x10240x128xf32, #tpu.memory_space<hbm>> -> memref<1x10240x128xf32, #tpu.memory_space<hbm>>
      %dma_wait3A_429 = tpu.memref_squeeze %dma_wait3A_428 : memref<1x10240x128xf32, #tpu.memory_space<hbm>> -> memref<10240x128xf32, #tpu.memory_space<hbm>>
      %dma_wait3A_430 = arith.constant 0 : i32
      %dma_wait3A_431 = arith.constant 0 : i32
      %dma_wait3A_432 = tpu.memref_slice %dma_wait3A_429[%dma_wait3A_430, %dma_wait3A_431] : memref<10240x128xf32, #tpu.memory_space<hbm>> -> memref<10240x128xf32, #tpu.memory_space<hbm>>
      tpu.wait_indirect_dma semaphore(%arg23 : memref<!tpu.dma_semaphore, #tpu.memory_space<semaphore_mem>>) src(%dma_wait3A_432 : memref<10240x128xf32, #tpu.memory_space<hbm>>) dst(%arg17 : memref<80x128xf32, #tpu.memory_space<vmem>>)
      %dma_start3A_433 = arith.constant 0 : i32
      %dma_start3A_434 = arith.constant 0 : i32
      %dma_start3A_435 = tpu.memref_slice %arg6[%dma_start3A_433, %dma_start3A_434] : memref<10240x128xf32, #tpu.memory_space<vmem_shared>> -> memref<10240x128xf32, #tpu.memory_space<vmem_shared>>
      tpu.enqueue_indirect_dma source(%arg17 : memref<80x128xf32, #tpu.memory_space<vmem>>) target(%dma_start3A_435 : memref<10240x128xf32, #tpu.memory_space<vmem_shared>>) offsets(%arg13 : memref<80xi32, #tpu.memory_space<vmem>>) semaphore(%arg27 : memref<!tpu.dma_semaphore, #tpu.memory_space<semaphore_mem>>) {add = true}
      %dma_wait3A_436 = arith.constant 0 : i32
      %dma_wait3A_437 = arith.constant 0 : i32
      %dma_wait3A_438 = tpu.memref_slice %arg2[%arg0, %dma_wait3A_436, %dma_wait3A_437] : memref<2x10240x128xf32, #tpu.memory_space<hbm>> -> memref<1x10240x128xf32, #tpu.memory_space<hbm>>
      %dma_wait3A_439 = tpu.memref_squeeze %dma_wait3A_438 : memref<1x10240x128xf32, #tpu.memory_space<hbm>> -> memref<10240x128xf32, #tpu.memory_space<hbm>>
      %dma_wait3A_440 = arith.constant 0 : i32
      %dma_wait3A_441 = arith.constant 0 : i32
      %dma_wait3A_442 = tpu.memref_slice %dma_wait3A_439[%dma_wait3A_440, %dma_wait3A_441] : memref<10240x128xf32, #tpu.memory_space<hbm>> -> memref<10240x128xf32, #tpu.memory_space<hbm>>
      tpu.wait_indirect_dma semaphore(%arg24 : memref<!tpu.dma_semaphore, #tpu.memory_space<semaphore_mem>>) src(%dma_wait3A_442 : memref<10240x128xf32, #tpu.memory_space<hbm>>) dst(%arg18 : memref<80x128xf32, #tpu.memory_space<vmem>>)
      %dma_start3A_443 = arith.constant 0 : i32
      %dma_start3A_444 = arith.constant 0 : i32
      %dma_start3A_445 = tpu.memref_slice %arg6[%dma_start3A_443, %dma_start3A_444] : memref<10240x128xf32, #tpu.memory_space<vmem_shared>> -> memref<10240x128xf32, #tpu.memory_space<vmem_shared>>
      tpu.enqueue_indirect_dma source(%arg18 : memref<80x128xf32, #tpu.memory_space<vmem>>) target(%dma_start3A_445 : memref<10240x128xf32, #tpu.memory_space<vmem_shared>>) offsets(%arg14 : memref<80xi32, #tpu.memory_space<vmem>>) semaphore(%arg28 : memref<!tpu.dma_semaphore, #tpu.memory_space<semaphore_mem>>) {add = true}
      %dma_wait3A_446 = arith.constant 0 : i32
      %dma_wait3A_447 = arith.constant 0 : i32
      %dma_wait3A_448 = tpu.memref_slice %arg2[%arg0, %dma_wait3A_446, %dma_wait3A_447] : memref<2x10240x128xf32, #tpu.memory_space<hbm>> -> memref<1x10240x128xf32, #tpu.memory_space<hbm>>
      %dma_wait3A_449 = tpu.memref_squeeze %dma_wait3A_448 : memref<1x10240x128xf32, #tpu.memory_space<hbm>> -> memref<10240x128xf32, #tpu.memory_space<hbm>>
      %dma_wait3A_450 = arith.constant 0 : i32
      %dma_wait3A_451 = arith.constant 0 : i32
      %dma_wait3A_452 = tpu.memref_slice %dma_wait3A_449[%dma_wait3A_450, %dma_wait3A_451] : memref<10240x128xf32, #tpu.memory_space<hbm>> -> memref<10240x128xf32, #tpu.memory_space<hbm>>
      tpu.wait_indirect_dma semaphore(%arg25 : memref<!tpu.dma_semaphore, #tpu.memory_space<semaphore_mem>>) src(%dma_wait3A_452 : memref<10240x128xf32, #tpu.memory_space<hbm>>) dst(%arg19 : memref<80x128xf32, #tpu.memory_space<vmem>>)
      %dma_start3A_453 = arith.constant 0 : i32
      %dma_start3A_454 = arith.constant 0 : i32
      %dma_start3A_455 = tpu.memref_slice %arg6[%dma_start3A_453, %dma_start3A_454] : memref<10240x128xf32, #tpu.memory_space<vmem_shared>> -> memref<10240x128xf32, #tpu.memory_space<vmem_shared>>
      tpu.enqueue_indirect_dma source(%arg19 : memref<80x128xf32, #tpu.memory_space<vmem>>) target(%dma_start3A_455 : memref<10240x128xf32, #tpu.memory_space<vmem_shared>>) offsets(%arg15 : memref<80xi32, #tpu.memory_space<vmem>>) semaphore(%arg29 : memref<!tpu.dma_semaphore, #tpu.memory_space<semaphore_mem>>) {add = true}
      %dma_wait3A_456 = arith.constant 0 : i32
      %dma_wait3A_457 = arith.constant 0 : i32
      %dma_wait3A_458 = tpu.memref_slice %arg2[%arg0, %dma_wait3A_456, %dma_wait3A_457] : memref<2x10240x128xf32, #tpu.memory_space<hbm>> -> memref<1x10240x128xf32, #tpu.memory_space<hbm>>
      %dma_wait3A_459 = tpu.memref_squeeze %dma_wait3A_458 : memref<1x10240x128xf32, #tpu.memory_space<hbm>> -> memref<10240x128xf32, #tpu.memory_space<hbm>>
      %dma_wait3A_460 = arith.constant 0 : i32
      %dma_wait3A_461 = arith.constant 0 : i32
      %dma_wait3A_462 = tpu.memref_slice %dma_wait3A_459[%dma_wait3A_460, %dma_wait3A_461] : memref<10240x128xf32, #tpu.memory_space<hbm>> -> memref<10240x128xf32, #tpu.memory_space<hbm>>
      tpu.wait_indirect_dma semaphore(%arg26 : memref<!tpu.dma_semaphore, #tpu.memory_space<semaphore_mem>>) src(%dma_wait3A_462 : memref<10240x128xf32, #tpu.memory_space<hbm>>) dst(%arg20 : memref<80x128xf32, #tpu.memory_space<vmem>>)
      %dma_start3A_463 = arith.constant 0 : i32
      %dma_start3A_464 = arith.constant 0 : i32
      %dma_start3A_465 = tpu.memref_slice %arg6[%dma_start3A_463, %dma_start3A_464] : memref<10240x128xf32, #tpu.memory_space<vmem_shared>> -> memref<10240x128xf32, #tpu.memory_space<vmem_shared>>
      tpu.enqueue_indirect_dma source(%arg20 : memref<80x128xf32, #tpu.memory_space<vmem>>) target(%dma_start3A_465 : memref<10240x128xf32, #tpu.memory_space<vmem_shared>>) offsets(%arg16 : memref<80xi32, #tpu.memory_space<vmem>>) semaphore(%arg30 : memref<!tpu.dma_semaphore, #tpu.memory_space<semaphore_mem>>) {add = true}
      %dma_wait3A_466 = arith.constant 0 : i32
      %dma_wait3A_467 = arith.constant 0 : i32
      %dma_wait3A_468 = tpu.memref_slice %arg6[%dma_wait3A_466, %dma_wait3A_467] : memref<10240x128xf32, #tpu.memory_space<vmem_shared>> -> memref<10240x128xf32, #tpu.memory_space<vmem_shared>>
      tpu.wait_indirect_dma semaphore(%arg27 : memref<!tpu.dma_semaphore, #tpu.memory_space<semaphore_mem>>) src(%arg17 : memref<80x128xf32, #tpu.memory_space<vmem>>) dst(%dma_wait3A_468 : memref<10240x128xf32, #tpu.memory_space<vmem_shared>>)
      %dma_wait3A_469 = arith.constant 0 : i32
      %dma_wait3A_470 = arith.constant 0 : i32
      %dma_wait3A_471 = tpu.memref_slice %arg6[%dma_wait3A_469, %dma_wait3A_470] : memref<10240x128xf32, #tpu.memory_space<vmem_shared>> -> memref<10240x128xf32, #tpu.memory_space<vmem_shared>>
      tpu.wait_indirect_dma semaphore(%arg28 : memref<!tpu.dma_semaphore, #tpu.memory_space<semaphore_mem>>) src(%arg18 : memref<80x128xf32, #tpu.memory_space<vmem>>) dst(%dma_wait3A_471 : memref<10240x128xf32, #tpu.memory_space<vmem_shared>>)
      %dma_wait3A_472 = arith.constant 0 : i32
      %dma_wait3A_473 = arith.constant 0 : i32
      %dma_wait3A_474 = tpu.memref_slice %arg6[%dma_wait3A_472, %dma_wait3A_473] : memref<10240x128xf32, #tpu.memory_space<vmem_shared>> -> memref<10240x128xf32, #tpu.memory_space<vmem_shared>>
      tpu.wait_indirect_dma semaphore(%arg29 : memref<!tpu.dma_semaphore, #tpu.memory_space<semaphore_mem>>) src(%arg19 : memref<80x128xf32, #tpu.memory_space<vmem>>) dst(%dma_wait3A_474 : memref<10240x128xf32, #tpu.memory_space<vmem_shared>>)
      %dma_wait3A_475 = arith.constant 0 : i32
      %dma_wait3A_476 = arith.constant 0 : i32
      %dma_wait3A_477 = tpu.memref_slice %arg6[%dma_wait3A_475, %dma_wait3A_476] : memref<10240x128xf32, #tpu.memory_space<vmem_shared>> -> memref<10240x128xf32, #tpu.memory_space<vmem_shared>>
      tpu.wait_indirect_dma semaphore(%arg30 : memref<!tpu.dma_semaphore, #tpu.memory_space<semaphore_mem>>) src(%arg20 : memref<80x128xf32, #tpu.memory_space<vmem>>) dst(%dma_wait3A_477 : memref<10240x128xf32, #tpu.memory_space<vmem_shared>>)
      %scan3A_478 = arith.constant 0 : i32
      scf.yield %scan3A_478 : i32
    }
    %scan3A_6 = arith.constant 32 : i32
    %barrier3A_7 = arith.constant 0 : index
    tpu.barrier barrier_id(%barrier3A_7)
    "tpu.region"() ({
      %run_scoped3A = tpu.sem_alloc : memref<!tpu.dma_semaphore, #tpu.memory_space<semaphore_mem>>
      %dma_start3A = arith.constant 0 : i32
      %dma_start3A_8 = tpu.memref_slice %arg5[%arg0, %mul3A_0, %dma_start3A] : memref<2x10240x128xf32, #tpu.memory_space<hbm>> -> memref<1x640x128xf32, #tpu.memory_space<hbm>>
      %dma_start3A_9 = tpu.memref_squeeze %dma_start3A_8 : memref<1x640x128xf32, #tpu.memory_space<hbm>> -> memref<640x128xf32, #tpu.memory_space<hbm>>
      %dma_start3A_10 = arith.constant 0 : i32
      %dma_start3A_11 = tpu.memref_slice %arg6[%mul3A_0, %dma_start3A_10] : memref<10240x128xf32, #tpu.memory_space<vmem_shared>> -> memref<640x128xf32, #tpu.memory_space<vmem_shared>>
      tpu.enqueue_dma source(%dma_start3A_11 : memref<640x128xf32, #tpu.memory_space<vmem_shared>>) target(%dma_start3A_9 : memref<640x128xf32, #tpu.memory_space<hbm>>) target_semaphore(%run_scoped3A : memref<!tpu.dma_semaphore, #tpu.memory_space<semaphore_mem>>)
      %dma_wait3A = arith.constant 0 : i32
      %dma_wait3A_12 = tpu.memref_slice %arg5[%arg0, %mul3A_0, %dma_wait3A] : memref<2x10240x128xf32, #tpu.memory_space<hbm>> -> memref<1x640x128xf32, #tpu.memory_space<hbm>>
      %dma_wait3A_13 = tpu.memref_squeeze %dma_wait3A_12 : memref<1x640x128xf32, #tpu.memory_space<hbm>> -> memref<640x128xf32, #tpu.memory_space<hbm>>
      %dma_wait3A_14 = arith.constant 0 : i32
      %dma_wait3A_15 = tpu.memref_slice %arg6[%mul3A_0, %dma_wait3A_14] : memref<10240x128xf32, #tpu.memory_space<vmem_shared>> -> memref<640x128xf32, #tpu.memory_space<vmem_shared>>
      tpu.wait_dma2 semaphore(%run_scoped3A : memref<!tpu.dma_semaphore, #tpu.memory_space<semaphore_mem>>) src(%dma_wait3A_15 : memref<640x128xf32, #tpu.memory_space<vmem_shared>>) dst(%dma_wait3A_13 : memref<640x128xf32, #tpu.memory_space<hbm>>)
      tpu.yield
    }) : () -> ()
    return
  }
}

#map = affine_map<(d0, d1) -> (0, 0, 0, 0)>
#map1 = affine_map<(d0, d1) -> (0, 0, 0)>
module attributes {stable_mosaic.version = 14 : i64} {
  func.func @_deg_body(%arg0: i32, %arg1: i32, %arg2: memref<32x5x8x128xi32, #tpu.memory_space<hbm>>, %arg3: memref<2x10240x16xf32, #tpu.memory_space<hbm>>, %arg4: memref<10240x16xf32, #tpu.memory_space<vmem_shared>>, %arg5: memref<8x128xi32, #tpu.memory_space<vmem>>, %arg6: memref<128xi32, #tpu.memory_space<vmem>>, %arg7: memref<128x16xf32, #tpu.memory_space<vmem>>, %arg8: memref<40x16xf32, #tpu.memory_space<vmem>>, %arg9: memref<!tpu.dma_semaphore, #tpu.memory_space<semaphore_mem>>) attributes {dimension_semantics = [#tpu.dimension_semantics<core_parallel>, #tpu.dimension_semantics<subcore_parallel>], iteration_bounds = array<i64: 2, 16>, scalar_prefetch = 0 : i64, scratch_operands = 6 : i64, tpu.core_type = #tpu.core_type<sc_vector_subcore>, window_params = [{transform_indices = #map}, {transform_indices = #map1}]} {
    %mul3A = arith.constant 16 : i32
    %mul3A_0 = arith.muli %arg0, %mul3A : i32
    %add3A = arith.addi %mul3A_0, %arg1 : i32
    %scan3A = arith.constant 0 : i32
    %scan3A_1 = arith.constant 0 : i32
    %scan3A_2 = arith.constant 40 : i32
    %scan3A_3 = arith.addi %scan3A_1, %scan3A_2 : i32
    %scan3A_4 = arith.constant 1 : i32
    %scan3A_5 = scf.for %scan3A_31 = %scan3A_1 to %scan3A_3 step %scan3A_4 iter_args(%scan3A_32 = %scan3A) -> (i32)  : i32 {
      %broadcast_in_dim3A = arith.constant 0.000000e+00 : f32
      %broadcast_in_dim3A_33 = vector.broadcast %broadcast_in_dim3A : f32 to vector<16xf32>
      %swap3A = arith.index_cast %scan3A_31 : i32 to index
      %swap3A_34 = arith.constant 0 : index
      %swap3A_35 = tpu.vector_load %arg8[%swap3A, %swap3A_34] {strides = array<i32>} : memref<40x16xf32, #tpu.memory_space<vmem>>, vector<1x16xf32>,
      %swap3A_36 = vector.shape_cast %swap3A_35 : vector<1x16xf32> to vector<16xf32>
      %swap3A_37 = vector.shape_cast %broadcast_in_dim3A_33 : vector<16xf32> to vector<1x16xf32>
      tpu.vector_store %arg8[%swap3A, %swap3A_34], %swap3A_37 {strides = array<i32>} : memref<40x16xf32, #tpu.memory_space<vmem>>, vector<1x16xf32>,
      %scan3A_38 = arith.constant 0 : i32
      scf.yield %scan3A_38 : i32
    }
    %scan3A_6 = arith.constant 40 : i32
    %scan3A_7 = arith.constant 0 : i32
    %scan3A_8 = arith.constant 0 : i32
    %scan3A_9 = arith.constant 16 : i32
    %scan3A_10 = arith.addi %scan3A_8, %scan3A_9 : i32
    %scan3A_11 = arith.constant 1 : i32
    %scan3A_12 = scf.for %scan3A_31 = %scan3A_8 to %scan3A_10 step %scan3A_11 iter_args(%scan3A_32 = %scan3A_7) -> (i32)  : i32 {
      %mul3A_33 = arith.constant 640 : i32
      %mul3A_34 = arith.muli %arg1, %mul3A_33 : i32
      %mul3A_35 = arith.constant 40 : i32
      %mul3A_36 = arith.muli %scan3A_31, %mul3A_35 : i32
      %add3A_37 = arith.addi %mul3A_34, %mul3A_36 : i32
      "tpu.region"() ({
        %run_scoped3A = tpu.sem_alloc : memref<!tpu.dma_semaphore, #tpu.memory_space<semaphore_mem>>
        %dma_start3A = arith.constant 0 : i32
        %dma_start3A_39 = tpu.memref_slice %arg4[%add3A_37, %dma_start3A] : memref<10240x16xf32, #tpu.memory_space<vmem_shared>> -> memref<40x16xf32, #tpu.memory_space<vmem_shared>>
        %dma_start3A_40 = arith.constant 0 : i32
        %dma_start3A_41 = tpu.memref_slice %arg4[%add3A_37, %dma_start3A_40] : memref<10240x16xf32, #tpu.memory_space<vmem_shared>> -> memref<40x16xf32, #tpu.memory_space<vmem_shared>>
        tpu.enqueue_dma source(%arg8 : memref<40x16xf32, #tpu.memory_space<vmem>>) target(%dma_start3A_41 : memref<40x16xf32, #tpu.memory_space<vmem_shared>>) target_semaphore(%run_scoped3A : memref<!tpu.dma_semaphore, #tpu.memory_space<semaphore_mem>>)
        %dma_wait3A = arith.constant 0 : i32
        %dma_wait3A_42 = tpu.memref_slice %arg4[%add3A_37, %dma_wait3A] : memref<10240x16xf32, #tpu.memory_space<vmem_shared>> -> memref<40x16xf32, #tpu.memory_space<vmem_shared>>
        %dma_wait3A_43 = arith.constant 0 : i32
        %dma_wait3A_44 = tpu.memref_slice %arg4[%add3A_37, %dma_wait3A_43] : memref<10240x16xf32, #tpu.memory_space<vmem_shared>> -> memref<40x16xf32, #tpu.memory_space<vmem_shared>>
        tpu.wait_dma2 semaphore(%run_scoped3A : memref<!tpu.dma_semaphore, #tpu.memory_space<semaphore_mem>>) src(%arg8 : memref<40x16xf32, #tpu.memory_space<vmem>>) dst(%dma_wait3A_44 : memref<40x16xf32, #tpu.memory_space<vmem_shared>>)
        tpu.yield
      }) : () -> ()
      %scan3A_38 = arith.constant 0 : i32
      scf.yield %scan3A_38 : i32
    }
    %scan3A_13 = arith.constant 16 : i32
    %scan3A_14 = arith.constant 0 : i32
    %scan3A_15 = arith.constant 0 : i32
    %scan3A_16 = arith.constant 128 : i32
    %scan3A_17 = arith.addi %scan3A_15, %scan3A_16 : i32
    %scan3A_18 = arith.constant 1 : i32
    %scan3A_19 = scf.for %scan3A_31 = %scan3A_15 to %scan3A_17 step %scan3A_18 iter_args(%scan3A_32 = %scan3A_14) -> (i32)  : i32 {
      %broadcast_in_dim3A = arith.constant 1.000000e+00 : f32
      %broadcast_in_dim3A_33 = vector.broadcast %broadcast_in_dim3A : f32 to vector<16xf32>
      %swap3A = arith.index_cast %scan3A_31 : i32 to index
      %swap3A_34 = arith.constant 0 : index
      %swap3A_35 = tpu.vector_load %arg7[%swap3A, %swap3A_34] {strides = array<i32>} : memref<128x16xf32, #tpu.memory_space<vmem>>, vector<1x16xf32>,
      %swap3A_36 = vector.shape_cast %swap3A_35 : vector<1x16xf32> to vector<16xf32>
      %swap3A_37 = vector.shape_cast %broadcast_in_dim3A_33 : vector<16xf32> to vector<1x16xf32>
      tpu.vector_store %arg7[%swap3A, %swap3A_34], %swap3A_37 {strides = array<i32>} : memref<128x16xf32, #tpu.memory_space<vmem>>, vector<1x16xf32>,
      %scan3A_38 = arith.constant 0 : i32
      scf.yield %scan3A_38 : i32
    }
    %scan3A_20 = arith.constant 128 : i32
    %barrier3A = arith.constant 0 : index
    tpu.barrier barrier_id(%barrier3A)
    %scan3A_21 = arith.constant 0 : i32
    %scan3A_22 = arith.constant 0 : i32
    %scan3A_23 = arith.constant 5 : i32
    %scan3A_24 = arith.addi %scan3A_22, %scan3A_23 : i32
    %scan3A_25 = arith.constant 1 : i32
    %scan3A_26 = scf.for %scan3A_31 = %scan3A_22 to %scan3A_24 step %scan3A_25 iter_args(%scan3A_32 = %scan3A_21) -> (i32)  : i32 {
      %dma_start3A = arith.constant 0 : i32
      %dma_start3A_33 = arith.constant 0 : i32
      %dma_start3A_34 = tpu.memref_slice %arg2[%add3A, %scan3A_31, %dma_start3A, %dma_start3A_33] : memref<32x5x8x128xi32, #tpu.memory_space<hbm>> -> memref<1x1x8x128xi32, #tpu.memory_space<hbm>>
      %dma_start3A_35 = tpu.memref_squeeze %dma_start3A_34 : memref<1x1x8x128xi32, #tpu.memory_space<hbm>> -> memref<8x128xi32, #tpu.memory_space<hbm>>
      %dma_start3A_36 = arith.constant 0 : i32
      %dma_start3A_37 = arith.constant 0 : i32
      %dma_start3A_38 = tpu.memref_slice %arg2[%add3A, %scan3A_31, %dma_start3A_36, %dma_start3A_37] : memref<32x5x8x128xi32, #tpu.memory_space<hbm>> -> memref<1x1x8x128xi32, #tpu.memory_space<hbm>>
      %dma_start3A_39 = tpu.memref_squeeze %dma_start3A_38 : memref<1x1x8x128xi32, #tpu.memory_space<hbm>> -> memref<8x128xi32, #tpu.memory_space<hbm>>
      tpu.enqueue_dma source(%dma_start3A_39 : memref<8x128xi32, #tpu.memory_space<hbm>>) target(%arg5 : memref<8x128xi32, #tpu.memory_space<vmem>>) target_semaphore(%arg9 : memref<!tpu.dma_semaphore, #tpu.memory_space<semaphore_mem>>)
      %dma_wait3A = arith.constant 0 : i32
      %dma_wait3A_40 = arith.constant 0 : i32
      %dma_wait3A_41 = tpu.memref_slice %arg2[%add3A, %scan3A_31, %dma_wait3A, %dma_wait3A_40] : memref<32x5x8x128xi32, #tpu.memory_space<hbm>> -> memref<1x1x8x128xi32, #tpu.memory_space<hbm>>
      %dma_wait3A_42 = tpu.memref_squeeze %dma_wait3A_41 : memref<1x1x8x128xi32, #tpu.memory_space<hbm>> -> memref<8x128xi32, #tpu.memory_space<hbm>>
      %dma_wait3A_43 = arith.constant 0 : i32
      %dma_wait3A_44 = arith.constant 0 : i32
      %dma_wait3A_45 = tpu.memref_slice %arg2[%add3A, %scan3A_31, %dma_wait3A_43, %dma_wait3A_44] : memref<32x5x8x128xi32, #tpu.memory_space<hbm>> -> memref<1x1x8x128xi32, #tpu.memory_space<hbm>>
      %dma_wait3A_46 = tpu.memref_squeeze %dma_wait3A_45 : memref<1x1x8x128xi32, #tpu.memory_space<hbm>> -> memref<8x128xi32, #tpu.memory_space<hbm>>
      tpu.wait_dma2 semaphore(%arg9 : memref<!tpu.dma_semaphore, #tpu.memory_space<semaphore_mem>>) src(%dma_wait3A_46 : memref<8x128xi32, #tpu.memory_space<hbm>>) dst(%arg5 : memref<8x128xi32, #tpu.memory_space<vmem>>)
      %get3A = arith.constant 0 : i32
      %get3A_47 = arith.index_cast %get3A : i32 to index
      %get3A_48 = arith.constant 0 : index
      %get3A_49 = tpu.vector_load %arg5[%get3A_47, %get3A_48] {strides = array<i32>} : memref<8x128xi32, #tpu.memory_space<vmem>>, vector<1x16xi32>,
      %get3A_50 = vector.shape_cast %get3A_49 : vector<1x16xi32> to vector<16xi32>
      %swap3A = arith.constant 0 : index
      %swap3A_51 = tpu.vector_load %arg6[%swap3A] {strides = array<i32>} : memref<128xi32, #tpu.memory_space<vmem>>, vector<16xi32>,
      %swap3A_52 = vector.shape_cast %swap3A_51 : vector<16xi32> to vector<16xi32>
      %swap3A_53 = vector.shape_cast %get3A_50 : vector<16xi32> to vector<16xi32>
      tpu.vector_store %arg6[%swap3A], %swap3A_53 {strides = array<i32>} : memref<128xi32, #tpu.memory_space<vmem>>, vector<16xi32>,
      %get3A_54 = arith.constant 0 : i32
      %get3A_55 = arith.index_cast %get3A_54 : i32 to index
      %get3A_56 = arith.constant 16 : index
      %get3A_57 = tpu.vector_load %arg5[%get3A_55, %get3A_56] {strides = array<i32>} : memref<8x128xi32, #tpu.memory_space<vmem>>, vector<1x16xi32>,
      %get3A_58 = vector.shape_cast %get3A_57 : vector<1x16xi32> to vector<16xi32>
      %swap3A_59 = arith.constant 16 : index
      %swap3A_60 = tpu.vector_load %arg6[%swap3A_59] {strides = array<i32>} : memref<128xi32, #tpu.memory_space<vmem>>, vector<16xi32>,
      %swap3A_61 = vector.shape_cast %swap3A_60 : vector<16xi32> to vector<16xi32>
      %swap3A_62 = vector.shape_cast %get3A_58 : vector<16xi32> to vector<16xi32>
      tpu.vector_store %arg6[%swap3A_59], %swap3A_62 {strides = array<i32>} : memref<128xi32, #tpu.memory_space<vmem>>, vector<16xi32>,
      %get3A_63 = arith.constant 0 : i32
      %get3A_64 = arith.index_cast %get3A_63 : i32 to index
      %get3A_65 = arith.constant 32 : index
      %get3A_66 = tpu.vector_load %arg5[%get3A_64, %get3A_65] {strides = array<i32>} : memref<8x128xi32, #tpu.memory_space<vmem>>, vector<1x16xi32>,
      %get3A_67 = vector.shape_cast %get3A_66 : vector<1x16xi32> to vector<16xi32>
      %swap3A_68 = arith.constant 32 : index
      %swap3A_69 = tpu.vector_load %arg6[%swap3A_68] {strides = array<i32>} : memref<128xi32, #tpu.memory_space<vmem>>, vector<16xi32>,
      %swap3A_70 = vector.shape_cast %swap3A_69 : vector<16xi32> to vector<16xi32>
      %swap3A_71 = vector.shape_cast %get3A_67 : vector<16xi32> to vector<16xi32>
      tpu.vector_store %arg6[%swap3A_68], %swap3A_71 {strides = array<i32>} : memref<128xi32, #tpu.memory_space<vmem>>, vector<16xi32>,
      %get3A_72 = arith.constant 0 : i32
      %get3A_73 = arith.index_cast %get3A_72 : i32 to index
      %get3A_74 = arith.constant 48 : index
      %get3A_75 = tpu.vector_load %arg5[%get3A_73, %get3A_74] {strides = array<i32>} : memref<8x128xi32, #tpu.memory_space<vmem>>, vector<1x16xi32>,
      %get3A_76 = vector.shape_cast %get3A_75 : vector<1x16xi32> to vector<16xi32>
      %swap3A_77 = arith.constant 48 : index
      %swap3A_78 = tpu.vector_load %arg6[%swap3A_77] {strides = array<i32>} : memref<128xi32, #tpu.memory_space<vmem>>, vector<16xi32>,
      %swap3A_79 = vector.shape_cast %swap3A_78 : vector<16xi32> to vector<16xi32>
      %swap3A_80 = vector.shape_cast %get3A_76 : vector<16xi32> to vector<16xi32>
      tpu.vector_store %arg6[%swap3A_77], %swap3A_80 {strides = array<i32>} : memref<128xi32, #tpu.memory_space<vmem>>, vector<16xi32>,
      %get3A_81 = arith.constant 0 : i32
      %get3A_82 = arith.index_cast %get3A_81 : i32 to index
      %get3A_83 = arith.constant 64 : index
      %get3A_84 = tpu.vector_load %arg5[%get3A_82, %get3A_83] {strides = array<i32>} : memref<8x128xi32, #tpu.memory_space<vmem>>, vector<1x16xi32>,
      %get3A_85 = vector.shape_cast %get3A_84 : vector<1x16xi32> to vector<16xi32>
      %swap3A_86 = arith.constant 64 : index
      %swap3A_87 = tpu.vector_load %arg6[%swap3A_86] {strides = array<i32>} : memref<128xi32, #tpu.memory_space<vmem>>, vector<16xi32>,
      %swap3A_88 = vector.shape_cast %swap3A_87 : vector<16xi32> to vector<16xi32>
      %swap3A_89 = vector.shape_cast %get3A_85 : vector<16xi32> to vector<16xi32>
      tpu.vector_store %arg6[%swap3A_86], %swap3A_89 {strides = array<i32>} : memref<128xi32, #tpu.memory_space<vmem>>, vector<16xi32>,
      %get3A_90 = arith.constant 0 : i32
      %get3A_91 = arith.index_cast %get3A_90 : i32 to index
      %get3A_92 = arith.constant 80 : index
      %get3A_93 = tpu.vector_load %arg5[%get3A_91, %get3A_92] {strides = array<i32>} : memref<8x128xi32, #tpu.memory_space<vmem>>, vector<1x16xi32>,
      %get3A_94 = vector.shape_cast %get3A_93 : vector<1x16xi32> to vector<16xi32>
      %swap3A_95 = arith.constant 80 : index
      %swap3A_96 = tpu.vector_load %arg6[%swap3A_95] {strides = array<i32>} : memref<128xi32, #tpu.memory_space<vmem>>, vector<16xi32>,
      %swap3A_97 = vector.shape_cast %swap3A_96 : vector<16xi32> to vector<16xi32>
      %swap3A_98 = vector.shape_cast %get3A_94 : vector<16xi32> to vector<16xi32>
      tpu.vector_store %arg6[%swap3A_95], %swap3A_98 {strides = array<i32>} : memref<128xi32, #tpu.memory_space<vmem>>, vector<16xi32>,
      %get3A_99 = arith.constant 0 : i32
      %get3A_100 = arith.index_cast %get3A_99 : i32 to index
      %get3A_101 = arith.constant 96 : index
      %get3A_102 = tpu.vector_load %arg5[%get3A_100, %get3A_101] {strides = array<i32>} : memref<8x128xi32, #tpu.memory_space<vmem>>, vector<1x16xi32>,
      %get3A_103 = vector.shape_cast %get3A_102 : vector<1x16xi32> to vector<16xi32>
      %swap3A_104 = arith.constant 96 : index
      %swap3A_105 = tpu.vector_load %arg6[%swap3A_104] {strides = array<i32>} : memref<128xi32, #tpu.memory_space<vmem>>, vector<16xi32>,
      %swap3A_106 = vector.shape_cast %swap3A_105 : vector<16xi32> to vector<16xi32>
      %swap3A_107 = vector.shape_cast %get3A_103 : vector<16xi32> to vector<16xi32>
      tpu.vector_store %arg6[%swap3A_104], %swap3A_107 {strides = array<i32>} : memref<128xi32, #tpu.memory_space<vmem>>, vector<16xi32>,
      %get3A_108 = arith.constant 0 : i32
      %get3A_109 = arith.index_cast %get3A_108 : i32 to index
      %get3A_110 = arith.constant 112 : index
      %get3A_111 = tpu.vector_load %arg5[%get3A_109, %get3A_110] {strides = array<i32>} : memref<8x128xi32, #tpu.memory_space<vmem>>, vector<1x16xi32>,
      %get3A_112 = vector.shape_cast %get3A_111 : vector<1x16xi32> to vector<16xi32>
      %swap3A_113 = arith.constant 112 : index
      %swap3A_114 = tpu.vector_load %arg6[%swap3A_113] {strides = array<i32>} : memref<128xi32, #tpu.memory_space<vmem>>, vector<16xi32>,
      %swap3A_115 = vector.shape_cast %swap3A_114 : vector<16xi32> to vector<16xi32>
      %swap3A_116 = vector.shape_cast %get3A_112 : vector<16xi32> to vector<16xi32>
      tpu.vector_store %arg6[%swap3A_113], %swap3A_116 {strides = array<i32>} : memref<128xi32, #tpu.memory_space<vmem>>, vector<16xi32>,
      "tpu.region"() ({
        %run_scoped3A = tpu.sem_alloc : memref<!tpu.dma_semaphore, #tpu.memory_space<semaphore_mem>>
        %dma_start3A_622 = arith.constant 0 : i32
        %dma_start3A_623 = arith.constant 0 : i32
        %dma_start3A_624 = tpu.memref_slice %arg4[%dma_start3A_622, %dma_start3A_623] : memref<10240x16xf32, #tpu.memory_space<vmem_shared>> -> memref<10240x16xf32, #tpu.memory_space<vmem_shared>>
        tpu.enqueue_indirect_dma source(%arg7 : memref<128x16xf32, #tpu.memory_space<vmem>>) target(%dma_start3A_624 : memref<10240x16xf32, #tpu.memory_space<vmem_shared>>) offsets(%arg6 : memref<128xi32, #tpu.memory_space<vmem>>) semaphore(%run_scoped3A : memref<!tpu.dma_semaphore, #tpu.memory_space<semaphore_mem>>) {add = true}
        %dma_wait3A_625 = arith.constant 0 : i32
        %dma_wait3A_626 = arith.constant 0 : i32
        %dma_wait3A_627 = tpu.memref_slice %arg4[%dma_wait3A_625, %dma_wait3A_626] : memref<10240x16xf32, #tpu.memory_space<vmem_shared>> -> memref<10240x16xf32, #tpu.memory_space<vmem_shared>>
        tpu.wait_indirect_dma semaphore(%run_scoped3A : memref<!tpu.dma_semaphore, #tpu.memory_space<semaphore_mem>>) src(%arg7 : memref<128x16xf32, #tpu.memory_space<vmem>>) dst(%dma_wait3A_627 : memref<10240x16xf32, #tpu.memory_space<vmem_shared>>)
        tpu.yield
      }) : () -> ()
      %get3A_117 = arith.constant 1 : i32
      %get3A_118 = arith.index_cast %get3A_117 : i32 to index
      %get3A_119 = arith.constant 0 : index
      %get3A_120 = tpu.vector_load %arg5[%get3A_118, %get3A_119] {strides = array<i32>} : memref<8x128xi32, #tpu.memory_space<vmem>>, vector<1x16xi32>,
      %get3A_121 = vector.shape_cast %get3A_120 : vector<1x16xi32> to vector<16xi32>
      %swap3A_122 = arith.constant 0 : index
      %swap3A_123 = tpu.vector_load %arg6[%swap3A_122] {strides = array<i32>} : memref<128xi32, #tpu.memory_space<vmem>>, vector<16xi32>,
      %swap3A_124 = vector.shape_cast %swap3A_123 : vector<16xi32> to vector<16xi32>
      %swap3A_125 = vector.shape_cast %get3A_121 : vector<16xi32> to vector<16xi32>
      tpu.vector_store %arg6[%swap3A_122], %swap3A_125 {strides = array<i32>} : memref<128xi32, #tpu.memory_space<vmem>>, vector<16xi32>,
      %get3A_126 = arith.constant 1 : i32
      %get3A_127 = arith.index_cast %get3A_126 : i32 to index
      %get3A_128 = arith.constant 16 : index
      %get3A_129 = tpu.vector_load %arg5[%get3A_127, %get3A_128] {strides = array<i32>} : memref<8x128xi32, #tpu.memory_space<vmem>>, vector<1x16xi32>,
      %get3A_130 = vector.shape_cast %get3A_129 : vector<1x16xi32> to vector<16xi32>
      %swap3A_131 = arith.constant 16 : index
      %swap3A_132 = tpu.vector_load %arg6[%swap3A_131] {strides = array<i32>} : memref<128xi32, #tpu.memory_space<vmem>>, vector<16xi32>,
      %swap3A_133 = vector.shape_cast %swap3A_132 : vector<16xi32> to vector<16xi32>
      %swap3A_134 = vector.shape_cast %get3A_130 : vector<16xi32> to vector<16xi32>
      tpu.vector_store %arg6[%swap3A_131], %swap3A_134 {strides = array<i32>} : memref<128xi32, #tpu.memory_space<vmem>>, vector<16xi32>,
      %get3A_135 = arith.constant 1 : i32
      %get3A_136 = arith.index_cast %get3A_135 : i32 to index
      %get3A_137 = arith.constant 32 : index
      %get3A_138 = tpu.vector_load %arg5[%get3A_136, %get3A_137] {strides = array<i32>} : memref<8x128xi32, #tpu.memory_space<vmem>>, vector<1x16xi32>,
      %get3A_139 = vector.shape_cast %get3A_138 : vector<1x16xi32> to vector<16xi32>
      %swap3A_140 = arith.constant 32 : index
      %swap3A_141 = tpu.vector_load %arg6[%swap3A_140] {strides = array<i32>} : memref<128xi32, #tpu.memory_space<vmem>>, vector<16xi32>,
      %swap3A_142 = vector.shape_cast %swap3A_141 : vector<16xi32> to vector<16xi32>
      %swap3A_143 = vector.shape_cast %get3A_139 : vector<16xi32> to vector<16xi32>
      tpu.vector_store %arg6[%swap3A_140], %swap3A_143 {strides = array<i32>} : memref<128xi32, #tpu.memory_space<vmem>>, vector<16xi32>,
      %get3A_144 = arith.constant 1 : i32
      %get3A_145 = arith.index_cast %get3A_144 : i32 to index
      %get3A_146 = arith.constant 48 : index
      %get3A_147 = tpu.vector_load %arg5[%get3A_145, %get3A_146] {strides = array<i32>} : memref<8x128xi32, #tpu.memory_space<vmem>>, vector<1x16xi32>,
      %get3A_148 = vector.shape_cast %get3A_147 : vector<1x16xi32> to vector<16xi32>
      %swap3A_149 = arith.constant 48 : index
      %swap3A_150 = tpu.vector_load %arg6[%swap3A_149] {strides = array<i32>} : memref<128xi32, #tpu.memory_space<vmem>>, vector<16xi32>,
      %swap3A_151 = vector.shape_cast %swap3A_150 : vector<16xi32> to vector<16xi32>
      %swap3A_152 = vector.shape_cast %get3A_148 : vector<16xi32> to vector<16xi32>
      tpu.vector_store %arg6[%swap3A_149], %swap3A_152 {strides = array<i32>} : memref<128xi32, #tpu.memory_space<vmem>>, vector<16xi32>,
      %get3A_153 = arith.constant 1 : i32
      %get3A_154 = arith.index_cast %get3A_153 : i32 to index
      %get3A_155 = arith.constant 64 : index
      %get3A_156 = tpu.vector_load %arg5[%get3A_154, %get3A_155] {strides = array<i32>} : memref<8x128xi32, #tpu.memory_space<vmem>>, vector<1x16xi32>,
      %get3A_157 = vector.shape_cast %get3A_156 : vector<1x16xi32> to vector<16xi32>
      %swap3A_158 = arith.constant 64 : index
      %swap3A_159 = tpu.vector_load %arg6[%swap3A_158] {strides = array<i32>} : memref<128xi32, #tpu.memory_space<vmem>>, vector<16xi32>,
      %swap3A_160 = vector.shape_cast %swap3A_159 : vector<16xi32> to vector<16xi32>
      %swap3A_161 = vector.shape_cast %get3A_157 : vector<16xi32> to vector<16xi32>
      tpu.vector_store %arg6[%swap3A_158], %swap3A_161 {strides = array<i32>} : memref<128xi32, #tpu.memory_space<vmem>>, vector<16xi32>,
      %get3A_162 = arith.constant 1 : i32
      %get3A_163 = arith.index_cast %get3A_162 : i32 to index
      %get3A_164 = arith.constant 80 : index
      %get3A_165 = tpu.vector_load %arg5[%get3A_163, %get3A_164] {strides = array<i32>} : memref<8x128xi32, #tpu.memory_space<vmem>>, vector<1x16xi32>,
      %get3A_166 = vector.shape_cast %get3A_165 : vector<1x16xi32> to vector<16xi32>
      %swap3A_167 = arith.constant 80 : index
      %swap3A_168 = tpu.vector_load %arg6[%swap3A_167] {strides = array<i32>} : memref<128xi32, #tpu.memory_space<vmem>>, vector<16xi32>,
      %swap3A_169 = vector.shape_cast %swap3A_168 : vector<16xi32> to vector<16xi32>
      %swap3A_170 = vector.shape_cast %get3A_166 : vector<16xi32> to vector<16xi32>
      tpu.vector_store %arg6[%swap3A_167], %swap3A_170 {strides = array<i32>} : memref<128xi32, #tpu.memory_space<vmem>>, vector<16xi32>,
      %get3A_171 = arith.constant 1 : i32
      %get3A_172 = arith.index_cast %get3A_171 : i32 to index
      %get3A_173 = arith.constant 96 : index
      %get3A_174 = tpu.vector_load %arg5[%get3A_172, %get3A_173] {strides = array<i32>} : memref<8x128xi32, #tpu.memory_space<vmem>>, vector<1x16xi32>,
      %get3A_175 = vector.shape_cast %get3A_174 : vector<1x16xi32> to vector<16xi32>
      %swap3A_176 = arith.constant 96 : index
      %swap3A_177 = tpu.vector_load %arg6[%swap3A_176] {strides = array<i32>} : memref<128xi32, #tpu.memory_space<vmem>>, vector<16xi32>,
      %swap3A_178 = vector.shape_cast %swap3A_177 : vector<16xi32> to vector<16xi32>
      %swap3A_179 = vector.shape_cast %get3A_175 : vector<16xi32> to vector<16xi32>
      tpu.vector_store %arg6[%swap3A_176], %swap3A_179 {strides = array<i32>} : memref<128xi32, #tpu.memory_space<vmem>>, vector<16xi32>,
      %get3A_180 = arith.constant 1 : i32
      %get3A_181 = arith.index_cast %get3A_180 : i32 to index
      %get3A_182 = arith.constant 112 : index
      %get3A_183 = tpu.vector_load %arg5[%get3A_181, %get3A_182] {strides = array<i32>} : memref<8x128xi32, #tpu.memory_space<vmem>>, vector<1x16xi32>,
      %get3A_184 = vector.shape_cast %get3A_183 : vector<1x16xi32> to vector<16xi32>
      %swap3A_185 = arith.constant 112 : index
      %swap3A_186 = tpu.vector_load %arg6[%swap3A_185] {strides = array<i32>} : memref<128xi32, #tpu.memory_space<vmem>>, vector<16xi32>,
      %swap3A_187 = vector.shape_cast %swap3A_186 : vector<16xi32> to vector<16xi32>
      %swap3A_188 = vector.shape_cast %get3A_184 : vector<16xi32> to vector<16xi32>
      tpu.vector_store %arg6[%swap3A_185], %swap3A_188 {strides = array<i32>} : memref<128xi32, #tpu.memory_space<vmem>>, vector<16xi32>,
      "tpu.region"() ({
        %run_scoped3A = tpu.sem_alloc : memref<!tpu.dma_semaphore, #tpu.memory_space<semaphore_mem>>
        %dma_start3A_622 = arith.constant 0 : i32
        %dma_start3A_623 = arith.constant 0 : i32
        %dma_start3A_624 = tpu.memref_slice %arg4[%dma_start3A_622, %dma_start3A_623] : memref<10240x16xf32, #tpu.memory_space<vmem_shared>> -> memref<10240x16xf32, #tpu.memory_space<vmem_shared>>
        tpu.enqueue_indirect_dma source(%arg7 : memref<128x16xf32, #tpu.memory_space<vmem>>) target(%dma_start3A_624 : memref<10240x16xf32, #tpu.memory_space<vmem_shared>>) offsets(%arg6 : memref<128xi32, #tpu.memory_space<vmem>>) semaphore(%run_scoped3A : memref<!tpu.dma_semaphore, #tpu.memory_space<semaphore_mem>>) {add = true}
        %dma_wait3A_625 = arith.constant 0 : i32
        %dma_wait3A_626 = arith.constant 0 : i32
        %dma_wait3A_627 = tpu.memref_slice %arg4[%dma_wait3A_625, %dma_wait3A_626] : memref<10240x16xf32, #tpu.memory_space<vmem_shared>> -> memref<10240x16xf32, #tpu.memory_space<vmem_shared>>
        tpu.wait_indirect_dma semaphore(%run_scoped3A : memref<!tpu.dma_semaphore, #tpu.memory_space<semaphore_mem>>) src(%arg7 : memref<128x16xf32, #tpu.memory_space<vmem>>) dst(%dma_wait3A_627 : memref<10240x16xf32, #tpu.memory_space<vmem_shared>>)
        tpu.yield
      }) : () -> ()
      %get3A_189 = arith.constant 2 : i32
      %get3A_190 = arith.index_cast %get3A_189 : i32 to index
      %get3A_191 = arith.constant 0 : index
      %get3A_192 = tpu.vector_load %arg5[%get3A_190, %get3A_191] {strides = array<i32>} : memref<8x128xi32, #tpu.memory_space<vmem>>, vector<1x16xi32>,
      %get3A_193 = vector.shape_cast %get3A_192 : vector<1x16xi32> to vector<16xi32>
      %swap3A_194 = arith.constant 0 : index
      %swap3A_195 = tpu.vector_load %arg6[%swap3A_194] {strides = array<i32>} : memref<128xi32, #tpu.memory_space<vmem>>, vector<16xi32>,
      %swap3A_196 = vector.shape_cast %swap3A_195 : vector<16xi32> to vector<16xi32>
      %swap3A_197 = vector.shape_cast %get3A_193 : vector<16xi32> to vector<16xi32>
      tpu.vector_store %arg6[%swap3A_194], %swap3A_197 {strides = array<i32>} : memref<128xi32, #tpu.memory_space<vmem>>, vector<16xi32>,
      %get3A_198 = arith.constant 2 : i32
      %get3A_199 = arith.index_cast %get3A_198 : i32 to index
      %get3A_200 = arith.constant 16 : index
      %get3A_201 = tpu.vector_load %arg5[%get3A_199, %get3A_200] {strides = array<i32>} : memref<8x128xi32, #tpu.memory_space<vmem>>, vector<1x16xi32>,
      %get3A_202 = vector.shape_cast %get3A_201 : vector<1x16xi32> to vector<16xi32>
      %swap3A_203 = arith.constant 16 : index
      %swap3A_204 = tpu.vector_load %arg6[%swap3A_203] {strides = array<i32>} : memref<128xi32, #tpu.memory_space<vmem>>, vector<16xi32>,
      %swap3A_205 = vector.shape_cast %swap3A_204 : vector<16xi32> to vector<16xi32>
      %swap3A_206 = vector.shape_cast %get3A_202 : vector<16xi32> to vector<16xi32>
      tpu.vector_store %arg6[%swap3A_203], %swap3A_206 {strides = array<i32>} : memref<128xi32, #tpu.memory_space<vmem>>, vector<16xi32>,
      %get3A_207 = arith.constant 2 : i32
      %get3A_208 = arith.index_cast %get3A_207 : i32 to index
      %get3A_209 = arith.constant 32 : index
      %get3A_210 = tpu.vector_load %arg5[%get3A_208, %get3A_209] {strides = array<i32>} : memref<8x128xi32, #tpu.memory_space<vmem>>, vector<1x16xi32>,
      %get3A_211 = vector.shape_cast %get3A_210 : vector<1x16xi32> to vector<16xi32>
      %swap3A_212 = arith.constant 32 : index
      %swap3A_213 = tpu.vector_load %arg6[%swap3A_212] {strides = array<i32>} : memref<128xi32, #tpu.memory_space<vmem>>, vector<16xi32>,
      %swap3A_214 = vector.shape_cast %swap3A_213 : vector<16xi32> to vector<16xi32>
      %swap3A_215 = vector.shape_cast %get3A_211 : vector<16xi32> to vector<16xi32>
      tpu.vector_store %arg6[%swap3A_212], %swap3A_215 {strides = array<i32>} : memref<128xi32, #tpu.memory_space<vmem>>, vector<16xi32>,
      %get3A_216 = arith.constant 2 : i32
      %get3A_217 = arith.index_cast %get3A_216 : i32 to index
      %get3A_218 = arith.constant 48 : index
      %get3A_219 = tpu.vector_load %arg5[%get3A_217, %get3A_218] {strides = array<i32>} : memref<8x128xi32, #tpu.memory_space<vmem>>, vector<1x16xi32>,
      %get3A_220 = vector.shape_cast %get3A_219 : vector<1x16xi32> to vector<16xi32>
      %swap3A_221 = arith.constant 48 : index
      %swap3A_222 = tpu.vector_load %arg6[%swap3A_221] {strides = array<i32>} : memref<128xi32, #tpu.memory_space<vmem>>, vector<16xi32>,
      %swap3A_223 = vector.shape_cast %swap3A_222 : vector<16xi32> to vector<16xi32>
      %swap3A_224 = vector.shape_cast %get3A_220 : vector<16xi32> to vector<16xi32>
      tpu.vector_store %arg6[%swap3A_221], %swap3A_224 {strides = array<i32>} : memref<128xi32, #tpu.memory_space<vmem>>, vector<16xi32>,
      %get3A_225 = arith.constant 2 : i32
      %get3A_226 = arith.index_cast %get3A_225 : i32 to index
      %get3A_227 = arith.constant 64 : index
      %get3A_228 = tpu.vector_load %arg5[%get3A_226, %get3A_227] {strides = array<i32>} : memref<8x128xi32, #tpu.memory_space<vmem>>, vector<1x16xi32>,
      %get3A_229 = vector.shape_cast %get3A_228 : vector<1x16xi32> to vector<16xi32>
      %swap3A_230 = arith.constant 64 : index
      %swap3A_231 = tpu.vector_load %arg6[%swap3A_230] {strides = array<i32>} : memref<128xi32, #tpu.memory_space<vmem>>, vector<16xi32>,
      %swap3A_232 = vector.shape_cast %swap3A_231 : vector<16xi32> to vector<16xi32>
      %swap3A_233 = vector.shape_cast %get3A_229 : vector<16xi32> to vector<16xi32>
      tpu.vector_store %arg6[%swap3A_230], %swap3A_233 {strides = array<i32>} : memref<128xi32, #tpu.memory_space<vmem>>, vector<16xi32>,
      %get3A_234 = arith.constant 2 : i32
      %get3A_235 = arith.index_cast %get3A_234 : i32 to index
      %get3A_236 = arith.constant 80 : index
      %get3A_237 = tpu.vector_load %arg5[%get3A_235, %get3A_236] {strides = array<i32>} : memref<8x128xi32, #tpu.memory_space<vmem>>, vector<1x16xi32>,
      %get3A_238 = vector.shape_cast %get3A_237 : vector<1x16xi32> to vector<16xi32>
      %swap3A_239 = arith.constant 80 : index
      %swap3A_240 = tpu.vector_load %arg6[%swap3A_239] {strides = array<i32>} : memref<128xi32, #tpu.memory_space<vmem>>, vector<16xi32>,
      %swap3A_241 = vector.shape_cast %swap3A_240 : vector<16xi32> to vector<16xi32>
      %swap3A_242 = vector.shape_cast %get3A_238 : vector<16xi32> to vector<16xi32>
      tpu.vector_store %arg6[%swap3A_239], %swap3A_242 {strides = array<i32>} : memref<128xi32, #tpu.memory_space<vmem>>, vector<16xi32>,
      %get3A_243 = arith.constant 2 : i32
      %get3A_244 = arith.index_cast %get3A_243 : i32 to index
      %get3A_245 = arith.constant 96 : index
      %get3A_246 = tpu.vector_load %arg5[%get3A_244, %get3A_245] {strides = array<i32>} : memref<8x128xi32, #tpu.memory_space<vmem>>, vector<1x16xi32>,
      %get3A_247 = vector.shape_cast %get3A_246 : vector<1x16xi32> to vector<16xi32>
      %swap3A_248 = arith.constant 96 : index
      %swap3A_249 = tpu.vector_load %arg6[%swap3A_248] {strides = array<i32>} : memref<128xi32, #tpu.memory_space<vmem>>, vector<16xi32>,
      %swap3A_250 = vector.shape_cast %swap3A_249 : vector<16xi32> to vector<16xi32>
      %swap3A_251 = vector.shape_cast %get3A_247 : vector<16xi32> to vector<16xi32>
      tpu.vector_store %arg6[%swap3A_248], %swap3A_251 {strides = array<i32>} : memref<128xi32, #tpu.memory_space<vmem>>, vector<16xi32>,
      %get3A_252 = arith.constant 2 : i32
      %get3A_253 = arith.index_cast %get3A_252 : i32 to index
      %get3A_254 = arith.constant 112 : index
      %get3A_255 = tpu.vector_load %arg5[%get3A_253, %get3A_254] {strides = array<i32>} : memref<8x128xi32, #tpu.memory_space<vmem>>, vector<1x16xi32>,
      %get3A_256 = vector.shape_cast %get3A_255 : vector<1x16xi32> to vector<16xi32>
      %swap3A_257 = arith.constant 112 : index
      %swap3A_258 = tpu.vector_load %arg6[%swap3A_257] {strides = array<i32>} : memref<128xi32, #tpu.memory_space<vmem>>, vector<16xi32>,
      %swap3A_259 = vector.shape_cast %swap3A_258 : vector<16xi32> to vector<16xi32>
      %swap3A_260 = vector.shape_cast %get3A_256 : vector<16xi32> to vector<16xi32>
      tpu.vector_store %arg6[%swap3A_257], %swap3A_260 {strides = array<i32>} : memref<128xi32, #tpu.memory_space<vmem>>, vector<16xi32>,
      "tpu.region"() ({
        %run_scoped3A = tpu.sem_alloc : memref<!tpu.dma_semaphore, #tpu.memory_space<semaphore_mem>>
        %dma_start3A_622 = arith.constant 0 : i32
        %dma_start3A_623 = arith.constant 0 : i32
        %dma_start3A_624 = tpu.memref_slice %arg4[%dma_start3A_622, %dma_start3A_623] : memref<10240x16xf32, #tpu.memory_space<vmem_shared>> -> memref<10240x16xf32, #tpu.memory_space<vmem_shared>>
        tpu.enqueue_indirect_dma source(%arg7 : memref<128x16xf32, #tpu.memory_space<vmem>>) target(%dma_start3A_624 : memref<10240x16xf32, #tpu.memory_space<vmem_shared>>) offsets(%arg6 : memref<128xi32, #tpu.memory_space<vmem>>) semaphore(%run_scoped3A : memref<!tpu.dma_semaphore, #tpu.memory_space<semaphore_mem>>) {add = true}
        %dma_wait3A_625 = arith.constant 0 : i32
        %dma_wait3A_626 = arith.constant 0 : i32
        %dma_wait3A_627 = tpu.memref_slice %arg4[%dma_wait3A_625, %dma_wait3A_626] : memref<10240x16xf32, #tpu.memory_space<vmem_shared>> -> memref<10240x16xf32, #tpu.memory_space<vmem_shared>>
        tpu.wait_indirect_dma semaphore(%run_scoped3A : memref<!tpu.dma_semaphore, #tpu.memory_space<semaphore_mem>>) src(%arg7 : memref<128x16xf32, #tpu.memory_space<vmem>>) dst(%dma_wait3A_627 : memref<10240x16xf32, #tpu.memory_space<vmem_shared>>)
        tpu.yield
      }) : () -> ()
      %get3A_261 = arith.constant 3 : i32
      %get3A_262 = arith.index_cast %get3A_261 : i32 to index
      %get3A_263 = arith.constant 0 : index
      %get3A_264 = tpu.vector_load %arg5[%get3A_262, %get3A_263] {strides = array<i32>} : memref<8x128xi32, #tpu.memory_space<vmem>>, vector<1x16xi32>,
      %get3A_265 = vector.shape_cast %get3A_264 : vector<1x16xi32> to vector<16xi32>
      %swap3A_266 = arith.constant 0 : index
      %swap3A_267 = tpu.vector_load %arg6[%swap3A_266] {strides = array<i32>} : memref<128xi32, #tpu.memory_space<vmem>>, vector<16xi32>,
      %swap3A_268 = vector.shape_cast %swap3A_267 : vector<16xi32> to vector<16xi32>
      %swap3A_269 = vector.shape_cast %get3A_265 : vector<16xi32> to vector<16xi32>
      tpu.vector_store %arg6[%swap3A_266], %swap3A_269 {strides = array<i32>} : memref<128xi32, #tpu.memory_space<vmem>>, vector<16xi32>,
      %get3A_270 = arith.constant 3 : i32
      %get3A_271 = arith.index_cast %get3A_270 : i32 to index
      %get3A_272 = arith.constant 16 : index
      %get3A_273 = tpu.vector_load %arg5[%get3A_271, %get3A_272] {strides = array<i32>} : memref<8x128xi32, #tpu.memory_space<vmem>>, vector<1x16xi32>,
      %get3A_274 = vector.shape_cast %get3A_273 : vector<1x16xi32> to vector<16xi32>
      %swap3A_275 = arith.constant 16 : index
      %swap3A_276 = tpu.vector_load %arg6[%swap3A_275] {strides = array<i32>} : memref<128xi32, #tpu.memory_space<vmem>>, vector<16xi32>,
      %swap3A_277 = vector.shape_cast %swap3A_276 : vector<16xi32> to vector<16xi32>
      %swap3A_278 = vector.shape_cast %get3A_274 : vector<16xi32> to vector<16xi32>
      tpu.vector_store %arg6[%swap3A_275], %swap3A_278 {strides = array<i32>} : memref<128xi32, #tpu.memory_space<vmem>>, vector<16xi32>,
      %get3A_279 = arith.constant 3 : i32
      %get3A_280 = arith.index_cast %get3A_279 : i32 to index
      %get3A_281 = arith.constant 32 : index
      %get3A_282 = tpu.vector_load %arg5[%get3A_280, %get3A_281] {strides = array<i32>} : memref<8x128xi32, #tpu.memory_space<vmem>>, vector<1x16xi32>,
      %get3A_283 = vector.shape_cast %get3A_282 : vector<1x16xi32> to vector<16xi32>
      %swap3A_284 = arith.constant 32 : index
      %swap3A_285 = tpu.vector_load %arg6[%swap3A_284] {strides = array<i32>} : memref<128xi32, #tpu.memory_space<vmem>>, vector<16xi32>,
      %swap3A_286 = vector.shape_cast %swap3A_285 : vector<16xi32> to vector<16xi32>
      %swap3A_287 = vector.shape_cast %get3A_283 : vector<16xi32> to vector<16xi32>
      tpu.vector_store %arg6[%swap3A_284], %swap3A_287 {strides = array<i32>} : memref<128xi32, #tpu.memory_space<vmem>>, vector<16xi32>,
      %get3A_288 = arith.constant 3 : i32
      %get3A_289 = arith.index_cast %get3A_288 : i32 to index
      %get3A_290 = arith.constant 48 : index
      %get3A_291 = tpu.vector_load %arg5[%get3A_289, %get3A_290] {strides = array<i32>} : memref<8x128xi32, #tpu.memory_space<vmem>>, vector<1x16xi32>,
      %get3A_292 = vector.shape_cast %get3A_291 : vector<1x16xi32> to vector<16xi32>
      %swap3A_293 = arith.constant 48 : index
      %swap3A_294 = tpu.vector_load %arg6[%swap3A_293] {strides = array<i32>} : memref<128xi32, #tpu.memory_space<vmem>>, vector<16xi32>,
      %swap3A_295 = vector.shape_cast %swap3A_294 : vector<16xi32> to vector<16xi32>
      %swap3A_296 = vector.shape_cast %get3A_292 : vector<16xi32> to vector<16xi32>
      tpu.vector_store %arg6[%swap3A_293], %swap3A_296 {strides = array<i32>} : memref<128xi32, #tpu.memory_space<vmem>>, vector<16xi32>,
      %get3A_297 = arith.constant 3 : i32
      %get3A_298 = arith.index_cast %get3A_297 : i32 to index
      %get3A_299 = arith.constant 64 : index
      %get3A_300 = tpu.vector_load %arg5[%get3A_298, %get3A_299] {strides = array<i32>} : memref<8x128xi32, #tpu.memory_space<vmem>>, vector<1x16xi32>,
      %get3A_301 = vector.shape_cast %get3A_300 : vector<1x16xi32> to vector<16xi32>
      %swap3A_302 = arith.constant 64 : index
      %swap3A_303 = tpu.vector_load %arg6[%swap3A_302] {strides = array<i32>} : memref<128xi32, #tpu.memory_space<vmem>>, vector<16xi32>,
      %swap3A_304 = vector.shape_cast %swap3A_303 : vector<16xi32> to vector<16xi32>
      %swap3A_305 = vector.shape_cast %get3A_301 : vector<16xi32> to vector<16xi32>
      tpu.vector_store %arg6[%swap3A_302], %swap3A_305 {strides = array<i32>} : memref<128xi32, #tpu.memory_space<vmem>>, vector<16xi32>,
      %get3A_306 = arith.constant 3 : i32
      %get3A_307 = arith.index_cast %get3A_306 : i32 to index
      %get3A_308 = arith.constant 80 : index
      %get3A_309 = tpu.vector_load %arg5[%get3A_307, %get3A_308] {strides = array<i32>} : memref<8x128xi32, #tpu.memory_space<vmem>>, vector<1x16xi32>,
      %get3A_310 = vector.shape_cast %get3A_309 : vector<1x16xi32> to vector<16xi32>
      %swap3A_311 = arith.constant 80 : index
      %swap3A_312 = tpu.vector_load %arg6[%swap3A_311] {strides = array<i32>} : memref<128xi32, #tpu.memory_space<vmem>>, vector<16xi32>,
      %swap3A_313 = vector.shape_cast %swap3A_312 : vector<16xi32> to vector<16xi32>
      %swap3A_314 = vector.shape_cast %get3A_310 : vector<16xi32> to vector<16xi32>
      tpu.vector_store %arg6[%swap3A_311], %swap3A_314 {strides = array<i32>} : memref<128xi32, #tpu.memory_space<vmem>>, vector<16xi32>,
      %get3A_315 = arith.constant 3 : i32
      %get3A_316 = arith.index_cast %get3A_315 : i32 to index
      %get3A_317 = arith.constant 96 : index
      %get3A_318 = tpu.vector_load %arg5[%get3A_316, %get3A_317] {strides = array<i32>} : memref<8x128xi32, #tpu.memory_space<vmem>>, vector<1x16xi32>,
      %get3A_319 = vector.shape_cast %get3A_318 : vector<1x16xi32> to vector<16xi32>
      %swap3A_320 = arith.constant 96 : index
      %swap3A_321 = tpu.vector_load %arg6[%swap3A_320] {strides = array<i32>} : memref<128xi32, #tpu.memory_space<vmem>>, vector<16xi32>,
      %swap3A_322 = vector.shape_cast %swap3A_321 : vector<16xi32> to vector<16xi32>
      %swap3A_323 = vector.shape_cast %get3A_319 : vector<16xi32> to vector<16xi32>
      tpu.vector_store %arg6[%swap3A_320], %swap3A_323 {strides = array<i32>} : memref<128xi32, #tpu.memory_space<vmem>>, vector<16xi32>,
      %get3A_324 = arith.constant 3 : i32
      %get3A_325 = arith.index_cast %get3A_324 : i32 to index
      %get3A_326 = arith.constant 112 : index
      %get3A_327 = tpu.vector_load %arg5[%get3A_325, %get3A_326] {strides = array<i32>} : memref<8x128xi32, #tpu.memory_space<vmem>>, vector<1x16xi32>,
      %get3A_328 = vector.shape_cast %get3A_327 : vector<1x16xi32> to vector<16xi32>
      %swap3A_329 = arith.constant 112 : index
      %swap3A_330 = tpu.vector_load %arg6[%swap3A_329] {strides = array<i32>} : memref<128xi32, #tpu.memory_space<vmem>>, vector<16xi32>,
      %swap3A_331 = vector.shape_cast %swap3A_330 : vector<16xi32> to vector<16xi32>
      %swap3A_332 = vector.shape_cast %get3A_328 : vector<16xi32> to vector<16xi32>
      tpu.vector_store %arg6[%swap3A_329], %swap3A_332 {strides = array<i32>} : memref<128xi32, #tpu.memory_space<vmem>>, vector<16xi32>,
      "tpu.region"() ({
        %run_scoped3A = tpu.sem_alloc : memref<!tpu.dma_semaphore, #tpu.memory_space<semaphore_mem>>
        %dma_start3A_622 = arith.constant 0 : i32
        %dma_start3A_623 = arith.constant 0 : i32
        %dma_start3A_624 = tpu.memref_slice %arg4[%dma_start3A_622, %dma_start3A_623] : memref<10240x16xf32, #tpu.memory_space<vmem_shared>> -> memref<10240x16xf32, #tpu.memory_space<vmem_shared>>
        tpu.enqueue_indirect_dma source(%arg7 : memref<128x16xf32, #tpu.memory_space<vmem>>) target(%dma_start3A_624 : memref<10240x16xf32, #tpu.memory_space<vmem_shared>>) offsets(%arg6 : memref<128xi32, #tpu.memory_space<vmem>>) semaphore(%run_scoped3A : memref<!tpu.dma_semaphore, #tpu.memory_space<semaphore_mem>>) {add = true}
        %dma_wait3A_625 = arith.constant 0 : i32
        %dma_wait3A_626 = arith.constant 0 : i32
        %dma_wait3A_627 = tpu.memref_slice %arg4[%dma_wait3A_625, %dma_wait3A_626] : memref<10240x16xf32, #tpu.memory_space<vmem_shared>> -> memref<10240x16xf32, #tpu.memory_space<vmem_shared>>
        tpu.wait_indirect_dma semaphore(%run_scoped3A : memref<!tpu.dma_semaphore, #tpu.memory_space<semaphore_mem>>) src(%arg7 : memref<128x16xf32, #tpu.memory_space<vmem>>) dst(%dma_wait3A_627 : memref<10240x16xf32, #tpu.memory_space<vmem_shared>>)
        tpu.yield
      }) : () -> ()
      %get3A_333 = arith.constant 4 : i32
      %get3A_334 = arith.index_cast %get3A_333 : i32 to index
      %get3A_335 = arith.constant 0 : index
      %get3A_336 = tpu.vector_load %arg5[%get3A_334, %get3A_335] {strides = array<i32>} : memref<8x128xi32, #tpu.memory_space<vmem>>, vector<1x16xi32>,
      %get3A_337 = vector.shape_cast %get3A_336 : vector<1x16xi32> to vector<16xi32>
      %swap3A_338 = arith.constant 0 : index
      %swap3A_339 = tpu.vector_load %arg6[%swap3A_338] {strides = array<i32>} : memref<128xi32, #tpu.memory_space<vmem>>, vector<16xi32>,
      %swap3A_340 = vector.shape_cast %swap3A_339 : vector<16xi32> to vector<16xi32>
      %swap3A_341 = vector.shape_cast %get3A_337 : vector<16xi32> to vector<16xi32>
      tpu.vector_store %arg6[%swap3A_338], %swap3A_341 {strides = array<i32>} : memref<128xi32, #tpu.memory_space<vmem>>, vector<16xi32>,
      %get3A_342 = arith.constant 4 : i32
      %get3A_343 = arith.index_cast %get3A_342 : i32 to index
      %get3A_344 = arith.constant 16 : index
      %get3A_345 = tpu.vector_load %arg5[%get3A_343, %get3A_344] {strides = array<i32>} : memref<8x128xi32, #tpu.memory_space<vmem>>, vector<1x16xi32>,
      %get3A_346 = vector.shape_cast %get3A_345 : vector<1x16xi32> to vector<16xi32>
      %swap3A_347 = arith.constant 16 : index
      %swap3A_348 = tpu.vector_load %arg6[%swap3A_347] {strides = array<i32>} : memref<128xi32, #tpu.memory_space<vmem>>, vector<16xi32>,
      %swap3A_349 = vector.shape_cast %swap3A_348 : vector<16xi32> to vector<16xi32>
      %swap3A_350 = vector.shape_cast %get3A_346 : vector<16xi32> to vector<16xi32>
      tpu.vector_store %arg6[%swap3A_347], %swap3A_350 {strides = array<i32>} : memref<128xi32, #tpu.memory_space<vmem>>, vector<16xi32>,
      %get3A_351 = arith.constant 4 : i32
      %get3A_352 = arith.index_cast %get3A_351 : i32 to index
      %get3A_353 = arith.constant 32 : index
      %get3A_354 = tpu.vector_load %arg5[%get3A_352, %get3A_353] {strides = array<i32>} : memref<8x128xi32, #tpu.memory_space<vmem>>, vector<1x16xi32>,
      %get3A_355 = vector.shape_cast %get3A_354 : vector<1x16xi32> to vector<16xi32>
      %swap3A_356 = arith.constant 32 : index
      %swap3A_357 = tpu.vector_load %arg6[%swap3A_356] {strides = array<i32>} : memref<128xi32, #tpu.memory_space<vmem>>, vector<16xi32>,
      %swap3A_358 = vector.shape_cast %swap3A_357 : vector<16xi32> to vector<16xi32>
      %swap3A_359 = vector.shape_cast %get3A_355 : vector<16xi32> to vector<16xi32>
      tpu.vector_store %arg6[%swap3A_356], %swap3A_359 {strides = array<i32>} : memref<128xi32, #tpu.memory_space<vmem>>, vector<16xi32>,
      %get3A_360 = arith.constant 4 : i32
      %get3A_361 = arith.index_cast %get3A_360 : i32 to index
      %get3A_362 = arith.constant 48 : index
      %get3A_363 = tpu.vector_load %arg5[%get3A_361, %get3A_362] {strides = array<i32>} : memref<8x128xi32, #tpu.memory_space<vmem>>, vector<1x16xi32>,
      %get3A_364 = vector.shape_cast %get3A_363 : vector<1x16xi32> to vector<16xi32>
      %swap3A_365 = arith.constant 48 : index
      %swap3A_366 = tpu.vector_load %arg6[%swap3A_365] {strides = array<i32>} : memref<128xi32, #tpu.memory_space<vmem>>, vector<16xi32>,
      %swap3A_367 = vector.shape_cast %swap3A_366 : vector<16xi32> to vector<16xi32>
      %swap3A_368 = vector.shape_cast %get3A_364 : vector<16xi32> to vector<16xi32>
      tpu.vector_store %arg6[%swap3A_365], %swap3A_368 {strides = array<i32>} : memref<128xi32, #tpu.memory_space<vmem>>, vector<16xi32>,
      %get3A_369 = arith.constant 4 : i32
      %get3A_370 = arith.index_cast %get3A_369 : i32 to index
      %get3A_371 = arith.constant 64 : index
      %get3A_372 = tpu.vector_load %arg5[%get3A_370, %get3A_371] {strides = array<i32>} : memref<8x128xi32, #tpu.memory_space<vmem>>, vector<1x16xi32>,
      %get3A_373 = vector.shape_cast %get3A_372 : vector<1x16xi32> to vector<16xi32>
      %swap3A_374 = arith.constant 64 : index
      %swap3A_375 = tpu.vector_load %arg6[%swap3A_374] {strides = array<i32>} : memref<128xi32, #tpu.memory_space<vmem>>, vector<16xi32>,
      %swap3A_376 = vector.shape_cast %swap3A_375 : vector<16xi32> to vector<16xi32>
      %swap3A_377 = vector.shape_cast %get3A_373 : vector<16xi32> to vector<16xi32>
      tpu.vector_store %arg6[%swap3A_374], %swap3A_377 {strides = array<i32>} : memref<128xi32, #tpu.memory_space<vmem>>, vector<16xi32>,
      %get3A_378 = arith.constant 4 : i32
      %get3A_379 = arith.index_cast %get3A_378 : i32 to index
      %get3A_380 = arith.constant 80 : index
      %get3A_381 = tpu.vector_load %arg5[%get3A_379, %get3A_380] {strides = array<i32>} : memref<8x128xi32, #tpu.memory_space<vmem>>, vector<1x16xi32>,
      %get3A_382 = vector.shape_cast %get3A_381 : vector<1x16xi32> to vector<16xi32>
      %swap3A_383 = arith.constant 80 : index
      %swap3A_384 = tpu.vector_load %arg6[%swap3A_383] {strides = array<i32>} : memref<128xi32, #tpu.memory_space<vmem>>, vector<16xi32>,
      %swap3A_385 = vector.shape_cast %swap3A_384 : vector<16xi32> to vector<16xi32>
      %swap3A_386 = vector.shape_cast %get3A_382 : vector<16xi32> to vector<16xi32>
      tpu.vector_store %arg6[%swap3A_383], %swap3A_386 {strides = array<i32>} : memref<128xi32, #tpu.memory_space<vmem>>, vector<16xi32>,
      %get3A_387 = arith.constant 4 : i32
      %get3A_388 = arith.index_cast %get3A_387 : i32 to index
      %get3A_389 = arith.constant 96 : index
      %get3A_390 = tpu.vector_load %arg5[%get3A_388, %get3A_389] {strides = array<i32>} : memref<8x128xi32, #tpu.memory_space<vmem>>, vector<1x16xi32>,
      %get3A_391 = vector.shape_cast %get3A_390 : vector<1x16xi32> to vector<16xi32>
      %swap3A_392 = arith.constant 96 : index
      %swap3A_393 = tpu.vector_load %arg6[%swap3A_392] {strides = array<i32>} : memref<128xi32, #tpu.memory_space<vmem>>, vector<16xi32>,
      %swap3A_394 = vector.shape_cast %swap3A_393 : vector<16xi32> to vector<16xi32>
      %swap3A_395 = vector.shape_cast %get3A_391 : vector<16xi32> to vector<16xi32>
      tpu.vector_store %arg6[%swap3A_392], %swap3A_395 {strides = array<i32>} : memref<128xi32, #tpu.memory_space<vmem>>, vector<16xi32>,
      %get3A_396 = arith.constant 4 : i32
      %get3A_397 = arith.index_cast %get3A_396 : i32 to index
      %get3A_398 = arith.constant 112 : index
      %get3A_399 = tpu.vector_load %arg5[%get3A_397, %get3A_398] {strides = array<i32>} : memref<8x128xi32, #tpu.memory_space<vmem>>, vector<1x16xi32>,
      %get3A_400 = vector.shape_cast %get3A_399 : vector<1x16xi32> to vector<16xi32>
      %swap3A_401 = arith.constant 112 : index
      %swap3A_402 = tpu.vector_load %arg6[%swap3A_401] {strides = array<i32>} : memref<128xi32, #tpu.memory_space<vmem>>, vector<16xi32>,
      %swap3A_403 = vector.shape_cast %swap3A_402 : vector<16xi32> to vector<16xi32>
      %swap3A_404 = vector.shape_cast %get3A_400 : vector<16xi32> to vector<16xi32>
      tpu.vector_store %arg6[%swap3A_401], %swap3A_404 {strides = array<i32>} : memref<128xi32, #tpu.memory_space<vmem>>, vector<16xi32>,
      "tpu.region"() ({
        %run_scoped3A = tpu.sem_alloc : memref<!tpu.dma_semaphore, #tpu.memory_space<semaphore_mem>>
        %dma_start3A_622 = arith.constant 0 : i32
        %dma_start3A_623 = arith.constant 0 : i32
        %dma_start3A_624 = tpu.memref_slice %arg4[%dma_start3A_622, %dma_start3A_623] : memref<10240x16xf32, #tpu.memory_space<vmem_shared>> -> memref<10240x16xf32, #tpu.memory_space<vmem_shared>>
        tpu.enqueue_indirect_dma source(%arg7 : memref<128x16xf32, #tpu.memory_space<vmem>>) target(%dma_start3A_624 : memref<10240x16xf32, #tpu.memory_space<vmem_shared>>) offsets(%arg6 : memref<128xi32, #tpu.memory_space<vmem>>) semaphore(%run_scoped3A : memref<!tpu.dma_semaphore, #tpu.memory_space<semaphore_mem>>) {add = true}
        %dma_wait3A_625 = arith.constant 0 : i32
        %dma_wait3A_626 = arith.constant 0 : i32
        %dma_wait3A_627 = tpu.memref_slice %arg4[%dma_wait3A_625, %dma_wait3A_626] : memref<10240x16xf32, #tpu.memory_space<vmem_shared>> -> memref<10240x16xf32, #tpu.memory_space<vmem_shared>>
        tpu.wait_indirect_dma semaphore(%run_scoped3A : memref<!tpu.dma_semaphore, #tpu.memory_space<semaphore_mem>>) src(%arg7 : memref<128x16xf32, #tpu.memory_space<vmem>>) dst(%dma_wait3A_627 : memref<10240x16xf32, #tpu.memory_space<vmem_shared>>)
        tpu.yield
      }) : () -> ()
      %get3A_405 = arith.constant 5 : i32
      %get3A_406 = arith.index_cast %get3A_405 : i32 to index
      %get3A_407 = arith.constant 0 : index
      %get3A_408 = tpu.vector_load %arg5[%get3A_406, %get3A_407] {strides = array<i32>} : memref<8x128xi32, #tpu.memory_space<vmem>>, vector<1x16xi32>,
      %get3A_409 = vector.shape_cast %get3A_408 : vector<1x16xi32> to vector<16xi32>
      %swap3A_410 = arith.constant 0 : index
      %swap3A_411 = tpu.vector_load %arg6[%swap3A_410] {strides = array<i32>} : memref<128xi32, #tpu.memory_space<vmem>>, vector<16xi32>,
      %swap3A_412 = vector.shape_cast %swap3A_411 : vector<16xi32> to vector<16xi32>
      %swap3A_413 = vector.shape_cast %get3A_409 : vector<16xi32> to vector<16xi32>
      tpu.vector_store %arg6[%swap3A_410], %swap3A_413 {strides = array<i32>} : memref<128xi32, #tpu.memory_space<vmem>>, vector<16xi32>,
      %get3A_414 = arith.constant 5 : i32
      %get3A_415 = arith.index_cast %get3A_414 : i32 to index
      %get3A_416 = arith.constant 16 : index
      %get3A_417 = tpu.vector_load %arg5[%get3A_415, %get3A_416] {strides = array<i32>} : memref<8x128xi32, #tpu.memory_space<vmem>>, vector<1x16xi32>,
      %get3A_418 = vector.shape_cast %get3A_417 : vector<1x16xi32> to vector<16xi32>
      %swap3A_419 = arith.constant 16 : index
      %swap3A_420 = tpu.vector_load %arg6[%swap3A_419] {strides = array<i32>} : memref<128xi32, #tpu.memory_space<vmem>>, vector<16xi32>,
      %swap3A_421 = vector.shape_cast %swap3A_420 : vector<16xi32> to vector<16xi32>
      %swap3A_422 = vector.shape_cast %get3A_418 : vector<16xi32> to vector<16xi32>
      tpu.vector_store %arg6[%swap3A_419], %swap3A_422 {strides = array<i32>} : memref<128xi32, #tpu.memory_space<vmem>>, vector<16xi32>,
      %get3A_423 = arith.constant 5 : i32
      %get3A_424 = arith.index_cast %get3A_423 : i32 to index
      %get3A_425 = arith.constant 32 : index
      %get3A_426 = tpu.vector_load %arg5[%get3A_424, %get3A_425] {strides = array<i32>} : memref<8x128xi32, #tpu.memory_space<vmem>>, vector<1x16xi32>,
      %get3A_427 = vector.shape_cast %get3A_426 : vector<1x16xi32> to vector<16xi32>
      %swap3A_428 = arith.constant 32 : index
      %swap3A_429 = tpu.vector_load %arg6[%swap3A_428] {strides = array<i32>} : memref<128xi32, #tpu.memory_space<vmem>>, vector<16xi32>,
      %swap3A_430 = vector.shape_cast %swap3A_429 : vector<16xi32> to vector<16xi32>
      %swap3A_431 = vector.shape_cast %get3A_427 : vector<16xi32> to vector<16xi32>
      tpu.vector_store %arg6[%swap3A_428], %swap3A_431 {strides = array<i32>} : memref<128xi32, #tpu.memory_space<vmem>>, vector<16xi32>,
      %get3A_432 = arith.constant 5 : i32
      %get3A_433 = arith.index_cast %get3A_432 : i32 to index
      %get3A_434 = arith.constant 48 : index
      %get3A_435 = tpu.vector_load %arg5[%get3A_433, %get3A_434] {strides = array<i32>} : memref<8x128xi32, #tpu.memory_space<vmem>>, vector<1x16xi32>,
      %get3A_436 = vector.shape_cast %get3A_435 : vector<1x16xi32> to vector<16xi32>
      %swap3A_437 = arith.constant 48 : index
      %swap3A_438 = tpu.vector_load %arg6[%swap3A_437] {strides = array<i32>} : memref<128xi32, #tpu.memory_space<vmem>>, vector<16xi32>,
      %swap3A_439 = vector.shape_cast %swap3A_438 : vector<16xi32> to vector<16xi32>
      %swap3A_440 = vector.shape_cast %get3A_436 : vector<16xi32> to vector<16xi32>
      tpu.vector_store %arg6[%swap3A_437], %swap3A_440 {strides = array<i32>} : memref<128xi32, #tpu.memory_space<vmem>>, vector<16xi32>,
      %get3A_441 = arith.constant 5 : i32
      %get3A_442 = arith.index_cast %get3A_441 : i32 to index
      %get3A_443 = arith.constant 64 : index
      %get3A_444 = tpu.vector_load %arg5[%get3A_442, %get3A_443] {strides = array<i32>} : memref<8x128xi32, #tpu.memory_space<vmem>>, vector<1x16xi32>,
      %get3A_445 = vector.shape_cast %get3A_444 : vector<1x16xi32> to vector<16xi32>
      %swap3A_446 = arith.constant 64 : index
      %swap3A_447 = tpu.vector_load %arg6[%swap3A_446] {strides = array<i32>} : memref<128xi32, #tpu.memory_space<vmem>>, vector<16xi32>,
      %swap3A_448 = vector.shape_cast %swap3A_447 : vector<16xi32> to vector<16xi32>
      %swap3A_449 = vector.shape_cast %get3A_445 : vector<16xi32> to vector<16xi32>
      tpu.vector_store %arg6[%swap3A_446], %swap3A_449 {strides = array<i32>} : memref<128xi32, #tpu.memory_space<vmem>>, vector<16xi32>,
      %get3A_450 = arith.constant 5 : i32
      %get3A_451 = arith.index_cast %get3A_450 : i32 to index
      %get3A_452 = arith.constant 80 : index
      %get3A_453 = tpu.vector_load %arg5[%get3A_451, %get3A_452] {strides = array<i32>} : memref<8x128xi32, #tpu.memory_space<vmem>>, vector<1x16xi32>,
      %get3A_454 = vector.shape_cast %get3A_453 : vector<1x16xi32> to vector<16xi32>
      %swap3A_455 = arith.constant 80 : index
      %swap3A_456 = tpu.vector_load %arg6[%swap3A_455] {strides = array<i32>} : memref<128xi32, #tpu.memory_space<vmem>>, vector<16xi32>,
      %swap3A_457 = vector.shape_cast %swap3A_456 : vector<16xi32> to vector<16xi32>
      %swap3A_458 = vector.shape_cast %get3A_454 : vector<16xi32> to vector<16xi32>
      tpu.vector_store %arg6[%swap3A_455], %swap3A_458 {strides = array<i32>} : memref<128xi32, #tpu.memory_space<vmem>>, vector<16xi32>,
      %get3A_459 = arith.constant 5 : i32
      %get3A_460 = arith.index_cast %get3A_459 : i32 to index
      %get3A_461 = arith.constant 96 : index
      %get3A_462 = tpu.vector_load %arg5[%get3A_460, %get3A_461] {strides = array<i32>} : memref<8x128xi32, #tpu.memory_space<vmem>>, vector<1x16xi32>,
      %get3A_463 = vector.shape_cast %get3A_462 : vector<1x16xi32> to vector<16xi32>
      %swap3A_464 = arith.constant 96 : index
      %swap3A_465 = tpu.vector_load %arg6[%swap3A_464] {strides = array<i32>} : memref<128xi32, #tpu.memory_space<vmem>>, vector<16xi32>,
      %swap3A_466 = vector.shape_cast %swap3A_465 : vector<16xi32> to vector<16xi32>
      %swap3A_467 = vector.shape_cast %get3A_463 : vector<16xi32> to vector<16xi32>
      tpu.vector_store %arg6[%swap3A_464], %swap3A_467 {strides = array<i32>} : memref<128xi32, #tpu.memory_space<vmem>>, vector<16xi32>,
      %get3A_468 = arith.constant 5 : i32
      %get3A_469 = arith.index_cast %get3A_468 : i32 to index
      %get3A_470 = arith.constant 112 : index
      %get3A_471 = tpu.vector_load %arg5[%get3A_469, %get3A_470] {strides = array<i32>} : memref<8x128xi32, #tpu.memory_space<vmem>>, vector<1x16xi32>,
      %get3A_472 = vector.shape_cast %get3A_471 : vector<1x16xi32> to vector<16xi32>
      %swap3A_473 = arith.constant 112 : index
      %swap3A_474 = tpu.vector_load %arg6[%swap3A_473] {strides = array<i32>} : memref<128xi32, #tpu.memory_space<vmem>>, vector<16xi32>,
      %swap3A_475 = vector.shape_cast %swap3A_474 : vector<16xi32> to vector<16xi32>
      %swap3A_476 = vector.shape_cast %get3A_472 : vector<16xi32> to vector<16xi32>
      tpu.vector_store %arg6[%swap3A_473], %swap3A_476 {strides = array<i32>} : memref<128xi32, #tpu.memory_space<vmem>>, vector<16xi32>,
      "tpu.region"() ({
        %run_scoped3A = tpu.sem_alloc : memref<!tpu.dma_semaphore, #tpu.memory_space<semaphore_mem>>
        %dma_start3A_622 = arith.constant 0 : i32
        %dma_start3A_623 = arith.constant 0 : i32
        %dma_start3A_624 = tpu.memref_slice %arg4[%dma_start3A_622, %dma_start3A_623] : memref<10240x16xf32, #tpu.memory_space<vmem_shared>> -> memref<10240x16xf32, #tpu.memory_space<vmem_shared>>
        tpu.enqueue_indirect_dma source(%arg7 : memref<128x16xf32, #tpu.memory_space<vmem>>) target(%dma_start3A_624 : memref<10240x16xf32, #tpu.memory_space<vmem_shared>>) offsets(%arg6 : memref<128xi32, #tpu.memory_space<vmem>>) semaphore(%run_scoped3A : memref<!tpu.dma_semaphore, #tpu.memory_space<semaphore_mem>>) {add = true}
        %dma_wait3A_625 = arith.constant 0 : i32
        %dma_wait3A_626 = arith.constant 0 : i32
        %dma_wait3A_627 = tpu.memref_slice %arg4[%dma_wait3A_625, %dma_wait3A_626] : memref<10240x16xf32, #tpu.memory_space<vmem_shared>> -> memref<10240x16xf32, #tpu.memory_space<vmem_shared>>
        tpu.wait_indirect_dma semaphore(%run_scoped3A : memref<!tpu.dma_semaphore, #tpu.memory_space<semaphore_mem>>) src(%arg7 : memref<128x16xf32, #tpu.memory_space<vmem>>) dst(%dma_wait3A_627 : memref<10240x16xf32, #tpu.memory_space<vmem_shared>>)
        tpu.yield
      }) : () -> ()
      %get3A_477 = arith.constant 6 : i32
      %get3A_478 = arith.index_cast %get3A_477 : i32 to index
      %get3A_479 = arith.constant 0 : index
      %get3A_480 = tpu.vector_load %arg5[%get3A_478, %get3A_479] {strides = array<i32>} : memref<8x128xi32, #tpu.memory_space<vmem>>, vector<1x16xi32>,
      %get3A_481 = vector.shape_cast %get3A_480 : vector<1x16xi32> to vector<16xi32>
      %swap3A_482 = arith.constant 0 : index
      %swap3A_483 = tpu.vector_load %arg6[%swap3A_482] {strides = array<i32>} : memref<128xi32, #tpu.memory_space<vmem>>, vector<16xi32>,
      %swap3A_484 = vector.shape_cast %swap3A_483 : vector<16xi32> to vector<16xi32>
      %swap3A_485 = vector.shape_cast %get3A_481 : vector<16xi32> to vector<16xi32>
      tpu.vector_store %arg6[%swap3A_482], %swap3A_485 {strides = array<i32>} : memref<128xi32, #tpu.memory_space<vmem>>, vector<16xi32>,
      %get3A_486 = arith.constant 6 : i32
      %get3A_487 = arith.index_cast %get3A_486 : i32 to index
      %get3A_488 = arith.constant 16 : index
      %get3A_489 = tpu.vector_load %arg5[%get3A_487, %get3A_488] {strides = array<i32>} : memref<8x128xi32, #tpu.memory_space<vmem>>, vector<1x16xi32>,
      %get3A_490 = vector.shape_cast %get3A_489 : vector<1x16xi32> to vector<16xi32>
      %swap3A_491 = arith.constant 16 : index
      %swap3A_492 = tpu.vector_load %arg6[%swap3A_491] {strides = array<i32>} : memref<128xi32, #tpu.memory_space<vmem>>, vector<16xi32>,
      %swap3A_493 = vector.shape_cast %swap3A_492 : vector<16xi32> to vector<16xi32>
      %swap3A_494 = vector.shape_cast %get3A_490 : vector<16xi32> to vector<16xi32>
      tpu.vector_store %arg6[%swap3A_491], %swap3A_494 {strides = array<i32>} : memref<128xi32, #tpu.memory_space<vmem>>, vector<16xi32>,
      %get3A_495 = arith.constant 6 : i32
      %get3A_496 = arith.index_cast %get3A_495 : i32 to index
      %get3A_497 = arith.constant 32 : index
      %get3A_498 = tpu.vector_load %arg5[%get3A_496, %get3A_497] {strides = array<i32>} : memref<8x128xi32, #tpu.memory_space<vmem>>, vector<1x16xi32>,
      %get3A_499 = vector.shape_cast %get3A_498 : vector<1x16xi32> to vector<16xi32>
      %swap3A_500 = arith.constant 32 : index
      %swap3A_501 = tpu.vector_load %arg6[%swap3A_500] {strides = array<i32>} : memref<128xi32, #tpu.memory_space<vmem>>, vector<16xi32>,
      %swap3A_502 = vector.shape_cast %swap3A_501 : vector<16xi32> to vector<16xi32>
      %swap3A_503 = vector.shape_cast %get3A_499 : vector<16xi32> to vector<16xi32>
      tpu.vector_store %arg6[%swap3A_500], %swap3A_503 {strides = array<i32>} : memref<128xi32, #tpu.memory_space<vmem>>, vector<16xi32>,
      %get3A_504 = arith.constant 6 : i32
      %get3A_505 = arith.index_cast %get3A_504 : i32 to index
      %get3A_506 = arith.constant 48 : index
      %get3A_507 = tpu.vector_load %arg5[%get3A_505, %get3A_506] {strides = array<i32>} : memref<8x128xi32, #tpu.memory_space<vmem>>, vector<1x16xi32>,
      %get3A_508 = vector.shape_cast %get3A_507 : vector<1x16xi32> to vector<16xi32>
      %swap3A_509 = arith.constant 48 : index
      %swap3A_510 = tpu.vector_load %arg6[%swap3A_509] {strides = array<i32>} : memref<128xi32, #tpu.memory_space<vmem>>, vector<16xi32>,
      %swap3A_511 = vector.shape_cast %swap3A_510 : vector<16xi32> to vector<16xi32>
      %swap3A_512 = vector.shape_cast %get3A_508 : vector<16xi32> to vector<16xi32>
      tpu.vector_store %arg6[%swap3A_509], %swap3A_512 {strides = array<i32>} : memref<128xi32, #tpu.memory_space<vmem>>, vector<16xi32>,
      %get3A_513 = arith.constant 6 : i32
      %get3A_514 = arith.index_cast %get3A_513 : i32 to index
      %get3A_515 = arith.constant 64 : index
      %get3A_516 = tpu.vector_load %arg5[%get3A_514, %get3A_515] {strides = array<i32>} : memref<8x128xi32, #tpu.memory_space<vmem>>, vector<1x16xi32>,
      %get3A_517 = vector.shape_cast %get3A_516 : vector<1x16xi32> to vector<16xi32>
      %swap3A_518 = arith.constant 64 : index
      %swap3A_519 = tpu.vector_load %arg6[%swap3A_518] {strides = array<i32>} : memref<128xi32, #tpu.memory_space<vmem>>, vector<16xi32>,
      %swap3A_520 = vector.shape_cast %swap3A_519 : vector<16xi32> to vector<16xi32>
      %swap3A_521 = vector.shape_cast %get3A_517 : vector<16xi32> to vector<16xi32>
      tpu.vector_store %arg6[%swap3A_518], %swap3A_521 {strides = array<i32>} : memref<128xi32, #tpu.memory_space<vmem>>, vector<16xi32>,
      %get3A_522 = arith.constant 6 : i32
      %get3A_523 = arith.index_cast %get3A_522 : i32 to index
      %get3A_524 = arith.constant 80 : index
      %get3A_525 = tpu.vector_load %arg5[%get3A_523, %get3A_524] {strides = array<i32>} : memref<8x128xi32, #tpu.memory_space<vmem>>, vector<1x16xi32>,
      %get3A_526 = vector.shape_cast %get3A_525 : vector<1x16xi32> to vector<16xi32>
      %swap3A_527 = arith.constant 80 : index
      %swap3A_528 = tpu.vector_load %arg6[%swap3A_527] {strides = array<i32>} : memref<128xi32, #tpu.memory_space<vmem>>, vector<16xi32>,
      %swap3A_529 = vector.shape_cast %swap3A_528 : vector<16xi32> to vector<16xi32>
      %swap3A_530 = vector.shape_cast %get3A_526 : vector<16xi32> to vector<16xi32>
      tpu.vector_store %arg6[%swap3A_527], %swap3A_530 {strides = array<i32>} : memref<128xi32, #tpu.memory_space<vmem>>, vector<16xi32>,
      %get3A_531 = arith.constant 6 : i32
      %get3A_532 = arith.index_cast %get3A_531 : i32 to index
      %get3A_533 = arith.constant 96 : index
      %get3A_534 = tpu.vector_load %arg5[%get3A_532, %get3A_533] {strides = array<i32>} : memref<8x128xi32, #tpu.memory_space<vmem>>, vector<1x16xi32>,
      %get3A_535 = vector.shape_cast %get3A_534 : vector<1x16xi32> to vector<16xi32>
      %swap3A_536 = arith.constant 96 : index
      %swap3A_537 = tpu.vector_load %arg6[%swap3A_536] {strides = array<i32>} : memref<128xi32, #tpu.memory_space<vmem>>, vector<16xi32>,
      %swap3A_538 = vector.shape_cast %swap3A_537 : vector<16xi32> to vector<16xi32>
      %swap3A_539 = vector.shape_cast %get3A_535 : vector<16xi32> to vector<16xi32>
      tpu.vector_store %arg6[%swap3A_536], %swap3A_539 {strides = array<i32>} : memref<128xi32, #tpu.memory_space<vmem>>, vector<16xi32>,
      %get3A_540 = arith.constant 6 : i32
      %get3A_541 = arith.index_cast %get3A_540 : i32 to index
      %get3A_542 = arith.constant 112 : index
      %get3A_543 = tpu.vector_load %arg5[%get3A_541, %get3A_542] {strides = array<i32>} : memref<8x128xi32, #tpu.memory_space<vmem>>, vector<1x16xi32>,
      %get3A_544 = vector.shape_cast %get3A_543 : vector<1x16xi32> to vector<16xi32>
      %swap3A_545 = arith.constant 112 : index
      %swap3A_546 = tpu.vector_load %arg6[%swap3A_545] {strides = array<i32>} : memref<128xi32, #tpu.memory_space<vmem>>, vector<16xi32>,
      %swap3A_547 = vector.shape_cast %swap3A_546 : vector<16xi32> to vector<16xi32>
      %swap3A_548 = vector.shape_cast %get3A_544 : vector<16xi32> to vector<16xi32>
      tpu.vector_store %arg6[%swap3A_545], %swap3A_548 {strides = array<i32>} : memref<128xi32, #tpu.memory_space<vmem>>, vector<16xi32>,
      "tpu.region"() ({
        %run_scoped3A = tpu.sem_alloc : memref<!tpu.dma_semaphore, #tpu.memory_space<semaphore_mem>>
        %dma_start3A_622 = arith.constant 0 : i32
        %dma_start3A_623 = arith.constant 0 : i32
        %dma_start3A_624 = tpu.memref_slice %arg4[%dma_start3A_622, %dma_start3A_623] : memref<10240x16xf32, #tpu.memory_space<vmem_shared>> -> memref<10240x16xf32, #tpu.memory_space<vmem_shared>>
        tpu.enqueue_indirect_dma source(%arg7 : memref<128x16xf32, #tpu.memory_space<vmem>>) target(%dma_start3A_624 : memref<10240x16xf32, #tpu.memory_space<vmem_shared>>) offsets(%arg6 : memref<128xi32, #tpu.memory_space<vmem>>) semaphore(%run_scoped3A : memref<!tpu.dma_semaphore, #tpu.memory_space<semaphore_mem>>) {add = true}
        %dma_wait3A_625 = arith.constant 0 : i32
        %dma_wait3A_626 = arith.constant 0 : i32
        %dma_wait3A_627 = tpu.memref_slice %arg4[%dma_wait3A_625, %dma_wait3A_626] : memref<10240x16xf32, #tpu.memory_space<vmem_shared>> -> memref<10240x16xf32, #tpu.memory_space<vmem_shared>>
        tpu.wait_indirect_dma semaphore(%run_scoped3A : memref<!tpu.dma_semaphore, #tpu.memory_space<semaphore_mem>>) src(%arg7 : memref<128x16xf32, #tpu.memory_space<vmem>>) dst(%dma_wait3A_627 : memref<10240x16xf32, #tpu.memory_space<vmem_shared>>)
        tpu.yield
      }) : () -> ()
      %get3A_549 = arith.constant 7 : i32
      %get3A_550 = arith.index_cast %get3A_549 : i32 to index
      %get3A_551 = arith.constant 0 : index
      %get3A_552 = tpu.vector_load %arg5[%get3A_550, %get3A_551] {strides = array<i32>} : memref<8x128xi32, #tpu.memory_space<vmem>>, vector<1x16xi32>,
      %get3A_553 = vector.shape_cast %get3A_552 : vector<1x16xi32> to vector<16xi32>
      %swap3A_554 = arith.constant 0 : index
      %swap3A_555 = tpu.vector_load %arg6[%swap3A_554] {strides = array<i32>} : memref<128xi32, #tpu.memory_space<vmem>>, vector<16xi32>,
      %swap3A_556 = vector.shape_cast %swap3A_555 : vector<16xi32> to vector<16xi32>
      %swap3A_557 = vector.shape_cast %get3A_553 : vector<16xi32> to vector<16xi32>
      tpu.vector_store %arg6[%swap3A_554], %swap3A_557 {strides = array<i32>} : memref<128xi32, #tpu.memory_space<vmem>>, vector<16xi32>,
      %get3A_558 = arith.constant 7 : i32
      %get3A_559 = arith.index_cast %get3A_558 : i32 to index
      %get3A_560 = arith.constant 16 : index
      %get3A_561 = tpu.vector_load %arg5[%get3A_559, %get3A_560] {strides = array<i32>} : memref<8x128xi32, #tpu.memory_space<vmem>>, vector<1x16xi32>,
      %get3A_562 = vector.shape_cast %get3A_561 : vector<1x16xi32> to vector<16xi32>
      %swap3A_563 = arith.constant 16 : index
      %swap3A_564 = tpu.vector_load %arg6[%swap3A_563] {strides = array<i32>} : memref<128xi32, #tpu.memory_space<vmem>>, vector<16xi32>,
      %swap3A_565 = vector.shape_cast %swap3A_564 : vector<16xi32> to vector<16xi32>
      %swap3A_566 = vector.shape_cast %get3A_562 : vector<16xi32> to vector<16xi32>
      tpu.vector_store %arg6[%swap3A_563], %swap3A_566 {strides = array<i32>} : memref<128xi32, #tpu.memory_space<vmem>>, vector<16xi32>,
      %get3A_567 = arith.constant 7 : i32
      %get3A_568 = arith.index_cast %get3A_567 : i32 to index
      %get3A_569 = arith.constant 32 : index
      %get3A_570 = tpu.vector_load %arg5[%get3A_568, %get3A_569] {strides = array<i32>} : memref<8x128xi32, #tpu.memory_space<vmem>>, vector<1x16xi32>,
      %get3A_571 = vector.shape_cast %get3A_570 : vector<1x16xi32> to vector<16xi32>
      %swap3A_572 = arith.constant 32 : index
      %swap3A_573 = tpu.vector_load %arg6[%swap3A_572] {strides = array<i32>} : memref<128xi32, #tpu.memory_space<vmem>>, vector<16xi32>,
      %swap3A_574 = vector.shape_cast %swap3A_573 : vector<16xi32> to vector<16xi32>
      %swap3A_575 = vector.shape_cast %get3A_571 : vector<16xi32> to vector<16xi32>
      tpu.vector_store %arg6[%swap3A_572], %swap3A_575 {strides = array<i32>} : memref<128xi32, #tpu.memory_space<vmem>>, vector<16xi32>,
      %get3A_576 = arith.constant 7 : i32
      %get3A_577 = arith.index_cast %get3A_576 : i32 to index
      %get3A_578 = arith.constant 48 : index
      %get3A_579 = tpu.vector_load %arg5[%get3A_577, %get3A_578] {strides = array<i32>} : memref<8x128xi32, #tpu.memory_space<vmem>>, vector<1x16xi32>,
      %get3A_580 = vector.shape_cast %get3A_579 : vector<1x16xi32> to vector<16xi32>
      %swap3A_581 = arith.constant 48 : index
      %swap3A_582 = tpu.vector_load %arg6[%swap3A_581] {strides = array<i32>} : memref<128xi32, #tpu.memory_space<vmem>>, vector<16xi32>,
      %swap3A_583 = vector.shape_cast %swap3A_582 : vector<16xi32> to vector<16xi32>
      %swap3A_584 = vector.shape_cast %get3A_580 : vector<16xi32> to vector<16xi32>
      tpu.vector_store %arg6[%swap3A_581], %swap3A_584 {strides = array<i32>} : memref<128xi32, #tpu.memory_space<vmem>>, vector<16xi32>,
      %get3A_585 = arith.constant 7 : i32
      %get3A_586 = arith.index_cast %get3A_585 : i32 to index
      %get3A_587 = arith.constant 64 : index
      %get3A_588 = tpu.vector_load %arg5[%get3A_586, %get3A_587] {strides = array<i32>} : memref<8x128xi32, #tpu.memory_space<vmem>>, vector<1x16xi32>,
      %get3A_589 = vector.shape_cast %get3A_588 : vector<1x16xi32> to vector<16xi32>
      %swap3A_590 = arith.constant 64 : index
      %swap3A_591 = tpu.vector_load %arg6[%swap3A_590] {strides = array<i32>} : memref<128xi32, #tpu.memory_space<vmem>>, vector<16xi32>,
      %swap3A_592 = vector.shape_cast %swap3A_591 : vector<16xi32> to vector<16xi32>
      %swap3A_593 = vector.shape_cast %get3A_589 : vector<16xi32> to vector<16xi32>
      tpu.vector_store %arg6[%swap3A_590], %swap3A_593 {strides = array<i32>} : memref<128xi32, #tpu.memory_space<vmem>>, vector<16xi32>,
      %get3A_594 = arith.constant 7 : i32
      %get3A_595 = arith.index_cast %get3A_594 : i32 to index
      %get3A_596 = arith.constant 80 : index
      %get3A_597 = tpu.vector_load %arg5[%get3A_595, %get3A_596] {strides = array<i32>} : memref<8x128xi32, #tpu.memory_space<vmem>>, vector<1x16xi32>,
      %get3A_598 = vector.shape_cast %get3A_597 : vector<1x16xi32> to vector<16xi32>
      %swap3A_599 = arith.constant 80 : index
      %swap3A_600 = tpu.vector_load %arg6[%swap3A_599] {strides = array<i32>} : memref<128xi32, #tpu.memory_space<vmem>>, vector<16xi32>,
      %swap3A_601 = vector.shape_cast %swap3A_600 : vector<16xi32> to vector<16xi32>
      %swap3A_602 = vector.shape_cast %get3A_598 : vector<16xi32> to vector<16xi32>
      tpu.vector_store %arg6[%swap3A_599], %swap3A_602 {strides = array<i32>} : memref<128xi32, #tpu.memory_space<vmem>>, vector<16xi32>,
      %get3A_603 = arith.constant 7 : i32
      %get3A_604 = arith.index_cast %get3A_603 : i32 to index
      %get3A_605 = arith.constant 96 : index
      %get3A_606 = tpu.vector_load %arg5[%get3A_604, %get3A_605] {strides = array<i32>} : memref<8x128xi32, #tpu.memory_space<vmem>>, vector<1x16xi32>,
      %get3A_607 = vector.shape_cast %get3A_606 : vector<1x16xi32> to vector<16xi32>
      %swap3A_608 = arith.constant 96 : index
      %swap3A_609 = tpu.vector_load %arg6[%swap3A_608] {strides = array<i32>} : memref<128xi32, #tpu.memory_space<vmem>>, vector<16xi32>,
      %swap3A_610 = vector.shape_cast %swap3A_609 : vector<16xi32> to vector<16xi32>
      %swap3A_611 = vector.shape_cast %get3A_607 : vector<16xi32> to vector<16xi32>
      tpu.vector_store %arg6[%swap3A_608], %swap3A_611 {strides = array<i32>} : memref<128xi32, #tpu.memory_space<vmem>>, vector<16xi32>,
      %get3A_612 = arith.constant 7 : i32
      %get3A_613 = arith.index_cast %get3A_612 : i32 to index
      %get3A_614 = arith.constant 112 : index
      %get3A_615 = tpu.vector_load %arg5[%get3A_613, %get3A_614] {strides = array<i32>} : memref<8x128xi32, #tpu.memory_space<vmem>>, vector<1x16xi32>,
      %get3A_616 = vector.shape_cast %get3A_615 : vector<1x16xi32> to vector<16xi32>
      %swap3A_617 = arith.constant 112 : index
      %swap3A_618 = tpu.vector_load %arg6[%swap3A_617] {strides = array<i32>} : memref<128xi32, #tpu.memory_space<vmem>>, vector<16xi32>,
      %swap3A_619 = vector.shape_cast %swap3A_618 : vector<16xi32> to vector<16xi32>
      %swap3A_620 = vector.shape_cast %get3A_616 : vector<16xi32> to vector<16xi32>
      tpu.vector_store %arg6[%swap3A_617], %swap3A_620 {strides = array<i32>} : memref<128xi32, #tpu.memory_space<vmem>>, vector<16xi32>,
      "tpu.region"() ({
        %run_scoped3A = tpu.sem_alloc : memref<!tpu.dma_semaphore, #tpu.memory_space<semaphore_mem>>
        %dma_start3A_622 = arith.constant 0 : i32
        %dma_start3A_623 = arith.constant 0 : i32
        %dma_start3A_624 = tpu.memref_slice %arg4[%dma_start3A_622, %dma_start3A_623] : memref<10240x16xf32, #tpu.memory_space<vmem_shared>> -> memref<10240x16xf32, #tpu.memory_space<vmem_shared>>
        tpu.enqueue_indirect_dma source(%arg7 : memref<128x16xf32, #tpu.memory_space<vmem>>) target(%dma_start3A_624 : memref<10240x16xf32, #tpu.memory_space<vmem_shared>>) offsets(%arg6 : memref<128xi32, #tpu.memory_space<vmem>>) semaphore(%run_scoped3A : memref<!tpu.dma_semaphore, #tpu.memory_space<semaphore_mem>>) {add = true}
        %dma_wait3A_625 = arith.constant 0 : i32
        %dma_wait3A_626 = arith.constant 0 : i32
        %dma_wait3A_627 = tpu.memref_slice %arg4[%dma_wait3A_625, %dma_wait3A_626] : memref<10240x16xf32, #tpu.memory_space<vmem_shared>> -> memref<10240x16xf32, #tpu.memory_space<vmem_shared>>
        tpu.wait_indirect_dma semaphore(%run_scoped3A : memref<!tpu.dma_semaphore, #tpu.memory_space<semaphore_mem>>) src(%arg7 : memref<128x16xf32, #tpu.memory_space<vmem>>) dst(%dma_wait3A_627 : memref<10240x16xf32, #tpu.memory_space<vmem_shared>>)
        tpu.yield
      }) : () -> ()
      %scan3A_621 = arith.constant 0 : i32
      scf.yield %scan3A_621 : i32
    }
    %scan3A_27 = arith.constant 5 : i32
    %barrier3A_28 = arith.constant 0 : index
    tpu.barrier barrier_id(%barrier3A_28)
    %eq3A = arith.constant 0 : i32
    %eq3A_29 = arith.cmpi eq, %arg1, %eq3A : i32
    %convert_element_type3A = arith.extui %eq3A_29 : i1 to i32
    %cond3A = arith.constant 0 : i32
    %cond3A_30 = arith.cmpi ne, %convert_element_type3A, %cond3A : i32
    scf.if %cond3A_30 {
      "tpu.region"() ({
        %run_scoped3A = tpu.sem_alloc : memref<!tpu.dma_semaphore, #tpu.memory_space<semaphore_mem>>
        %dma_start3A = arith.constant 0 : i32
        %dma_start3A_31 = arith.constant 0 : i32
        %dma_start3A_32 = tpu.memref_slice %arg3[%arg0, %dma_start3A, %dma_start3A_31] : memref<2x10240x16xf32, #tpu.memory_space<hbm>> -> memref<1x10240x16xf32, #tpu.memory_space<hbm>>
        %dma_start3A_33 = tpu.memref_squeeze %dma_start3A_32 : memref<1x10240x16xf32, #tpu.memory_space<hbm>> -> memref<10240x16xf32, #tpu.memory_space<hbm>>
        %dma_start3A_34 = arith.constant 0 : i32
        %dma_start3A_35 = arith.constant 0 : i32
        %dma_start3A_36 = tpu.memref_slice %arg4[%dma_start3A_34, %dma_start3A_35] : memref<10240x16xf32, #tpu.memory_space<vmem_shared>> -> memref<10240x16xf32, #tpu.memory_space<vmem_shared>>
        tpu.enqueue_dma source(%dma_start3A_36 : memref<10240x16xf32, #tpu.memory_space<vmem_shared>>) target(%dma_start3A_33 : memref<10240x16xf32, #tpu.memory_space<hbm>>) target_semaphore(%run_scoped3A : memref<!tpu.dma_semaphore, #tpu.memory_space<semaphore_mem>>)
        %dma_wait3A = arith.constant 0 : i32
        %dma_wait3A_37 = arith.constant 0 : i32
        %dma_wait3A_38 = tpu.memref_slice %arg3[%arg0, %dma_wait3A, %dma_wait3A_37] : memref<2x10240x16xf32, #tpu.memory_space<hbm>> -> memref<1x10240x16xf32, #tpu.memory_space<hbm>>
        %dma_wait3A_39 = tpu.memref_squeeze %dma_wait3A_38 : memref<1x10240x16xf32, #tpu.memory_space<hbm>> -> memref<10240x16xf32, #tpu.memory_space<hbm>>
        %dma_wait3A_40 = arith.constant 0 : i32
        %dma_wait3A_41 = arith.constant 0 : i32
        %dma_wait3A_42 = tpu.memref_slice %arg4[%dma_wait3A_40, %dma_wait3A_41] : memref<10240x16xf32, #tpu.memory_space<vmem_shared>> -> memref<10240x16xf32, #tpu.memory_space<vmem_shared>>
        tpu.wait_dma2 semaphore(%run_scoped3A : memref<!tpu.dma_semaphore, #tpu.memory_space<semaphore_mem>>) src(%dma_wait3A_42 : memref<10240x16xf32, #tpu.memory_space<vmem_shared>>) dst(%dma_wait3A_39 : memref<10240x16xf32, #tpu.memory_space<hbm>>)
        tpu.yield
      }) : () -> ()
    } else {
    }
    return
  }
}

#map = affine_map<(d0, d1) -> (0, 0, 0)>
#map1 = affine_map<(d0, d1) -> (0, 0, 0, 0)>
module attributes {stable_mosaic.version = 14 : i64} {
  func.func @_scat_body(%arg0: i32, %arg1: i32, %arg2: memref<2x10240x128xf32, #tpu.memory_space<hbm>>, %arg3: memref<16x32x4x80xi32, #tpu.memory_space<hbm>>, %arg4: memref<16x32x4x80xi32, #tpu.memory_space<hbm>>, %arg5: memref<2x10240x128xf32, #tpu.memory_space<hbm>>, %arg6: memref<10240x128xf32, #tpu.memory_space<vmem_shared>>, %arg7: memref<4x80xi32, #tpu.memory_space<vmem>>, %arg8: memref<4x80xi32, #tpu.memory_space<vmem>>, %arg9: memref<80xi32, #tpu.memory_space<vmem>>, %arg10: memref<80xi32, #tpu.memory_space<vmem>>, %arg11: memref<80xi32, #tpu.memory_space<vmem>>, %arg12: memref<80xi32, #tpu.memory_space<vmem>>, %arg13: memref<80xi32, #tpu.memory_space<vmem>>, %arg14: memref<80xi32, #tpu.memory_space<vmem>>, %arg15: memref<80xi32, #tpu.memory_space<vmem>>, %arg16: memref<80xi32, #tpu.memory_space<vmem>>, %arg17: memref<80x128xf32, #tpu.memory_space<vmem>>, %arg18: memref<80x128xf32, #tpu.memory_space<vmem>>, %arg19: memref<80x128xf32, #tpu.memory_space<vmem>>, %arg20: memref<80x128xf32, #tpu.memory_space<vmem>>, %arg21: memref<!tpu.dma_semaphore, #tpu.memory_space<semaphore_mem>>, %arg22: memref<!tpu.dma_semaphore, #tpu.memory_space<semaphore_mem>>, %arg23: memref<!tpu.dma_semaphore, #tpu.memory_space<semaphore_mem>>, %arg24: memref<!tpu.dma_semaphore, #tpu.memory_space<semaphore_mem>>, %arg25: memref<!tpu.dma_semaphore, #tpu.memory_space<semaphore_mem>>, %arg26: memref<!tpu.dma_semaphore, #tpu.memory_space<semaphore_mem>>, %arg27: memref<!tpu.dma_semaphore, #tpu.memory_space<semaphore_mem>>, %arg28: memref<!tpu.dma_semaphore, #tpu.memory_space<semaphore_mem>>, %arg29: memref<!tpu.dma_semaphore, #tpu.memory_space<semaphore_mem>>, %arg30: memref<!tpu.dma_semaphore, #tpu.memory_space<semaphore_mem>>) attributes {dimension_semantics = [#tpu.dimension_semantics<core_parallel>, #tpu.dimension_semantics<subcore_parallel>], iteration_bounds = array<i64: 2, 16>, scalar_prefetch = 0 : i64, scratch_operands = 25 : i64, tpu.core_type = #tpu.core_type<sc_vector_subcore>, window_params = [{transform_indices = #map}, {transform_indices = #map1}, {transform_indices = #map1}, {transform_indices = #map}]} {
    %mul3A = arith.constant 640 : i32
    %mul3A_0 = arith.muli %arg1, %mul3A : i32
    "tpu.region"() ({
      %run_scoped3A = tpu.sem_alloc : memref<!tpu.dma_semaphore, #tpu.memory_space<semaphore_mem>>
      %dma_start3A = arith.constant 0 : i32
      %dma_start3A_8 = tpu.memref_slice %arg6[%mul3A_0, %dma_start3A] : memref<10240x128xf32, #tpu.memory_space<vmem_shared>> -> memref<640x128xf32, #tpu.memory_space<vmem_shared>>
      %dma_start3A_9 = arith.constant 0 : i32
      %dma_start3A_10 = tpu.memref_slice %arg2[%arg0, %mul3A_0, %dma_start3A_9] : memref<2x10240x128xf32, #tpu.memory_space<hbm>> -> memref<1x640x128xf32, #tpu.memory_space<hbm>>
      %dma_start3A_11 = tpu.memref_squeeze %dma_start3A_10 : memref<1x640x128xf32, #tpu.memory_space<hbm>> -> memref<640x128xf32, #tpu.memory_space<hbm>>
      tpu.enqueue_dma source(%dma_start3A_11 : memref<640x128xf32, #tpu.memory_space<hbm>>) target(%dma_start3A_8 : memref<640x128xf32, #tpu.memory_space<vmem_shared>>) target_semaphore(%run_scoped3A : memref<!tpu.dma_semaphore, #tpu.memory_space<semaphore_mem>>)
      %dma_wait3A = arith.constant 0 : i32
      %dma_wait3A_12 = tpu.memref_slice %arg6[%mul3A_0, %dma_wait3A] : memref<10240x128xf32, #tpu.memory_space<vmem_shared>> -> memref<640x128xf32, #tpu.memory_space<vmem_shared>>
      %dma_wait3A_13 = arith.constant 0 : i32
      %dma_wait3A_14 = tpu.memref_slice %arg2[%arg0, %mul3A_0, %dma_wait3A_13] : memref<2x10240x128xf32, #tpu.memory_space<hbm>> -> memref<1x640x128xf32, #tpu.memory_space<hbm>>
      %dma_wait3A_15 = tpu.memref_squeeze %dma_wait3A_14 : memref<1x640x128xf32, #tpu.memory_space<hbm>> -> memref<640x128xf32, #tpu.memory_space<hbm>>
      tpu.wait_dma2 semaphore(%run_scoped3A : memref<!tpu.dma_semaphore, #tpu.memory_space<semaphore_mem>>) src(%dma_wait3A_15 : memref<640x128xf32, #tpu.memory_space<hbm>>) dst(%dma_wait3A_12 : memref<640x128xf32, #tpu.memory_space<vmem_shared>>)
      tpu.yield
    }) : () -> ()
    %barrier3A = arith.constant 0 : index
    tpu.barrier barrier_id(%barrier3A)
    %scan3A = arith.constant 0 : i32
    %scan3A_1 = arith.constant 0 : i32
    %scan3A_2 = arith.constant 32 : i32
    %scan3A_3 = arith.addi %scan3A_1, %scan3A_2 : i32
    %scan3A_4 = arith.constant 1 : i32
    %scan3A_5 = scf.for %scan3A_8 = %scan3A_1 to %scan3A_3 step %scan3A_4 iter_args(%scan3A_9 = %scan3A) -> (i32)  : i32 {
      %dma_start3A = arith.constant 0 : i32
      %dma_start3A_10 = arith.constant 0 : i32
      %dma_start3A_11 = tpu.memref_slice %arg3[%arg1, %scan3A_8, %dma_start3A, %dma_start3A_10] : memref<16x32x4x80xi32, #tpu.memory_space<hbm>> -> memref<1x1x4x80xi32, #tpu.memory_space<hbm>>
      %dma_start3A_12 = tpu.memref_squeeze %dma_start3A_11 : memref<1x1x4x80xi32, #tpu.memory_space<hbm>> -> memref<4x80xi32, #tpu.memory_space<hbm>>
      %dma_start3A_13 = arith.constant 0 : i32
      %dma_start3A_14 = arith.constant 0 : i32
      %dma_start3A_15 = tpu.memref_slice %arg3[%arg1, %scan3A_8, %dma_start3A_13, %dma_start3A_14] : memref<16x32x4x80xi32, #tpu.memory_space<hbm>> -> memref<1x1x4x80xi32, #tpu.memory_space<hbm>>
      %dma_start3A_16 = tpu.memref_squeeze %dma_start3A_15 : memref<1x1x4x80xi32, #tpu.memory_space<hbm>> -> memref<4x80xi32, #tpu.memory_space<hbm>>
      tpu.enqueue_dma source(%dma_start3A_16 : memref<4x80xi32, #tpu.memory_space<hbm>>) target(%arg7 : memref<4x80xi32, #tpu.memory_space<vmem>>) target_semaphore(%arg21 : memref<!tpu.dma_semaphore, #tpu.memory_space<semaphore_mem>>)
      %dma_start3A_17 = arith.constant 0 : i32
      %dma_start3A_18 = arith.constant 0 : i32
      %dma_start3A_19 = tpu.memref_slice %arg4[%arg1, %scan3A_8, %dma_start3A_17, %dma_start3A_18] : memref<16x32x4x80xi32, #tpu.memory_space<hbm>> -> memref<1x1x4x80xi32, #tpu.memory_space<hbm>>
      %dma_start3A_20 = tpu.memref_squeeze %dma_start3A_19 : memref<1x1x4x80xi32, #tpu.memory_space<hbm>> -> memref<4x80xi32, #tpu.memory_space<hbm>>
      %dma_start3A_21 = arith.constant 0 : i32
      %dma_start3A_22 = arith.constant 0 : i32
      %dma_start3A_23 = tpu.memref_slice %arg4[%arg1, %scan3A_8, %dma_start3A_21, %dma_start3A_22] : memref<16x32x4x80xi32, #tpu.memory_space<hbm>> -> memref<1x1x4x80xi32, #tpu.memory_space<hbm>>
      %dma_start3A_24 = tpu.memref_squeeze %dma_start3A_23 : memref<1x1x4x80xi32, #tpu.memory_space<hbm>> -> memref<4x80xi32, #tpu.memory_space<hbm>>
      tpu.enqueue_dma source(%dma_start3A_24 : memref<4x80xi32, #tpu.memory_space<hbm>>) target(%arg8 : memref<4x80xi32, #tpu.memory_space<vmem>>) target_semaphore(%arg22 : memref<!tpu.dma_semaphore, #tpu.memory_space<semaphore_mem>>)
      %dma_wait3A = arith.constant 0 : i32
      %dma_wait3A_25 = arith.constant 0 : i32
      %dma_wait3A_26 = tpu.memref_slice %arg3[%arg1, %scan3A_8, %dma_wait3A, %dma_wait3A_25] : memref<16x32x4x80xi32, #tpu.memory_space<hbm>> -> memref<1x1x4x80xi32, #tpu.memory_space<hbm>>
      %dma_wait3A_27 = tpu.memref_squeeze %dma_wait3A_26 : memref<1x1x4x80xi32, #tpu.memory_space<hbm>> -> memref<4x80xi32, #tpu.memory_space<hbm>>
      %dma_wait3A_28 = arith.constant 0 : i32
      %dma_wait3A_29 = arith.constant 0 : i32
      %dma_wait3A_30 = tpu.memref_slice %arg3[%arg1, %scan3A_8, %dma_wait3A_28, %dma_wait3A_29] : memref<16x32x4x80xi32, #tpu.memory_space<hbm>> -> memref<1x1x4x80xi32, #tpu.memory_space<hbm>>
      %dma_wait3A_31 = tpu.memref_squeeze %dma_wait3A_30 : memref<1x1x4x80xi32, #tpu.memory_space<hbm>> -> memref<4x80xi32, #tpu.memory_space<hbm>>
      tpu.wait_dma2 semaphore(%arg21 : memref<!tpu.dma_semaphore, #tpu.memory_space<semaphore_mem>>) src(%dma_wait3A_31 : memref<4x80xi32, #tpu.memory_space<hbm>>) dst(%arg7 : memref<4x80xi32, #tpu.memory_space<vmem>>)
      %dma_wait3A_32 = arith.constant 0 : i32
      %dma_wait3A_33 = arith.constant 0 : i32
      %dma_wait3A_34 = tpu.memref_slice %arg4[%arg1, %scan3A_8, %dma_wait3A_32, %dma_wait3A_33] : memref<16x32x4x80xi32, #tpu.memory_space<hbm>> -> memref<1x1x4x80xi32, #tpu.memory_space<hbm>>
      %dma_wait3A_35 = tpu.memref_squeeze %dma_wait3A_34 : memref<1x1x4x80xi32, #tpu.memory_space<hbm>> -> memref<4x80xi32, #tpu.memory_space<hbm>>
      %dma_wait3A_36 = arith.constant 0 : i32
      %dma_wait3A_37 = arith.constant 0 : i32
      %dma_wait3A_38 = tpu.memref_slice %arg4[%arg1, %scan3A_8, %dma_wait3A_36, %dma_wait3A_37] : memref<16x32x4x80xi32, #tpu.memory_space<hbm>> -> memref<1x1x4x80xi32, #tpu.memory_space<hbm>>
      %dma_wait3A_39 = tpu.memref_squeeze %dma_wait3A_38 : memref<1x1x4x80xi32, #tpu.memory_space<hbm>> -> memref<4x80xi32, #tpu.memory_space<hbm>>
      tpu.wait_dma2 semaphore(%arg22 : memref<!tpu.dma_semaphore, #tpu.memory_space<semaphore_mem>>) src(%dma_wait3A_39 : memref<4x80xi32, #tpu.memory_space<hbm>>) dst(%arg8 : memref<4x80xi32, #tpu.memory_space<vmem>>)
      %get3A = arith.constant 0 : i32
      %get3A_40 = arith.index_cast %get3A : i32 to index
      %get3A_41 = arith.constant 0 : index
      %get3A_42 = tpu.vector_load %arg7[%get3A_40, %get3A_41] {strides = array<i32>} : memref<4x80xi32, #tpu.memory_space<vmem>>, vector<1x16xi32>,
      %get3A_43 = vector.shape_cast %get3A_42 : vector<1x16xi32> to vector<16xi32>
      %swap3A = arith.constant 0 : index
      %swap3A_44 = tpu.vector_load %arg9[%swap3A] {strides = array<i32>} : memref<80xi32, #tpu.memory_space<vmem>>, vector<16xi32>,
      %swap3A_45 = vector.shape_cast %swap3A_44 : vector<16xi32> to vector<16xi32>
      %swap3A_46 = vector.shape_cast %get3A_43 : vector<16xi32> to vector<16xi32>
      tpu.vector_store %arg9[%swap3A], %swap3A_46 {strides = array<i32>} : memref<80xi32, #tpu.memory_space<vmem>>, vector<16xi32>,
      %get3A_47 = arith.constant 0 : i32
      %get3A_48 = arith.index_cast %get3A_47 : i32 to index
      %get3A_49 = arith.constant 16 : index
      %get3A_50 = tpu.vector_load %arg7[%get3A_48, %get3A_49] {strides = array<i32>} : memref<4x80xi32, #tpu.memory_space<vmem>>, vector<1x16xi32>,
      %get3A_51 = vector.shape_cast %get3A_50 : vector<1x16xi32> to vector<16xi32>
      %swap3A_52 = arith.constant 16 : index
      %swap3A_53 = tpu.vector_load %arg9[%swap3A_52] {strides = array<i32>} : memref<80xi32, #tpu.memory_space<vmem>>, vector<16xi32>,
      %swap3A_54 = vector.shape_cast %swap3A_53 : vector<16xi32> to vector<16xi32>
      %swap3A_55 = vector.shape_cast %get3A_51 : vector<16xi32> to vector<16xi32>
      tpu.vector_store %arg9[%swap3A_52], %swap3A_55 {strides = array<i32>} : memref<80xi32, #tpu.memory_space<vmem>>, vector<16xi32>,
      %get3A_56 = arith.constant 0 : i32
      %get3A_57 = arith.index_cast %get3A_56 : i32 to index
      %get3A_58 = arith.constant 32 : index
      %get3A_59 = tpu.vector_load %arg7[%get3A_57, %get3A_58] {strides = array<i32>} : memref<4x80xi32, #tpu.memory_space<vmem>>, vector<1x16xi32>,
      %get3A_60 = vector.shape_cast %get3A_59 : vector<1x16xi32> to vector<16xi32>
      %swap3A_61 = arith.constant 32 : index
      %swap3A_62 = tpu.vector_load %arg9[%swap3A_61] {strides = array<i32>} : memref<80xi32, #tpu.memory_space<vmem>>, vector<16xi32>,
      %swap3A_63 = vector.shape_cast %swap3A_62 : vector<16xi32> to vector<16xi32>
      %swap3A_64 = vector.shape_cast %get3A_60 : vector<16xi32> to vector<16xi32>
      tpu.vector_store %arg9[%swap3A_61], %swap3A_64 {strides = array<i32>} : memref<80xi32, #tpu.memory_space<vmem>>, vector<16xi32>,
      %get3A_65 = arith.constant 0 : i32
      %get3A_66 = arith.index_cast %get3A_65 : i32 to index
      %get3A_67 = arith.constant 48 : index
      %get3A_68 = tpu.vector_load %arg7[%get3A_66, %get3A_67] {strides = array<i32>} : memref<4x80xi32, #tpu.memory_space<vmem>>, vector<1x16xi32>,
      %get3A_69 = vector.shape_cast %get3A_68 : vector<1x16xi32> to vector<16xi32>
      %swap3A_70 = arith.constant 48 : index
      %swap3A_71 = tpu.vector_load %arg9[%swap3A_70] {strides = array<i32>} : memref<80xi32, #tpu.memory_space<vmem>>, vector<16xi32>,
      %swap3A_72 = vector.shape_cast %swap3A_71 : vector<16xi32> to vector<16xi32>
      %swap3A_73 = vector.shape_cast %get3A_69 : vector<16xi32> to vector<16xi32>
      tpu.vector_store %arg9[%swap3A_70], %swap3A_73 {strides = array<i32>} : memref<80xi32, #tpu.memory_space<vmem>>, vector<16xi32>,
      %get3A_74 = arith.constant 0 : i32
      %get3A_75 = arith.index_cast %get3A_74 : i32 to index
      %get3A_76 = arith.constant 64 : index
      %get3A_77 = tpu.vector_load %arg7[%get3A_75, %get3A_76] {strides = array<i32>} : memref<4x80xi32, #tpu.memory_space<vmem>>, vector<1x16xi32>,
      %get3A_78 = vector.shape_cast %get3A_77 : vector<1x16xi32> to vector<16xi32>
      %swap3A_79 = arith.constant 64 : index
      %swap3A_80 = tpu.vector_load %arg9[%swap3A_79] {strides = array<i32>} : memref<80xi32, #tpu.memory_space<vmem>>, vector<16xi32>,
      %swap3A_81 = vector.shape_cast %swap3A_80 : vector<16xi32> to vector<16xi32>
      %swap3A_82 = vector.shape_cast %get3A_78 : vector<16xi32> to vector<16xi32>
      tpu.vector_store %arg9[%swap3A_79], %swap3A_82 {strides = array<i32>} : memref<80xi32, #tpu.memory_space<vmem>>, vector<16xi32>,
      %get3A_83 = arith.constant 0 : i32
      %get3A_84 = arith.index_cast %get3A_83 : i32 to index
      %get3A_85 = arith.constant 0 : index
      %get3A_86 = tpu.vector_load %arg8[%get3A_84, %get3A_85] {strides = array<i32>} : memref<4x80xi32, #tpu.memory_space<vmem>>, vector<1x16xi32>,
      %get3A_87 = vector.shape_cast %get3A_86 : vector<1x16xi32> to vector<16xi32>
      %swap3A_88 = arith.constant 0 : index
      %swap3A_89 = tpu.vector_load %arg13[%swap3A_88] {strides = array<i32>} : memref<80xi32, #tpu.memory_space<vmem>>, vector<16xi32>,
      %swap3A_90 = vector.shape_cast %swap3A_89 : vector<16xi32> to vector<16xi32>
      %swap3A_91 = vector.shape_cast %get3A_87 : vector<16xi32> to vector<16xi32>
      tpu.vector_store %arg13[%swap3A_88], %swap3A_91 {strides = array<i32>} : memref<80xi32, #tpu.memory_space<vmem>>, vector<16xi32>,
      %get3A_92 = arith.constant 0 : i32
      %get3A_93 = arith.index_cast %get3A_92 : i32 to index
      %get3A_94 = arith.constant 16 : index
      %get3A_95 = tpu.vector_load %arg8[%get3A_93, %get3A_94] {strides = array<i32>} : memref<4x80xi32, #tpu.memory_space<vmem>>, vector<1x16xi32>,
      %get3A_96 = vector.shape_cast %get3A_95 : vector<1x16xi32> to vector<16xi32>
      %swap3A_97 = arith.constant 16 : index
      %swap3A_98 = tpu.vector_load %arg13[%swap3A_97] {strides = array<i32>} : memref<80xi32, #tpu.memory_space<vmem>>, vector<16xi32>,
      %swap3A_99 = vector.shape_cast %swap3A_98 : vector<16xi32> to vector<16xi32>
      %swap3A_100 = vector.shape_cast %get3A_96 : vector<16xi32> to vector<16xi32>
      tpu.vector_store %arg13[%swap3A_97], %swap3A_100 {strides = array<i32>} : memref<80xi32, #tpu.memory_space<vmem>>, vector<16xi32>,
      %get3A_101 = arith.constant 0 : i32
      %get3A_102 = arith.index_cast %get3A_101 : i32 to index
      %get3A_103 = arith.constant 32 : index
      %get3A_104 = tpu.vector_load %arg8[%get3A_102, %get3A_103] {strides = array<i32>} : memref<4x80xi32, #tpu.memory_space<vmem>>, vector<1x16xi32>,
      %get3A_105 = vector.shape_cast %get3A_104 : vector<1x16xi32> to vector<16xi32>
      %swap3A_106 = arith.constant 32 : index
      %swap3A_107 = tpu.vector_load %arg13[%swap3A_106] {strides = array<i32>} : memref<80xi32, #tpu.memory_space<vmem>>, vector<16xi32>,
      %swap3A_108 = vector.shape_cast %swap3A_107 : vector<16xi32> to vector<16xi32>
      %swap3A_109 = vector.shape_cast %get3A_105 : vector<16xi32> to vector<16xi32>
      tpu.vector_store %arg13[%swap3A_106], %swap3A_109 {strides = array<i32>} : memref<80xi32, #tpu.memory_space<vmem>>, vector<16xi32>,
      %get3A_110 = arith.constant 0 : i32
      %get3A_111 = arith.index_cast %get3A_110 : i32 to index
      %get3A_112 = arith.constant 48 : index
      %get3A_113 = tpu.vector_load %arg8[%get3A_111, %get3A_112] {strides = array<i32>} : memref<4x80xi32, #tpu.memory_space<vmem>>, vector<1x16xi32>,
      %get3A_114 = vector.shape_cast %get3A_113 : vector<1x16xi32> to vector<16xi32>
      %swap3A_115 = arith.constant 48 : index
      %swap3A_116 = tpu.vector_load %arg13[%swap3A_115] {strides = array<i32>} : memref<80xi32, #tpu.memory_space<vmem>>, vector<16xi32>,
      %swap3A_117 = vector.shape_cast %swap3A_116 : vector<16xi32> to vector<16xi32>
      %swap3A_118 = vector.shape_cast %get3A_114 : vector<16xi32> to vector<16xi32>
      tpu.vector_store %arg13[%swap3A_115], %swap3A_118 {strides = array<i32>} : memref<80xi32, #tpu.memory_space<vmem>>, vector<16xi32>,
      %get3A_119 = arith.constant 0 : i32
      %get3A_120 = arith.index_cast %get3A_119 : i32 to index
      %get3A_121 = arith.constant 64 : index
      %get3A_122 = tpu.vector_load %arg8[%get3A_120, %get3A_121] {strides = array<i32>} : memref<4x80xi32, #tpu.memory_space<vmem>>, vector<1x16xi32>,
      %get3A_123 = vector.shape_cast %get3A_122 : vector<1x16xi32> to vector<16xi32>
      %swap3A_124 = arith.constant 64 : index
      %swap3A_125 = tpu.vector_load %arg13[%swap3A_124] {strides = array<i32>} : memref<80xi32, #tpu.memory_space<vmem>>, vector<16xi32>,
      %swap3A_126 = vector.shape_cast %swap3A_125 : vector<16xi32> to vector<16xi32>
      %swap3A_127 = vector.shape_cast %get3A_123 : vector<16xi32> to vector<16xi32>
      tpu.vector_store %arg13[%swap3A_124], %swap3A_127 {strides = array<i32>} : memref<80xi32, #tpu.memory_space<vmem>>, vector<16xi32>,
      %get3A_128 = arith.constant 1 : i32
      %get3A_129 = arith.index_cast %get3A_128 : i32 to index
      %get3A_130 = arith.constant 0 : index
      %get3A_131 = tpu.vector_load %arg7[%get3A_129, %get3A_130] {strides = array<i32>} : memref<4x80xi32, #tpu.memory_space<vmem>>, vector<1x16xi32>,
      %get3A_132 = vector.shape_cast %get3A_131 : vector<1x16xi32> to vector<16xi32>
      %swap3A_133 = arith.constant 0 : index
      %swap3A_134 = tpu.vector_load %arg10[%swap3A_133] {strides = array<i32>} : memref<80xi32, #tpu.memory_space<vmem>>, vector<16xi32>,
      %swap3A_135 = vector.shape_cast %swap3A_134 : vector<16xi32> to vector<16xi32>
      %swap3A_136 = vector.shape_cast %get3A_132 : vector<16xi32> to vector<16xi32>
      tpu.vector_store %arg10[%swap3A_133], %swap3A_136 {strides = array<i32>} : memref<80xi32, #tpu.memory_space<vmem>>, vector<16xi32>,
      %get3A_137 = arith.constant 1 : i32
      %get3A_138 = arith.index_cast %get3A_137 : i32 to index
      %get3A_139 = arith.constant 16 : index
      %get3A_140 = tpu.vector_load %arg7[%get3A_138, %get3A_139] {strides = array<i32>} : memref<4x80xi32, #tpu.memory_space<vmem>>, vector<1x16xi32>,
      %get3A_141 = vector.shape_cast %get3A_140 : vector<1x16xi32> to vector<16xi32>
      %swap3A_142 = arith.constant 16 : index
      %swap3A_143 = tpu.vector_load %arg10[%swap3A_142] {strides = array<i32>} : memref<80xi32, #tpu.memory_space<vmem>>, vector<16xi32>,
      %swap3A_144 = vector.shape_cast %swap3A_143 : vector<16xi32> to vector<16xi32>
      %swap3A_145 = vector.shape_cast %get3A_141 : vector<16xi32> to vector<16xi32>
      tpu.vector_store %arg10[%swap3A_142], %swap3A_145 {strides = array<i32>} : memref<80xi32, #tpu.memory_space<vmem>>, vector<16xi32>,
      %get3A_146 = arith.constant 1 : i32
      %get3A_147 = arith.index_cast %get3A_146 : i32 to index
      %get3A_148 = arith.constant 32 : index
      %get3A_149 = tpu.vector_load %arg7[%get3A_147, %get3A_148] {strides = array<i32>} : memref<4x80xi32, #tpu.memory_space<vmem>>, vector<1x16xi32>,
      %get3A_150 = vector.shape_cast %get3A_149 : vector<1x16xi32> to vector<16xi32>
      %swap3A_151 = arith.constant 32 : index
      %swap3A_152 = tpu.vector_load %arg10[%swap3A_151] {strides = array<i32>} : memref<80xi32, #tpu.memory_space<vmem>>, vector<16xi32>,
      %swap3A_153 = vector.shape_cast %swap3A_152 : vector<16xi32> to vector<16xi32>
      %swap3A_154 = vector.shape_cast %get3A_150 : vector<16xi32> to vector<16xi32>
      tpu.vector_store %arg10[%swap3A_151], %swap3A_154 {strides = array<i32>} : memref<80xi32, #tpu.memory_space<vmem>>, vector<16xi32>,
      %get3A_155 = arith.constant 1 : i32
      %get3A_156 = arith.index_cast %get3A_155 : i32 to index
      %get3A_157 = arith.constant 48 : index
      %get3A_158 = tpu.vector_load %arg7[%get3A_156, %get3A_157] {strides = array<i32>} : memref<4x80xi32, #tpu.memory_space<vmem>>, vector<1x16xi32>,
      %get3A_159 = vector.shape_cast %get3A_158 : vector<1x16xi32> to vector<16xi32>
      %swap3A_160 = arith.constant 48 : index
      %swap3A_161 = tpu.vector_load %arg10[%swap3A_160] {strides = array<i32>} : memref<80xi32, #tpu.memory_space<vmem>>, vector<16xi32>,
      %swap3A_162 = vector.shape_cast %swap3A_161 : vector<16xi32> to vector<16xi32>
      %swap3A_163 = vector.shape_cast %get3A_159 : vector<16xi32> to vector<16xi32>
      tpu.vector_store %arg10[%swap3A_160], %swap3A_163 {strides = array<i32>} : memref<80xi32, #tpu.memory_space<vmem>>, vector<16xi32>,
      %get3A_164 = arith.constant 1 : i32
      %get3A_165 = arith.index_cast %get3A_164 : i32 to index
      %get3A_166 = arith.constant 64 : index
      %get3A_167 = tpu.vector_load %arg7[%get3A_165, %get3A_166] {strides = array<i32>} : memref<4x80xi32, #tpu.memory_space<vmem>>, vector<1x16xi32>,
      %get3A_168 = vector.shape_cast %get3A_167 : vector<1x16xi32> to vector<16xi32>
      %swap3A_169 = arith.constant 64 : index
      %swap3A_170 = tpu.vector_load %arg10[%swap3A_169] {strides = array<i32>} : memref<80xi32, #tpu.memory_space<vmem>>, vector<16xi32>,
      %swap3A_171 = vector.shape_cast %swap3A_170 : vector<16xi32> to vector<16xi32>
      %swap3A_172 = vector.shape_cast %get3A_168 : vector<16xi32> to vector<16xi32>
      tpu.vector_store %arg10[%swap3A_169], %swap3A_172 {strides = array<i32>} : memref<80xi32, #tpu.memory_space<vmem>>, vector<16xi32>,
      %get3A_173 = arith.constant 1 : i32
      %get3A_174 = arith.index_cast %get3A_173 : i32 to index
      %get3A_175 = arith.constant 0 : index
      %get3A_176 = tpu.vector_load %arg8[%get3A_174, %get3A_175] {strides = array<i32>} : memref<4x80xi32, #tpu.memory_space<vmem>>, vector<1x16xi32>,
      %get3A_177 = vector.shape_cast %get3A_176 : vector<1x16xi32> to vector<16xi32>
      %swap3A_178 = arith.constant 0 : index
      %swap3A_179 = tpu.vector_load %arg14[%swap3A_178] {strides = array<i32>} : memref<80xi32, #tpu.memory_space<vmem>>, vector<16xi32>,
      %swap3A_180 = vector.shape_cast %swap3A_179 : vector<16xi32> to vector<16xi32>
      %swap3A_181 = vector.shape_cast %get3A_177 : vector<16xi32> to vector<16xi32>
      tpu.vector_store %arg14[%swap3A_178], %swap3A_181 {strides = array<i32>} : memref<80xi32, #tpu.memory_space<vmem>>, vector<16xi32>,
      %get3A_182 = arith.constant 1 : i32
      %get3A_183 = arith.index_cast %get3A_182 : i32 to index
      %get3A_184 = arith.constant 16 : index
      %get3A_185 = tpu.vector_load %arg8[%get3A_183, %get3A_184] {strides = array<i32>} : memref<4x80xi32, #tpu.memory_space<vmem>>, vector<1x16xi32>,
      %get3A_186 = vector.shape_cast %get3A_185 : vector<1x16xi32> to vector<16xi32>
      %swap3A_187 = arith.constant 16 : index
      %swap3A_188 = tpu.vector_load %arg14[%swap3A_187] {strides = array<i32>} : memref<80xi32, #tpu.memory_space<vmem>>, vector<16xi32>,
      %swap3A_189 = vector.shape_cast %swap3A_188 : vector<16xi32> to vector<16xi32>
      %swap3A_190 = vector.shape_cast %get3A_186 : vector<16xi32> to vector<16xi32>
      tpu.vector_store %arg14[%swap3A_187], %swap3A_190 {strides = array<i32>} : memref<80xi32, #tpu.memory_space<vmem>>, vector<16xi32>,
      %get3A_191 = arith.constant 1 : i32
      %get3A_192 = arith.index_cast %get3A_191 : i32 to index
      %get3A_193 = arith.constant 32 : index
      %get3A_194 = tpu.vector_load %arg8[%get3A_192, %get3A_193] {strides = array<i32>} : memref<4x80xi32, #tpu.memory_space<vmem>>, vector<1x16xi32>,
      %get3A_195 = vector.shape_cast %get3A_194 : vector<1x16xi32> to vector<16xi32>
      %swap3A_196 = arith.constant 32 : index
      %swap3A_197 = tpu.vector_load %arg14[%swap3A_196] {strides = array<i32>} : memref<80xi32, #tpu.memory_space<vmem>>, vector<16xi32>,
      %swap3A_198 = vector.shape_cast %swap3A_197 : vector<16xi32> to vector<16xi32>
      %swap3A_199 = vector.shape_cast %get3A_195 : vector<16xi32> to vector<16xi32>
      tpu.vector_store %arg14[%swap3A_196], %swap3A_199 {strides = array<i32>} : memref<80xi32, #tpu.memory_space<vmem>>, vector<16xi32>,
      %get3A_200 = arith.constant 1 : i32
      %get3A_201 = arith.index_cast %get3A_200 : i32 to index
      %get3A_202 = arith.constant 48 : index
      %get3A_203 = tpu.vector_load %arg8[%get3A_201, %get3A_202] {strides = array<i32>} : memref<4x80xi32, #tpu.memory_space<vmem>>, vector<1x16xi32>,
      %get3A_204 = vector.shape_cast %get3A_203 : vector<1x16xi32> to vector<16xi32>
      %swap3A_205 = arith.constant 48 : index
      %swap3A_206 = tpu.vector_load %arg14[%swap3A_205] {strides = array<i32>} : memref<80xi32, #tpu.memory_space<vmem>>, vector<16xi32>,
      %swap3A_207 = vector.shape_cast %swap3A_206 : vector<16xi32> to vector<16xi32>
      %swap3A_208 = vector.shape_cast %get3A_204 : vector<16xi32> to vector<16xi32>
      tpu.vector_store %arg14[%swap3A_205], %swap3A_208 {strides = array<i32>} : memref<80xi32, #tpu.memory_space<vmem>>, vector<16xi32>,
      %get3A_209 = arith.constant 1 : i32
      %get3A_210 = arith.index_cast %get3A_209 : i32 to index
      %get3A_211 = arith.constant 64 : index
      %get3A_212 = tpu.vector_load %arg8[%get3A_210, %get3A_211] {strides = array<i32>} : memref<4x80xi32, #tpu.memory_space<vmem>>, vector<1x16xi32>,
      %get3A_213 = vector.shape_cast %get3A_212 : vector<1x16xi32> to vector<16xi32>
      %swap3A_214 = arith.constant 64 : index
      %swap3A_215 = tpu.vector_load %arg14[%swap3A_214] {strides = array<i32>} : memref<80xi32, #tpu.memory_space<vmem>>, vector<16xi32>,
      %swap3A_216 = vector.shape_cast %swap3A_215 : vector<16xi32> to vector<16xi32>
      %swap3A_217 = vector.shape_cast %get3A_213 : vector<16xi32> to vector<16xi32>
      tpu.vector_store %arg14[%swap3A_214], %swap3A_217 {strides = array<i32>} : memref<80xi32, #tpu.memory_space<vmem>>, vector<16xi32>,
      %get3A_218 = arith.constant 2 : i32
      %get3A_219 = arith.index_cast %get3A_218 : i32 to index
      %get3A_220 = arith.constant 0 : index
      %get3A_221 = tpu.vector_load %arg7[%get3A_219, %get3A_220] {strides = array<i32>} : memref<4x80xi32, #tpu.memory_space<vmem>>, vector<1x16xi32>,
      %get3A_222 = vector.shape_cast %get3A_221 : vector<1x16xi32> to vector<16xi32>
      %swap3A_223 = arith.constant 0 : index
      %swap3A_224 = tpu.vector_load %arg11[%swap3A_223] {strides = array<i32>} : memref<80xi32, #tpu.memory_space<vmem>>, vector<16xi32>,
      %swap3A_225 = vector.shape_cast %swap3A_224 : vector<16xi32> to vector<16xi32>
      %swap3A_226 = vector.shape_cast %get3A_222 : vector<16xi32> to vector<16xi32>
      tpu.vector_store %arg11[%swap3A_223], %swap3A_226 {strides = array<i32>} : memref<80xi32, #tpu.memory_space<vmem>>, vector<16xi32>,
      %get3A_227 = arith.constant 2 : i32
      %get3A_228 = arith.index_cast %get3A_227 : i32 to index
      %get3A_229 = arith.constant 16 : index
      %get3A_230 = tpu.vector_load %arg7[%get3A_228, %get3A_229] {strides = array<i32>} : memref<4x80xi32, #tpu.memory_space<vmem>>, vector<1x16xi32>,
      %get3A_231 = vector.shape_cast %get3A_230 : vector<1x16xi32> to vector<16xi32>
      %swap3A_232 = arith.constant 16 : index
      %swap3A_233 = tpu.vector_load %arg11[%swap3A_232] {strides = array<i32>} : memref<80xi32, #tpu.memory_space<vmem>>, vector<16xi32>,
      %swap3A_234 = vector.shape_cast %swap3A_233 : vector<16xi32> to vector<16xi32>
      %swap3A_235 = vector.shape_cast %get3A_231 : vector<16xi32> to vector<16xi32>
      tpu.vector_store %arg11[%swap3A_232], %swap3A_235 {strides = array<i32>} : memref<80xi32, #tpu.memory_space<vmem>>, vector<16xi32>,
      %get3A_236 = arith.constant 2 : i32
      %get3A_237 = arith.index_cast %get3A_236 : i32 to index
      %get3A_238 = arith.constant 32 : index
      %get3A_239 = tpu.vector_load %arg7[%get3A_237, %get3A_238] {strides = array<i32>} : memref<4x80xi32, #tpu.memory_space<vmem>>, vector<1x16xi32>,
      %get3A_240 = vector.shape_cast %get3A_239 : vector<1x16xi32> to vector<16xi32>
      %swap3A_241 = arith.constant 32 : index
      %swap3A_242 = tpu.vector_load %arg11[%swap3A_241] {strides = array<i32>} : memref<80xi32, #tpu.memory_space<vmem>>, vector<16xi32>,
      %swap3A_243 = vector.shape_cast %swap3A_242 : vector<16xi32> to vector<16xi32>
      %swap3A_244 = vector.shape_cast %get3A_240 : vector<16xi32> to vector<16xi32>
      tpu.vector_store %arg11[%swap3A_241], %swap3A_244 {strides = array<i32>} : memref<80xi32, #tpu.memory_space<vmem>>, vector<16xi32>,
      %get3A_245 = arith.constant 2 : i32
      %get3A_246 = arith.index_cast %get3A_245 : i32 to index
      %get3A_247 = arith.constant 48 : index
      %get3A_248 = tpu.vector_load %arg7[%get3A_246, %get3A_247] {strides = array<i32>} : memref<4x80xi32, #tpu.memory_space<vmem>>, vector<1x16xi32>,
      %get3A_249 = vector.shape_cast %get3A_248 : vector<1x16xi32> to vector<16xi32>
      %swap3A_250 = arith.constant 48 : index
      %swap3A_251 = tpu.vector_load %arg11[%swap3A_250] {strides = array<i32>} : memref<80xi32, #tpu.memory_space<vmem>>, vector<16xi32>,
      %swap3A_252 = vector.shape_cast %swap3A_251 : vector<16xi32> to vector<16xi32>
      %swap3A_253 = vector.shape_cast %get3A_249 : vector<16xi32> to vector<16xi32>
      tpu.vector_store %arg11[%swap3A_250], %swap3A_253 {strides = array<i32>} : memref<80xi32, #tpu.memory_space<vmem>>, vector<16xi32>,
      %get3A_254 = arith.constant 2 : i32
      %get3A_255 = arith.index_cast %get3A_254 : i32 to index
      %get3A_256 = arith.constant 64 : index
      %get3A_257 = tpu.vector_load %arg7[%get3A_255, %get3A_256] {strides = array<i32>} : memref<4x80xi32, #tpu.memory_space<vmem>>, vector<1x16xi32>,
      %get3A_258 = vector.shape_cast %get3A_257 : vector<1x16xi32> to vector<16xi32>
      %swap3A_259 = arith.constant 64 : index
      %swap3A_260 = tpu.vector_load %arg11[%swap3A_259] {strides = array<i32>} : memref<80xi32, #tpu.memory_space<vmem>>, vector<16xi32>,
      %swap3A_261 = vector.shape_cast %swap3A_260 : vector<16xi32> to vector<16xi32>
      %swap3A_262 = vector.shape_cast %get3A_258 : vector<16xi32> to vector<16xi32>
      tpu.vector_store %arg11[%swap3A_259], %swap3A_262 {strides = array<i32>} : memref<80xi32, #tpu.memory_space<vmem>>, vector<16xi32>,
      %get3A_263 = arith.constant 2 : i32
      %get3A_264 = arith.index_cast %get3A_263 : i32 to index
      %get3A_265 = arith.constant 0 : index
      %get3A_266 = tpu.vector_load %arg8[%get3A_264, %get3A_265] {strides = array<i32>} : memref<4x80xi32, #tpu.memory_space<vmem>>, vector<1x16xi32>,
      %get3A_267 = vector.shape_cast %get3A_266 : vector<1x16xi32> to vector<16xi32>
      %swap3A_268 = arith.constant 0 : index
      %swap3A_269 = tpu.vector_load %arg15[%swap3A_268] {strides = array<i32>} : memref<80xi32, #tpu.memory_space<vmem>>, vector<16xi32>,
      %swap3A_270 = vector.shape_cast %swap3A_269 : vector<16xi32> to vector<16xi32>
      %swap3A_271 = vector.shape_cast %get3A_267 : vector<16xi32> to vector<16xi32>
      tpu.vector_store %arg15[%swap3A_268], %swap3A_271 {strides = array<i32>} : memref<80xi32, #tpu.memory_space<vmem>>, vector<16xi32>,
      %get3A_272 = arith.constant 2 : i32
      %get3A_273 = arith.index_cast %get3A_272 : i32 to index
      %get3A_274 = arith.constant 16 : index
      %get3A_275 = tpu.vector_load %arg8[%get3A_273, %get3A_274] {strides = array<i32>} : memref<4x80xi32, #tpu.memory_space<vmem>>, vector<1x16xi32>,
      %get3A_276 = vector.shape_cast %get3A_275 : vector<1x16xi32> to vector<16xi32>
      %swap3A_277 = arith.constant 16 : index
      %swap3A_278 = tpu.vector_load %arg15[%swap3A_277] {strides = array<i32>} : memref<80xi32, #tpu.memory_space<vmem>>, vector<16xi32>,
      %swap3A_279 = vector.shape_cast %swap3A_278 : vector<16xi32> to vector<16xi32>
      %swap3A_280 = vector.shape_cast %get3A_276 : vector<16xi32> to vector<16xi32>
      tpu.vector_store %arg15[%swap3A_277], %swap3A_280 {strides = array<i32>} : memref<80xi32, #tpu.memory_space<vmem>>, vector<16xi32>,
      %get3A_281 = arith.constant 2 : i32
      %get3A_282 = arith.index_cast %get3A_281 : i32 to index
      %get3A_283 = arith.constant 32 : index
      %get3A_284 = tpu.vector_load %arg8[%get3A_282, %get3A_283] {strides = array<i32>} : memref<4x80xi32, #tpu.memory_space<vmem>>, vector<1x16xi32>,
      %get3A_285 = vector.shape_cast %get3A_284 : vector<1x16xi32> to vector<16xi32>
      %swap3A_286 = arith.constant 32 : index
      %swap3A_287 = tpu.vector_load %arg15[%swap3A_286] {strides = array<i32>} : memref<80xi32, #tpu.memory_space<vmem>>, vector<16xi32>,
      %swap3A_288 = vector.shape_cast %swap3A_287 : vector<16xi32> to vector<16xi32>
      %swap3A_289 = vector.shape_cast %get3A_285 : vector<16xi32> to vector<16xi32>
      tpu.vector_store %arg15[%swap3A_286], %swap3A_289 {strides = array<i32>} : memref<80xi32, #tpu.memory_space<vmem>>, vector<16xi32>,
      %get3A_290 = arith.constant 2 : i32
      %get3A_291 = arith.index_cast %get3A_290 : i32 to index
      %get3A_292 = arith.constant 48 : index
      %get3A_293 = tpu.vector_load %arg8[%get3A_291, %get3A_292] {strides = array<i32>} : memref<4x80xi32, #tpu.memory_space<vmem>>, vector<1x16xi32>,
      %get3A_294 = vector.shape_cast %get3A_293 : vector<1x16xi32> to vector<16xi32>
      %swap3A_295 = arith.constant 48 : index
      %swap3A_296 = tpu.vector_load %arg15[%swap3A_295] {strides = array<i32>} : memref<80xi32, #tpu.memory_space<vmem>>, vector<16xi32>,
      %swap3A_297 = vector.shape_cast %swap3A_296 : vector<16xi32> to vector<16xi32>
      %swap3A_298 = vector.shape_cast %get3A_294 : vector<16xi32> to vector<16xi32>
      tpu.vector_store %arg15[%swap3A_295], %swap3A_298 {strides = array<i32>} : memref<80xi32, #tpu.memory_space<vmem>>, vector<16xi32>,
      %get3A_299 = arith.constant 2 : i32
      %get3A_300 = arith.index_cast %get3A_299 : i32 to index
      %get3A_301 = arith.constant 64 : index
      %get3A_302 = tpu.vector_load %arg8[%get3A_300, %get3A_301] {strides = array<i32>} : memref<4x80xi32, #tpu.memory_space<vmem>>, vector<1x16xi32>,
      %get3A_303 = vector.shape_cast %get3A_302 : vector<1x16xi32> to vector<16xi32>
      %swap3A_304 = arith.constant 64 : index
      %swap3A_305 = tpu.vector_load %arg15[%swap3A_304] {strides = array<i32>} : memref<80xi32, #tpu.memory_space<vmem>>, vector<16xi32>,
      %swap3A_306 = vector.shape_cast %swap3A_305 : vector<16xi32> to vector<16xi32>
      %swap3A_307 = vector.shape_cast %get3A_303 : vector<16xi32> to vector<16xi32>
      tpu.vector_store %arg15[%swap3A_304], %swap3A_307 {strides = array<i32>} : memref<80xi32, #tpu.memory_space<vmem>>, vector<16xi32>,
      %get3A_308 = arith.constant 3 : i32
      %get3A_309 = arith.index_cast %get3A_308 : i32 to index
      %get3A_310 = arith.constant 0 : index
      %get3A_311 = tpu.vector_load %arg7[%get3A_309, %get3A_310] {strides = array<i32>} : memref<4x80xi32, #tpu.memory_space<vmem>>, vector<1x16xi32>,
      %get3A_312 = vector.shape_cast %get3A_311 : vector<1x16xi32> to vector<16xi32>
      %swap3A_313 = arith.constant 0 : index
      %swap3A_314 = tpu.vector_load %arg12[%swap3A_313] {strides = array<i32>} : memref<80xi32, #tpu.memory_space<vmem>>, vector<16xi32>,
      %swap3A_315 = vector.shape_cast %swap3A_314 : vector<16xi32> to vector<16xi32>
      %swap3A_316 = vector.shape_cast %get3A_312 : vector<16xi32> to vector<16xi32>
      tpu.vector_store %arg12[%swap3A_313], %swap3A_316 {strides = array<i32>} : memref<80xi32, #tpu.memory_space<vmem>>, vector<16xi32>,
      %get3A_317 = arith.constant 3 : i32
      %get3A_318 = arith.index_cast %get3A_317 : i32 to index
      %get3A_319 = arith.constant 16 : index
      %get3A_320 = tpu.vector_load %arg7[%get3A_318, %get3A_319] {strides = array<i32>} : memref<4x80xi32, #tpu.memory_space<vmem>>, vector<1x16xi32>,
      %get3A_321 = vector.shape_cast %get3A_320 : vector<1x16xi32> to vector<16xi32>
      %swap3A_322 = arith.constant 16 : index
      %swap3A_323 = tpu.vector_load %arg12[%swap3A_322] {strides = array<i32>} : memref<80xi32, #tpu.memory_space<vmem>>, vector<16xi32>,
      %swap3A_324 = vector.shape_cast %swap3A_323 : vector<16xi32> to vector<16xi32>
      %swap3A_325 = vector.shape_cast %get3A_321 : vector<16xi32> to vector<16xi32>
      tpu.vector_store %arg12[%swap3A_322], %swap3A_325 {strides = array<i32>} : memref<80xi32, #tpu.memory_space<vmem>>, vector<16xi32>,
      %get3A_326 = arith.constant 3 : i32
      %get3A_327 = arith.index_cast %get3A_326 : i32 to index
      %get3A_328 = arith.constant 32 : index
      %get3A_329 = tpu.vector_load %arg7[%get3A_327, %get3A_328] {strides = array<i32>} : memref<4x80xi32, #tpu.memory_space<vmem>>, vector<1x16xi32>,
      %get3A_330 = vector.shape_cast %get3A_329 : vector<1x16xi32> to vector<16xi32>
      %swap3A_331 = arith.constant 32 : index
      %swap3A_332 = tpu.vector_load %arg12[%swap3A_331] {strides = array<i32>} : memref<80xi32, #tpu.memory_space<vmem>>, vector<16xi32>,
      %swap3A_333 = vector.shape_cast %swap3A_332 : vector<16xi32> to vector<16xi32>
      %swap3A_334 = vector.shape_cast %get3A_330 : vector<16xi32> to vector<16xi32>
      tpu.vector_store %arg12[%swap3A_331], %swap3A_334 {strides = array<i32>} : memref<80xi32, #tpu.memory_space<vmem>>, vector<16xi32>,
      %get3A_335 = arith.constant 3 : i32
      %get3A_336 = arith.index_cast %get3A_335 : i32 to index
      %get3A_337 = arith.constant 48 : index
      %get3A_338 = tpu.vector_load %arg7[%get3A_336, %get3A_337] {strides = array<i32>} : memref<4x80xi32, #tpu.memory_space<vmem>>, vector<1x16xi32>,
      %get3A_339 = vector.shape_cast %get3A_338 : vector<1x16xi32> to vector<16xi32>
      %swap3A_340 = arith.constant 48 : index
      %swap3A_341 = tpu.vector_load %arg12[%swap3A_340] {strides = array<i32>} : memref<80xi32, #tpu.memory_space<vmem>>, vector<16xi32>,
      %swap3A_342 = vector.shape_cast %swap3A_341 : vector<16xi32> to vector<16xi32>
      %swap3A_343 = vector.shape_cast %get3A_339 : vector<16xi32> to vector<16xi32>
      tpu.vector_store %arg12[%swap3A_340], %swap3A_343 {strides = array<i32>} : memref<80xi32, #tpu.memory_space<vmem>>, vector<16xi32>,
      %get3A_344 = arith.constant 3 : i32
      %get3A_345 = arith.index_cast %get3A_344 : i32 to index
      %get3A_346 = arith.constant 64 : index
      %get3A_347 = tpu.vector_load %arg7[%get3A_345, %get3A_346] {strides = array<i32>} : memref<4x80xi32, #tpu.memory_space<vmem>>, vector<1x16xi32>,
      %get3A_348 = vector.shape_cast %get3A_347 : vector<1x16xi32> to vector<16xi32>
      %swap3A_349 = arith.constant 64 : index
      %swap3A_350 = tpu.vector_load %arg12[%swap3A_349] {strides = array<i32>} : memref<80xi32, #tpu.memory_space<vmem>>, vector<16xi32>,
      %swap3A_351 = vector.shape_cast %swap3A_350 : vector<16xi32> to vector<16xi32>
      %swap3A_352 = vector.shape_cast %get3A_348 : vector<16xi32> to vector<16xi32>
      tpu.vector_store %arg12[%swap3A_349], %swap3A_352 {strides = array<i32>} : memref<80xi32, #tpu.memory_space<vmem>>, vector<16xi32>,
      %get3A_353 = arith.constant 3 : i32
      %get3A_354 = arith.index_cast %get3A_353 : i32 to index
      %get3A_355 = arith.constant 0 : index
      %get3A_356 = tpu.vector_load %arg8[%get3A_354, %get3A_355] {strides = array<i32>} : memref<4x80xi32, #tpu.memory_space<vmem>>, vector<1x16xi32>,
      %get3A_357 = vector.shape_cast %get3A_356 : vector<1x16xi32> to vector<16xi32>
      %swap3A_358 = arith.constant 0 : index
      %swap3A_359 = tpu.vector_load %arg16[%swap3A_358] {strides = array<i32>} : memref<80xi32, #tpu.memory_space<vmem>>, vector<16xi32>,
      %swap3A_360 = vector.shape_cast %swap3A_359 : vector<16xi32> to vector<16xi32>
      %swap3A_361 = vector.shape_cast %get3A_357 : vector<16xi32> to vector<16xi32>
      tpu.vector_store %arg16[%swap3A_358], %swap3A_361 {strides = array<i32>} : memref<80xi32, #tpu.memory_space<vmem>>, vector<16xi32>,
      %get3A_362 = arith.constant 3 : i32
      %get3A_363 = arith.index_cast %get3A_362 : i32 to index
      %get3A_364 = arith.constant 16 : index
      %get3A_365 = tpu.vector_load %arg8[%get3A_363, %get3A_364] {strides = array<i32>} : memref<4x80xi32, #tpu.memory_space<vmem>>, vector<1x16xi32>,
      %get3A_366 = vector.shape_cast %get3A_365 : vector<1x16xi32> to vector<16xi32>
      %swap3A_367 = arith.constant 16 : index
      %swap3A_368 = tpu.vector_load %arg16[%swap3A_367] {strides = array<i32>} : memref<80xi32, #tpu.memory_space<vmem>>, vector<16xi32>,
      %swap3A_369 = vector.shape_cast %swap3A_368 : vector<16xi32> to vector<16xi32>
      %swap3A_370 = vector.shape_cast %get3A_366 : vector<16xi32> to vector<16xi32>
      tpu.vector_store %arg16[%swap3A_367], %swap3A_370 {strides = array<i32>} : memref<80xi32, #tpu.memory_space<vmem>>, vector<16xi32>,
      %get3A_371 = arith.constant 3 : i32
      %get3A_372 = arith.index_cast %get3A_371 : i32 to index
      %get3A_373 = arith.constant 32 : index
      %get3A_374 = tpu.vector_load %arg8[%get3A_372, %get3A_373] {strides = array<i32>} : memref<4x80xi32, #tpu.memory_space<vmem>>, vector<1x16xi32>,
      %get3A_375 = vector.shape_cast %get3A_374 : vector<1x16xi32> to vector<16xi32>
      %swap3A_376 = arith.constant 32 : index
      %swap3A_377 = tpu.vector_load %arg16[%swap3A_376] {strides = array<i32>} : memref<80xi32, #tpu.memory_space<vmem>>, vector<16xi32>,
      %swap3A_378 = vector.shape_cast %swap3A_377 : vector<16xi32> to vector<16xi32>
      %swap3A_379 = vector.shape_cast %get3A_375 : vector<16xi32> to vector<16xi32>
      tpu.vector_store %arg16[%swap3A_376], %swap3A_379 {strides = array<i32>} : memref<80xi32, #tpu.memory_space<vmem>>, vector<16xi32>,
      %get3A_380 = arith.constant 3 : i32
      %get3A_381 = arith.index_cast %get3A_380 : i32 to index
      %get3A_382 = arith.constant 48 : index
      %get3A_383 = tpu.vector_load %arg8[%get3A_381, %get3A_382] {strides = array<i32>} : memref<4x80xi32, #tpu.memory_space<vmem>>, vector<1x16xi32>,
      %get3A_384 = vector.shape_cast %get3A_383 : vector<1x16xi32> to vector<16xi32>
      %swap3A_385 = arith.constant 48 : index
      %swap3A_386 = tpu.vector_load %arg16[%swap3A_385] {strides = array<i32>} : memref<80xi32, #tpu.memory_space<vmem>>, vector<16xi32>,
      %swap3A_387 = vector.shape_cast %swap3A_386 : vector<16xi32> to vector<16xi32>
      %swap3A_388 = vector.shape_cast %get3A_384 : vector<16xi32> to vector<16xi32>
      tpu.vector_store %arg16[%swap3A_385], %swap3A_388 {strides = array<i32>} : memref<80xi32, #tpu.memory_space<vmem>>, vector<16xi32>,
      %get3A_389 = arith.constant 3 : i32
      %get3A_390 = arith.index_cast %get3A_389 : i32 to index
      %get3A_391 = arith.constant 64 : index
      %get3A_392 = tpu.vector_load %arg8[%get3A_390, %get3A_391] {strides = array<i32>} : memref<4x80xi32, #tpu.memory_space<vmem>>, vector<1x16xi32>,
      %get3A_393 = vector.shape_cast %get3A_392 : vector<1x16xi32> to vector<16xi32>
      %swap3A_394 = arith.constant 64 : index
      %swap3A_395 = tpu.vector_load %arg16[%swap3A_394] {strides = array<i32>} : memref<80xi32, #tpu.memory_space<vmem>>, vector<16xi32>,
      %swap3A_396 = vector.shape_cast %swap3A_395 : vector<16xi32> to vector<16xi32>
      %swap3A_397 = vector.shape_cast %get3A_393 : vector<16xi32> to vector<16xi32>
      tpu.vector_store %arg16[%swap3A_394], %swap3A_397 {strides = array<i32>} : memref<80xi32, #tpu.memory_space<vmem>>, vector<16xi32>,
      %dma_start3A_398 = arith.constant 0 : i32
      %dma_start3A_399 = arith.constant 0 : i32
      %dma_start3A_400 = tpu.memref_slice %arg2[%arg0, %dma_start3A_398, %dma_start3A_399] : memref<2x10240x128xf32, #tpu.memory_space<hbm>> -> memref<1x10240x128xf32, #tpu.memory_space<hbm>>
      %dma_start3A_401 = tpu.memref_squeeze %dma_start3A_400 : memref<1x10240x128xf32, #tpu.memory_space<hbm>> -> memref<10240x128xf32, #tpu.memory_space<hbm>>
      %dma_start3A_402 = arith.constant 0 : i32
      %dma_start3A_403 = arith.constant 0 : i32
      %dma_start3A_404 = tpu.memref_slice %dma_start3A_401[%dma_start3A_402, %dma_start3A_403] : memref<10240x128xf32, #tpu.memory_space<hbm>> -> memref<10240x128xf32, #tpu.memory_space<hbm>>
      tpu.enqueue_indirect_dma source(%dma_start3A_404 : memref<10240x128xf32, #tpu.memory_space<hbm>>) target(%arg17 : memref<80x128xf32, #tpu.memory_space<vmem>>) offsets(%arg9 : memref<80xi32, #tpu.memory_space<vmem>>) semaphore(%arg23 : memref<!tpu.dma_semaphore, #tpu.memory_space<semaphore_mem>>)
      %dma_start3A_405 = arith.constant 0 : i32
      %dma_start3A_406 = arith.constant 0 : i32
      %dma_start3A_407 = tpu.memref_slice %arg2[%arg0, %dma_start3A_405, %dma_start3A_406] : memref<2x10240x128xf32, #tpu.memory_space<hbm>> -> memref<1x10240x128xf32, #tpu.memory_space<hbm>>
      %dma_start3A_408 = tpu.memref_squeeze %dma_start3A_407 : memref<1x10240x128xf32, #tpu.memory_space<hbm>> -> memref<10240x128xf32, #tpu.memory_space<hbm>>
      %dma_start3A_409 = arith.constant 0 : i32
      %dma_start3A_410 = arith.constant 0 : i32
      %dma_start3A_411 = tpu.memref_slice %dma_start3A_408[%dma_start3A_409, %dma_start3A_410] : memref<10240x128xf32, #tpu.memory_space<hbm>> -> memref<10240x128xf32, #tpu.memory_space<hbm>>
      tpu.enqueue_indirect_dma source(%dma_start3A_411 : memref<10240x128xf32, #tpu.memory_space<hbm>>) target(%arg18 : memref<80x128xf32, #tpu.memory_space<vmem>>) offsets(%arg10 : memref<80xi32, #tpu.memory_space<vmem>>) semaphore(%arg24 : memref<!tpu.dma_semaphore, #tpu.memory_space<semaphore_mem>>)
      %dma_start3A_412 = arith.constant 0 : i32
      %dma_start3A_413 = arith.constant 0 : i32
      %dma_start3A_414 = tpu.memref_slice %arg2[%arg0, %dma_start3A_412, %dma_start3A_413] : memref<2x10240x128xf32, #tpu.memory_space<hbm>> -> memref<1x10240x128xf32, #tpu.memory_space<hbm>>
      %dma_start3A_415 = tpu.memref_squeeze %dma_start3A_414 : memref<1x10240x128xf32, #tpu.memory_space<hbm>> -> memref<10240x128xf32, #tpu.memory_space<hbm>>
      %dma_start3A_416 = arith.constant 0 : i32
      %dma_start3A_417 = arith.constant 0 : i32
      %dma_start3A_418 = tpu.memref_slice %dma_start3A_415[%dma_start3A_416, %dma_start3A_417] : memref<10240x128xf32, #tpu.memory_space<hbm>> -> memref<10240x128xf32, #tpu.memory_space<hbm>>
      tpu.enqueue_indirect_dma source(%dma_start3A_418 : memref<10240x128xf32, #tpu.memory_space<hbm>>) target(%arg19 : memref<80x128xf32, #tpu.memory_space<vmem>>) offsets(%arg11 : memref<80xi32, #tpu.memory_space<vmem>>) semaphore(%arg25 : memref<!tpu.dma_semaphore, #tpu.memory_space<semaphore_mem>>)
      %dma_start3A_419 = arith.constant 0 : i32
      %dma_start3A_420 = arith.constant 0 : i32
      %dma_start3A_421 = tpu.memref_slice %arg2[%arg0, %dma_start3A_419, %dma_start3A_420] : memref<2x10240x128xf32, #tpu.memory_space<hbm>> -> memref<1x10240x128xf32, #tpu.memory_space<hbm>>
      %dma_start3A_422 = tpu.memref_squeeze %dma_start3A_421 : memref<1x10240x128xf32, #tpu.memory_space<hbm>> -> memref<10240x128xf32, #tpu.memory_space<hbm>>
      %dma_start3A_423 = arith.constant 0 : i32
      %dma_start3A_424 = arith.constant 0 : i32
      %dma_start3A_425 = tpu.memref_slice %dma_start3A_422[%dma_start3A_423, %dma_start3A_424] : memref<10240x128xf32, #tpu.memory_space<hbm>> -> memref<10240x128xf32, #tpu.memory_space<hbm>>
      tpu.enqueue_indirect_dma source(%dma_start3A_425 : memref<10240x128xf32, #tpu.memory_space<hbm>>) target(%arg20 : memref<80x128xf32, #tpu.memory_space<vmem>>) offsets(%arg12 : memref<80xi32, #tpu.memory_space<vmem>>) semaphore(%arg26 : memref<!tpu.dma_semaphore, #tpu.memory_space<semaphore_mem>>)
      %dma_wait3A_426 = arith.constant 0 : i32
      %dma_wait3A_427 = arith.constant 0 : i32
      %dma_wait3A_428 = tpu.memref_slice %arg2[%arg0, %dma_wait3A_426, %dma_wait3A_427] : memref<2x10240x128xf32, #tpu.memory_space<hbm>> -> memref<1x10240x128xf32, #tpu.memory_space<hbm>>
      %dma_wait3A_429 = tpu.memref_squeeze %dma_wait3A_428 : memref<1x10240x128xf32, #tpu.memory_space<hbm>> -> memref<10240x128xf32, #tpu.memory_space<hbm>>
      %dma_wait3A_430 = arith.constant 0 : i32
      %dma_wait3A_431 = arith.constant 0 : i32
      %dma_wait3A_432 = tpu.memref_slice %dma_wait3A_429[%dma_wait3A_430, %dma_wait3A_431] : memref<10240x128xf32, #tpu.memory_space<hbm>> -> memref<10240x128xf32, #tpu.memory_space<hbm>>
      tpu.wait_indirect_dma semaphore(%arg23 : memref<!tpu.dma_semaphore, #tpu.memory_space<semaphore_mem>>) src(%dma_wait3A_432 : memref<10240x128xf32, #tpu.memory_space<hbm>>) dst(%arg17 : memref<80x128xf32, #tpu.memory_space<vmem>>)
      %dma_start3A_433 = arith.constant 0 : i32
      %dma_start3A_434 = arith.constant 0 : i32
      %dma_start3A_435 = tpu.memref_slice %arg6[%dma_start3A_433, %dma_start3A_434] : memref<10240x128xf32, #tpu.memory_space<vmem_shared>> -> memref<10240x128xf32, #tpu.memory_space<vmem_shared>>
      tpu.enqueue_indirect_dma source(%arg17 : memref<80x128xf32, #tpu.memory_space<vmem>>) target(%dma_start3A_435 : memref<10240x128xf32, #tpu.memory_space<vmem_shared>>) offsets(%arg13 : memref<80xi32, #tpu.memory_space<vmem>>) semaphore(%arg27 : memref<!tpu.dma_semaphore, #tpu.memory_space<semaphore_mem>>) {add = true}
      %dma_wait3A_436 = arith.constant 0 : i32
      %dma_wait3A_437 = arith.constant 0 : i32
      %dma_wait3A_438 = tpu.memref_slice %arg2[%arg0, %dma_wait3A_436, %dma_wait3A_437] : memref<2x10240x128xf32, #tpu.memory_space<hbm>> -> memref<1x10240x128xf32, #tpu.memory_space<hbm>>
      %dma_wait3A_439 = tpu.memref_squeeze %dma_wait3A_438 : memref<1x10240x128xf32, #tpu.memory_space<hbm>> -> memref<10240x128xf32, #tpu.memory_space<hbm>>
      %dma_wait3A_440 = arith.constant 0 : i32
      %dma_wait3A_441 = arith.constant 0 : i32
      %dma_wait3A_442 = tpu.memref_slice %dma_wait3A_439[%dma_wait3A_440, %dma_wait3A_441] : memref<10240x128xf32, #tpu.memory_space<hbm>> -> memref<10240x128xf32, #tpu.memory_space<hbm>>
      tpu.wait_indirect_dma semaphore(%arg24 : memref<!tpu.dma_semaphore, #tpu.memory_space<semaphore_mem>>) src(%dma_wait3A_442 : memref<10240x128xf32, #tpu.memory_space<hbm>>) dst(%arg18 : memref<80x128xf32, #tpu.memory_space<vmem>>)
      %dma_start3A_443 = arith.constant 0 : i32
      %dma_start3A_444 = arith.constant 0 : i32
      %dma_start3A_445 = tpu.memref_slice %arg6[%dma_start3A_443, %dma_start3A_444] : memref<10240x128xf32, #tpu.memory_space<vmem_shared>> -> memref<10240x128xf32, #tpu.memory_space<vmem_shared>>
      tpu.enqueue_indirect_dma source(%arg18 : memref<80x128xf32, #tpu.memory_space<vmem>>) target(%dma_start3A_445 : memref<10240x128xf32, #tpu.memory_space<vmem_shared>>) offsets(%arg14 : memref<80xi32, #tpu.memory_space<vmem>>) semaphore(%arg28 : memref<!tpu.dma_semaphore, #tpu.memory_space<semaphore_mem>>) {add = true}
      %dma_wait3A_446 = arith.constant 0 : i32
      %dma_wait3A_447 = arith.constant 0 : i32
      %dma_wait3A_448 = tpu.memref_slice %arg2[%arg0, %dma_wait3A_446, %dma_wait3A_447] : memref<2x10240x128xf32, #tpu.memory_space<hbm>> -> memref<1x10240x128xf32, #tpu.memory_space<hbm>>
      %dma_wait3A_449 = tpu.memref_squeeze %dma_wait3A_448 : memref<1x10240x128xf32, #tpu.memory_space<hbm>> -> memref<10240x128xf32, #tpu.memory_space<hbm>>
      %dma_wait3A_450 = arith.constant 0 : i32
      %dma_wait3A_451 = arith.constant 0 : i32
      %dma_wait3A_452 = tpu.memref_slice %dma_wait3A_449[%dma_wait3A_450, %dma_wait3A_451] : memref<10240x128xf32, #tpu.memory_space<hbm>> -> memref<10240x128xf32, #tpu.memory_space<hbm>>
      tpu.wait_indirect_dma semaphore(%arg25 : memref<!tpu.dma_semaphore, #tpu.memory_space<semaphore_mem>>) src(%dma_wait3A_452 : memref<10240x128xf32, #tpu.memory_space<hbm>>) dst(%arg19 : memref<80x128xf32, #tpu.memory_space<vmem>>)
      %dma_start3A_453 = arith.constant 0 : i32
      %dma_start3A_454 = arith.constant 0 : i32
      %dma_start3A_455 = tpu.memref_slice %arg6[%dma_start3A_453, %dma_start3A_454] : memref<10240x128xf32, #tpu.memory_space<vmem_shared>> -> memref<10240x128xf32, #tpu.memory_space<vmem_shared>>
      tpu.enqueue_indirect_dma source(%arg19 : memref<80x128xf32, #tpu.memory_space<vmem>>) target(%dma_start3A_455 : memref<10240x128xf32, #tpu.memory_space<vmem_shared>>) offsets(%arg15 : memref<80xi32, #tpu.memory_space<vmem>>) semaphore(%arg29 : memref<!tpu.dma_semaphore, #tpu.memory_space<semaphore_mem>>) {add = true}
      %dma_wait3A_456 = arith.constant 0 : i32
      %dma_wait3A_457 = arith.constant 0 : i32
      %dma_wait3A_458 = tpu.memref_slice %arg2[%arg0, %dma_wait3A_456, %dma_wait3A_457] : memref<2x10240x128xf32, #tpu.memory_space<hbm>> -> memref<1x10240x128xf32, #tpu.memory_space<hbm>>
      %dma_wait3A_459 = tpu.memref_squeeze %dma_wait3A_458 : memref<1x10240x128xf32, #tpu.memory_space<hbm>> -> memref<10240x128xf32, #tpu.memory_space<hbm>>
      %dma_wait3A_460 = arith.constant 0 : i32
      %dma_wait3A_461 = arith.constant 0 : i32
      %dma_wait3A_462 = tpu.memref_slice %dma_wait3A_459[%dma_wait3A_460, %dma_wait3A_461] : memref<10240x128xf32, #tpu.memory_space<hbm>> -> memref<10240x128xf32, #tpu.memory_space<hbm>>
      tpu.wait_indirect_dma semaphore(%arg26 : memref<!tpu.dma_semaphore, #tpu.memory_space<semaphore_mem>>) src(%dma_wait3A_462 : memref<10240x128xf32, #tpu.memory_space<hbm>>) dst(%arg20 : memref<80x128xf32, #tpu.memory_space<vmem>>)
      %dma_start3A_463 = arith.constant 0 : i32
      %dma_start3A_464 = arith.constant 0 : i32
      %dma_start3A_465 = tpu.memref_slice %arg6[%dma_start3A_463, %dma_start3A_464] : memref<10240x128xf32, #tpu.memory_space<vmem_shared>> -> memref<10240x128xf32, #tpu.memory_space<vmem_shared>>
      tpu.enqueue_indirect_dma source(%arg20 : memref<80x128xf32, #tpu.memory_space<vmem>>) target(%dma_start3A_465 : memref<10240x128xf32, #tpu.memory_space<vmem_shared>>) offsets(%arg16 : memref<80xi32, #tpu.memory_space<vmem>>) semaphore(%arg30 : memref<!tpu.dma_semaphore, #tpu.memory_space<semaphore_mem>>) {add = true}
      %dma_wait3A_466 = arith.constant 0 : i32
      %dma_wait3A_467 = arith.constant 0 : i32
      %dma_wait3A_468 = tpu.memref_slice %arg6[%dma_wait3A_466, %dma_wait3A_467] : memref<10240x128xf32, #tpu.memory_space<vmem_shared>> -> memref<10240x128xf32, #tpu.memory_space<vmem_shared>>
      tpu.wait_indirect_dma semaphore(%arg27 : memref<!tpu.dma_semaphore, #tpu.memory_space<semaphore_mem>>) src(%arg17 : memref<80x128xf32, #tpu.memory_space<vmem>>) dst(%dma_wait3A_468 : memref<10240x128xf32, #tpu.memory_space<vmem_shared>>)
      %dma_wait3A_469 = arith.constant 0 : i32
      %dma_wait3A_470 = arith.constant 0 : i32
      %dma_wait3A_471 = tpu.memref_slice %arg6[%dma_wait3A_469, %dma_wait3A_470] : memref<10240x128xf32, #tpu.memory_space<vmem_shared>> -> memref<10240x128xf32, #tpu.memory_space<vmem_shared>>
      tpu.wait_indirect_dma semaphore(%arg28 : memref<!tpu.dma_semaphore, #tpu.memory_space<semaphore_mem>>) src(%arg18 : memref<80x128xf32, #tpu.memory_space<vmem>>) dst(%dma_wait3A_471 : memref<10240x128xf32, #tpu.memory_space<vmem_shared>>)
      %dma_wait3A_472 = arith.constant 0 : i32
      %dma_wait3A_473 = arith.constant 0 : i32
      %dma_wait3A_474 = tpu.memref_slice %arg6[%dma_wait3A_472, %dma_wait3A_473] : memref<10240x128xf32, #tpu.memory_space<vmem_shared>> -> memref<10240x128xf32, #tpu.memory_space<vmem_shared>>
      tpu.wait_indirect_dma semaphore(%arg29 : memref<!tpu.dma_semaphore, #tpu.memory_space<semaphore_mem>>) src(%arg19 : memref<80x128xf32, #tpu.memory_space<vmem>>) dst(%dma_wait3A_474 : memref<10240x128xf32, #tpu.memory_space<vmem_shared>>)
      %dma_wait3A_475 = arith.constant 0 : i32
      %dma_wait3A_476 = arith.constant 0 : i32
      %dma_wait3A_477 = tpu.memref_slice %arg6[%dma_wait3A_475, %dma_wait3A_476] : memref<10240x128xf32, #tpu.memory_space<vmem_shared>> -> memref<10240x128xf32, #tpu.memory_space<vmem_shared>>
      tpu.wait_indirect_dma semaphore(%arg30 : memref<!tpu.dma_semaphore, #tpu.memory_space<semaphore_mem>>) src(%arg20 : memref<80x128xf32, #tpu.memory_space<vmem>>) dst(%dma_wait3A_477 : memref<10240x128xf32, #tpu.memory_space<vmem_shared>>)
      %scan3A_478 = arith.constant 0 : i32
      scf.yield %scan3A_478 : i32
    }
    %scan3A_6 = arith.constant 32 : i32
    %barrier3A_7 = arith.constant 0 : index
    tpu.barrier barrier_id(%barrier3A_7)
    "tpu.region"() ({
      %run_scoped3A = tpu.sem_alloc : memref<!tpu.dma_semaphore, #tpu.memory_space<semaphore_mem>>
      %dma_start3A = arith.constant 0 : i32
      %dma_start3A_8 = tpu.memref_slice %arg5[%arg0, %mul3A_0, %dma_start3A] : memref<2x10240x128xf32, #tpu.memory_space<hbm>> -> memref<1x640x128xf32, #tpu.memory_space<hbm>>
      %dma_start3A_9 = tpu.memref_squeeze %dma_start3A_8 : memref<1x640x128xf32, #tpu.memory_space<hbm>> -> memref<640x128xf32, #tpu.memory_space<hbm>>
      %dma_start3A_10 = arith.constant 0 : i32
      %dma_start3A_11 = tpu.memref_slice %arg6[%mul3A_0, %dma_start3A_10] : memref<10240x128xf32, #tpu.memory_space<vmem_shared>> -> memref<640x128xf32, #tpu.memory_space<vmem_shared>>
      tpu.enqueue_dma source(%dma_start3A_11 : memref<640x128xf32, #tpu.memory_space<vmem_shared>>) target(%dma_start3A_9 : memref<640x128xf32, #tpu.memory_space<hbm>>) target_semaphore(%run_scoped3A : memref<!tpu.dma_semaphore, #tpu.memory_space<semaphore_mem>>)
      %dma_wait3A = arith.constant 0 : i32
      %dma_wait3A_12 = tpu.memref_slice %arg5[%arg0, %mul3A_0, %dma_wait3A] : memref<2x10240x128xf32, #tpu.memory_space<hbm>> -> memref<1x640x128xf32, #tpu.memory_space<hbm>>
      %dma_wait3A_13 = tpu.memref_squeeze %dma_wait3A_12 : memref<1x640x128xf32, #tpu.memory_space<hbm>> -> memref<640x128xf32, #tpu.memory_space<hbm>>
      %dma_wait3A_14 = arith.constant 0 : i32
      %dma_wait3A_15 = tpu.memref_slice %arg6[%mul3A_0, %dma_wait3A_14] : memref<10240x128xf32, #tpu.memory_space<vmem_shared>> -> memref<640x128xf32, #tpu.memory_space<vmem_shared>>
      tpu.wait_dma2 semaphore(%run_scoped3A : memref<!tpu.dma_semaphore, #tpu.memory_space<semaphore_mem>>) src(%dma_wait3A_15 : memref<640x128xf32, #tpu.memory_space<vmem_shared>>) dst(%dma_wait3A_13 : memref<640x128xf32, #tpu.memory_space<hbm>>)
      tpu.yield
    }) : () -> ()
    return
  }
}

#map = affine_map<(d0, d1) -> (0, 0, 0)>
#map1 = affine_map<(d0, d1) -> (0, 0, 0, 0)>
module attributes {stable_mosaic.version = 14 : i64} {
  func.func @_scat_body(%arg0: i32, %arg1: i32, %arg2: memref<2x10240x128xf32, #tpu.memory_space<hbm>>, %arg3: memref<16x32x4x80xi32, #tpu.memory_space<hbm>>, %arg4: memref<16x32x4x80xi32, #tpu.memory_space<hbm>>, %arg5: memref<2x10240x128xf32, #tpu.memory_space<hbm>>, %arg6: memref<10240x128xf32, #tpu.memory_space<vmem_shared>>, %arg7: memref<4x80xi32, #tpu.memory_space<vmem>>, %arg8: memref<4x80xi32, #tpu.memory_space<vmem>>, %arg9: memref<80xi32, #tpu.memory_space<vmem>>, %arg10: memref<80xi32, #tpu.memory_space<vmem>>, %arg11: memref<80xi32, #tpu.memory_space<vmem>>, %arg12: memref<80xi32, #tpu.memory_space<vmem>>, %arg13: memref<80xi32, #tpu.memory_space<vmem>>, %arg14: memref<80xi32, #tpu.memory_space<vmem>>, %arg15: memref<80xi32, #tpu.memory_space<vmem>>, %arg16: memref<80xi32, #tpu.memory_space<vmem>>, %arg17: memref<80x128xf32, #tpu.memory_space<vmem>>, %arg18: memref<80x128xf32, #tpu.memory_space<vmem>>, %arg19: memref<80x128xf32, #tpu.memory_space<vmem>>, %arg20: memref<80x128xf32, #tpu.memory_space<vmem>>, %arg21: memref<!tpu.dma_semaphore, #tpu.memory_space<semaphore_mem>>, %arg22: memref<!tpu.dma_semaphore, #tpu.memory_space<semaphore_mem>>, %arg23: memref<!tpu.dma_semaphore, #tpu.memory_space<semaphore_mem>>, %arg24: memref<!tpu.dma_semaphore, #tpu.memory_space<semaphore_mem>>, %arg25: memref<!tpu.dma_semaphore, #tpu.memory_space<semaphore_mem>>, %arg26: memref<!tpu.dma_semaphore, #tpu.memory_space<semaphore_mem>>, %arg27: memref<!tpu.dma_semaphore, #tpu.memory_space<semaphore_mem>>, %arg28: memref<!tpu.dma_semaphore, #tpu.memory_space<semaphore_mem>>, %arg29: memref<!tpu.dma_semaphore, #tpu.memory_space<semaphore_mem>>, %arg30: memref<!tpu.dma_semaphore, #tpu.memory_space<semaphore_mem>>) attributes {dimension_semantics = [#tpu.dimension_semantics<core_parallel>, #tpu.dimension_semantics<subcore_parallel>], iteration_bounds = array<i64: 2, 16>, scalar_prefetch = 0 : i64, scratch_operands = 25 : i64, tpu.core_type = #tpu.core_type<sc_vector_subcore>, window_params = [{transform_indices = #map}, {transform_indices = #map1}, {transform_indices = #map1}, {transform_indices = #map}]} {
    %mul3A = arith.constant 640 : i32
    %mul3A_0 = arith.muli %arg1, %mul3A : i32
    "tpu.region"() ({
      %run_scoped3A = tpu.sem_alloc : memref<!tpu.dma_semaphore, #tpu.memory_space<semaphore_mem>>
      %dma_start3A = arith.constant 0 : i32
      %dma_start3A_8 = tpu.memref_slice %arg6[%mul3A_0, %dma_start3A] : memref<10240x128xf32, #tpu.memory_space<vmem_shared>> -> memref<640x128xf32, #tpu.memory_space<vmem_shared>>
      %dma_start3A_9 = arith.constant 0 : i32
      %dma_start3A_10 = tpu.memref_slice %arg2[%arg0, %mul3A_0, %dma_start3A_9] : memref<2x10240x128xf32, #tpu.memory_space<hbm>> -> memref<1x640x128xf32, #tpu.memory_space<hbm>>
      %dma_start3A_11 = tpu.memref_squeeze %dma_start3A_10 : memref<1x640x128xf32, #tpu.memory_space<hbm>> -> memref<640x128xf32, #tpu.memory_space<hbm>>
      tpu.enqueue_dma source(%dma_start3A_11 : memref<640x128xf32, #tpu.memory_space<hbm>>) target(%dma_start3A_8 : memref<640x128xf32, #tpu.memory_space<vmem_shared>>) target_semaphore(%run_scoped3A : memref<!tpu.dma_semaphore, #tpu.memory_space<semaphore_mem>>)
      %dma_wait3A = arith.constant 0 : i32
      %dma_wait3A_12 = tpu.memref_slice %arg6[%mul3A_0, %dma_wait3A] : memref<10240x128xf32, #tpu.memory_space<vmem_shared>> -> memref<640x128xf32, #tpu.memory_space<vmem_shared>>
      %dma_wait3A_13 = arith.constant 0 : i32
      %dma_wait3A_14 = tpu.memref_slice %arg2[%arg0, %mul3A_0, %dma_wait3A_13] : memref<2x10240x128xf32, #tpu.memory_space<hbm>> -> memref<1x640x128xf32, #tpu.memory_space<hbm>>
      %dma_wait3A_15 = tpu.memref_squeeze %dma_wait3A_14 : memref<1x640x128xf32, #tpu.memory_space<hbm>> -> memref<640x128xf32, #tpu.memory_space<hbm>>
      tpu.wait_dma2 semaphore(%run_scoped3A : memref<!tpu.dma_semaphore, #tpu.memory_space<semaphore_mem>>) src(%dma_wait3A_15 : memref<640x128xf32, #tpu.memory_space<hbm>>) dst(%dma_wait3A_12 : memref<640x128xf32, #tpu.memory_space<vmem_shared>>)
      tpu.yield
    }) : () -> ()
    %barrier3A = arith.constant 0 : index
    tpu.barrier barrier_id(%barrier3A)
    %scan3A = arith.constant 0 : i32
    %scan3A_1 = arith.constant 0 : i32
    %scan3A_2 = arith.constant 32 : i32
    %scan3A_3 = arith.addi %scan3A_1, %scan3A_2 : i32
    %scan3A_4 = arith.constant 1 : i32
    %scan3A_5 = scf.for %scan3A_8 = %scan3A_1 to %scan3A_3 step %scan3A_4 iter_args(%scan3A_9 = %scan3A) -> (i32)  : i32 {
      %dma_start3A = arith.constant 0 : i32
      %dma_start3A_10 = arith.constant 0 : i32
      %dma_start3A_11 = tpu.memref_slice %arg3[%arg1, %scan3A_8, %dma_start3A, %dma_start3A_10] : memref<16x32x4x80xi32, #tpu.memory_space<hbm>> -> memref<1x1x4x80xi32, #tpu.memory_space<hbm>>
      %dma_start3A_12 = tpu.memref_squeeze %dma_start3A_11 : memref<1x1x4x80xi32, #tpu.memory_space<hbm>> -> memref<4x80xi32, #tpu.memory_space<hbm>>
      %dma_start3A_13 = arith.constant 0 : i32
      %dma_start3A_14 = arith.constant 0 : i32
      %dma_start3A_15 = tpu.memref_slice %arg3[%arg1, %scan3A_8, %dma_start3A_13, %dma_start3A_14] : memref<16x32x4x80xi32, #tpu.memory_space<hbm>> -> memref<1x1x4x80xi32, #tpu.memory_space<hbm>>
      %dma_start3A_16 = tpu.memref_squeeze %dma_start3A_15 : memref<1x1x4x80xi32, #tpu.memory_space<hbm>> -> memref<4x80xi32, #tpu.memory_space<hbm>>
      tpu.enqueue_dma source(%dma_start3A_16 : memref<4x80xi32, #tpu.memory_space<hbm>>) target(%arg7 : memref<4x80xi32, #tpu.memory_space<vmem>>) target_semaphore(%arg21 : memref<!tpu.dma_semaphore, #tpu.memory_space<semaphore_mem>>)
      %dma_start3A_17 = arith.constant 0 : i32
      %dma_start3A_18 = arith.constant 0 : i32
      %dma_start3A_19 = tpu.memref_slice %arg4[%arg1, %scan3A_8, %dma_start3A_17, %dma_start3A_18] : memref<16x32x4x80xi32, #tpu.memory_space<hbm>> -> memref<1x1x4x80xi32, #tpu.memory_space<hbm>>
      %dma_start3A_20 = tpu.memref_squeeze %dma_start3A_19 : memref<1x1x4x80xi32, #tpu.memory_space<hbm>> -> memref<4x80xi32, #tpu.memory_space<hbm>>
      %dma_start3A_21 = arith.constant 0 : i32
      %dma_start3A_22 = arith.constant 0 : i32
      %dma_start3A_23 = tpu.memref_slice %arg4[%arg1, %scan3A_8, %dma_start3A_21, %dma_start3A_22] : memref<16x32x4x80xi32, #tpu.memory_space<hbm>> -> memref<1x1x4x80xi32, #tpu.memory_space<hbm>>
      %dma_start3A_24 = tpu.memref_squeeze %dma_start3A_23 : memref<1x1x4x80xi32, #tpu.memory_space<hbm>> -> memref<4x80xi32, #tpu.memory_space<hbm>>
      tpu.enqueue_dma source(%dma_start3A_24 : memref<4x80xi32, #tpu.memory_space<hbm>>) target(%arg8 : memref<4x80xi32, #tpu.memory_space<vmem>>) target_semaphore(%arg22 : memref<!tpu.dma_semaphore, #tpu.memory_space<semaphore_mem>>)
      %dma_wait3A = arith.constant 0 : i32
      %dma_wait3A_25 = arith.constant 0 : i32
      %dma_wait3A_26 = tpu.memref_slice %arg3[%arg1, %scan3A_8, %dma_wait3A, %dma_wait3A_25] : memref<16x32x4x80xi32, #tpu.memory_space<hbm>> -> memref<1x1x4x80xi32, #tpu.memory_space<hbm>>
      %dma_wait3A_27 = tpu.memref_squeeze %dma_wait3A_26 : memref<1x1x4x80xi32, #tpu.memory_space<hbm>> -> memref<4x80xi32, #tpu.memory_space<hbm>>
      %dma_wait3A_28 = arith.constant 0 : i32
      %dma_wait3A_29 = arith.constant 0 : i32
      %dma_wait3A_30 = tpu.memref_slice %arg3[%arg1, %scan3A_8, %dma_wait3A_28, %dma_wait3A_29] : memref<16x32x4x80xi32, #tpu.memory_space<hbm>> -> memref<1x1x4x80xi32, #tpu.memory_space<hbm>>
      %dma_wait3A_31 = tpu.memref_squeeze %dma_wait3A_30 : memref<1x1x4x80xi32, #tpu.memory_space<hbm>> -> memref<4x80xi32, #tpu.memory_space<hbm>>
      tpu.wait_dma2 semaphore(%arg21 : memref<!tpu.dma_semaphore, #tpu.memory_space<semaphore_mem>>) src(%dma_wait3A_31 : memref<4x80xi32, #tpu.memory_space<hbm>>) dst(%arg7 : memref<4x80xi32, #tpu.memory_space<vmem>>)
      %dma_wait3A_32 = arith.constant 0 : i32
      %dma_wait3A_33 = arith.constant 0 : i32
      %dma_wait3A_34 = tpu.memref_slice %arg4[%arg1, %scan3A_8, %dma_wait3A_32, %dma_wait3A_33] : memref<16x32x4x80xi32, #tpu.memory_space<hbm>> -> memref<1x1x4x80xi32, #tpu.memory_space<hbm>>
      %dma_wait3A_35 = tpu.memref_squeeze %dma_wait3A_34 : memref<1x1x4x80xi32, #tpu.memory_space<hbm>> -> memref<4x80xi32, #tpu.memory_space<hbm>>
      %dma_wait3A_36 = arith.constant 0 : i32
      %dma_wait3A_37 = arith.constant 0 : i32
      %dma_wait3A_38 = tpu.memref_slice %arg4[%arg1, %scan3A_8, %dma_wait3A_36, %dma_wait3A_37] : memref<16x32x4x80xi32, #tpu.memory_space<hbm>> -> memref<1x1x4x80xi32, #tpu.memory_space<hbm>>
      %dma_wait3A_39 = tpu.memref_squeeze %dma_wait3A_38 : memref<1x1x4x80xi32, #tpu.memory_space<hbm>> -> memref<4x80xi32, #tpu.memory_space<hbm>>
      tpu.wait_dma2 semaphore(%arg22 : memref<!tpu.dma_semaphore, #tpu.memory_space<semaphore_mem>>) src(%dma_wait3A_39 : memref<4x80xi32, #tpu.memory_space<hbm>>) dst(%arg8 : memref<4x80xi32, #tpu.memory_space<vmem>>)
      %get3A = arith.constant 0 : i32
      %get3A_40 = arith.index_cast %get3A : i32 to index
      %get3A_41 = arith.constant 0 : index
      %get3A_42 = tpu.vector_load %arg7[%get3A_40, %get3A_41] {strides = array<i32>} : memref<4x80xi32, #tpu.memory_space<vmem>>, vector<1x16xi32>,
      %get3A_43 = vector.shape_cast %get3A_42 : vector<1x16xi32> to vector<16xi32>
      %swap3A = arith.constant 0 : index
      %swap3A_44 = tpu.vector_load %arg9[%swap3A] {strides = array<i32>} : memref<80xi32, #tpu.memory_space<vmem>>, vector<16xi32>,
      %swap3A_45 = vector.shape_cast %swap3A_44 : vector<16xi32> to vector<16xi32>
      %swap3A_46 = vector.shape_cast %get3A_43 : vector<16xi32> to vector<16xi32>
      tpu.vector_store %arg9[%swap3A], %swap3A_46 {strides = array<i32>} : memref<80xi32, #tpu.memory_space<vmem>>, vector<16xi32>,
      %get3A_47 = arith.constant 0 : i32
      %get3A_48 = arith.index_cast %get3A_47 : i32 to index
      %get3A_49 = arith.constant 16 : index
      %get3A_50 = tpu.vector_load %arg7[%get3A_48, %get3A_49] {strides = array<i32>} : memref<4x80xi32, #tpu.memory_space<vmem>>, vector<1x16xi32>,
      %get3A_51 = vector.shape_cast %get3A_50 : vector<1x16xi32> to vector<16xi32>
      %swap3A_52 = arith.constant 16 : index
      %swap3A_53 = tpu.vector_load %arg9[%swap3A_52] {strides = array<i32>} : memref<80xi32, #tpu.memory_space<vmem>>, vector<16xi32>,
      %swap3A_54 = vector.shape_cast %swap3A_53 : vector<16xi32> to vector<16xi32>
      %swap3A_55 = vector.shape_cast %get3A_51 : vector<16xi32> to vector<16xi32>
      tpu.vector_store %arg9[%swap3A_52], %swap3A_55 {strides = array<i32>} : memref<80xi32, #tpu.memory_space<vmem>>, vector<16xi32>,
      %get3A_56 = arith.constant 0 : i32
      %get3A_57 = arith.index_cast %get3A_56 : i32 to index
      %get3A_58 = arith.constant 32 : index
      %get3A_59 = tpu.vector_load %arg7[%get3A_57, %get3A_58] {strides = array<i32>} : memref<4x80xi32, #tpu.memory_space<vmem>>, vector<1x16xi32>,
      %get3A_60 = vector.shape_cast %get3A_59 : vector<1x16xi32> to vector<16xi32>
      %swap3A_61 = arith.constant 32 : index
      %swap3A_62 = tpu.vector_load %arg9[%swap3A_61] {strides = array<i32>} : memref<80xi32, #tpu.memory_space<vmem>>, vector<16xi32>,
      %swap3A_63 = vector.shape_cast %swap3A_62 : vector<16xi32> to vector<16xi32>
      %swap3A_64 = vector.shape_cast %get3A_60 : vector<16xi32> to vector<16xi32>
      tpu.vector_store %arg9[%swap3A_61], %swap3A_64 {strides = array<i32>} : memref<80xi32, #tpu.memory_space<vmem>>, vector<16xi32>,
      %get3A_65 = arith.constant 0 : i32
      %get3A_66 = arith.index_cast %get3A_65 : i32 to index
      %get3A_67 = arith.constant 48 : index
      %get3A_68 = tpu.vector_load %arg7[%get3A_66, %get3A_67] {strides = array<i32>} : memref<4x80xi32, #tpu.memory_space<vmem>>, vector<1x16xi32>,
      %get3A_69 = vector.shape_cast %get3A_68 : vector<1x16xi32> to vector<16xi32>
      %swap3A_70 = arith.constant 48 : index
      %swap3A_71 = tpu.vector_load %arg9[%swap3A_70] {strides = array<i32>} : memref<80xi32, #tpu.memory_space<vmem>>, vector<16xi32>,
      %swap3A_72 = vector.shape_cast %swap3A_71 : vector<16xi32> to vector<16xi32>
      %swap3A_73 = vector.shape_cast %get3A_69 : vector<16xi32> to vector<16xi32>
      tpu.vector_store %arg9[%swap3A_70], %swap3A_73 {strides = array<i32>} : memref<80xi32, #tpu.memory_space<vmem>>, vector<16xi32>,
      %get3A_74 = arith.constant 0 : i32
      %get3A_75 = arith.index_cast %get3A_74 : i32 to index
      %get3A_76 = arith.constant 64 : index
      %get3A_77 = tpu.vector_load %arg7[%get3A_75, %get3A_76] {strides = array<i32>} : memref<4x80xi32, #tpu.memory_space<vmem>>, vector<1x16xi32>,
      %get3A_78 = vector.shape_cast %get3A_77 : vector<1x16xi32> to vector<16xi32>
      %swap3A_79 = arith.constant 64 : index
      %swap3A_80 = tpu.vector_load %arg9[%swap3A_79] {strides = array<i32>} : memref<80xi32, #tpu.memory_space<vmem>>, vector<16xi32>,
      %swap3A_81 = vector.shape_cast %swap3A_80 : vector<16xi32> to vector<16xi32>
      %swap3A_82 = vector.shape_cast %get3A_78 : vector<16xi32> to vector<16xi32>
      tpu.vector_store %arg9[%swap3A_79], %swap3A_82 {strides = array<i32>} : memref<80xi32, #tpu.memory_space<vmem>>, vector<16xi32>,
      %get3A_83 = arith.constant 0 : i32
      %get3A_84 = arith.index_cast %get3A_83 : i32 to index
      %get3A_85 = arith.constant 0 : index
      %get3A_86 = tpu.vector_load %arg8[%get3A_84, %get3A_85] {strides = array<i32>} : memref<4x80xi32, #tpu.memory_space<vmem>>, vector<1x16xi32>,
      %get3A_87 = vector.shape_cast %get3A_86 : vector<1x16xi32> to vector<16xi32>
      %swap3A_88 = arith.constant 0 : index
      %swap3A_89 = tpu.vector_load %arg13[%swap3A_88] {strides = array<i32>} : memref<80xi32, #tpu.memory_space<vmem>>, vector<16xi32>,
      %swap3A_90 = vector.shape_cast %swap3A_89 : vector<16xi32> to vector<16xi32>
      %swap3A_91 = vector.shape_cast %get3A_87 : vector<16xi32> to vector<16xi32>
      tpu.vector_store %arg13[%swap3A_88], %swap3A_91 {strides = array<i32>} : memref<80xi32, #tpu.memory_space<vmem>>, vector<16xi32>,
      %get3A_92 = arith.constant 0 : i32
      %get3A_93 = arith.index_cast %get3A_92 : i32 to index
      %get3A_94 = arith.constant 16 : index
      %get3A_95 = tpu.vector_load %arg8[%get3A_93, %get3A_94] {strides = array<i32>} : memref<4x80xi32, #tpu.memory_space<vmem>>, vector<1x16xi32>,
      %get3A_96 = vector.shape_cast %get3A_95 : vector<1x16xi32> to vector<16xi32>
      %swap3A_97 = arith.constant 16 : index
      %swap3A_98 = tpu.vector_load %arg13[%swap3A_97] {strides = array<i32>} : memref<80xi32, #tpu.memory_space<vmem>>, vector<16xi32>,
      %swap3A_99 = vector.shape_cast %swap3A_98 : vector<16xi32> to vector<16xi32>
      %swap3A_100 = vector.shape_cast %get3A_96 : vector<16xi32> to vector<16xi32>
      tpu.vector_store %arg13[%swap3A_97], %swap3A_100 {strides = array<i32>} : memref<80xi32, #tpu.memory_space<vmem>>, vector<16xi32>,
      %get3A_101 = arith.constant 0 : i32
      %get3A_102 = arith.index_cast %get3A_101 : i32 to index
      %get3A_103 = arith.constant 32 : index
      %get3A_104 = tpu.vector_load %arg8[%get3A_102, %get3A_103] {strides = array<i32>} : memref<4x80xi32, #tpu.memory_space<vmem>>, vector<1x16xi32>,
      %get3A_105 = vector.shape_cast %get3A_104 : vector<1x16xi32> to vector<16xi32>
      %swap3A_106 = arith.constant 32 : index
      %swap3A_107 = tpu.vector_load %arg13[%swap3A_106] {strides = array<i32>} : memref<80xi32, #tpu.memory_space<vmem>>, vector<16xi32>,
      %swap3A_108 = vector.shape_cast %swap3A_107 : vector<16xi32> to vector<16xi32>
      %swap3A_109 = vector.shape_cast %get3A_105 : vector<16xi32> to vector<16xi32>
      tpu.vector_store %arg13[%swap3A_106], %swap3A_109 {strides = array<i32>} : memref<80xi32, #tpu.memory_space<vmem>>, vector<16xi32>,
      %get3A_110 = arith.constant 0 : i32
      %get3A_111 = arith.index_cast %get3A_110 : i32 to index
      %get3A_112 = arith.constant 48 : index
      %get3A_113 = tpu.vector_load %arg8[%get3A_111, %get3A_112] {strides = array<i32>} : memref<4x80xi32, #tpu.memory_space<vmem>>, vector<1x16xi32>,
      %get3A_114 = vector.shape_cast %get3A_113 : vector<1x16xi32> to vector<16xi32>
      %swap3A_115 = arith.constant 48 : index
      %swap3A_116 = tpu.vector_load %arg13[%swap3A_115] {strides = array<i32>} : memref<80xi32, #tpu.memory_space<vmem>>, vector<16xi32>,
      %swap3A_117 = vector.shape_cast %swap3A_116 : vector<16xi32> to vector<16xi32>
      %swap3A_118 = vector.shape_cast %get3A_114 : vector<16xi32> to vector<16xi32>
      tpu.vector_store %arg13[%swap3A_115], %swap3A_118 {strides = array<i32>} : memref<80xi32, #tpu.memory_space<vmem>>, vector<16xi32>,
      %get3A_119 = arith.constant 0 : i32
      %get3A_120 = arith.index_cast %get3A_119 : i32 to index
      %get3A_121 = arith.constant 64 : index
      %get3A_122 = tpu.vector_load %arg8[%get3A_120, %get3A_121] {strides = array<i32>} : memref<4x80xi32, #tpu.memory_space<vmem>>, vector<1x16xi32>,
      %get3A_123 = vector.shape_cast %get3A_122 : vector<1x16xi32> to vector<16xi32>
      %swap3A_124 = arith.constant 64 : index
      %swap3A_125 = tpu.vector_load %arg13[%swap3A_124] {strides = array<i32>} : memref<80xi32, #tpu.memory_space<vmem>>, vector<16xi32>,
      %swap3A_126 = vector.shape_cast %swap3A_125 : vector<16xi32> to vector<16xi32>
      %swap3A_127 = vector.shape_cast %get3A_123 : vector<16xi32> to vector<16xi32>
      tpu.vector_store %arg13[%swap3A_124], %swap3A_127 {strides = array<i32>} : memref<80xi32, #tpu.memory_space<vmem>>, vector<16xi32>,
      %get3A_128 = arith.constant 1 : i32
      %get3A_129 = arith.index_cast %get3A_128 : i32 to index
      %get3A_130 = arith.constant 0 : index
      %get3A_131 = tpu.vector_load %arg7[%get3A_129, %get3A_130] {strides = array<i32>} : memref<4x80xi32, #tpu.memory_space<vmem>>, vector<1x16xi32>,
      %get3A_132 = vector.shape_cast %get3A_131 : vector<1x16xi32> to vector<16xi32>
      %swap3A_133 = arith.constant 0 : index
      %swap3A_134 = tpu.vector_load %arg10[%swap3A_133] {strides = array<i32>} : memref<80xi32, #tpu.memory_space<vmem>>, vector<16xi32>,
      %swap3A_135 = vector.shape_cast %swap3A_134 : vector<16xi32> to vector<16xi32>
      %swap3A_136 = vector.shape_cast %get3A_132 : vector<16xi32> to vector<16xi32>
      tpu.vector_store %arg10[%swap3A_133], %swap3A_136 {strides = array<i32>} : memref<80xi32, #tpu.memory_space<vmem>>, vector<16xi32>,
      %get3A_137 = arith.constant 1 : i32
      %get3A_138 = arith.index_cast %get3A_137 : i32 to index
      %get3A_139 = arith.constant 16 : index
      %get3A_140 = tpu.vector_load %arg7[%get3A_138, %get3A_139] {strides = array<i32>} : memref<4x80xi32, #tpu.memory_space<vmem>>, vector<1x16xi32>,
      %get3A_141 = vector.shape_cast %get3A_140 : vector<1x16xi32> to vector<16xi32>
      %swap3A_142 = arith.constant 16 : index
      %swap3A_143 = tpu.vector_load %arg10[%swap3A_142] {strides = array<i32>} : memref<80xi32, #tpu.memory_space<vmem>>, vector<16xi32>,
      %swap3A_144 = vector.shape_cast %swap3A_143 : vector<16xi32> to vector<16xi32>
      %swap3A_145 = vector.shape_cast %get3A_141 : vector<16xi32> to vector<16xi32>
      tpu.vector_store %arg10[%swap3A_142], %swap3A_145 {strides = array<i32>} : memref<80xi32, #tpu.memory_space<vmem>>, vector<16xi32>,
      %get3A_146 = arith.constant 1 : i32
      %get3A_147 = arith.index_cast %get3A_146 : i32 to index
      %get3A_148 = arith.constant 32 : index
      %get3A_149 = tpu.vector_load %arg7[%get3A_147, %get3A_148] {strides = array<i32>} : memref<4x80xi32, #tpu.memory_space<vmem>>, vector<1x16xi32>,
      %get3A_150 = vector.shape_cast %get3A_149 : vector<1x16xi32> to vector<16xi32>
      %swap3A_151 = arith.constant 32 : index
      %swap3A_152 = tpu.vector_load %arg10[%swap3A_151] {strides = array<i32>} : memref<80xi32, #tpu.memory_space<vmem>>, vector<16xi32>,
      %swap3A_153 = vector.shape_cast %swap3A_152 : vector<16xi32> to vector<16xi32>
      %swap3A_154 = vector.shape_cast %get3A_150 : vector<16xi32> to vector<16xi32>
      tpu.vector_store %arg10[%swap3A_151], %swap3A_154 {strides = array<i32>} : memref<80xi32, #tpu.memory_space<vmem>>, vector<16xi32>,
      %get3A_155 = arith.constant 1 : i32
      %get3A_156 = arith.index_cast %get3A_155 : i32 to index
      %get3A_157 = arith.constant 48 : index
      %get3A_158 = tpu.vector_load %arg7[%get3A_156, %get3A_157] {strides = array<i32>} : memref<4x80xi32, #tpu.memory_space<vmem>>, vector<1x16xi32>,
      %get3A_159 = vector.shape_cast %get3A_158 : vector<1x16xi32> to vector<16xi32>
      %swap3A_160 = arith.constant 48 : index
      %swap3A_161 = tpu.vector_load %arg10[%swap3A_160] {strides = array<i32>} : memref<80xi32, #tpu.memory_space<vmem>>, vector<16xi32>,
      %swap3A_162 = vector.shape_cast %swap3A_161 : vector<16xi32> to vector<16xi32>
      %swap3A_163 = vector.shape_cast %get3A_159 : vector<16xi32> to vector<16xi32>
      tpu.vector_store %arg10[%swap3A_160], %swap3A_163 {strides = array<i32>} : memref<80xi32, #tpu.memory_space<vmem>>, vector<16xi32>,
      %get3A_164 = arith.constant 1 : i32
      %get3A_165 = arith.index_cast %get3A_164 : i32 to index
      %get3A_166 = arith.constant 64 : index
      %get3A_167 = tpu.vector_load %arg7[%get3A_165, %get3A_166] {strides = array<i32>} : memref<4x80xi32, #tpu.memory_space<vmem>>, vector<1x16xi32>,
      %get3A_168 = vector.shape_cast %get3A_167 : vector<1x16xi32> to vector<16xi32>
      %swap3A_169 = arith.constant 64 : index
      %swap3A_170 = tpu.vector_load %arg10[%swap3A_169] {strides = array<i32>} : memref<80xi32, #tpu.memory_space<vmem>>, vector<16xi32>,
      %swap3A_171 = vector.shape_cast %swap3A_170 : vector<16xi32> to vector<16xi32>
      %swap3A_172 = vector.shape_cast %get3A_168 : vector<16xi32> to vector<16xi32>
      tpu.vector_store %arg10[%swap3A_169], %swap3A_172 {strides = array<i32>} : memref<80xi32, #tpu.memory_space<vmem>>, vector<16xi32>,
      %get3A_173 = arith.constant 1 : i32
      %get3A_174 = arith.index_cast %get3A_173 : i32 to index
      %get3A_175 = arith.constant 0 : index
      %get3A_176 = tpu.vector_load %arg8[%get3A_174, %get3A_175] {strides = array<i32>} : memref<4x80xi32, #tpu.memory_space<vmem>>, vector<1x16xi32>,
      %get3A_177 = vector.shape_cast %get3A_176 : vector<1x16xi32> to vector<16xi32>
      %swap3A_178 = arith.constant 0 : index
      %swap3A_179 = tpu.vector_load %arg14[%swap3A_178] {strides = array<i32>} : memref<80xi32, #tpu.memory_space<vmem>>, vector<16xi32>,
      %swap3A_180 = vector.shape_cast %swap3A_179 : vector<16xi32> to vector<16xi32>
      %swap3A_181 = vector.shape_cast %get3A_177 : vector<16xi32> to vector<16xi32>
      tpu.vector_store %arg14[%swap3A_178], %swap3A_181 {strides = array<i32>} : memref<80xi32, #tpu.memory_space<vmem>>, vector<16xi32>,
      %get3A_182 = arith.constant 1 : i32
      %get3A_183 = arith.index_cast %get3A_182 : i32 to index
      %get3A_184 = arith.constant 16 : index
      %get3A_185 = tpu.vector_load %arg8[%get3A_183, %get3A_184] {strides = array<i32>} : memref<4x80xi32, #tpu.memory_space<vmem>>, vector<1x16xi32>,
      %get3A_186 = vector.shape_cast %get3A_185 : vector<1x16xi32> to vector<16xi32>
      %swap3A_187 = arith.constant 16 : index
      %swap3A_188 = tpu.vector_load %arg14[%swap3A_187] {strides = array<i32>} : memref<80xi32, #tpu.memory_space<vmem>>, vector<16xi32>,
      %swap3A_189 = vector.shape_cast %swap3A_188 : vector<16xi32> to vector<16xi32>
      %swap3A_190 = vector.shape_cast %get3A_186 : vector<16xi32> to vector<16xi32>
      tpu.vector_store %arg14[%swap3A_187], %swap3A_190 {strides = array<i32>} : memref<80xi32, #tpu.memory_space<vmem>>, vector<16xi32>,
      %get3A_191 = arith.constant 1 : i32
      %get3A_192 = arith.index_cast %get3A_191 : i32 to index
      %get3A_193 = arith.constant 32 : index
      %get3A_194 = tpu.vector_load %arg8[%get3A_192, %get3A_193] {strides = array<i32>} : memref<4x80xi32, #tpu.memory_space<vmem>>, vector<1x16xi32>,
      %get3A_195 = vector.shape_cast %get3A_194 : vector<1x16xi32> to vector<16xi32>
      %swap3A_196 = arith.constant 32 : index
      %swap3A_197 = tpu.vector_load %arg14[%swap3A_196] {strides = array<i32>} : memref<80xi32, #tpu.memory_space<vmem>>, vector<16xi32>,
      %swap3A_198 = vector.shape_cast %swap3A_197 : vector<16xi32> to vector<16xi32>
      %swap3A_199 = vector.shape_cast %get3A_195 : vector<16xi32> to vector<16xi32>
      tpu.vector_store %arg14[%swap3A_196], %swap3A_199 {strides = array<i32>} : memref<80xi32, #tpu.memory_space<vmem>>, vector<16xi32>,
      %get3A_200 = arith.constant 1 : i32
      %get3A_201 = arith.index_cast %get3A_200 : i32 to index
      %get3A_202 = arith.constant 48 : index
      %get3A_203 = tpu.vector_load %arg8[%get3A_201, %get3A_202] {strides = array<i32>} : memref<4x80xi32, #tpu.memory_space<vmem>>, vector<1x16xi32>,
      %get3A_204 = vector.shape_cast %get3A_203 : vector<1x16xi32> to vector<16xi32>
      %swap3A_205 = arith.constant 48 : index
      %swap3A_206 = tpu.vector_load %arg14[%swap3A_205] {strides = array<i32>} : memref<80xi32, #tpu.memory_space<vmem>>, vector<16xi32>,
      %swap3A_207 = vector.shape_cast %swap3A_206 : vector<16xi32> to vector<16xi32>
      %swap3A_208 = vector.shape_cast %get3A_204 : vector<16xi32> to vector<16xi32>
      tpu.vector_store %arg14[%swap3A_205], %swap3A_208 {strides = array<i32>} : memref<80xi32, #tpu.memory_space<vmem>>, vector<16xi32>,
      %get3A_209 = arith.constant 1 : i32
      %get3A_210 = arith.index_cast %get3A_209 : i32 to index
      %get3A_211 = arith.constant 64 : index
      %get3A_212 = tpu.vector_load %arg8[%get3A_210, %get3A_211] {strides = array<i32>} : memref<4x80xi32, #tpu.memory_space<vmem>>, vector<1x16xi32>,
      %get3A_213 = vector.shape_cast %get3A_212 : vector<1x16xi32> to vector<16xi32>
      %swap3A_214 = arith.constant 64 : index
      %swap3A_215 = tpu.vector_load %arg14[%swap3A_214] {strides = array<i32>} : memref<80xi32, #tpu.memory_space<vmem>>, vector<16xi32>,
      %swap3A_216 = vector.shape_cast %swap3A_215 : vector<16xi32> to vector<16xi32>
      %swap3A_217 = vector.shape_cast %get3A_213 : vector<16xi32> to vector<16xi32>
      tpu.vector_store %arg14[%swap3A_214], %swap3A_217 {strides = array<i32>} : memref<80xi32, #tpu.memory_space<vmem>>, vector<16xi32>,
      %get3A_218 = arith.constant 2 : i32
      %get3A_219 = arith.index_cast %get3A_218 : i32 to index
      %get3A_220 = arith.constant 0 : index
      %get3A_221 = tpu.vector_load %arg7[%get3A_219, %get3A_220] {strides = array<i32>} : memref<4x80xi32, #tpu.memory_space<vmem>>, vector<1x16xi32>,
      %get3A_222 = vector.shape_cast %get3A_221 : vector<1x16xi32> to vector<16xi32>
      %swap3A_223 = arith.constant 0 : index
      %swap3A_224 = tpu.vector_load %arg11[%swap3A_223] {strides = array<i32>} : memref<80xi32, #tpu.memory_space<vmem>>, vector<16xi32>,
      %swap3A_225 = vector.shape_cast %swap3A_224 : vector<16xi32> to vector<16xi32>
      %swap3A_226 = vector.shape_cast %get3A_222 : vector<16xi32> to vector<16xi32>
      tpu.vector_store %arg11[%swap3A_223], %swap3A_226 {strides = array<i32>} : memref<80xi32, #tpu.memory_space<vmem>>, vector<16xi32>,
      %get3A_227 = arith.constant 2 : i32
      %get3A_228 = arith.index_cast %get3A_227 : i32 to index
      %get3A_229 = arith.constant 16 : index
      %get3A_230 = tpu.vector_load %arg7[%get3A_228, %get3A_229] {strides = array<i32>} : memref<4x80xi32, #tpu.memory_space<vmem>>, vector<1x16xi32>,
      %get3A_231 = vector.shape_cast %get3A_230 : vector<1x16xi32> to vector<16xi32>
      %swap3A_232 = arith.constant 16 : index
      %swap3A_233 = tpu.vector_load %arg11[%swap3A_232] {strides = array<i32>} : memref<80xi32, #tpu.memory_space<vmem>>, vector<16xi32>,
      %swap3A_234 = vector.shape_cast %swap3A_233 : vector<16xi32> to vector<16xi32>
      %swap3A_235 = vector.shape_cast %get3A_231 : vector<16xi32> to vector<16xi32>
      tpu.vector_store %arg11[%swap3A_232], %swap3A_235 {strides = array<i32>} : memref<80xi32, #tpu.memory_space<vmem>>, vector<16xi32>,
      %get3A_236 = arith.constant 2 : i32
      %get3A_237 = arith.index_cast %get3A_236 : i32 to index
      %get3A_238 = arith.constant 32 : index
      %get3A_239 = tpu.vector_load %arg7[%get3A_237, %get3A_238] {strides = array<i32>} : memref<4x80xi32, #tpu.memory_space<vmem>>, vector<1x16xi32>,
      %get3A_240 = vector.shape_cast %get3A_239 : vector<1x16xi32> to vector<16xi32>
      %swap3A_241 = arith.constant 32 : index
      %swap3A_242 = tpu.vector_load %arg11[%swap3A_241] {strides = array<i32>} : memref<80xi32, #tpu.memory_space<vmem>>, vector<16xi32>,
      %swap3A_243 = vector.shape_cast %swap3A_242 : vector<16xi32> to vector<16xi32>
      %swap3A_244 = vector.shape_cast %get3A_240 : vector<16xi32> to vector<16xi32>
      tpu.vector_store %arg11[%swap3A_241], %swap3A_244 {strides = array<i32>} : memref<80xi32, #tpu.memory_space<vmem>>, vector<16xi32>,
      %get3A_245 = arith.constant 2 : i32
      %get3A_246 = arith.index_cast %get3A_245 : i32 to index
      %get3A_247 = arith.constant 48 : index
      %get3A_248 = tpu.vector_load %arg7[%get3A_246, %get3A_247] {strides = array<i32>} : memref<4x80xi32, #tpu.memory_space<vmem>>, vector<1x16xi32>,
      %get3A_249 = vector.shape_cast %get3A_248 : vector<1x16xi32> to vector<16xi32>
      %swap3A_250 = arith.constant 48 : index
      %swap3A_251 = tpu.vector_load %arg11[%swap3A_250] {strides = array<i32>} : memref<80xi32, #tpu.memory_space<vmem>>, vector<16xi32>,
      %swap3A_252 = vector.shape_cast %swap3A_251 : vector<16xi32> to vector<16xi32>
      %swap3A_253 = vector.shape_cast %get3A_249 : vector<16xi32> to vector<16xi32>
      tpu.vector_store %arg11[%swap3A_250], %swap3A_253 {strides = array<i32>} : memref<80xi32, #tpu.memory_space<vmem>>, vector<16xi32>,
      %get3A_254 = arith.constant 2 : i32
      %get3A_255 = arith.index_cast %get3A_254 : i32 to index
      %get3A_256 = arith.constant 64 : index
      %get3A_257 = tpu.vector_load %arg7[%get3A_255, %get3A_256] {strides = array<i32>} : memref<4x80xi32, #tpu.memory_space<vmem>>, vector<1x16xi32>,
      %get3A_258 = vector.shape_cast %get3A_257 : vector<1x16xi32> to vector<16xi32>
      %swap3A_259 = arith.constant 64 : index
      %swap3A_260 = tpu.vector_load %arg11[%swap3A_259] {strides = array<i32>} : memref<80xi32, #tpu.memory_space<vmem>>, vector<16xi32>,
      %swap3A_261 = vector.shape_cast %swap3A_260 : vector<16xi32> to vector<16xi32>
      %swap3A_262 = vector.shape_cast %get3A_258 : vector<16xi32> to vector<16xi32>
      tpu.vector_store %arg11[%swap3A_259], %swap3A_262 {strides = array<i32>} : memref<80xi32, #tpu.memory_space<vmem>>, vector<16xi32>,
      %get3A_263 = arith.constant 2 : i32
      %get3A_264 = arith.index_cast %get3A_263 : i32 to index
      %get3A_265 = arith.constant 0 : index
      %get3A_266 = tpu.vector_load %arg8[%get3A_264, %get3A_265] {strides = array<i32>} : memref<4x80xi32, #tpu.memory_space<vmem>>, vector<1x16xi32>,
      %get3A_267 = vector.shape_cast %get3A_266 : vector<1x16xi32> to vector<16xi32>
      %swap3A_268 = arith.constant 0 : index
      %swap3A_269 = tpu.vector_load %arg15[%swap3A_268] {strides = array<i32>} : memref<80xi32, #tpu.memory_space<vmem>>, vector<16xi32>,
      %swap3A_270 = vector.shape_cast %swap3A_269 : vector<16xi32> to vector<16xi32>
      %swap3A_271 = vector.shape_cast %get3A_267 : vector<16xi32> to vector<16xi32>
      tpu.vector_store %arg15[%swap3A_268], %swap3A_271 {strides = array<i32>} : memref<80xi32, #tpu.memory_space<vmem>>, vector<16xi32>,
      %get3A_272 = arith.constant 2 : i32
      %get3A_273 = arith.index_cast %get3A_272 : i32 to index
      %get3A_274 = arith.constant 16 : index
      %get3A_275 = tpu.vector_load %arg8[%get3A_273, %get3A_274] {strides = array<i32>} : memref<4x80xi32, #tpu.memory_space<vmem>>, vector<1x16xi32>,
      %get3A_276 = vector.shape_cast %get3A_275 : vector<1x16xi32> to vector<16xi32>
      %swap3A_277 = arith.constant 16 : index
      %swap3A_278 = tpu.vector_load %arg15[%swap3A_277] {strides = array<i32>} : memref<80xi32, #tpu.memory_space<vmem>>, vector<16xi32>,
      %swap3A_279 = vector.shape_cast %swap3A_278 : vector<16xi32> to vector<16xi32>
      %swap3A_280 = vector.shape_cast %get3A_276 : vector<16xi32> to vector<16xi32>
      tpu.vector_store %arg15[%swap3A_277], %swap3A_280 {strides = array<i32>} : memref<80xi32, #tpu.memory_space<vmem>>, vector<16xi32>,
      %get3A_281 = arith.constant 2 : i32
      %get3A_282 = arith.index_cast %get3A_281 : i32 to index
      %get3A_283 = arith.constant 32 : index
      %get3A_284 = tpu.vector_load %arg8[%get3A_282, %get3A_283] {strides = array<i32>} : memref<4x80xi32, #tpu.memory_space<vmem>>, vector<1x16xi32>,
      %get3A_285 = vector.shape_cast %get3A_284 : vector<1x16xi32> to vector<16xi32>
      %swap3A_286 = arith.constant 32 : index
      %swap3A_287 = tpu.vector_load %arg15[%swap3A_286] {strides = array<i32>} : memref<80xi32, #tpu.memory_space<vmem>>, vector<16xi32>,
      %swap3A_288 = vector.shape_cast %swap3A_287 : vector<16xi32> to vector<16xi32>
      %swap3A_289 = vector.shape_cast %get3A_285 : vector<16xi32> to vector<16xi32>
      tpu.vector_store %arg15[%swap3A_286], %swap3A_289 {strides = array<i32>} : memref<80xi32, #tpu.memory_space<vmem>>, vector<16xi32>,
      %get3A_290 = arith.constant 2 : i32
      %get3A_291 = arith.index_cast %get3A_290 : i32 to index
      %get3A_292 = arith.constant 48 : index
      %get3A_293 = tpu.vector_load %arg8[%get3A_291, %get3A_292] {strides = array<i32>} : memref<4x80xi32, #tpu.memory_space<vmem>>, vector<1x16xi32>,
      %get3A_294 = vector.shape_cast %get3A_293 : vector<1x16xi32> to vector<16xi32>
      %swap3A_295 = arith.constant 48 : index
      %swap3A_296 = tpu.vector_load %arg15[%swap3A_295] {strides = array<i32>} : memref<80xi32, #tpu.memory_space<vmem>>, vector<16xi32>,
      %swap3A_297 = vector.shape_cast %swap3A_296 : vector<16xi32> to vector<16xi32>
      %swap3A_298 = vector.shape_cast %get3A_294 : vector<16xi32> to vector<16xi32>
      tpu.vector_store %arg15[%swap3A_295], %swap3A_298 {strides = array<i32>} : memref<80xi32, #tpu.memory_space<vmem>>, vector<16xi32>,
      %get3A_299 = arith.constant 2 : i32
      %get3A_300 = arith.index_cast %get3A_299 : i32 to index
      %get3A_301 = arith.constant 64 : index
      %get3A_302 = tpu.vector_load %arg8[%get3A_300, %get3A_301] {strides = array<i32>} : memref<4x80xi32, #tpu.memory_space<vmem>>, vector<1x16xi32>,
      %get3A_303 = vector.shape_cast %get3A_302 : vector<1x16xi32> to vector<16xi32>
      %swap3A_304 = arith.constant 64 : index
      %swap3A_305 = tpu.vector_load %arg15[%swap3A_304] {strides = array<i32>} : memref<80xi32, #tpu.memory_space<vmem>>, vector<16xi32>,
      %swap3A_306 = vector.shape_cast %swap3A_305 : vector<16xi32> to vector<16xi32>
      %swap3A_307 = vector.shape_cast %get3A_303 : vector<16xi32> to vector<16xi32>
      tpu.vector_store %arg15[%swap3A_304], %swap3A_307 {strides = array<i32>} : memref<80xi32, #tpu.memory_space<vmem>>, vector<16xi32>,
      %get3A_308 = arith.constant 3 : i32
      %get3A_309 = arith.index_cast %get3A_308 : i32 to index
      %get3A_310 = arith.constant 0 : index
      %get3A_311 = tpu.vector_load %arg7[%get3A_309, %get3A_310] {strides = array<i32>} : memref<4x80xi32, #tpu.memory_space<vmem>>, vector<1x16xi32>,
      %get3A_312 = vector.shape_cast %get3A_311 : vector<1x16xi32> to vector<16xi32>
      %swap3A_313 = arith.constant 0 : index
      %swap3A_314 = tpu.vector_load %arg12[%swap3A_313] {strides = array<i32>} : memref<80xi32, #tpu.memory_space<vmem>>, vector<16xi32>,
      %swap3A_315 = vector.shape_cast %swap3A_314 : vector<16xi32> to vector<16xi32>
      %swap3A_316 = vector.shape_cast %get3A_312 : vector<16xi32> to vector<16xi32>
      tpu.vector_store %arg12[%swap3A_313], %swap3A_316 {strides = array<i32>} : memref<80xi32, #tpu.memory_space<vmem>>, vector<16xi32>,
      %get3A_317 = arith.constant 3 : i32
      %get3A_318 = arith.index_cast %get3A_317 : i32 to index
      %get3A_319 = arith.constant 16 : index
      %get3A_320 = tpu.vector_load %arg7[%get3A_318, %get3A_319] {strides = array<i32>} : memref<4x80xi32, #tpu.memory_space<vmem>>, vector<1x16xi32>,
      %get3A_321 = vector.shape_cast %get3A_320 : vector<1x16xi32> to vector<16xi32>
      %swap3A_322 = arith.constant 16 : index
      %swap3A_323 = tpu.vector_load %arg12[%swap3A_322] {strides = array<i32>} : memref<80xi32, #tpu.memory_space<vmem>>, vector<16xi32>,
      %swap3A_324 = vector.shape_cast %swap3A_323 : vector<16xi32> to vector<16xi32>
      %swap3A_325 = vector.shape_cast %get3A_321 : vector<16xi32> to vector<16xi32>
      tpu.vector_store %arg12[%swap3A_322], %swap3A_325 {strides = array<i32>} : memref<80xi32, #tpu.memory_space<vmem>>, vector<16xi32>,
      %get3A_326 = arith.constant 3 : i32
      %get3A_327 = arith.index_cast %get3A_326 : i32 to index
      %get3A_328 = arith.constant 32 : index
      %get3A_329 = tpu.vector_load %arg7[%get3A_327, %get3A_328] {strides = array<i32>} : memref<4x80xi32, #tpu.memory_space<vmem>>, vector<1x16xi32>,
      %get3A_330 = vector.shape_cast %get3A_329 : vector<1x16xi32> to vector<16xi32>
      %swap3A_331 = arith.constant 32 : index
      %swap3A_332 = tpu.vector_load %arg12[%swap3A_331] {strides = array<i32>} : memref<80xi32, #tpu.memory_space<vmem>>, vector<16xi32>,
      %swap3A_333 = vector.shape_cast %swap3A_332 : vector<16xi32> to vector<16xi32>
      %swap3A_334 = vector.shape_cast %get3A_330 : vector<16xi32> to vector<16xi32>
      tpu.vector_store %arg12[%swap3A_331], %swap3A_334 {strides = array<i32>} : memref<80xi32, #tpu.memory_space<vmem>>, vector<16xi32>,
      %get3A_335 = arith.constant 3 : i32
      %get3A_336 = arith.index_cast %get3A_335 : i32 to index
      %get3A_337 = arith.constant 48 : index
      %get3A_338 = tpu.vector_load %arg7[%get3A_336, %get3A_337] {strides = array<i32>} : memref<4x80xi32, #tpu.memory_space<vmem>>, vector<1x16xi32>,
      %get3A_339 = vector.shape_cast %get3A_338 : vector<1x16xi32> to vector<16xi32>
      %swap3A_340 = arith.constant 48 : index
      %swap3A_341 = tpu.vector_load %arg12[%swap3A_340] {strides = array<i32>} : memref<80xi32, #tpu.memory_space<vmem>>, vector<16xi32>,
      %swap3A_342 = vector.shape_cast %swap3A_341 : vector<16xi32> to vector<16xi32>
      %swap3A_343 = vector.shape_cast %get3A_339 : vector<16xi32> to vector<16xi32>
      tpu.vector_store %arg12[%swap3A_340], %swap3A_343 {strides = array<i32>} : memref<80xi32, #tpu.memory_space<vmem>>, vector<16xi32>,
      %get3A_344 = arith.constant 3 : i32
      %get3A_345 = arith.index_cast %get3A_344 : i32 to index
      %get3A_346 = arith.constant 64 : index
      %get3A_347 = tpu.vector_load %arg7[%get3A_345, %get3A_346] {strides = array<i32>} : memref<4x80xi32, #tpu.memory_space<vmem>>, vector<1x16xi32>,
      %get3A_348 = vector.shape_cast %get3A_347 : vector<1x16xi32> to vector<16xi32>
      %swap3A_349 = arith.constant 64 : index
      %swap3A_350 = tpu.vector_load %arg12[%swap3A_349] {strides = array<i32>} : memref<80xi32, #tpu.memory_space<vmem>>, vector<16xi32>,
      %swap3A_351 = vector.shape_cast %swap3A_350 : vector<16xi32> to vector<16xi32>
      %swap3A_352 = vector.shape_cast %get3A_348 : vector<16xi32> to vector<16xi32>
      tpu.vector_store %arg12[%swap3A_349], %swap3A_352 {strides = array<i32>} : memref<80xi32, #tpu.memory_space<vmem>>, vector<16xi32>,
      %get3A_353 = arith.constant 3 : i32
      %get3A_354 = arith.index_cast %get3A_353 : i32 to index
      %get3A_355 = arith.constant 0 : index
      %get3A_356 = tpu.vector_load %arg8[%get3A_354, %get3A_355] {strides = array<i32>} : memref<4x80xi32, #tpu.memory_space<vmem>>, vector<1x16xi32>,
      %get3A_357 = vector.shape_cast %get3A_356 : vector<1x16xi32> to vector<16xi32>
      %swap3A_358 = arith.constant 0 : index
      %swap3A_359 = tpu.vector_load %arg16[%swap3A_358] {strides = array<i32>} : memref<80xi32, #tpu.memory_space<vmem>>, vector<16xi32>,
      %swap3A_360 = vector.shape_cast %swap3A_359 : vector<16xi32> to vector<16xi32>
      %swap3A_361 = vector.shape_cast %get3A_357 : vector<16xi32> to vector<16xi32>
      tpu.vector_store %arg16[%swap3A_358], %swap3A_361 {strides = array<i32>} : memref<80xi32, #tpu.memory_space<vmem>>, vector<16xi32>,
      %get3A_362 = arith.constant 3 : i32
      %get3A_363 = arith.index_cast %get3A_362 : i32 to index
      %get3A_364 = arith.constant 16 : index
      %get3A_365 = tpu.vector_load %arg8[%get3A_363, %get3A_364] {strides = array<i32>} : memref<4x80xi32, #tpu.memory_space<vmem>>, vector<1x16xi32>,
      %get3A_366 = vector.shape_cast %get3A_365 : vector<1x16xi32> to vector<16xi32>
      %swap3A_367 = arith.constant 16 : index
      %swap3A_368 = tpu.vector_load %arg16[%swap3A_367] {strides = array<i32>} : memref<80xi32, #tpu.memory_space<vmem>>, vector<16xi32>,
      %swap3A_369 = vector.shape_cast %swap3A_368 : vector<16xi32> to vector<16xi32>
      %swap3A_370 = vector.shape_cast %get3A_366 : vector<16xi32> to vector<16xi32>
      tpu.vector_store %arg16[%swap3A_367], %swap3A_370 {strides = array<i32>} : memref<80xi32, #tpu.memory_space<vmem>>, vector<16xi32>,
      %get3A_371 = arith.constant 3 : i32
      %get3A_372 = arith.index_cast %get3A_371 : i32 to index
      %get3A_373 = arith.constant 32 : index
      %get3A_374 = tpu.vector_load %arg8[%get3A_372, %get3A_373] {strides = array<i32>} : memref<4x80xi32, #tpu.memory_space<vmem>>, vector<1x16xi32>,
      %get3A_375 = vector.shape_cast %get3A_374 : vector<1x16xi32> to vector<16xi32>
      %swap3A_376 = arith.constant 32 : index
      %swap3A_377 = tpu.vector_load %arg16[%swap3A_376] {strides = array<i32>} : memref<80xi32, #tpu.memory_space<vmem>>, vector<16xi32>,
      %swap3A_378 = vector.shape_cast %swap3A_377 : vector<16xi32> to vector<16xi32>
      %swap3A_379 = vector.shape_cast %get3A_375 : vector<16xi32> to vector<16xi32>
      tpu.vector_store %arg16[%swap3A_376], %swap3A_379 {strides = array<i32>} : memref<80xi32, #tpu.memory_space<vmem>>, vector<16xi32>,
      %get3A_380 = arith.constant 3 : i32
      %get3A_381 = arith.index_cast %get3A_380 : i32 to index
      %get3A_382 = arith.constant 48 : index
      %get3A_383 = tpu.vector_load %arg8[%get3A_381, %get3A_382] {strides = array<i32>} : memref<4x80xi32, #tpu.memory_space<vmem>>, vector<1x16xi32>,
      %get3A_384 = vector.shape_cast %get3A_383 : vector<1x16xi32> to vector<16xi32>
      %swap3A_385 = arith.constant 48 : index
      %swap3A_386 = tpu.vector_load %arg16[%swap3A_385] {strides = array<i32>} : memref<80xi32, #tpu.memory_space<vmem>>, vector<16xi32>,
      %swap3A_387 = vector.shape_cast %swap3A_386 : vector<16xi32> to vector<16xi32>
      %swap3A_388 = vector.shape_cast %get3A_384 : vector<16xi32> to vector<16xi32>
      tpu.vector_store %arg16[%swap3A_385], %swap3A_388 {strides = array<i32>} : memref<80xi32, #tpu.memory_space<vmem>>, vector<16xi32>,
      %get3A_389 = arith.constant 3 : i32
      %get3A_390 = arith.index_cast %get3A_389 : i32 to index
      %get3A_391 = arith.constant 64 : index
      %get3A_392 = tpu.vector_load %arg8[%get3A_390, %get3A_391] {strides = array<i32>} : memref<4x80xi32, #tpu.memory_space<vmem>>, vector<1x16xi32>,
      %get3A_393 = vector.shape_cast %get3A_392 : vector<1x16xi32> to vector<16xi32>
      %swap3A_394 = arith.constant 64 : index
      %swap3A_395 = tpu.vector_load %arg16[%swap3A_394] {strides = array<i32>} : memref<80xi32, #tpu.memory_space<vmem>>, vector<16xi32>,
      %swap3A_396 = vector.shape_cast %swap3A_395 : vector<16xi32> to vector<16xi32>
      %swap3A_397 = vector.shape_cast %get3A_393 : vector<16xi32> to vector<16xi32>
      tpu.vector_store %arg16[%swap3A_394], %swap3A_397 {strides = array<i32>} : memref<80xi32, #tpu.memory_space<vmem>>, vector<16xi32>,
      %dma_start3A_398 = arith.constant 0 : i32
      %dma_start3A_399 = arith.constant 0 : i32
      %dma_start3A_400 = tpu.memref_slice %arg2[%arg0, %dma_start3A_398, %dma_start3A_399] : memref<2x10240x128xf32, #tpu.memory_space<hbm>> -> memref<1x10240x128xf32, #tpu.memory_space<hbm>>
      %dma_start3A_401 = tpu.memref_squeeze %dma_start3A_400 : memref<1x10240x128xf32, #tpu.memory_space<hbm>> -> memref<10240x128xf32, #tpu.memory_space<hbm>>
      %dma_start3A_402 = arith.constant 0 : i32
      %dma_start3A_403 = arith.constant 0 : i32
      %dma_start3A_404 = tpu.memref_slice %dma_start3A_401[%dma_start3A_402, %dma_start3A_403] : memref<10240x128xf32, #tpu.memory_space<hbm>> -> memref<10240x128xf32, #tpu.memory_space<hbm>>
      tpu.enqueue_indirect_dma source(%dma_start3A_404 : memref<10240x128xf32, #tpu.memory_space<hbm>>) target(%arg17 : memref<80x128xf32, #tpu.memory_space<vmem>>) offsets(%arg9 : memref<80xi32, #tpu.memory_space<vmem>>) semaphore(%arg23 : memref<!tpu.dma_semaphore, #tpu.memory_space<semaphore_mem>>)
      %dma_start3A_405 = arith.constant 0 : i32
      %dma_start3A_406 = arith.constant 0 : i32
      %dma_start3A_407 = tpu.memref_slice %arg2[%arg0, %dma_start3A_405, %dma_start3A_406] : memref<2x10240x128xf32, #tpu.memory_space<hbm>> -> memref<1x10240x128xf32, #tpu.memory_space<hbm>>
      %dma_start3A_408 = tpu.memref_squeeze %dma_start3A_407 : memref<1x10240x128xf32, #tpu.memory_space<hbm>> -> memref<10240x128xf32, #tpu.memory_space<hbm>>
      %dma_start3A_409 = arith.constant 0 : i32
      %dma_start3A_410 = arith.constant 0 : i32
      %dma_start3A_411 = tpu.memref_slice %dma_start3A_408[%dma_start3A_409, %dma_start3A_410] : memref<10240x128xf32, #tpu.memory_space<hbm>> -> memref<10240x128xf32, #tpu.memory_space<hbm>>
      tpu.enqueue_indirect_dma source(%dma_start3A_411 : memref<10240x128xf32, #tpu.memory_space<hbm>>) target(%arg18 : memref<80x128xf32, #tpu.memory_space<vmem>>) offsets(%arg10 : memref<80xi32, #tpu.memory_space<vmem>>) semaphore(%arg24 : memref<!tpu.dma_semaphore, #tpu.memory_space<semaphore_mem>>)
      %dma_start3A_412 = arith.constant 0 : i32
      %dma_start3A_413 = arith.constant 0 : i32
      %dma_start3A_414 = tpu.memref_slice %arg2[%arg0, %dma_start3A_412, %dma_start3A_413] : memref<2x10240x128xf32, #tpu.memory_space<hbm>> -> memref<1x10240x128xf32, #tpu.memory_space<hbm>>
      %dma_start3A_415 = tpu.memref_squeeze %dma_start3A_414 : memref<1x10240x128xf32, #tpu.memory_space<hbm>> -> memref<10240x128xf32, #tpu.memory_space<hbm>>
      %dma_start3A_416 = arith.constant 0 : i32
      %dma_start3A_417 = arith.constant 0 : i32
      %dma_start3A_418 = tpu.memref_slice %dma_start3A_415[%dma_start3A_416, %dma_start3A_417] : memref<10240x128xf32, #tpu.memory_space<hbm>> -> memref<10240x128xf32, #tpu.memory_space<hbm>>
      tpu.enqueue_indirect_dma source(%dma_start3A_418 : memref<10240x128xf32, #tpu.memory_space<hbm>>) target(%arg19 : memref<80x128xf32, #tpu.memory_space<vmem>>) offsets(%arg11 : memref<80xi32, #tpu.memory_space<vmem>>) semaphore(%arg25 : memref<!tpu.dma_semaphore, #tpu.memory_space<semaphore_mem>>)
      %dma_start3A_419 = arith.constant 0 : i32
      %dma_start3A_420 = arith.constant 0 : i32
      %dma_start3A_421 = tpu.memref_slice %arg2[%arg0, %dma_start3A_419, %dma_start3A_420] : memref<2x10240x128xf32, #tpu.memory_space<hbm>> -> memref<1x10240x128xf32, #tpu.memory_space<hbm>>
      %dma_start3A_422 = tpu.memref_squeeze %dma_start3A_421 : memref<1x10240x128xf32, #tpu.memory_space<hbm>> -> memref<10240x128xf32, #tpu.memory_space<hbm>>
      %dma_start3A_423 = arith.constant 0 : i32
      %dma_start3A_424 = arith.constant 0 : i32
      %dma_start3A_425 = tpu.memref_slice %dma_start3A_422[%dma_start3A_423, %dma_start3A_424] : memref<10240x128xf32, #tpu.memory_space<hbm>> -> memref<10240x128xf32, #tpu.memory_space<hbm>>
      tpu.enqueue_indirect_dma source(%dma_start3A_425 : memref<10240x128xf32, #tpu.memory_space<hbm>>) target(%arg20 : memref<80x128xf32, #tpu.memory_space<vmem>>) offsets(%arg12 : memref<80xi32, #tpu.memory_space<vmem>>) semaphore(%arg26 : memref<!tpu.dma_semaphore, #tpu.memory_space<semaphore_mem>>)
      %dma_wait3A_426 = arith.constant 0 : i32
      %dma_wait3A_427 = arith.constant 0 : i32
      %dma_wait3A_428 = tpu.memref_slice %arg2[%arg0, %dma_wait3A_426, %dma_wait3A_427] : memref<2x10240x128xf32, #tpu.memory_space<hbm>> -> memref<1x10240x128xf32, #tpu.memory_space<hbm>>
      %dma_wait3A_429 = tpu.memref_squeeze %dma_wait3A_428 : memref<1x10240x128xf32, #tpu.memory_space<hbm>> -> memref<10240x128xf32, #tpu.memory_space<hbm>>
      %dma_wait3A_430 = arith.constant 0 : i32
      %dma_wait3A_431 = arith.constant 0 : i32
      %dma_wait3A_432 = tpu.memref_slice %dma_wait3A_429[%dma_wait3A_430, %dma_wait3A_431] : memref<10240x128xf32, #tpu.memory_space<hbm>> -> memref<10240x128xf32, #tpu.memory_space<hbm>>
      tpu.wait_indirect_dma semaphore(%arg23 : memref<!tpu.dma_semaphore, #tpu.memory_space<semaphore_mem>>) src(%dma_wait3A_432 : memref<10240x128xf32, #tpu.memory_space<hbm>>) dst(%arg17 : memref<80x128xf32, #tpu.memory_space<vmem>>)
      %dma_start3A_433 = arith.constant 0 : i32
      %dma_start3A_434 = arith.constant 0 : i32
      %dma_start3A_435 = tpu.memref_slice %arg6[%dma_start3A_433, %dma_start3A_434] : memref<10240x128xf32, #tpu.memory_space<vmem_shared>> -> memref<10240x128xf32, #tpu.memory_space<vmem_shared>>
      tpu.enqueue_indirect_dma source(%arg17 : memref<80x128xf32, #tpu.memory_space<vmem>>) target(%dma_start3A_435 : memref<10240x128xf32, #tpu.memory_space<vmem_shared>>) offsets(%arg13 : memref<80xi32, #tpu.memory_space<vmem>>) semaphore(%arg27 : memref<!tpu.dma_semaphore, #tpu.memory_space<semaphore_mem>>) {add = true}
      %dma_wait3A_436 = arith.constant 0 : i32
      %dma_wait3A_437 = arith.constant 0 : i32
      %dma_wait3A_438 = tpu.memref_slice %arg2[%arg0, %dma_wait3A_436, %dma_wait3A_437] : memref<2x10240x128xf32, #tpu.memory_space<hbm>> -> memref<1x10240x128xf32, #tpu.memory_space<hbm>>
      %dma_wait3A_439 = tpu.memref_squeeze %dma_wait3A_438 : memref<1x10240x128xf32, #tpu.memory_space<hbm>> -> memref<10240x128xf32, #tpu.memory_space<hbm>>
      %dma_wait3A_440 = arith.constant 0 : i32
      %dma_wait3A_441 = arith.constant 0 : i32
      %dma_wait3A_442 = tpu.memref_slice %dma_wait3A_439[%dma_wait3A_440, %dma_wait3A_441] : memref<10240x128xf32, #tpu.memory_space<hbm>> -> memref<10240x128xf32, #tpu.memory_space<hbm>>
      tpu.wait_indirect_dma semaphore(%arg24 : memref<!tpu.dma_semaphore, #tpu.memory_space<semaphore_mem>>) src(%dma_wait3A_442 : memref<10240x128xf32, #tpu.memory_space<hbm>>) dst(%arg18 : memref<80x128xf32, #tpu.memory_space<vmem>>)
      %dma_start3A_443 = arith.constant 0 : i32
      %dma_start3A_444 = arith.constant 0 : i32
      %dma_start3A_445 = tpu.memref_slice %arg6[%dma_start3A_443, %dma_start3A_444] : memref<10240x128xf32, #tpu.memory_space<vmem_shared>> -> memref<10240x128xf32, #tpu.memory_space<vmem_shared>>
      tpu.enqueue_indirect_dma source(%arg18 : memref<80x128xf32, #tpu.memory_space<vmem>>) target(%dma_start3A_445 : memref<10240x128xf32, #tpu.memory_space<vmem_shared>>) offsets(%arg14 : memref<80xi32, #tpu.memory_space<vmem>>) semaphore(%arg28 : memref<!tpu.dma_semaphore, #tpu.memory_space<semaphore_mem>>) {add = true}
      %dma_wait3A_446 = arith.constant 0 : i32
      %dma_wait3A_447 = arith.constant 0 : i32
      %dma_wait3A_448 = tpu.memref_slice %arg2[%arg0, %dma_wait3A_446, %dma_wait3A_447] : memref<2x10240x128xf32, #tpu.memory_space<hbm>> -> memref<1x10240x128xf32, #tpu.memory_space<hbm>>
      %dma_wait3A_449 = tpu.memref_squeeze %dma_wait3A_448 : memref<1x10240x128xf32, #tpu.memory_space<hbm>> -> memref<10240x128xf32, #tpu.memory_space<hbm>>
      %dma_wait3A_450 = arith.constant 0 : i32
      %dma_wait3A_451 = arith.constant 0 : i32
      %dma_wait3A_452 = tpu.memref_slice %dma_wait3A_449[%dma_wait3A_450, %dma_wait3A_451] : memref<10240x128xf32, #tpu.memory_space<hbm>> -> memref<10240x128xf32, #tpu.memory_space<hbm>>
      tpu.wait_indirect_dma semaphore(%arg25 : memref<!tpu.dma_semaphore, #tpu.memory_space<semaphore_mem>>) src(%dma_wait3A_452 : memref<10240x128xf32, #tpu.memory_space<hbm>>) dst(%arg19 : memref<80x128xf32, #tpu.memory_space<vmem>>)
      %dma_start3A_453 = arith.constant 0 : i32
      %dma_start3A_454 = arith.constant 0 : i32
      %dma_start3A_455 = tpu.memref_slice %arg6[%dma_start3A_453, %dma_start3A_454] : memref<10240x128xf32, #tpu.memory_space<vmem_shared>> -> memref<10240x128xf32, #tpu.memory_space<vmem_shared>>
      tpu.enqueue_indirect_dma source(%arg19 : memref<80x128xf32, #tpu.memory_space<vmem>>) target(%dma_start3A_455 : memref<10240x128xf32, #tpu.memory_space<vmem_shared>>) offsets(%arg15 : memref<80xi32, #tpu.memory_space<vmem>>) semaphore(%arg29 : memref<!tpu.dma_semaphore, #tpu.memory_space<semaphore_mem>>) {add = true}
      %dma_wait3A_456 = arith.constant 0 : i32
      %dma_wait3A_457 = arith.constant 0 : i32
      %dma_wait3A_458 = tpu.memref_slice %arg2[%arg0, %dma_wait3A_456, %dma_wait3A_457] : memref<2x10240x128xf32, #tpu.memory_space<hbm>> -> memref<1x10240x128xf32, #tpu.memory_space<hbm>>
      %dma_wait3A_459 = tpu.memref_squeeze %dma_wait3A_458 : memref<1x10240x128xf32, #tpu.memory_space<hbm>> -> memref<10240x128xf32, #tpu.memory_space<hbm>>
      %dma_wait3A_460 = arith.constant 0 : i32
      %dma_wait3A_461 = arith.constant 0 : i32
      %dma_wait3A_462 = tpu.memref_slice %dma_wait3A_459[%dma_wait3A_460, %dma_wait3A_461] : memref<10240x128xf32, #tpu.memory_space<hbm>> -> memref<10240x128xf32, #tpu.memory_space<hbm>>
      tpu.wait_indirect_dma semaphore(%arg26 : memref<!tpu.dma_semaphore, #tpu.memory_space<semaphore_mem>>) src(%dma_wait3A_462 : memref<10240x128xf32, #tpu.memory_space<hbm>>) dst(%arg20 : memref<80x128xf32, #tpu.memory_space<vmem>>)
      %dma_start3A_463 = arith.constant 0 : i32
      %dma_start3A_464 = arith.constant 0 : i32
      %dma_start3A_465 = tpu.memref_slice %arg6[%dma_start3A_463, %dma_start3A_464] : memref<10240x128xf32, #tpu.memory_space<vmem_shared>> -> memref<10240x128xf32, #tpu.memory_space<vmem_shared>>
      tpu.enqueue_indirect_dma source(%arg20 : memref<80x128xf32, #tpu.memory_space<vmem>>) target(%dma_start3A_465 : memref<10240x128xf32, #tpu.memory_space<vmem_shared>>) offsets(%arg16 : memref<80xi32, #tpu.memory_space<vmem>>) semaphore(%arg30 : memref<!tpu.dma_semaphore, #tpu.memory_space<semaphore_mem>>) {add = true}
      %dma_wait3A_466 = arith.constant 0 : i32
      %dma_wait3A_467 = arith.constant 0 : i32
      %dma_wait3A_468 = tpu.memref_slice %arg6[%dma_wait3A_466, %dma_wait3A_467] : memref<10240x128xf32, #tpu.memory_space<vmem_shared>> -> memref<10240x128xf32, #tpu.memory_space<vmem_shared>>
      tpu.wait_indirect_dma semaphore(%arg27 : memref<!tpu.dma_semaphore, #tpu.memory_space<semaphore_mem>>) src(%arg17 : memref<80x128xf32, #tpu.memory_space<vmem>>) dst(%dma_wait3A_468 : memref<10240x128xf32, #tpu.memory_space<vmem_shared>>)
      %dma_wait3A_469 = arith.constant 0 : i32
      %dma_wait3A_470 = arith.constant 0 : i32
      %dma_wait3A_471 = tpu.memref_slice %arg6[%dma_wait3A_469, %dma_wait3A_470] : memref<10240x128xf32, #tpu.memory_space<vmem_shared>> -> memref<10240x128xf32, #tpu.memory_space<vmem_shared>>
      tpu.wait_indirect_dma semaphore(%arg28 : memref<!tpu.dma_semaphore, #tpu.memory_space<semaphore_mem>>) src(%arg18 : memref<80x128xf32, #tpu.memory_space<vmem>>) dst(%dma_wait3A_471 : memref<10240x128xf32, #tpu.memory_space<vmem_shared>>)
      %dma_wait3A_472 = arith.constant 0 : i32
      %dma_wait3A_473 = arith.constant 0 : i32
      %dma_wait3A_474 = tpu.memref_slice %arg6[%dma_wait3A_472, %dma_wait3A_473] : memref<10240x128xf32, #tpu.memory_space<vmem_shared>> -> memref<10240x128xf32, #tpu.memory_space<vmem_shared>>
      tpu.wait_indirect_dma semaphore(%arg29 : memref<!tpu.dma_semaphore, #tpu.memory_space<semaphore_mem>>) src(%arg19 : memref<80x128xf32, #tpu.memory_space<vmem>>) dst(%dma_wait3A_474 : memref<10240x128xf32, #tpu.memory_space<vmem_shared>>)
      %dma_wait3A_475 = arith.constant 0 : i32
      %dma_wait3A_476 = arith.constant 0 : i32
      %dma_wait3A_477 = tpu.memref_slice %arg6[%dma_wait3A_475, %dma_wait3A_476] : memref<10240x128xf32, #tpu.memory_space<vmem_shared>> -> memref<10240x128xf32, #tpu.memory_space<vmem_shared>>
      tpu.wait_indirect_dma semaphore(%arg30 : memref<!tpu.dma_semaphore, #tpu.memory_space<semaphore_mem>>) src(%arg20 : memref<80x128xf32, #tpu.memory_space<vmem>>) dst(%dma_wait3A_477 : memref<10240x128xf32, #tpu.memory_space<vmem_shared>>)
      %scan3A_478 = arith.constant 0 : i32
      scf.yield %scan3A_478 : i32
    }
    %scan3A_6 = arith.constant 32 : i32
    %barrier3A_7 = arith.constant 0 : index
    tpu.barrier barrier_id(%barrier3A_7)
    "tpu.region"() ({
      %run_scoped3A = tpu.sem_alloc : memref<!tpu.dma_semaphore, #tpu.memory_space<semaphore_mem>>
      %dma_start3A = arith.constant 0 : i32
      %dma_start3A_8 = tpu.memref_slice %arg5[%arg0, %mul3A_0, %dma_start3A] : memref<2x10240x128xf32, #tpu.memory_space<hbm>> -> memref<1x640x128xf32, #tpu.memory_space<hbm>>
      %dma_start3A_9 = tpu.memref_squeeze %dma_start3A_8 : memref<1x640x128xf32, #tpu.memory_space<hbm>> -> memref<640x128xf32, #tpu.memory_space<hbm>>
      %dma_start3A_10 = arith.constant 0 : i32
      %dma_start3A_11 = tpu.memref_slice %arg6[%mul3A_0, %dma_start3A_10] : memref<10240x128xf32, #tpu.memory_space<vmem_shared>> -> memref<640x128xf32, #tpu.memory_space<vmem_shared>>
      tpu.enqueue_dma source(%dma_start3A_11 : memref<640x128xf32, #tpu.memory_space<vmem_shared>>) target(%dma_start3A_9 : memref<640x128xf32, #tpu.memory_space<hbm>>) target_semaphore(%run_scoped3A : memref<!tpu.dma_semaphore, #tpu.memory_space<semaphore_mem>>)
      %dma_wait3A = arith.constant 0 : i32
      %dma_wait3A_12 = tpu.memref_slice %arg5[%arg0, %mul3A_0, %dma_wait3A] : memref<2x10240x128xf32, #tpu.memory_space<hbm>> -> memref<1x640x128xf32, #tpu.memory_space<hbm>>
      %dma_wait3A_13 = tpu.memref_squeeze %dma_wait3A_12 : memref<1x640x128xf32, #tpu.memory_space<hbm>> -> memref<640x128xf32, #tpu.memory_space<hbm>>
      %dma_wait3A_14 = arith.constant 0 : i32
      %dma_wait3A_15 = tpu.memref_slice %arg6[%mul3A_0, %dma_wait3A_14] : memref<10240x128xf32, #tpu.memory_space<vmem_shared>> -> memref<640x128xf32, #tpu.memory_space<vmem_shared>>
      tpu.wait_dma2 semaphore(%run_scoped3A : memref<!tpu.dma_semaphore, #tpu.memory_space<semaphore_mem>>) src(%dma_wait3A_15 : memref<640x128xf32, #tpu.memory_space<vmem_shared>>) dst(%dma_wait3A_13 : memref<640x128xf32, #tpu.memory_space<hbm>>)
      tpu.yield
    }) : () -> ()
    return
  }
}

module attributes {stable_mosaic.version = 14 : i64} {
  func.func @_tc_first_body(%arg0: i32, %arg1: memref<2x640x16xf32, #tpu.memory_space<vmem>>, %arg2: memref<640x256xf32, #tpu.memory_space<vmem>>, %arg3: memref<256x256xf32, #tpu.memory_space<vmem>>, %arg4: memref<2x640x128xf32, #tpu.memory_space<vmem>>) attributes {dimension_semantics = [#tpu.dimension_semantics<arbitrary>], iteration_bounds = array<i64: 16>, scalar_prefetch = 0 : i64, scratch_operands = 0 : i64, tpu.core_type = #tpu.core_type<tc>, window_params = [{transform_indices = @transform_0, window_bounds = array<i64: 2, 640, 16>}, {transform_indices = @transform_1, window_bounds = array<i64: 640, 256>}, {pipeline_mode = #tpu.pipeline_mode<synchronous>, transform_indices = @transform_2, window_bounds = array<i64: 256, 256>}, {transform_indices = @transform_3, window_bounds = array<i64: 2, 640, 128>}]} {
    %get3A = arith.constant 0 : index
    %get3A_0 = arith.constant 0 : index
    %get3A_1 = arith.constant 0 : index
    %get3A_2 = vector.load %arg1[%get3A, %get3A_0, %get3A_1] : memref<2x640x16xf32, #tpu.memory_space<vmem>>, vector<1x640x16xf32>
    %get3A_3 = vector.shape_cast %get3A_2 : vector<1x640x16xf32> to vector<640x16xf32>
    %slice3A = vector.extract_strided_slice %get3A_3 {offsets = [0, 0], sizes = [640, 1], strides = [1, 1]} : vector<640x16xf32> to vector<640x1xf32>
    %add3A = arith.constant 1.000000e+00 : f32
    %add3A_4 = vector.broadcast %add3A : f32 to vector<640x1xf32>
    %add3A_5 = arith.addf %add3A_4, %slice3A : vector<640x1xf32>
    %get3A_6 = arith.constant 1 : index
    %get3A_7 = arith.constant 0 : index
    %get3A_8 = arith.constant 0 : index
    %get3A_9 = vector.load %arg1[%get3A_6, %get3A_7, %get3A_8] : memref<2x640x16xf32, #tpu.memory_space<vmem>>, vector<1x640x16xf32>
    %get3A_10 = vector.shape_cast %get3A_9 : vector<1x640x16xf32> to vector<640x16xf32>
    %slice3A_11 = vector.extract_strided_slice %get3A_10 {offsets = [0, 0], sizes = [640, 1], strides = [1, 1]} : vector<640x16xf32> to vector<640x1xf32>
    %add3A_12 = arith.addf %add3A_5, %slice3A_11 : vector<640x1xf32>
    %rsqrt3A = math.rsqrt %add3A_12 : vector<640x1xf32>
    %get3A_13 = arith.constant 0 : index
    %get3A_14 = arith.constant 0 : index
    %get3A_15 = vector.load %arg2[%get3A_13, %get3A_14] : memref<640x256xf32, #tpu.memory_space<vmem>>, vector<640x256xf32>
    %get3A_16 = arith.constant 0 : index
    %get3A_17 = arith.constant 0 : index
    %get3A_18 = vector.load %arg3[%get3A_16, %get3A_17] : memref<256x256xf32, #tpu.memory_space<vmem>>, vector<256x256xf32>
    %dot_general3A = arith.constant dense<0.000000e+00> : vector<640x256xf32>
    %dot_general3A_19 = tpu.matmul %get3A_15, %get3A_18, %dot_general3A {dimension_numbers = #tpu.dot_dimension_numbers<[1], [0], [0], [1], [0, 0, 1, 1], [], []>, transpose_lhs_hint = false} : vector<640x256xf32>, vector<256x256xf32>, vector<640x256xf32> -> vector<640x256xf32>
    %mul3A = vector.broadcast %rsqrt3A : vector<640x1xf32> to vector<640x256xf32>
    %mul3A_20 = arith.mulf %mul3A, %dot_general3A_19 : vector<640x256xf32>
    %slice3A_21 = vector.extract_strided_slice %mul3A_20 {offsets = [0, 0], sizes = [640, 128], strides = [1, 1]} : vector<640x256xf32> to vector<640x128xf32>
    %swap3A = arith.constant 0 : index
    %swap3A_22 = arith.constant 0 : index
    %swap3A_23 = arith.constant 0 : index
    %swap3A_24 = vector.load %arg4[%swap3A, %swap3A_22, %swap3A_23] : memref<2x640x128xf32, #tpu.memory_space<vmem>>, vector<1x640x128xf32>
    %swap3A_25 = vector.shape_cast %swap3A_24 : vector<1x640x128xf32> to vector<640x128xf32>
    %swap3A_26 = vector.shape_cast %slice3A_21 : vector<640x128xf32> to vector<1x640x128xf32>
    tpu.vector_store %arg4[%swap3A, %swap3A_22, %swap3A_23], %swap3A_26 {strides = array<i32>} : memref<2x640x128xf32, #tpu.memory_space<vmem>>, vector<1x640x128xf32>,
    %slice3A_27 = vector.extract_strided_slice %mul3A_20 {offsets = [0, 128], sizes = [640, 128], strides = [1, 1]} : vector<640x256xf32> to vector<640x128xf32>
    %swap3A_28 = arith.constant 1 : index
    %swap3A_29 = arith.constant 0 : index
    %swap3A_30 = arith.constant 0 : index
    %swap3A_31 = vector.load %arg4[%swap3A_28, %swap3A_29, %swap3A_30] : memref<2x640x128xf32, #tpu.memory_space<vmem>>, vector<1x640x128xf32>
    %swap3A_32 = vector.shape_cast %swap3A_31 : vector<1x640x128xf32> to vector<640x128xf32>
    %swap3A_33 = vector.shape_cast %slice3A_27 : vector<640x128xf32> to vector<1x640x128xf32>
    tpu.vector_store %arg4[%swap3A_28, %swap3A_29, %swap3A_30], %swap3A_33 {strides = array<i32>} : memref<2x640x128xf32, #tpu.memory_space<vmem>>, vector<1x640x128xf32>,
    return
  }
  func.func @transform_0(%arg0: i32) -> (i32, i32, i32) {
    %c0_i32 = arith.constant 0 : i32
    %c0_i32_0 = arith.constant 0 : i32
    %c0_i32_1 = arith.constant 0 : i32
    return %c0_i32, %arg0, %c0_i32_0 : i32, i32, i32
  }
  func.func @transform_1(%arg0: i32) -> (i32, i32) {
    %c0_i32 = arith.constant 0 : i32
    %c0_i32_0 = arith.constant 0 : i32
    return %arg0, %c0_i32 : i32, i32
  }
  func.func @transform_2(%arg0: i32) -> (i32, i32) {
    %c0_i32 = arith.constant 0 : i32
    %c0_i32_0 = arith.constant 0 : i32
    %c0_i32_1 = arith.constant 0 : i32
    return %c0_i32, %c0_i32_0 : i32, i32
  }
  func.func @transform_3(%arg0: i32) -> (i32, i32, i32) {
    %c0_i32 = arith.constant 0 : i32
    %c0_i32_0 = arith.constant 0 : i32
    %c0_i32_1 = arith.constant 0 : i32
    return %c0_i32, %arg0, %c0_i32_0 : i32, i32, i32
  }
}

module attributes {stable_mosaic.version = 14 : i64} {
  func.func @_tc_mid_body(%arg0: i32, %arg1: memref<2x640x16xf32, #tpu.memory_space<vmem>>, %arg2: memref<2x640x128xf32, #tpu.memory_space<vmem>>, %arg3: memref<256xf32, #tpu.memory_space<vmem>>, %arg4: memref<256x256xf32, #tpu.memory_space<vmem>>, %arg5: memref<640x256xf32, #tpu.memory_space<vmem>>, %arg6: memref<2x640x128xf32, #tpu.memory_space<vmem>>) attributes {dimension_semantics = [#tpu.dimension_semantics<arbitrary>], iteration_bounds = array<i64: 16>, scalar_prefetch = 0 : i64, scratch_operands = 0 : i64, tpu.core_type = #tpu.core_type<tc>, window_params = [{transform_indices = @transform_0, window_bounds = array<i64: 2, 640, 16>}, {transform_indices = @transform_1, window_bounds = array<i64: 2, 640, 128>}, {pipeline_mode = #tpu.pipeline_mode<synchronous>, transform_indices = @transform_2, window_bounds = array<i64: 256>}, {pipeline_mode = #tpu.pipeline_mode<synchronous>, transform_indices = @transform_3, window_bounds = array<i64: 256, 256>}, {transform_indices = @transform_4, window_bounds = array<i64: 640, 256>}, {transform_indices = @transform_5, window_bounds = array<i64: 2, 640, 128>}]} {
    %get3A = arith.constant 0 : index
    %get3A_0 = arith.constant 0 : index
    %get3A_1 = arith.constant 0 : index
    %get3A_2 = vector.load %arg1[%get3A, %get3A_0, %get3A_1] : memref<2x640x16xf32, #tpu.memory_space<vmem>>, vector<1x640x16xf32>
    %get3A_3 = vector.shape_cast %get3A_2 : vector<1x640x16xf32> to vector<640x16xf32>
    %slice3A = vector.extract_strided_slice %get3A_3 {offsets = [0, 0], sizes = [640, 1], strides = [1, 1]} : vector<640x16xf32> to vector<640x1xf32>
    %add3A = arith.constant 1.000000e+00 : f32
    %add3A_4 = vector.broadcast %add3A : f32 to vector<640x1xf32>
    %add3A_5 = arith.addf %add3A_4, %slice3A : vector<640x1xf32>
    %get3A_6 = arith.constant 1 : index
    %get3A_7 = arith.constant 0 : index
    %get3A_8 = arith.constant 0 : index
    %get3A_9 = vector.load %arg1[%get3A_6, %get3A_7, %get3A_8] : memref<2x640x16xf32, #tpu.memory_space<vmem>>, vector<1x640x16xf32>
    %get3A_10 = vector.shape_cast %get3A_9 : vector<1x640x16xf32> to vector<640x16xf32>
    %slice3A_11 = vector.extract_strided_slice %get3A_10 {offsets = [0, 0], sizes = [640, 1], strides = [1, 1]} : vector<640x16xf32> to vector<640x1xf32>
    %add3A_12 = arith.addf %add3A_5, %slice3A_11 : vector<640x1xf32>
    %rsqrt3A = math.rsqrt %add3A_12 : vector<640x1xf32>
    %get3A_13 = arith.constant 0 : index
    %get3A_14 = arith.constant 0 : index
    %get3A_15 = arith.constant 0 : index
    %get3A_16 = vector.load %arg2[%get3A_13, %get3A_14, %get3A_15] : memref<2x640x128xf32, #tpu.memory_space<vmem>>, vector<1x640x128xf32>
    %get3A_17 = vector.shape_cast %get3A_16 : vector<1x640x128xf32> to vector<640x128xf32>
    %get3A_18 = arith.constant 1 : index
    %get3A_19 = arith.constant 0 : index
    %get3A_20 = arith.constant 0 : index
    %get3A_21 = vector.load %arg2[%get3A_18, %get3A_19, %get3A_20] : memref<2x640x128xf32, #tpu.memory_space<vmem>>, vector<1x640x128xf32>
    %get3A_22 = vector.shape_cast %get3A_21 : vector<1x640x128xf32> to vector<640x128xf32>
    %concatenate3A = tpu.concatenate %get3A_17, %get3A_22 in 1 : vector<640x128xf32>, vector<640x128xf32> -> vector<640x256xf32>
    %mul3A = vector.broadcast %rsqrt3A : vector<640x1xf32> to vector<640x256xf32>
    %mul3A_23 = arith.mulf %mul3A, %concatenate3A : vector<640x256xf32>
    %get3A_24 = arith.constant 0 : index
    %get3A_25 = vector.load %arg3[%get3A_24] : memref<256xf32, #tpu.memory_space<vmem>>, vector<256xf32>
    %broadcast_in_dim3A = vector.shape_cast %get3A_25 : vector<256xf32> to vector<1x256xf32>
    %add3A_26 = vector.broadcast %broadcast_in_dim3A : vector<1x256xf32> to vector<640x256xf32>
    %add3A_27 = arith.addf %mul3A_23, %add3A_26 : vector<640x256xf32>
    %max3A = arith.constant 0.000000e+00 : f32
    %max3A_28 = vector.broadcast %max3A : f32 to vector<640x256xf32>
    %max3A_29 = arith.maximumf %add3A_27, %max3A_28 : vector<640x256xf32>
    %swap3A = arith.constant 0 : index
    %swap3A_30 = arith.constant 0 : index
    %swap3A_31 = vector.load %arg5[%swap3A, %swap3A_30] : memref<640x256xf32, #tpu.memory_space<vmem>>, vector<640x256xf32>
    tpu.vector_store %arg5[%swap3A, %swap3A_30], %max3A_29 {strides = array<i32>} : memref<640x256xf32, #tpu.memory_space<vmem>>, vector<640x256xf32>,
    %get3A_32 = arith.constant 0 : index
    %get3A_33 = arith.constant 0 : index
    %get3A_34 = vector.load %arg4[%get3A_32, %get3A_33] : memref<256x256xf32, #tpu.memory_space<vmem>>, vector<256x256xf32>
    %dot_general3A = arith.constant dense<0.000000e+00> : vector<640x256xf32>
    %dot_general3A_35 = tpu.matmul %max3A_29, %get3A_34, %dot_general3A {dimension_numbers = #tpu.dot_dimension_numbers<[1], [0], [0], [1], [0, 0, 1, 1], [], []>, transpose_lhs_hint = false} : vector<640x256xf32>, vector<256x256xf32>, vector<640x256xf32> -> vector<640x256xf32>
    %mul3A_36 = vector.broadcast %rsqrt3A : vector<640x1xf32> to vector<640x256xf32>
    %mul3A_37 = arith.mulf %mul3A_36, %dot_general3A_35 : vector<640x256xf32>
    %slice3A_38 = vector.extract_strided_slice %mul3A_37 {offsets = [0, 0], sizes = [640, 128], strides = [1, 1]} : vector<640x256xf32> to vector<640x128xf32>
    %swap3A_39 = arith.constant 0 : index
    %swap3A_40 = arith.constant 0 : index
    %swap3A_41 = arith.constant 0 : index
    %swap3A_42 = vector.load %arg6[%swap3A_39, %swap3A_40, %swap3A_41] : memref<2x640x128xf32, #tpu.memory_space<vmem>>, vector<1x640x128xf32>
    %swap3A_43 = vector.shape_cast %swap3A_42 : vector<1x640x128xf32> to vector<640x128xf32>
    %swap3A_44 = vector.shape_cast %slice3A_38 : vector<640x128xf32> to vector<1x640x128xf32>
    tpu.vector_store %arg6[%swap3A_39, %swap3A_40, %swap3A_41], %swap3A_44 {strides = array<i32>} : memref<2x640x128xf32, #tpu.memory_space<vmem>>, vector<1x640x128xf32>,
    %slice3A_45 = vector.extract_strided_slice %mul3A_37 {offsets = [0, 128], sizes = [640, 128], strides = [1, 1]} : vector<640x256xf32> to vector<640x128xf32>
    %swap3A_46 = arith.constant 1 : index
    %swap3A_47 = arith.constant 0 : index
    %swap3A_48 = arith.constant 0 : index
    %swap3A_49 = vector.load %arg6[%swap3A_46, %swap3A_47, %swap3A_48] : memref<2x640x128xf32, #tpu.memory_space<vmem>>, vector<1x640x128xf32>
    %swap3A_50 = vector.shape_cast %swap3A_49 : vector<1x640x128xf32> to vector<640x128xf32>
    %swap3A_51 = vector.shape_cast %slice3A_45 : vector<640x128xf32> to vector<1x640x128xf32>
    tpu.vector_store %arg6[%swap3A_46, %swap3A_47, %swap3A_48], %swap3A_51 {strides = array<i32>} : memref<2x640x128xf32, #tpu.memory_space<vmem>>, vector<1x640x128xf32>,
    return
  }
  func.func @transform_0(%arg0: i32) -> (i32, i32, i32) {
    %c0_i32 = arith.constant 0 : i32
    %c0_i32_0 = arith.constant 0 : i32
    %c0_i32_1 = arith.constant 0 : i32
    return %c0_i32, %arg0, %c0_i32_0 : i32, i32, i32
  }
  func.func @transform_1(%arg0: i32) -> (i32, i32, i32) {
    %c0_i32 = arith.constant 0 : i32
    %c0_i32_0 = arith.constant 0 : i32
    %c0_i32_1 = arith.constant 0 : i32
    return %c0_i32, %arg0, %c0_i32_0 : i32, i32, i32
  }
  func.func @transform_2(%arg0: i32) -> i32 {
    %c0_i32 = arith.constant 0 : i32
    %c0_i32_0 = arith.constant 0 : i32
    return %c0_i32 : i32
  }
  func.func @transform_3(%arg0: i32) -> (i32, i32) {
    %c0_i32 = arith.constant 0 : i32
    %c0_i32_0 = arith.constant 0 : i32
    %c0_i32_1 = arith.constant 0 : i32
    return %c0_i32, %c0_i32_0 : i32, i32
  }
  func.func @transform_4(%arg0: i32) -> (i32, i32) {
    %c0_i32 = arith.constant 0 : i32
    %c0_i32_0 = arith.constant 0 : i32
    return %arg0, %c0_i32 : i32, i32
  }
  func.func @transform_5(%arg0: i32) -> (i32, i32, i32) {
    %c0_i32 = arith.constant 0 : i32
    %c0_i32_0 = arith.constant 0 : i32
    %c0_i32_1 = arith.constant 0 : i32
    return %c0_i32, %arg0, %c0_i32_0 : i32, i32, i32
  }
}

module attributes {stable_mosaic.version = 14 : i64} {
  func.func @_tc_last_body(%arg0: i32, %arg1: memref<2x640x16xf32, #tpu.memory_space<vmem>>, %arg2: memref<2x640x128xf32, #tpu.memory_space<vmem>>, %arg3: memref<256xf32, #tpu.memory_space<vmem>>, %arg4: memref<256x40xf32, #tpu.memory_space<vmem>>, %arg5: memref<40xf32, #tpu.memory_space<vmem>>, %arg6: memref<640x256xf32, #tpu.memory_space<vmem>>, %arg7: memref<640x40xf32, #tpu.memory_space<vmem>>) attributes {dimension_semantics = [#tpu.dimension_semantics<arbitrary>], iteration_bounds = array<i64: 16>, scalar_prefetch = 0 : i64, scratch_operands = 0 : i64, tpu.core_type = #tpu.core_type<tc>, window_params = [{transform_indices = @transform_0, window_bounds = array<i64: 2, 640, 16>}, {transform_indices = @transform_1, window_bounds = array<i64: 2, 640, 128>}, {pipeline_mode = #tpu.pipeline_mode<synchronous>, transform_indices = @transform_2, window_bounds = array<i64: 256>}, {pipeline_mode = #tpu.pipeline_mode<synchronous>, transform_indices = @transform_3, window_bounds = array<i64: 256, 40>}, {pipeline_mode = #tpu.pipeline_mode<synchronous>, transform_indices = @transform_4, window_bounds = array<i64: 40>}, {transform_indices = @transform_5, window_bounds = array<i64: 640, 256>}, {transform_indices = @transform_6, window_bounds = array<i64: 640, 40>}]} {
    %get3A = arith.constant 0 : index
    %get3A_0 = arith.constant 0 : index
    %get3A_1 = arith.constant 0 : index
    %get3A_2 = vector.load %arg1[%get3A, %get3A_0, %get3A_1] : memref<2x640x16xf32, #tpu.memory_space<vmem>>, vector<1x640x16xf32>
    %get3A_3 = vector.shape_cast %get3A_2 : vector<1x640x16xf32> to vector<640x16xf32>
    %slice3A = vector.extract_strided_slice %get3A_3 {offsets = [0, 0], sizes = [640, 1], strides = [1, 1]} : vector<640x16xf32> to vector<640x1xf32>
    %add3A = arith.constant 1.000000e+00 : f32
    %add3A_4 = vector.broadcast %add3A : f32 to vector<640x1xf32>
    %add3A_5 = arith.addf %add3A_4, %slice3A : vector<640x1xf32>
    %get3A_6 = arith.constant 1 : index
    %get3A_7 = arith.constant 0 : index
    %get3A_8 = arith.constant 0 : index
    %get3A_9 = vector.load %arg1[%get3A_6, %get3A_7, %get3A_8] : memref<2x640x16xf32, #tpu.memory_space<vmem>>, vector<1x640x16xf32>
    %get3A_10 = vector.shape_cast %get3A_9 : vector<1x640x16xf32> to vector<640x16xf32>
    %slice3A_11 = vector.extract_strided_slice %get3A_10 {offsets = [0, 0], sizes = [640, 1], strides = [1, 1]} : vector<640x16xf32> to vector<640x1xf32>
    %add3A_12 = arith.addf %add3A_5, %slice3A_11 : vector<640x1xf32>
    %rsqrt3A = math.rsqrt %add3A_12 : vector<640x1xf32>
    %get3A_13 = arith.constant 0 : index
    %get3A_14 = arith.constant 0 : index
    %get3A_15 = arith.constant 0 : index
    %get3A_16 = vector.load %arg2[%get3A_13, %get3A_14, %get3A_15] : memref<2x640x128xf32, #tpu.memory_space<vmem>>, vector<1x640x128xf32>
    %get3A_17 = vector.shape_cast %get3A_16 : vector<1x640x128xf32> to vector<640x128xf32>
    %get3A_18 = arith.constant 1 : index
    %get3A_19 = arith.constant 0 : index
    %get3A_20 = arith.constant 0 : index
    %get3A_21 = vector.load %arg2[%get3A_18, %get3A_19, %get3A_20] : memref<2x640x128xf32, #tpu.memory_space<vmem>>, vector<1x640x128xf32>
    %get3A_22 = vector.shape_cast %get3A_21 : vector<1x640x128xf32> to vector<640x128xf32>
    %concatenate3A = tpu.concatenate %get3A_17, %get3A_22 in 1 : vector<640x128xf32>, vector<640x128xf32> -> vector<640x256xf32>
    %mul3A = vector.broadcast %rsqrt3A : vector<640x1xf32> to vector<640x256xf32>
    %mul3A_23 = arith.mulf %mul3A, %concatenate3A : vector<640x256xf32>
    %get3A_24 = arith.constant 0 : index
    %get3A_25 = vector.load %arg3[%get3A_24] : memref<256xf32, #tpu.memory_space<vmem>>, vector<256xf32>
    %broadcast_in_dim3A = vector.shape_cast %get3A_25 : vector<256xf32> to vector<1x256xf32>
    %add3A_26 = vector.broadcast %broadcast_in_dim3A : vector<1x256xf32> to vector<640x256xf32>
    %add3A_27 = arith.addf %mul3A_23, %add3A_26 : vector<640x256xf32>
    %max3A = arith.constant 0.000000e+00 : f32
    %max3A_28 = vector.broadcast %max3A : f32 to vector<640x256xf32>
    %max3A_29 = arith.maximumf %add3A_27, %max3A_28 : vector<640x256xf32>
    %swap3A = arith.constant 0 : index
    %swap3A_30 = arith.constant 0 : index
    %swap3A_31 = vector.load %arg6[%swap3A, %swap3A_30] : memref<640x256xf32, #tpu.memory_space<vmem>>, vector<640x256xf32>
    tpu.vector_store %arg6[%swap3A, %swap3A_30], %max3A_29 {strides = array<i32>} : memref<640x256xf32, #tpu.memory_space<vmem>>, vector<640x256xf32>,
    %get3A_32 = arith.constant 0 : index
    %get3A_33 = arith.constant 0 : index
    %get3A_34 = vector.load %arg4[%get3A_32, %get3A_33] : memref<256x40xf32, #tpu.memory_space<vmem>>, vector<256x40xf32>
    %dot_general3A = arith.constant dense<0.000000e+00> : vector<640x40xf32>
    %dot_general3A_35 = tpu.matmul %max3A_29, %get3A_34, %dot_general3A {dimension_numbers = #tpu.dot_dimension_numbers<[1], [0], [0], [1], [0, 0, 1, 1], [], []>, transpose_lhs_hint = false} : vector<640x256xf32>, vector<256x40xf32>, vector<640x40xf32> -> vector<640x40xf32>
    %get3A_36 = arith.constant 0 : index
    %get3A_37 = vector.load %arg5[%get3A_36] : memref<40xf32, #tpu.memory_space<vmem>>, vector<40xf32>
    %broadcast_in_dim3A_38 = vector.shape_cast %get3A_37 : vector<40xf32> to vector<1x40xf32>
    %add3A_39 = vector.broadcast %broadcast_in_dim3A_38 : vector<1x40xf32> to vector<640x40xf32>
    %add3A_40 = arith.addf %dot_general3A_35, %add3A_39 : vector<640x40xf32>
    %swap3A_41 = arith.constant 0 : index
    %swap3A_42 = arith.constant 0 : index
    %swap3A_43 = vector.load %arg7[%swap3A_41, %swap3A_42] : memref<640x40xf32, #tpu.memory_space<vmem>>, vector<640x40xf32>
    tpu.vector_store %arg7[%swap3A_41, %swap3A_42], %add3A_40 {strides = array<i32>} : memref<640x40xf32, #tpu.memory_space<vmem>>, vector<640x40xf32>,
    return
  }
  func.func @transform_0(%arg0: i32) -> (i32, i32, i32) {
    %c0_i32 = arith.constant 0 : i32
    %c0_i32_0 = arith.constant 0 : i32
    %c0_i32_1 = arith.constant 0 : i32
    return %c0_i32, %arg0, %c0_i32_0 : i32, i32, i32
  }
  func.func @transform_1(%arg0: i32) -> (i32, i32, i32) {
    %c0_i32 = arith.constant 0 : i32
    %c0_i32_0 = arith.constant 0 : i32
    %c0_i32_1 = arith.constant 0 : i32
    return %c0_i32, %arg0, %c0_i32_0 : i32, i32, i32
  }
  func.func @transform_2(%arg0: i32) -> i32 {
    %c0_i32 = arith.constant 0 : i32
    %c0_i32_0 = arith.constant 0 : i32
    return %c0_i32 : i32
  }
  func.func @transform_3(%arg0: i32) -> (i32, i32) {
    %c0_i32 = arith.constant 0 : i32
    %c0_i32_0 = arith.constant 0 : i32
    %c0_i32_1 = arith.constant 0 : i32
    return %c0_i32, %c0_i32_0 : i32, i32
  }
  func.func @transform_4(%arg0: i32) -> i32 {
    %c0_i32 = arith.constant 0 : i32
    %c0_i32_0 = arith.constant 0 : i32
    return %c0_i32 : i32
  }
  func.func @transform_5(%arg0: i32) -> (i32, i32) {
    %c0_i32 = arith.constant 0 : i32
    %c0_i32_0 = arith.constant 0 : i32
    return %arg0, %c0_i32 : i32, i32
  }
  func.func @transform_6(%arg0: i32) -> (i32, i32) {
    %c0_i32 = arith.constant 0 : i32
    %c0_i32_0 = arith.constant 0 : i32
    return %arg0, %c0_i32 : i32, i32
  }
}

</mosaic_0001>

<sc_bundles>
// kernel: kernel.10.cloned.1.call-start
scs
__scs_entry_jumppad:
0x0: {  	(pc) =	sbr.rel $0x88, $3  }
0x1: {  	(tag) =	ssettag $0x0;
	lr =	simm.s32 $0x1  }
0x2: {  	[smem:$0x3F97] =	sst lr;
	_ =	strace $0xD0000000  }
0x3: {  	_ = 	snop  }
0x4: {  	_ = 	snop  }
0x5: {  	_ = 	snop  }
0x6: {  	_ = 	snop  }
0x7: {  	_ = 	snop  }
__scs_overlays_trampoline_lowered:
0x8: {  	[smem:$0x3FA6] =	sst s0  }
0x9: {  	[smem:$0x3FA7] =	sst s1  }
0xa: {  	[smem:$0x3FA8] =	sst s2  }
0xb: {  	[smem:$0x3FA9] =	sst s3  }
0xc: {  	[smem:$0x3FAA] =	sst s4  }
0xd: {  	[smem:$0x3FAB] =	sst s5  }
0xe: {  	[smem:$0x3FAC] =	sst s6  }
0xf: {  	[smem:$0x3FAD] =	sst s7  }
0x10: {  	[smem:$0x3FAE] =	sst s8  }
0x11: {  	[smem:$0x3FAF] =	sst s9;
	s0 =	simm.s32 @!p0 $0x0  }
0x12: {  	s1 =	sld [smem:$0x3F95];
	s0 =	simm.s32 @p0 $0x1  }
0x13: {  	[smem:$0x3FB0] =	sst s0;
	s0 =	simm.s32 @!p1 $0x0  }
0x14: {  	s2 =	sld [smem:$0x3F94];
	s0 =	simm.s32 @p1 $0x1  }
0x15: {  	[smem:$0x3FB1] =	sst s0;
	s0 =	simm.s32 @!p2 $0x0  }
0x16: {  	s3 =	sld [smem:$0x3FDB];
	s0 =	simm.s32 @p2 $0x1  }
0x17: {  	s4 =	simm.s32 $0x1BF5;
	[smem:$0x3FB3] =	sst s0  }
0x18: {  	s0 =	sld [smem:$0x3F96];
	_ =	swait.ge [sflag:s4], $0x0  }
0x19: {  	s7 =	sld [smem:$0x3F97]  }
0x1a: {  	s8 =	sadd.s32 $0xFFFFE003, lr  }
0x1b: {  	s9 =	sadd.s32 $0xFFFFFEF7, lr;
	s5 =	simm.s32 $0xFFFFFFFF;
	p2 =	slt.u32 s8, $0xFFFFF086  }
0x1c: {  	p1 =	slt.u32 s9, $0xF7A;
	s5 =	simm.s32 @!p2 $0x0  }
0x1d: {  	s5 =	simm.s32 @p1 $0x1;
	p0 =	seq.s32 s7, s2  }
0x1e: {  	s7 =	smul.u32 @!p0 $0xF7A, s2;
	p2 =	seq.s32 @!p0 s5, $0x0  }
0x1f: {  	s9 =	smul.u32 $0xF7A, s1;
	s8 =	simm.s32 @!p0 $0x1BF5;
	p2 =	por !p2, p0  }
0x20: {  	[sflag:s8] =	ssyncset.s32 @!p0 $0xFFFFF086;
	s6 =	sadd.s32 @!p0 s3, s7;
	s7 =	simm.s32 @!p0 $0x108  }
0x21: {  	s3 =	sadd.s32 s3, s9;
	s6 =	sadd.s32 @!p0 $0x88, s6;
	s7 =	simm.s32 @p2 $0x1082  }
0x22: {  	[simem:s7], [sflag:s8] =	dma.local @!p0 [hbm:s6], $0xF7A  }
0x23: {  	s9 =	sor.u32 $0xD0000000, s2;
	s6 =	simm.s32 $0x108;
	_ =	swait.ge @!p0 [sflag:s8], $0x0  }
0x24: {  	s3 =	sadd.s32 $0x88, s3;
	s6 =	simm.s32 @!p1 $0x1082;
	[sflag:s4] =	ssyncset.s32 $0xFFFFF086  }
0x25: {  	[simem:s6], [sflag:s4] =	dma.local [hbm:s3], $0xF7A  }
0x26: {  	[smem:$0x3F97] =	sst s1;
	(tag) =	ssettag s2;
	_ =	strace s9  }
0x27: {  	s1 =	sld [smem:$0x3FA7]  }
0x28: {  	s2 =	sld [smem:$0x3FA8]  }
0x29: {  	s4 =	sld [smem:$0x3FAA]  }
0x2a: {  	p0 =	seq.s32 s5, $0x0;
	s5 =	sld [smem:$0x3FAB]  }
0x2b: {  	s6 =	sld [smem:$0x3FAC]  }
0x2c: {  	s7 =	sld [smem:$0x3FAD]  }
0x2d: {  	s3 =	simm.s32 $0x108;
	s8 =	sld [smem:$0x3FAE]  }
0x2e: {  	s3 =	simm.s32 @!p0 $0x1082;
	s9 =	sld [smem:$0x3FAF]  }
0x2f: {  	lr =	sadd.s32 s0, s3;
	s0 =	sld [smem:$0x3FA6]  }
0x30: {  	s3 =	sld [smem:$0x3FA9]  }
0x31: {  	[smem:$0x3FB2] =	sst s10  }
0x32: {  	s10 =	sld [smem:$0x3FB0];
	_ =	sdelay $0x3  }
0x33: {  	p0 =	seq.s32 s10, $0x1;
	s10 =	sld [smem:$0x3FB2];
	_ =	sdelay $0x3  }
0x34: {  	[smem:$0x3FB2] =	sst s10  }
0x35: {  	s10 =	sld [smem:$0x3FB1];
	_ =	sdelay $0x3  }
0x36: {  	p1 =	seq.s32 s10, $0x1;
	s10 =	sld [smem:$0x3FB2];
	_ =	sdelay $0x3  }
0x37: {  	[smem:$0x3FB2] =	sst s10  }
0x38: {  	s10 =	sld [smem:$0x3FB3]  }
0x39: {  	_ = 	snop;
	(pc) =	sbr.ind lr, $3  }
0x3a: {  	_ = 	snop  }
0x3b: {  	_ = 	snop  }
0x3c: {  	p2 =	seq.s32 s10, $0x1;
	s10 =	sld [smem:$0x3FB2]  }
0x3d: {  	_ =	shalt  }
0x3e: {  	_ =	shalt  }
0x3f: {  	_ =	shalt  }
0x40: {  	_ =	shalt  }
0x41: {  	_ =	shalt  }
0x42: {  	_ =	shalt  }
0x43: {  	_ =	shalt  }
0x44: {  	_ =	shalt  }
0x45: {  	_ =	shalt  }
0x46: {  	_ =	shalt  }
0x47: {  	_ =	shalt  }
0x48: {  	_ =	shalt  }
0x49: {  	_ =	shalt  }
0x4a: {  	_ =	shalt  }
0x4b: {  	_ =	shalt  }
0x4c: {  	_ =	shalt  }
0x4d: {  	_ =	shalt  }
0x4e: {  	_ =	shalt  }
0x4f: {  	_ =	shalt  }
0x50: {  	_ =	shalt  }
0x51: {  	_ =	shalt  }
0x52: {  	_ =	shalt  }
0x53: {  	_ =	shalt  }
0x54: {  	_ =	shalt  }
0x55: {  	_ =	shalt  }
0x56: {  	_ =	shalt  }
0x57: {  	_ =	shalt  }
0x58: {  	_ =	shalt  }
0x59: {  	_ =	shalt  }
0x5a: {  	_ =	shalt  }
0x5b: {  	_ =	shalt  }
0x5c: {  	_ =	shalt  }
0x5d: {  	_ =	shalt  }
0x5e: {  	_ =	shalt  }
0x5f: {  	_ =	shalt  }
0x60: {  	_ =	shalt  }
0x61: {  	_ =	shalt  }
0x62: {  	_ =	shalt  }
0x63: {  	_ =	shalt  }
0x64: {  	_ =	shalt  }
0x65: {  	_ =	shalt  }
0x66: {  	_ =	shalt  }
0x67: {  	_ =	shalt  }
0x68: {  	_ =	shalt  }
0x69: {  	_ =	shalt  }
0x6a: {  	_ =	shalt  }
0x6b: {  	_ =	shalt  }
0x6c: {  	_ =	shalt  }
0x6d: {  	_ =	shalt  }
0x6e: {  	_ =	shalt  }
0x6f: {  	_ =	shalt  }
0x70: {  	_ =	shalt  }
0x71: {  	_ =	shalt  }
0x72: {  	_ =	shalt  }
0x73: {  	_ =	shalt  }
0x74: {  	_ =	shalt  }
0x75: {  	_ =	shalt  }
0x76: {  	_ =	shalt  }
0x77: {  	_ =	shalt  }
0x78: {  	_ =	shalt  }
0x79: {  	_ =	shalt  }
0x7a: {  	_ =	shalt  }
0x7b: {  	_ =	shalt  }
0x7c: {  	_ =	shalt  }
0x7d: {  	_ =	shalt  }
0x7e: {  	_ =	shalt  }
0x7f: {  	_ =	shalt  }
0x80: {  	_ =	shalt  }
0x81: {  	_ =	shalt  }
0x82: {  	_ =	shalt  }
0x83: {  	_ =	shalt  }
0x84: {  	_ =	shalt  }
0x85: {  	_ =	shalt  }
0x86: {  	_ =	shalt  }
0x87: {  	_ =	shalt  }
.Lfunc_end0:
.L_simem_size_0:
called_computation_lowered:
.L_overlay_start_0:
0x88: {  	s2 =	sld [smem:$0x3FD9]  }
0x89: {  	s3 =	sld [smem:$0x3FFE];
	_ =	sdelay $0x1  }
0x8a: {  	s1 =	srdreg.scid  }
0x8b: {  	s0 =	sand.u32 $0x1, s1  }
0x8c: {  	s14 =	sshll.u32 s0, $0xA;
	s2 =	sadd.s32 s3, s2  }
0x8d: {  	s2 =	sadd.s32 s2, s14  }
0x8e: {  	[smem:$0x3FBE] =	sst s2  }
0x8f: {  	_ = 	snop  }
0x90: {  	s2 =	sld [smem:$0x3FD0];
	_ =	sdelay $0x2  }
0x91: {  	s15 =	simm.s32 $0xA;
	s4 =	simm.s32 $0x10  }
0x92: {  	[smem:s4], [sflag:s15] =	dma.local [hbm:s2], $0x1  }
0x93: {  	_ =	swait.eq [sflag:s15], $0x1  }
0x94: {  	[sflag:s15] =	ssyncset.done $0x0  }
0x95: {  	[sflag:s15] =	ssyncadd.s32 $0xFFFFFFFF  }
0x96: {  	s16 =	sld [smem:$0x11];
	(tm) =	ssettm $0x1  }
0x97: {  	s17 =	sld [smem:$0x3FFB];
	_ =	sdelay $0x3  }
0x98: {  	_ =	strace s17  }
0x99: {  	s3 =	sld [smem:$0x3FFC];
	_ =	sdelay $0x3  }
0x9a: {  	_ =	strace s3  }
0x9b: {  	s3 =	sld [smem:$0x3FFD];
	_ =	sdelay $0x3  }
0x9c: {  	_ =	strace s3  }
0x9d: {  	_ =	strace $0x8FFFFFFF  }
0x9e: {  	s18 =	sld [smem:$0x3FDB];
	_ =	sdelay $0x1  }
0x9f: {  	s19 =	simm.s32 $_scs_section_size  }
0xa0: {  	s5 =	simm.s32 $_size__tile_overlayer_lowered;
	s6 =	simm.s32 $_tile_overlayer_lowered  }
0xa1: {  	s22 =	simm.s32 $0x1BFF;
	s21 =	sshll.u32 s6, $0x1;
	s3 =	sadd.s32 s19, s18  }
0xa2: {  	s7 =	simm.s32 $0x0;
	s20 =	sshll.u32 s5, $0x1;
	s5 =	sadd.s32 s21, s3  }
0xa3: {  	[timem:s7], [sflag:s22] =	dma.local [hbm:s5], s20  }
0xa4: {  	_ =	swait.ge [sflag:s22], s20  }
0xa5: {  	s4 =	ssub.s32 $0x0, s20;
	[sflag:s22] =	ssyncset.done $0x0  }
0xa6: {  	[sflag:s22] =	ssyncadd.s32 s4;
	_ =	sdelay $0x1  }
0xa7: {  	s23 =	simm.s32 $0x1B8B  }
0xa8: {  	_ =	swait.ge [sflag:s23], $0x1  }
0xa9: {  	[sflag:s23] =	ssyncset.done $0x0  }
0xaa: {  	s25 =	simm.s32 $0x1B8E;
	s24 =	sld [smem:$0x3FFE];
	[sflag:s23] =	ssyncadd.s32 $0xFFFFFFFF  }
0xab: {  	s26 =	simm.s32 $execute0_lowered;
	[smem:$0x3FD2] =	sst s25  }
0xac: {  	s5 =	sshll.u32 s26, $0x1;
	_ =	strace $0x80000046;
	[dreg:$0x1] =	wrdreg $0xFFFFFFFF  }
0xad: {  	s28 =	simm.s32 $_size_execute0_lowered;
	s3 =	sadd.s32 s3, s5;
	[dreg:$0x0] =	wrdreg $0x0  }
0xae: {  	s5 =	sshll.u32 s28, $0x1;
	[dreg:$0x2] =	wrdreg s3  }
0xaf: {  	[dreg:$0x3] =	wrdreg s5  }
0xb0: {  	[dreg:$0x4] =	wrdreg $0xC0  }
0xb1: {  	_ =	task [dreg:s7], $0x5FFFF  }
0xb2: {  	[dreg:$0x1] =	wrdreg $0xFFFFFFFF  }
0xb3: {  	[dreg:$0x0] =	wrdreg $0x60  }
0xb4: {  	[dreg:$0x2] =	wrdreg s16  }
0xb5: {  	[dreg:$0x3] =	wrdreg s24  }
0xb6: {  	[dreg:$0x4] =	wrdreg $0x0  }
0xb7: {  	[dreg:$0x5] =	wrdreg $0x9  }
0xb8: {  	_ =	task.clear_ibuf [dreg:s7], $0x6FFFF;
	_ =	strace $0x90000046  }
0xb9: {  	s29 =	simm.s32 $0x9;
	_ =	strace $0x80000048  }
0xba: {  	_ =	swait.ge [sflag:s29], $0x1  }
0xbb: {  	[sflag:s29] =	ssyncadd.s32 $0xFFFFFFFF  }
0xbc: {  	_ =	strace $0x90000048  }
0xbd: {  	_ =	sfence  }
0xbe: {  	s30 =	sld [smem:$0x0];
	_ =	sdelay $0x2  }
0xbf: {  	s31 =	sshll.u32 s1, $0xD;
	s1 =	sshrl.u32 s1, $0x2  }
0xc0: {  	s3 =	sand.u32 $0x4000, s31;
	s1 =	sadd.s32 s1, s30  }
0xc1: {  	s0 =	sor.u32 s3, s0;
	s1 =	sshll.u32 s1, $0x11  }
0xc2: {  	s0 =	sor.u32 s1, s0  }
0xc3: {  	s0 =	sadd.s32 $0x8F2B, s0  }
0xc4: {  	[sflag:s0] =	ssyncadd.remote.s32 $0x1  }
0xc5: {  	_ =	sfence.sel $0xFFFF  }
0xc6: {  	[dreg:$0x0] =	wrdreg $0xFFFFFFFF;
	(pc) =	sbr.abs _section_cstart, $3  }
0xc7: {  	[dreg:$0x1] =	wrdreg $0xFFFFFFFF  }
0xc8: {  	_ =	task.clear_ibuf [dreg:s7], $0x2FFFF;
	_ =	strace $0x9FFFFFFF  }
0xc9: {  	(tm) =	ssettm $0x7FFFFFFF  }
tec
execute0_lowered:
.L_overlay_start_1:
0x0: {  	(tag) =	ssettag $0x1  }
0x1: {  	s0 =	rddreg [dreg:$0x0]  }
0x2: {  	s3 =	rddreg [dreg:$0x1]  }
0x3: {  	s1 =	rddreg [dreg:$0x2]  }
0x4: {  	s2 =	srdreg.scid;
	s25 =	stileid.u32;
	s22 =	simm.s32 $0x6C80  }
0x5: {  	s23 =	simm.s32 $0x2;
	s24 =	simm.s32 $0x2800;
	s26 =	simm.s32 $0x80  }
0x6: {  	s28 =	simm.s32 $0x2C00;
	s29 =	simm.s32 $0x2C80;
	s30 =	simm.s32 $0x0  }
0x7: {  	s10 =	sand.u32 $0x1, s2;
	s2 =	simm.s32 $0x0;
	s5 =	smul.u32 $0x50000, s25  }
0x8: {  	s18 =	smul.u32 $0x1400, s25;
	p0 =	sne.s32 s25, $0x0;
	s25 =	simm.s32 $0x1  }
0x9: {  	s4 =	smul.u32 $0x28000, s10;
	[smem:$0x7FF] =	sst s2;
	s6 =	ssub.s32 $0x2, s10  }
0xa: {  	s17 =	smul.u32 $0x14000, s10;
	_ =	strace $0x80000047;
	s31 =	sshrl.u32 s6, $0x1  }
0xb: {  	s5 =	sshrl.u32 s5, $0x2;
	s3 =	sadd.s32 s4, s3;
	s6 =	ssub.s32 s6, s31  }
0xc: {  	s4 =	sadd.s32 s5, s1;
	s19 =	sadd.s32 s18, s17;
	s3 =	sadd.s32 $0x3C00, s3  }
0xd: {  	s5 =	smax.u32 s6, $0x1;
	s6 =	sadd.s32 $0x1400, s4;
	s7 =	sadd.s32 $0x2800, s4  }
0xe: {  	s8 =	sadd.s32 $0x3C00, s4;
	s9 =	sadd.s32 $0x5000, s4;
	s10 =	sadd.s32 $0x6400, s4  }
0xf: {  	s11 =	sadd.s32 $0x7800, s4;
	s12 =	sadd.s32 $0x8C00, s4;
	s13 =	sadd.s32 $0xA000, s4  }
0x10: {  	s14 =	sadd.s32 $0xB400, s4;
	s15 =	sadd.s32 $0xC800, s4;
	s16 =	sadd.s32 $0xDC00, s4  }
0x11: {  	s17 =	sadd.s32 $0xF000, s4;
	s18 =	sadd.s32 $0x10400, s4;
	s21 =	sshrl.u32 s19, $0x3  }
0x12: {  	v0 =	vimm.f32 $0.0e+00;
	v1 =	vimm.f32 $1.000000000e+00;
	s19 =	sadd.s32 $0x11800, s4;
	s20 =	sadd.s32 $0x12C00, s4;
	s21 =	sadd.s32 s21, s0  }
.LBB2_1:
0x13: {  	[tilespmem:$0x6C80] =	vst v0  }
0x14: {  	[tilespmem:$0x6D00] =	vst v0  }
0x15: {  	[tilespmem:$0x6D80] =	vst v0  }
0x16: {  	[tilespmem:$0x6E00] =	vst v0  }
0x17: {  	[tilespmem:$0x6E80] =	vst v0  }
0x18: {  	[tilespmem:$0x6F00] =	vst v0  }
0x19: {  	[tilespmem:$0x6F80] =	vst v0  }
0x1a: {  	[tilespmem:$0x7000] =	vst v0  }
0x1b: {  	[tilespmem:$0x7080] =	vst v0  }
0x1c: {  	[tilespmem:$0x7100] =	vst v0  }
0x1d: {  	[tilespmem:$0x7180] =	vst v0  }
0x1e: {  	[tilespmem:$0x7200] =	vst v0  }
0x1f: {  	[tilespmem:$0x7280] =	vst v0  }
0x20: {  	[tilespmem:$0x7300] =	vst v0  }
0x21: {  	[tilespmem:$0x7380] =	vst v0  }
0x22: {  	[tilespmem:$0x7400] =	vst v0  }
0x23: {  	[tilespmem:$0x7480] =	vst v0  }
0x24: {  	[tilespmem:$0x7500] =	vst v0  }
0x25: {  	[tilespmem:$0x7580] =	vst v0  }
0x26: {  	[tilespmem:$0x7600] =	vst v0  }
0x27: {  	[tilespmem:$0x7680] =	vst v0  }
0x28: {  	[tilespmem:$0x7700] =	vst v0  }
0x29: {  	[tilespmem:$0x7780] =	vst v0  }
0x2a: {  	[tilespmem:$0x7800] =	vst v0  }
0x2b: {  	[tilespmem:$0x7880] =	vst v0  }
0x2c: {  	[tilespmem:$0x7900] =	vst v0  }
0x2d: {  	[tilespmem:$0x7980] =	vst v0  }
0x2e: {  	[tilespmem:$0x7A00] =	vst v0  }
0x2f: {  	[tilespmem:$0x7A80] =	vst v0  }
0x30: {  	[tilespmem:$0x7B00] =	vst v0  }
0x31: {  	[tilespmem:$0x7B80] =	vst v0  }
0x32: {  	[tilespmem:$0x7C00] =	vst v0  }
0x33: {  	[tilespmem:$0x7C80] =	vst v0  }
0x34: {  	[tilespmem:$0x7D00] =	vst v0  }
0x35: {  	[tilespmem:$0x7D80] =	vst v0  }
0x36: {  	[tilespmem:$0x7E00] =	vst v0  }
0x37: {  	[tilespmem:$0x7E80] =	vst v0  }
0x38: {  	[tilespmem:$0x7F00] =	vst v0  }
0x39: {  	[tilespmem:$0x7F80] =	vst v0  }
0x3a: {  	[tilespmem:$0x8000] =	vst v0  }
0x3b: {  	[spmem:s4] =	stream.linear.scatter [tilespmem:s22], [sflag:$0x2], $0x1400, $0x38;
	[tilespmem:$0x8080] =	vst v63  }
0x3c: {  	_ =	swait.ge [sflag:s23], $0x1400  }
0x3d: {  	[sflag:s23] =	ssyncset.done $0x0  }
0x3e: {  	[sflag:s23] =	ssyncadd.s32 $0xFFFFEC00  }
0x3f: {  	[spmem:s6] =	stream.linear.scatter [tilespmem:s22], [sflag:$0x2], $0x1400, $0x38;
	[tilespmem:$0x8080] =	vst v63  }
0x40: {  	_ =	swait.ge [sflag:s23], $0x1400  }
0x41: {  	[sflag:s23] =	ssyncset.done $0x0  }
0x42: {  	[sflag:s23] =	ssyncadd.s32 $0xFFFFEC00  }
0x43: {  	[spmem:s7] =	stream.linear.scatter [tilespmem:s22], [sflag:$0x2], $0x1400, $0x38;
	[tilespmem:$0x8080] =	vst v63  }
0x44: {  	_ =	swait.ge [sflag:s23], $0x1400  }
0x45: {  	[sflag:s23] =	ssyncset.done $0x0  }
0x46: {  	[sflag:s23] =	ssyncadd.s32 $0xFFFFEC00  }
0x47: {  	[spmem:s8] =	stream.linear.scatter [tilespmem:s22], [sflag:$0x2], $0x1400, $0x38;
	[tilespmem:$0x8080] =	vst v63  }
0x48: {  	_ =	swait.ge [sflag:s23], $0x1400  }
0x49: {  	[sflag:s23] =	ssyncset.done $0x0  }
0x4a: {  	[sflag:s23] =	ssyncadd.s32 $0xFFFFEC00  }
0x4b: {  	[spmem:s9] =	stream.linear.scatter [tilespmem:s22], [sflag:$0x2], $0x1400, $0x38;
	[tilespmem:$0x8080] =	vst v63  }
0x4c: {  	_ =	swait.ge [sflag:s23], $0x1400  }
0x4d: {  	[sflag:s23] =	ssyncset.done $0x0  }
0x4e: {  	[sflag:s23] =	ssyncadd.s32 $0xFFFFEC00  }
0x4f: {  	[spmem:s10] =	stream.linear.scatter [tilespmem:s22], [sflag:$0x2], $0x1400, $0x38;
	[tilespmem:$0x8080] =	vst v63  }
0x50: {  	_ =	swait.ge [sflag:s23], $0x1400  }
0x51: {  	[sflag:s23] =	ssyncset.done $0x0  }
0x52: {  	[sflag:s23] =	ssyncadd.s32 $0xFFFFEC00  }
0x53: {  	[spmem:s11] =	stream.linear.scatter [tilespmem:s22], [sflag:$0x2], $0x1400, $0x38;
	[tilespmem:$0x8080] =	vst v63  }
0x54: {  	_ =	swait.ge [sflag:s23], $0x1400  }
0x55: {  	[sflag:s23] =	ssyncset.done $0x0  }
0x56: {  	[sflag:s23] =	ssyncadd.s32 $0xFFFFEC00  }
0x57: {  	[spmem:s12] =	stream.linear.scatter [tilespmem:s22], [sflag:$0x2], $0x1400, $0x38;
	[tilespmem:$0x8080] =	vst v63  }
0x58: {  	_ =	swait.ge [sflag:s23], $0x1400  }
0x59: {  	[sflag:s23] =	ssyncset.done $0x0  }
0x5a: {  	[sflag:s23] =	ssyncadd.s32 $0xFFFFEC00  }
0x5b: {  	[spmem:s13] =	stream.linear.scatter [tilespmem:s22], [sflag:$0x2], $0x1400, $0x38;
	[tilespmem:$0x8080] =	vst v63  }
0x5c: {  	_ =	swait.ge [sflag:s23], $0x1400  }
0x5d: {  	[sflag:s23] =	ssyncset.done $0x0  }
0x5e: {  	[sflag:s23] =	ssyncadd.s32 $0xFFFFEC00  }
0x5f: {  	[spmem:s14] =	stream.linear.scatter [tilespmem:s22], [sflag:$0x2], $0x1400, $0x38;
	[tilespmem:$0x8080] =	vst v63  }
0x60: {  	_ =	swait.ge [sflag:s23], $0x1400  }
0x61: {  	[sflag:s23] =	ssyncset.done $0x0  }
0x62: {  	[sflag:s23] =	ssyncadd.s32 $0xFFFFEC00  }
0x63: {  	[spmem:s15] =	stream.linear.scatter [tilespmem:s22], [sflag:$0x2], $0x1400, $0x38;
	[tilespmem:$0x8080] =	vst v63  }
0x64: {  	_ =	swait.ge [sflag:s23], $0x1400  }
0x65: {  	[sflag:s23] =	ssyncset.done $0x0  }
0x66: {  	[sflag:s23] =	ssyncadd.s32 $0xFFFFEC00  }
0x67: {  	[spmem:s16] =	stream.linear.scatter [tilespmem:s22], [sflag:$0x2], $0x1400, $0x38;
	[tilespmem:$0x8080] =	vst v63  }
0x68: {  	_ =	swait.ge [sflag:s23], $0x1400  }
0x69: {  	[sflag:s23] =	ssyncset.done $0x0  }
0x6a: {  	[sflag:s23] =	ssyncadd.s32 $0xFFFFEC00  }
0x6b: {  	[spmem:s17] =	stream.linear.scatter [tilespmem:s22], [sflag:$0x2], $0x1400, $0x38;
	[tilespmem:$0x8080] =	vst v63  }
0x6c: {  	_ =	swait.ge [sflag:s23], $0x1400  }
0x6d: {  	[sflag:s23] =	ssyncset.done $0x0  }
0x6e: {  	[sflag:s23] =	ssyncadd.s32 $0xFFFFEC00  }
0x6f: {  	[spmem:s18] =	stream.linear.scatter [tilespmem:s22], [sflag:$0x2], $0x1400, $0x38;
	[tilespmem:$0x8080] =	vst v63  }
0x70: {  	_ =	swait.ge [sflag:s23], $0x1400  }
0x71: {  	[sflag:s23] =	ssyncset.done $0x0  }
0x72: {  	[sflag:s23] =	ssyncadd.s32 $0xFFFFEC00  }
0x73: {  	[spmem:s19] =	stream.linear.scatter [tilespmem:s22], [sflag:$0x2], $0x1400, $0x38;
	[tilespmem:$0x8080] =	vst v63  }
0x74: {  	_ =	swait.ge [sflag:s23], $0x1400  }
0x75: {  	[sflag:s23] =	ssyncset.done $0x0  }
0x76: {  	[sflag:s23] =	ssyncadd.s32 $0xFFFFEC00  }
0x77: {  	[spmem:s20] =	stream.linear.scatter [tilespmem:s22], [sflag:$0x2], $0x1400, $0x38;
	[tilespmem:$0x8080] =	vst v63  }
0x78: {  	_ =	swait.ge [sflag:s23], $0x1400  }
0x79: {  	[sflag:s23] =	ssyncset.done $0x0  }
0x7a: {  	s31 =	simm.s32 $0x200;
	s0 =	simm.s32 $0x0;
	[sflag:s23] =	ssyncadd.s32 $0xFFFFEC00  }
.LBB2_2:
0x7b: {  	p1 =	sne.s32 s31, $0xFE00;
	[tilespmem:s0+$0x2C80] =	vst v1;
	s0 =	smov.u32 s31;
	s31 =	sadd.s32 $0x200, s31  }
.Ltmp0:
0x7c: {  	(pc) =	sbr.rel @p1 .LBB2_2-.Ltmp0, $2  }
0x7d: {  	_ =	sdelay $0x2  }
0x7e: {  	s0 =	sshra.s32 s0, $0x2  }
0x7f: {  	[tilespmem:s0+$0x2C80] =	vst v1  }
0x80: {  	s31 =	simm.s32 $0x0;
	[bflag:$0x0] =	sbarrier.arrive $0xFFFF  }
.LBB2_4:
0x81: {  	s0 =	sadd.s32 s31, s21  }
0x82: {  	[tilespmem:s24], [sflag:$0x1] =	stream.linear.gather [hbm4b:s0+s2], $0x400, $0x38;
	[tilespmem:$0x8080] =	vst v63  }
0x83: {  	_ =	swait.ge [sflag:s25], $0x400  }
0x84: {  	[sflag:s25] =	ssyncset.done $0x0  }
0x85: {  	[sflag:s25] =	ssyncadd.s32 $0xFFFFFC00  }
0x86: {  	v2 =	vld [tilespmem:$0x2800]  }
0x87: {  	v3 =	vld [tilespmem:$0x2810]  }
0x88: {  	v4 =	vld [tilespmem:$0x2820]  }
0x89: {  	v5 =	vld [tilespmem:$0x2830]  }
0x8a: {  	v6 =	vld [tilespmem:$0x2840]  }
0x8b: {  	v35 =	vld [tilespmem:$0x2870];
	[tilespmem:$0x2C00] =	vst v2  }
0x8c: {  	v2 =	vld [tilespmem:$0x2850];
	[tilespmem:$0x2C10] =	vst v3  }
0x8d: {  	v3 =	vld [tilespmem:$0x2860];
	[tilespmem:$0x2C20] =	vst v4  }
0x8e: {  	[tilespmem:$0x2C30] =	vst v5  }
0x8f: {  	[tilespmem:$0x2C40] =	vst v6  }
0x90: {  	[tilespmem:$0x2C70] =	vst v35  }
0x91: {  	[tilespmem:$0x2C50] =	vst v2  }
0x92: {  	[tilespmem:$0x2C60] =	vst v3  }
0x93: {  	[spmem:s1] =	stream.indirect.scatter.add.f32 [tilespmem:s29], [sflag:$0x2], $0x10, s28, s26, $0xb8;
	[tilespmem:$0x8080] =	vst v63  }
0x94: {  	_ =	swait.ge [sflag:s23], $0x800  }
0x95: {  	[sflag:s23] =	ssyncset.done $0x0  }
0x96: {  	[sflag:s23] =	ssyncadd.s32 $0xFFFFF800  }
0x97: {  	v2 =	vld [tilespmem:$0x2880]  }
0x98: {  	v3 =	vld [tilespmem:$0x2890]  }
0x99: {  	v36 =	vld [tilespmem:$0x28A0]  }
0x9a: {  	v37 =	vld [tilespmem:$0x28B0]  }
0x9b: {  	v38 =	vld [tilespmem:$0x28C0]  }
0x9c: {  	v39 =	vld [tilespmem:$0x28F0];
	[tilespmem:$0x2C00] =	vst v2  }
0x9d: {  	v2 =	vld [tilespmem:$0x28D0];
	[tilespmem:$0x2C10] =	vst v3  }
0x9e: {  	v3 =	vld [tilespmem:$0x28E0];
	[tilespmem:$0x2C20] =	vst v36  }
0x9f: {  	[tilespmem:$0x2C30] =	vst v37  }
0xa0: {  	[tilespmem:$0x2C40] =	vst v38  }
0xa1: {  	[tilespmem:$0x2C70] =	vst v39  }
0xa2: {  	[tilespmem:$0x2C50] =	vst v2  }
0xa3: {  	[tilespmem:$0x2C60] =	vst v3  }
0xa4: {  	[spmem:s1] =	stream.indirect.scatter.add.f32 [tilespmem:s29], [sflag:$0x2], $0x10, s28, s26, $0xb8;
	[tilespmem:$0x8080] =	vst v63  }
0xa5: {  	_ =	swait.ge [sflag:s23], $0x800  }
0xa6: {  	[sflag:s23] =	ssyncset.done $0x0  }
0xa7: {  	[sflag:s23] =	ssyncadd.s32 $0xFFFFF800  }
0xa8: {  	v2 =	vld [tilespmem:$0x2900]  }
0xa9: {  	v3 =	vld [tilespmem:$0x2910]  }
0xaa: {  	v40 =	vld [tilespmem:$0x2920]  }
0xab: {  	v41 =	vld [tilespmem:$0x2930]  }
0xac: {  	v42 =	vld [tilespmem:$0x2940]  }
0xad: {  	v43 =	vld [tilespmem:$0x2970];
	[tilespmem:$0x2C00] =	vst v2  }
0xae: {  	v2 =	vld [tilespmem:$0x2950];
	[tilespmem:$0x2C10] =	vst v3  }
0xaf: {  	v3 =	vld [tilespmem:$0x2960];
	[tilespmem:$0x2C20] =	vst v40  }
0xb0: {  	[tilespmem:$0x2C30] =	vst v41  }
0xb1: {  	[tilespmem:$0x2C40] =	vst v42  }
0xb2: {  	[tilespmem:$0x2C70] =	vst v43  }
0xb3: {  	[tilespmem:$0x2C50] =	vst v2  }
0xb4: {  	[tilespmem:$0x2C60] =	vst v3  }
0xb5: {  	[spmem:s1] =	stream.indirect.scatter.add.f32 [tilespmem:s29], [sflag:$0x2], $0x10, s28, s26, $0xb8;
	[tilespmem:$0x8080] =	vst v63  }
0xb6: {  	_ =	swait.ge [sflag:s23], $0x800  }
0xb7: {  	[sflag:s23] =	ssyncset.done $0x0  }
0xb8: {  	[sflag:s23] =	ssyncadd.s32 $0xFFFFF800  }
0xb9: {  	v2 =	vld [tilespmem:$0x2980]  }
0xba: {  	v3 =	vld [tilespmem:$0x2990]  }
0xbb: {  	v44 =	vld [tilespmem:$0x29A0]  }
0xbc: {  	v45 =	vld [tilespmem:$0x29B0]  }
0xbd: {  	v46 =	vld [tilespmem:$0x29C0]  }
0xbe: {  	v47 =	vld [tilespmem:$0x29F0];
	[tilespmem:$0x2C00] =	vst v2  }
0xbf: {  	v2 =	vld [tilespmem:$0x29D0];
	[tilespmem:$0x2C10] =	vst v3  }
0xc0: {  	v3 =	vld [tilespmem:$0x29E0];
	[tilespmem:$0x2C20] =	vst v44  }
0xc1: {  	[tilespmem:$0x2C30] =	vst v45  }
0xc2: {  	[tilespmem:$0x2C40] =	vst v46  }
0xc3: {  	[tilespmem:$0x2C70] =	vst v47  }
0xc4: {  	[tilespmem:$0x2C50] =	vst v2  }
0xc5: {  	[tilespmem:$0x2C60] =	vst v3  }
0xc6: {  	[spmem:s1] =	stream.indirect.scatter.add.f32 [tilespmem:s29], [sflag:$0x2], $0x10, s28, s26, $0xb8;
	[tilespmem:$0x8080] =	vst v63  }
0xc7: {  	_ =	swait.ge [sflag:s23], $0x800  }
0xc8: {  	[sflag:s23] =	ssyncset.done $0x0  }
0xc9: {  	[sflag:s23] =	ssyncadd.s32 $0xFFFFF800  }
0xca: {  	v2 =	vld [tilespmem:$0x2A00]  }
0xcb: {  	v3 =	vld [tilespmem:$0x2A10]  }
0xcc: {  	v48 =	vld [tilespmem:$0x2A20]  }
0xcd: {  	v49 =	vld [tilespmem:$0x2A30]  }
0xce: {  	v50 =	vld [tilespmem:$0x2A40]  }
0xcf: {  	v51 =	vld [tilespmem:$0x2A70];
	[tilespmem:$0x2C00] =	vst v2  }
0xd0: {  	v2 =	vld [tilespmem:$0x2A50];
	[tilespmem:$0x2C10] =	vst v3  }
0xd1: {  	v3 =	vld [tilespmem:$0x2A60];
	[tilespmem:$0x2C20] =	vst v48  }
0xd2: {  	[tilespmem:$0x2C30] =	vst v49  }
0xd3: {  	[tilespmem:$0x2C40] =	vst v50  }
0xd4: {  	[tilespmem:$0x2C70] =	vst v51  }
0xd5: {  	[tilespmem:$0x2C50] =	vst v2  }
0xd6: {  	[tilespmem:$0x2C60] =	vst v3  }
0xd7: {  	[spmem:s1] =	stream.indirect.scatter.add.f32 [tilespmem:s29], [sflag:$0x2], $0x10, s28, s26, $0xb8;
	[tilespmem:$0x8080] =	vst v63  }
0xd8: {  	_ =	swait.ge [sflag:s23], $0x800  }
0xd9: {  	[sflag:s23] =	ssyncset.done $0x0  }
0xda: {  	[sflag:s23] =	ssyncadd.s32 $0xFFFFF800  }
0xdb: {  	v2 =	vld [tilespmem:$0x2A80]  }
0xdc: {  	v3 =	vld [tilespmem:$0x2A90]  }
0xdd: {  	v52 =	vld [tilespmem:$0x2AA0]  }
0xde: {  	v53 =	vld [tilespmem:$0x2AB0]  }
0xdf: {  	v54 =	vld [tilespmem:$0x2AC0]  }
0xe0: {  	v55 =	vld [tilespmem:$0x2AF0];
	[tilespmem:$0x2C00] =	vst v2  }
0xe1: {  	v2 =	vld [tilespmem:$0x2AD0];
	[tilespmem:$0x2C10] =	vst v3  }
0xe2: {  	v3 =	vld [tilespmem:$0x2AE0];
	[tilespmem:$0x2C20] =	vst v52  }
0xe3: {  	[tilespmem:$0x2C30] =	vst v53  }
0xe4: {  	[tilespmem:$0x2C40] =	vst v54  }
0xe5: {  	[tilespmem:$0x2C70] =	vst v55  }
0xe6: {  	[tilespmem:$0x2C50] =	vst v2  }
0xe7: {  	[tilespmem:$0x2C60] =	vst v3  }
0xe8: {  	[spmem:s1] =	stream.indirect.scatter.add.f32 [tilespmem:s29], [sflag:$0x2], $0x10, s28, s26, $0xb8;
	[tilespmem:$0x8080] =	vst v63  }
0xe9: {  	_ =	swait.ge [sflag:s23], $0x800  }
0xea: {  	[sflag:s23] =	ssyncset.done $0x0  }
0xeb: {  	[sflag:s23] =	ssyncadd.s32 $0xFFFFF800  }
0xec: {  	v2 =	vld [tilespmem:$0x2B00]  }
0xed: {  	v3 =	vld [tilespmem:$0x2B10]  }
0xee: {  	v56 =	vld [tilespmem:$0x2B20]  }
0xef: {  	v57 =	vld [tilespmem:$0x2B30]  }
0xf0: {  	v58 =	vld [tilespmem:$0x2B40]  }
0xf1: {  	v59 =	vld [tilespmem:$0x2B70];
	[tilespmem:$0x2C00] =	vst v2  }
0xf2: {  	v2 =	vld [tilespmem:$0x2B50];
	[tilespmem:$0x2C10] =	vst v3  }
0xf3: {  	v3 =	vld [tilespmem:$0x2B60];
	[tilespmem:$0x2C20] =	vst v56  }
0xf4: {  	[tilespmem:$0x2C30] =	vst v57  }
0xf5: {  	[tilespmem:$0x2C40] =	vst v58  }
0xf6: {  	[tilespmem:$0x2C70] =	vst v59  }
0xf7: {  	[tilespmem:$0x2C50] =	vst v2  }
0xf8: {  	[tilespmem:$0x2C60] =	vst v3  }
0xf9: {  	[spmem:s1] =	stream.indirect.scatter.add.f32 [tilespmem:s29], [sflag:$0x2], $0x10, s28, s26, $0xb8;
	[tilespmem:$0x8080] =	vst v63  }
0xfa: {  	_ =	swait.ge [sflag:s23], $0x800  }
0xfb: {  	[sflag:s23] =	ssyncset.done $0x0  }
0xfc: {  	[sflag:s23] =	ssyncadd.s32 $0xFFFFF800  }
0xfd: {  	v2 =	vld [tilespmem:$0x2B80]  }
0xfe: {  	v3 =	vld [tilespmem:$0x2B90]  }
0xff: {  	v60 =	vld [tilespmem:$0x2BA0]  }
0x100: {  	v61 =	vld [tilespmem:$0x2BB0]  }
0x101: {  	v62 =	vld [tilespmem:$0x2BC0]  }
0x102: {  	v63 =	vld [tilespmem:$0x2BF0];
	[tilespmem:$0x2C00] =	vst v2  }
0x103: {  	v2 =	vld [tilespmem:$0x2BD0];
	[tilespmem:$0x2C10] =	vst v3  }
0x104: {  	v3 =	vld [tilespmem:$0x2BE0];
	[tilespmem:$0x2C20] =	vst v60  }
0x105: {  	[tilespmem:$0x2C30] =	vst v61  }
0x106: {  	[tilespmem:$0x2C40] =	vst v62  }
0x107: {  	[tilespmem:$0x2C70] =	vst v63  }
0x108: {  	p1 =	sne.s32 s31, $0x200;
	[tilespmem:$0x2C50] =	vst v2  }
.Ltmp1:
0x109: {  	[tilespmem:$0x2C60] =	vst v3;
	(pc) =	sbr.rel @p1 .LBB2_4-.Ltmp1, $4  }
0x10a: {  	[spmem:s1] =	stream.indirect.scatter.add.f32 [tilespmem:s29], [sflag:$0x2], $0x10, s28, s26, $0xb8;
	[tilespmem:$0x8080] =	vst v63  }
0x10b: {  	_ =	swait.ge [sflag:s23], $0x800  }
0x10c: {  	[sflag:s23] =	ssyncset.done $0x0  }
0x10d: {  	s31 =	sadd.s32 $0x80, s31;
	[sflag:s23] =	ssyncadd.s32 $0xFFFFF800  }
0x10e: {  	[bflag:$0x0] =	sbarrier.arrive $0xFFFF  }
0x10f: {  	s0 =	sshrl.u32 @!p0 s1, $0x3;
	s31 =	simm.s32 @!p0 $0x1C02;
	s30 =	sadd.s32 $0x1, s30  }
0x110: {  	[hbm:s3], [sflag:s31] =	dma.local @!p0 [spmem:s0], $0x28000  }
0x111: {  	p1 =	sne.s32 s30, s5  }
.Ltmp2:
0x112: {  	_ = 	snop;
	(pc) =	sbr.rel @p1 .LBB2_1-.Ltmp2, $4  }
0x113: {  	s0 =	simm.s32 @!p0 $0x2  }
0x114: {  	_ =	swait.ge @!p0 [sflag:s0], $0x28000  }
0x115: {  	[sflag:s0] =	ssyncset.done @!p0 $0x0  }
0x116: {  	[sflag:s0] =	ssyncadd.s32 @!p0 $0xFFFD8000  }
0x117: {  	_ =	sfence.sel $0x180000  }
0x118: {  	[bflag:$0x0] =	sbarrier.arrive $0xFFFF  }
0x119: {  	_ =	strace $0x90000047  }
0x11a: {  	[bflag:$0x2] =	sbarrier.arrive $0xFFFF  }
0x11b: {  	s0 =	rddreg [dreg:$0x3]  }
0x11c: {  	s0 =	sadd.s32 @!p0 $0x100000, s0  }
0x11d: {  	[sflag:s0] =	ssyncadd.tile.s32 @!p0 $0x1;
	_ =	shalt  }
.Lfunc_end2:
_tile_overlayer_lowered:
.L_overlay_start_2:
0x11e: {  	(tag) =	ssettag $0x2  }
0x11f: {  	s0 =	rddreg [dreg:$0x0];
	s2 =	stileid.u32  }
0x120: {  	s1 =	rddreg [dreg:$0x1];
	p0 =	sne.s32 s2, $0x0  }
0x121: {  	s3 =	rddreg [dreg:$0x2];
	[bflag:$0x3] =	sbarrier.arrive $0xFFFF;
	s2 =	simm.s32 @!p0 $0x1C02  }
0x122: {  	[timem:s3], [sflag:s2] =	dma.local @!p0 [hbm:s0], s1  }
0x123: {  	s0 =	simm.s32 @!p0 $0x2  }
0x124: {  	_ =	swait.ge @!p0 [sflag:s0], s1  }
0x125: {  	s1 =	ssub.s32 @!p0 $0x0, s1;
	[sflag:s0] =	ssyncset.done @!p0 $0x0  }
0x126: {  	[sflag:s0] =	ssyncadd.s32 @!p0 s1  }
0x127: {  	[bflag:$0x3] =	sbarrier.arrive $0xFFFF  }
0x128: {  	_ =	shalt  }

// kernel: kernel.13.cloned.1.call-start
scs
__scs_entry_jumppad:
0x0: {  	(pc) =	sbr.rel $0x88, $3  }
0x1: {  	(tag) =	ssettag $0x0;
	lr =	simm.s32 $0x1  }
0x2: {  	[smem:$0x3F97] =	sst lr;
	_ =	strace $0xD0000000  }
0x3: {  	_ = 	snop  }
0x4: {  	_ = 	snop  }
0x5: {  	_ = 	snop  }
0x6: {  	_ = 	snop  }
0x7: {  	_ = 	snop  }
__scs_overlays_trampoline_lowered:
0x8: {  	[smem:$0x3FA6] =	sst s0  }
0x9: {  	[smem:$0x3FA7] =	sst s1  }
0xa: {  	[smem:$0x3FA8] =	sst s2  }
0xb: {  	[smem:$0x3FA9] =	sst s3  }
0xc: {  	[smem:$0x3FAA] =	sst s4  }
0xd: {  	[smem:$0x3FAB] =	sst s5  }
0xe: {  	[smem:$0x3FAC] =	sst s6  }
0xf: {  	[smem:$0x3FAD] =	sst s7  }
0x10: {  	[smem:$0x3FAE] =	sst s8  }
0x11: {  	[smem:$0x3FAF] =	sst s9;
	s0 =	simm.s32 @!p0 $0x0  }
0x12: {  	s1 =	sld [smem:$0x3F95];
	s0 =	simm.s32 @p0 $0x1  }
0x13: {  	[smem:$0x3FB0] =	sst s0;
	s0 =	simm.s32 @!p1 $0x0  }
0x14: {  	s2 =	sld [smem:$0x3F94];
	s0 =	simm.s32 @p1 $0x1  }
0x15: {  	[smem:$0x3FB1] =	sst s0;
	s0 =	simm.s32 @!p2 $0x0  }
0x16: {  	s3 =	sld [smem:$0x3FDB];
	s0 =	simm.s32 @p2 $0x1  }
0x17: {  	s4 =	simm.s32 $0x1BF5;
	[smem:$0x3FB3] =	sst s0  }
0x18: {  	s0 =	sld [smem:$0x3F96];
	_ =	swait.ge [sflag:s4], $0x0  }
0x19: {  	s7 =	sld [smem:$0x3F97]  }
0x1a: {  	s8 =	sadd.s32 $0xFFFFE003, lr  }
0x1b: {  	s9 =	sadd.s32 $0xFFFFFEF7, lr;
	s5 =	simm.s32 $0xFFFFFFFF;
	p2 =	slt.u32 s8, $0xFFFFF086  }
0x1c: {  	p1 =	slt.u32 s9, $0xF7A;
	s5 =	simm.s32 @!p2 $0x0  }
0x1d: {  	s5 =	simm.s32 @p1 $0x1;
	p0 =	seq.s32 s7, s2  }
0x1e: {  	s7 =	smul.u32 @!p0 $0xF7A, s2;
	p2 =	seq.s32 @!p0 s5, $0x0  }
0x1f: {  	s9 =	smul.u32 $0xF7A, s1;
	s8 =	simm.s32 @!p0 $0x1BF5;
	p2 =	por !p2, p0  }
0x20: {  	[sflag:s8] =	ssyncset.s32 @!p0 $0xFFFFF086;
	s6 =	sadd.s32 @!p0 s3, s7;
	s7 =	simm.s32 @!p0 $0x108  }
0x21: {  	s3 =	sadd.s32 s3, s9;
	s6 =	sadd.s32 @!p0 $0x88, s6;
	s7 =	simm.s32 @p2 $0x1082  }
0x22: {  	[simem:s7], [sflag:s8] =	dma.local @!p0 [hbm:s6], $0xF7A  }
0x23: {  	s9 =	sor.u32 $0xD0000000, s2;
	s6 =	simm.s32 $0x108;
	_ =	swait.ge @!p0 [sflag:s8], $0x0  }
0x24: {  	s3 =	sadd.s32 $0x88, s3;
	s6 =	simm.s32 @!p1 $0x1082;
	[sflag:s4] =	ssyncset.s32 $0xFFFFF086  }
0x25: {  	[simem:s6], [sflag:s4] =	dma.local [hbm:s3], $0xF7A  }
0x26: {  	[smem:$0x3F97] =	sst s1;
	(tag) =	ssettag s2;
	_ =	strace s9  }
0x27: {  	s1 =	sld [smem:$0x3FA7]  }
0x28: {  	s2 =	sld [smem:$0x3FA8]  }
0x29: {  	s4 =	sld [smem:$0x3FAA]  }
0x2a: {  	p0 =	seq.s32 s5, $0x0;
	s5 =	sld [smem:$0x3FAB]  }
0x2b: {  	s6 =	sld [smem:$0x3FAC]  }
0x2c: {  	s7 =	sld [smem:$0x3FAD]  }
0x2d: {  	s3 =	simm.s32 $0x108;
	s8 =	sld [smem:$0x3FAE]  }
0x2e: {  	s3 =	simm.s32 @!p0 $0x1082;
	s9 =	sld [smem:$0x3FAF]  }
0x2f: {  	lr =	sadd.s32 s0, s3;
	s0 =	sld [smem:$0x3FA6]  }
0x30: {  	s3 =	sld [smem:$0x3FA9]  }
0x31: {  	[smem:$0x3FB2] =	sst s10  }
0x32: {  	s10 =	sld [smem:$0x3FB0];
	_ =	sdelay $0x3  }
0x33: {  	p0 =	seq.s32 s10, $0x1;
	s10 =	sld [smem:$0x3FB2];
	_ =	sdelay $0x3  }
0x34: {  	[smem:$0x3FB2] =	sst s10  }
0x35: {  	s10 =	sld [smem:$0x3FB1];
	_ =	sdelay $0x3  }
0x36: {  	p1 =	seq.s32 s10, $0x1;
	s10 =	sld [smem:$0x3FB2];
	_ =	sdelay $0x3  }
0x37: {  	[smem:$0x3FB2] =	sst s10  }
0x38: {  	s10 =	sld [smem:$0x3FB3]  }
0x39: {  	_ = 	snop;
	(pc) =	sbr.ind lr, $3  }
0x3a: {  	_ = 	snop  }
0x3b: {  	_ = 	snop  }
0x3c: {  	p2 =	seq.s32 s10, $0x1;
	s10 =	sld [smem:$0x3FB2]  }
0x3d: {  	_ =	shalt  }
0x3e: {  	_ =	shalt  }
0x3f: {  	_ =	shalt  }
0x40: {  	_ =	shalt  }
0x41: {  	_ =	shalt  }
0x42: {  	_ =	shalt  }
0x43: {  	_ =	shalt  }
0x44: {  	_ =	shalt  }
0x45: {  	_ =	shalt  }
0x46: {  	_ =	shalt  }
0x47: {  	_ =	shalt  }
0x48: {  	_ =	shalt  }
0x49: {  	_ =	shalt  }
0x4a: {  	_ =	shalt  }
0x4b: {  	_ =	shalt  }
0x4c: {  	_ =	shalt  }
0x4d: {  	_ =	shalt  }
0x4e: {  	_ =	shalt  }
0x4f: {  	_ =	shalt  }
0x50: {  	_ =	shalt  }
0x51: {  	_ =	shalt  }
0x52: {  	_ =	shalt  }
0x53: {  	_ =	shalt  }
0x54: {  	_ =	shalt  }
0x55: {  	_ =	shalt  }
0x56: {  	_ =	shalt  }
0x57: {  	_ =	shalt  }
0x58: {  	_ =	shalt  }
0x59: {  	_ =	shalt  }
0x5a: {  	_ =	shalt  }
0x5b: {  	_ =	shalt  }
0x5c: {  	_ =	shalt  }
0x5d: {  	_ =	shalt  }
0x5e: {  	_ =	shalt  }
0x5f: {  	_ =	shalt  }
0x60: {  	_ =	shalt  }
0x61: {  	_ =	shalt  }
0x62: {  	_ =	shalt  }
0x63: {  	_ =	shalt  }
0x64: {  	_ =	shalt  }
0x65: {  	_ =	shalt  }
0x66: {  	_ =	shalt  }
0x67: {  	_ =	shalt  }
0x68: {  	_ =	shalt  }
0x69: {  	_ =	shalt  }
0x6a: {  	_ =	shalt  }
0x6b: {  	_ =	shalt  }
0x6c: {  	_ =	shalt  }
0x6d: {  	_ =	shalt  }
0x6e: {  	_ =	shalt  }
0x6f: {  	_ =	shalt  }
0x70: {  	_ =	shalt  }
0x71: {  	_ =	shalt  }
0x72: {  	_ =	shalt  }
0x73: {  	_ =	shalt  }
0x74: {  	_ =	shalt  }
0x75: {  	_ =	shalt  }
0x76: {  	_ =	shalt  }
0x77: {  	_ =	shalt  }
0x78: {  	_ =	shalt  }
0x79: {  	_ =	shalt  }
0x7a: {  	_ =	shalt  }
0x7b: {  	_ =	shalt  }
0x7c: {  	_ =	shalt  }
0x7d: {  	_ =	shalt  }
0x7e: {  	_ =	shalt  }
0x7f: {  	_ =	shalt  }
0x80: {  	_ =	shalt  }
0x81: {  	_ =	shalt  }
0x82: {  	_ =	shalt  }
0x83: {  	_ =	shalt  }
0x84: {  	_ =	shalt  }
0x85: {  	_ =	shalt  }
0x86: {  	_ =	shalt  }
0x87: {  	_ =	shalt  }
.Lfunc_end0:
.L_simem_size_0:
called_computation.1_lowered:
.L_overlay_start_0:
0x88: {  	s2 =	sld [smem:$0x3FD9]  }
0x89: {  	s3 =	sld [smem:$0x3FFE];
	_ =	sdelay $0x1  }
0x8a: {  	s1 =	srdreg.scid  }
0x8b: {  	s0 =	sand.u32 $0x1, s1  }
0x8c: {  	s14 =	sshll.u32 s0, $0xA;
	s2 =	sadd.s32 s3, s2  }
0x8d: {  	s2 =	sadd.s32 s2, s14  }
0x8e: {  	[smem:$0x3FBE] =	sst s2  }
0x8f: {  	_ = 	snop  }
0x90: {  	s2 =	sld [smem:$0x3FD0];
	_ =	sdelay $0x2  }
0x91: {  	s15 =	simm.s32 $0xA;
	s4 =	simm.s32 $0x10  }
0x92: {  	[smem:s4], [sflag:s15] =	dma.local [hbm:s2], $0x1  }
0x93: {  	_ =	swait.eq [sflag:s15], $0x1  }
0x94: {  	[sflag:s15] =	ssyncset.done $0x0  }
0x95: {  	s16 =	sld [smem:$0x12];
	[sflag:s15] =	ssyncadd.s32 $0xFFFFFFFF  }
0x96: {  	s17 =	sld [smem:$0x13];
	(tm) =	ssettm $0x1  }
0x97: {  	s18 =	sld [smem:$0x3FFB];
	_ =	sdelay $0x3  }
0x98: {  	_ =	strace s18  }
0x99: {  	s4 =	sld [smem:$0x3FFC];
	_ =	sdelay $0x3  }
0x9a: {  	_ =	strace s4  }
0x9b: {  	s4 =	sld [smem:$0x3FFD];
	_ =	sdelay $0x3  }
0x9c: {  	_ =	strace s4  }
0x9d: {  	_ =	strace $0x8FFFFFFF  }
0x9e: {  	s19 =	sld [smem:$0x3FDB];
	_ =	sdelay $0x1  }
0x9f: {  	s5 =	simm.s32 $_scs_section_size  }
0xa0: {  	s6 =	simm.s32 $_size__tile_overlayer_lowered;
	s7 =	simm.s32 $_tile_overlayer_lowered  }
0xa1: {  	s22 =	simm.s32 $0x1BFF;
	s21 =	sshll.u32 s7, $0x1;
	s4 =	sadd.s32 s5, s19  }
0xa2: {  	s8 =	simm.s32 $0x0;
	s20 =	sshll.u32 s6, $0x1;
	s6 =	sadd.s32 s21, s4  }
0xa3: {  	[timem:s8], [sflag:s22] =	dma.local [hbm:s6], s20  }
0xa4: {  	_ =	swait.ge [sflag:s22], s20  }
0xa5: {  	s5 =	ssub.s32 $0x0, s20;
	[sflag:s22] =	ssyncset.done $0x0  }
0xa6: {  	[sflag:s22] =	ssyncadd.s32 s5;
	_ =	sdelay $0x1  }
0xa7: {  	s23 =	simm.s32 $0x1B8B  }
0xa8: {  	_ =	swait.ge [sflag:s23], $0x1  }
0xa9: {  	[sflag:s23] =	ssyncset.done $0x0  }
0xaa: {  	s25 =	simm.s32 $0x1B8E;
	s24 =	sld [smem:$0x3FFE];
	[sflag:s23] =	ssyncadd.s32 $0xFFFFFFFF  }
0xab: {  	s26 =	simm.s32 $execute0_lowered;
	[smem:$0x3FD2] =	sst s25  }
0xac: {  	s6 =	sshll.u32 s26, $0x1;
	_ =	strace $0x80000049;
	[dreg:$0x1] =	wrdreg $0xFFFFFFFF  }
0xad: {  	s28 =	simm.s32 $_size_execute0_lowered;
	s4 =	sadd.s32 s4, s6;
	[dreg:$0x0] =	wrdreg $0x0  }
0xae: {  	s6 =	sshll.u32 s28, $0x1;
	[dreg:$0x2] =	wrdreg s4  }
0xaf: {  	[dreg:$0x3] =	wrdreg s6  }
0xb0: {  	[dreg:$0x4] =	wrdreg $0xC0  }
0xb1: {  	_ =	task [dreg:s8], $0x5FFFF  }
0xb2: {  	[dreg:$0x1] =	wrdreg $0xFFFFFFFF  }
0xb3: {  	[dreg:$0x0] =	wrdreg $0x60  }
0xb4: {  	[dreg:$0x2] =	wrdreg s24  }
0xb5: {  	[dreg:$0x3] =	wrdreg s17  }
0xb6: {  	[dreg:$0x4] =	wrdreg s16  }
0xb7: {  	[dreg:$0x5] =	wrdreg $0x0  }
0xb8: {  	[dreg:$0x6] =	wrdreg $0x9  }
0xb9: {  	_ =	task.clear_ibuf [dreg:s8], $0x7FFFF;
	_ =	strace $0x90000049  }
0xba: {  	s29 =	simm.s32 $0x9;
	_ =	strace $0x8000004B  }
0xbb: {  	_ =	swait.ge [sflag:s29], $0x1  }
0xbc: {  	[sflag:s29] =	ssyncadd.s32 $0xFFFFFFFF  }
0xbd: {  	_ =	strace $0x9000004B  }
0xbe: {  	_ =	sfence  }
0xbf: {  	s30 =	sld [smem:$0x0];
	_ =	sdelay $0x2  }
0xc0: {  	s31 =	sshll.u32 s1, $0xD;
	s1 =	sshrl.u32 s1, $0x2  }
0xc1: {  	s3 =	sand.u32 $0x4000, s31;
	s1 =	sadd.s32 s1, s30  }
0xc2: {  	s0 =	sor.u32 s3, s0;
	s1 =	sshll.u32 s1, $0x11  }
0xc3: {  	s0 =	sor.u32 s1, s0  }
0xc4: {  	s0 =	sadd.s32 $0x8F2B, s0  }
0xc5: {  	[sflag:s0] =	ssyncadd.remote.s32 $0x1  }
0xc6: {  	_ =	sfence.sel $0xFFFF  }
0xc7: {  	[dreg:$0x0] =	wrdreg $0xFFFFFFFF;
	(pc) =	sbr.abs _section_cstart, $3  }
0xc8: {  	[dreg:$0x1] =	wrdreg $0xFFFFFFFF  }
0xc9: {  	_ =	task.clear_ibuf [dreg:s8], $0x2FFFF;
	_ =	strace $0x9FFFFFFF  }
0xca: {  	(tm) =	ssettm $0x7FFFFFFF  }
0xcb: {  	_ =	shalt  }
tec
execute0_lowered:
.L_overlay_start_1:
0x0: {  	(tag) =	ssettag $0x1  }
0x1: {  	s0 =	rddreg [dreg:$0x0]  }
0x2: {  	s2 =	rddreg [dreg:$0x1]  }
0x3: {  	s4 =	rddreg [dreg:$0x2]  }
0x4: {  	s1 =	rddreg [dreg:$0x3]  }
0x5: {  	s3 =	srdreg.scid;
	s11 =	stileid.u32  }
0x6: {  	s26 =	simm.s32 $0x14000;
	s12 =	simm.s32 $0x1;
	s13 =	simm.s32 $0x2  }
0x7: {  	s14 =	simm.s32 $0x50;
	s15 =	simm.s32 $0x14400;
	s16 =	simm.s32 $0x14800  }
0x8: {  	s17 =	simm.s32 $0x14480;
	s18 =	simm.s32 $0x17000;
	s19 =	simm.s32 $0x14500  }
0x9: {  	s20 =	simm.s32 $0x19800;
	s28 =	simm.s32 $0x5;
	s29 =	simm.s32 $0x14700  }
0xa: {  	s30 =	simm.s32 $0x6;
	s31 =	simm.s32 $0x14780;
	s7 =	smul.u32 $0x14000, s11  }
0xb: {  	s5 =	sand.u32 $0x1, s3;
	s3 =	simm.s32 $0x0;
	s8 =	smul.u32 $0x50000, s11  }
0xc: {  	s9 =	sadd.s32 $0x53C00, s0;
	s21 =	sshll.u32 s11, $0x6;
	s22 =	sshll.u32 s11, $0xB  }
0xd: {  	s11 =	simm.s32 $0x14200;
	s6 =	smul.u32 $0x140000, s5;
	[smem:$0x7FF] =	sst s3  }
0xe: {  	s5 =	ssub.s32 $0x2, s5;
	s23 =	sadd.s32 s22, s4;
	s25 =	sadd.s32 s22, s2  }
0xf: {  	s22 =	simm.s32 $0x1C000;
	_ =	strace $0x8000004A;
	[dreg:$0x5] =	wrdreg s23  }
0x10: {  	s2 =	simm.s32 $0x8;
	s4 =	simm.s32 $0x9;
	[dreg:$0x6] =	wrdreg s25  }
0x11: {  	s10 =	sshrl.u32 s5, $0x1;
	s8 =	sshrl.u32 s8, $0x2;
	[dreg:$0x7] =	wrdreg s26  }
0x12: {  	s23 =	simm.s32 $0x3;
	s25 =	simm.s32 $0x4;
	s26 =	simm.s32 $0x14680  }
0x13: {  	s7 =	sadd.s32 s7, s6;
	s5 =	ssub.s32 s5, s10;
	s8 =	sadd.s32 s8, s1  }
0x14: {  	s10 =	sor.u32 $0x1C0B, s21;
	s6 =	sshrl.u32 s6, $0x3;
	s21 =	simm.s32 $0x14580  }
0x15: {  	s7 =	sshrl.u32 s7, $0x3;
	s24 =	smax.u32 s5, $0x1;
	[dreg:$0x9] =	wrdreg s10  }
0x16: {  	s6 =	sadd.s32 s9, s6;
	s5 =	simm.s32 $0x0;
	[dreg:$0xb] =	wrdreg s24  }
0x17: {  	s8 =	sshrl.u32 s8, $0x3;
	s0 =	sadd.s32 s7, s0;
	[dreg:$0xd] =	wrdreg s5  }
0x18: {  	s7 =	sadd.s32 s9, s7;
	s9 =	simm.s32 $0xB;
	[dreg:$0xc] =	wrdreg s8  }
0x19: {  	s24 =	simm.s32 $0x14600;
	[dreg:$0x8] =	wrdreg s7;
	s0 =	sadd.s32 $0xA3C00, s0  }
0x1a: {  	s7 =	simm.s32 $0xA;
	[dreg:$0xa] =	wrdreg s0;
	s0 =	simm.s32 $0x7  }
.LBB2_1:
0x1b: {  	s5 =	rddreg [dreg:$0x8]  }
0x1c: {  	[spmem:s8], [sflag:s10] =	dma.local [hbm:s5], $0x2800  }
0x1d: {  	_ =	swait.ge [sflag:s9], $0x2800  }
0x1e: {  	[sflag:s9] =	ssyncset.done $0x0  }
0x1f: {  	[sflag:s9] =	ssyncadd.s32 $0xFFFFD800  }
0x20: {  	s5 =	simm.s32 $0x0;
	[bflag:$0x0] =	sbarrier.arrive $0xFFFF  }
.LBB2_2:
0x21: {  	s9 =	rddreg [dreg:$0x6]  }
0x22: {  	s10 =	rddreg [dreg:$0x7]  }
0x23: {  	s8 =	rddreg [dreg:$0x5];
	s9 =	sadd.s32 s5, s9  }
0x24: {  	[tilespmem:s10], [sflag:$0x1] =	stream.linear.gather [hbm4b:s9+s3], $0x200, $0x38;
	[tilespmem:$0x1E800] =	vst v63  }
0x25: {  	s8 =	sadd.s32 s5, s8  }
0x26: {  	[tilespmem:s11], [sflag:$0x2] =	stream.linear.gather [hbm4b:s8+s3], $0x200, $0x38;
	[tilespmem:$0x1E800] =	vst v63  }
0x27: {  	_ =	swait.ge [sflag:s12], $0x200  }
0x28: {  	[sflag:s12] =	ssyncset.done $0x0  }
0x29: {  	[sflag:s12] =	ssyncadd.s32 $0xFFFFFE00  }
0x2a: {  	_ =	swait.ge [sflag:s13], $0x200  }
0x2b: {  	[sflag:s13] =	ssyncset.done $0x0  }
0x2c: {  	[sflag:s13] =	ssyncadd.s32 $0xFFFFFE00  }
0x2d: {  	v0 =	vld [tilespmem:$0x14000]  }
0x2e: {  	v1 =	vld [tilespmem:$0x14010]  }
0x2f: {  	v2 =	vld [tilespmem:$0x14020]  }
0x30: {  	v3 =	vld [tilespmem:$0x14030]  }
0x31: {  	v4 =	vld [tilespmem:$0x14040]  }
0x32: {  	v29 =	vld [tilespmem:$0x14200];
	[tilespmem:$0x14400] =	vst v0  }
0x33: {  	v30 =	vld [tilespmem:$0x14210];
	[tilespmem:$0x14410] =	vst v1  }
0x34: {  	v31 =	vld [tilespmem:$0x14220];
	[tilespmem:$0x14420] =	vst v2  }
0x35: {  	v32 =	vld [tilespmem:$0x14230];
	[tilespmem:$0x14430] =	vst v3  }
0x36: {  	v33 =	vld [tilespmem:$0x14240];
	[tilespmem:$0x14440] =	vst v4  }
0x37: {  	v34 =	vld [tilespmem:$0x14080];
	[tilespmem:$0x14600] =	vst v29  }
0x38: {  	v35 =	vld [tilespmem:$0x14090];
	[tilespmem:$0x14610] =	vst v30  }
0x39: {  	v36 =	vld [tilespmem:$0x140A0];
	[tilespmem:$0x14620] =	vst v31  }
0x3a: {  	v37 =	vld [tilespmem:$0x140B0];
	[tilespmem:$0x14630] =	vst v32  }
0x3b: {  	v38 =	vld [tilespmem:$0x140C0];
	[tilespmem:$0x14640] =	vst v33  }
0x3c: {  	v39 =	vld [tilespmem:$0x14280];
	[tilespmem:$0x14480] =	vst v34  }
0x3d: {  	v40 =	vld [tilespmem:$0x14290];
	[tilespmem:$0x14490] =	vst v35  }
0x3e: {  	v41 =	vld [tilespmem:$0x142A0];
	[tilespmem:$0x144A0] =	vst v36  }
0x3f: {  	v42 =	vld [tilespmem:$0x142B0];
	[tilespmem:$0x144B0] =	vst v37  }
0x40: {  	v43 =	vld [tilespmem:$0x142C0];
	[tilespmem:$0x144C0] =	vst v38  }
0x41: {  	v44 =	vld [tilespmem:$0x14100];
	[tilespmem:$0x14680] =	vst v39  }
0x42: {  	v45 =	vld [tilespmem:$0x14110];
	[tilespmem:$0x14690] =	vst v40  }
0x43: {  	v46 =	vld [tilespmem:$0x14120];
	[tilespmem:$0x146A0] =	vst v41  }
0x44: {  	v47 =	vld [tilespmem:$0x14130];
	[tilespmem:$0x146B0] =	vst v42  }
0x45: {  	v48 =	vld [tilespmem:$0x14140];
	[tilespmem:$0x146C0] =	vst v43  }
0x46: {  	v49 =	vld [tilespmem:$0x14300];
	[tilespmem:$0x14500] =	vst v44  }
0x47: {  	v50 =	vld [tilespmem:$0x14310];
	[tilespmem:$0x14510] =	vst v45  }
0x48: {  	v51 =	vld [tilespmem:$0x14320];
	[tilespmem:$0x14520] =	vst v46  }
0x49: {  	v52 =	vld [tilespmem:$0x14330];
	[tilespmem:$0x14530] =	vst v47  }
0x4a: {  	v53 =	vld [tilespmem:$0x14340];
	[tilespmem:$0x14540] =	vst v48  }
0x4b: {  	v54 =	vld [tilespmem:$0x14180];
	[tilespmem:$0x14700] =	vst v49  }
0x4c: {  	v55 =	vld [tilespmem:$0x14190];
	[tilespmem:$0x14710] =	vst v50  }
0x4d: {  	v56 =	vld [tilespmem:$0x141A0];
	[tilespmem:$0x14720] =	vst v51  }
0x4e: {  	v57 =	vld [tilespmem:$0x141B0];
	[tilespmem:$0x14730] =	vst v52  }
0x4f: {  	v58 =	vld [tilespmem:$0x141C0];
	[tilespmem:$0x14740] =	vst v53  }
0x50: {  	v59 =	vld [tilespmem:$0x14380];
	[tilespmem:$0x14580] =	vst v54  }
0x51: {  	v60 =	vld [tilespmem:$0x14390];
	[tilespmem:$0x14590] =	vst v55  }
0x52: {  	v61 =	vld [tilespmem:$0x143A0];
	[tilespmem:$0x145A0] =	vst v56  }
0x53: {  	v62 =	vld [tilespmem:$0x143B0];
	[tilespmem:$0x145B0] =	vst v57  }
0x54: {  	v63 =	vld [tilespmem:$0x143C0];
	[tilespmem:$0x145C0] =	vst v58  }
0x55: {  	[tilespmem:$0x14780] =	vst v59  }
0x56: {  	[tilespmem:$0x14790] =	vst v60  }
0x57: {  	[tilespmem:$0x147A0] =	vst v61  }
0x58: {  	[tilespmem:$0x147B0] =	vst v62  }
0x59: {  	[tilespmem:$0x147C0] =	vst v63  }
0x5a: {  	[tilespmem:s16], [sflag:$0x3] =	stream.indirect.gather [hbm4b:s6+s14], $0x80, s15, s14, $0xb8;
	[tilespmem:$0x1E800] =	vst v63  }
0x5b: {  	_ = 	snop  }
0x5c: {  	[tilespmem:s18], [sflag:$0x4] =	stream.indirect.gather [hbm4b:s6+s14], $0x80, s17, s14, $0xb8;
	[tilespmem:$0x1E800] =	vst v63  }
0x5d: {  	_ = 	snop  }
0x5e: {  	[tilespmem:s20], [sflag:$0x5] =	stream.indirect.gather [hbm4b:s6+s14], $0x80, s19, s14, $0xb8;
	[tilespmem:$0x1E800] =	vst v63  }
0x5f: {  	_ = 	snop  }
0x60: {  	[tilespmem:s22], [sflag:$0x6] =	stream.indirect.gather [hbm4b:s6+s14], $0x80, s21, s14, $0xb8;
	[tilespmem:$0x1E800] =	vst v63  }
0x61: {  	_ =	swait.ge [sflag:s23], $0x2800  }
0x62: {  	[sflag:s23] =	ssyncset.done $0x0  }
0x63: {  	[sflag:s23] =	ssyncadd.s32 $0xFFFFD800  }
0x64: {  	[spmem:s1] =	stream.indirect.scatter.add.f32 [tilespmem:s16], [sflag:$0x7], $0x80, s24, s14, $0xb8;
	[tilespmem:$0x1E800] =	vst v63  }
0x65: {  	_ =	swait.ge [sflag:s25], $0x2800  }
0x66: {  	[sflag:s25] =	ssyncset.done $0x0  }
0x67: {  	[sflag:s25] =	ssyncadd.s32 $0xFFFFD800  }
0x68: {  	[spmem:s1] =	stream.indirect.scatter.add.f32 [tilespmem:s18], [sflag:$0x8], $0x80, s26, s14, $0xb8;
	[tilespmem:$0x1E800] =	vst v63  }
0x69: {  	_ =	swait.ge [sflag:s28], $0x2800  }
0x6a: {  	[sflag:s28] =	ssyncset.done $0x0  }
0x6b: {  	[sflag:s28] =	ssyncadd.s32 $0xFFFFD800  }
0x6c: {  	[spmem:s1] =	stream.indirect.scatter.add.f32 [tilespmem:s20], [sflag:$0x9], $0x80, s29, s14, $0xb8;
	[tilespmem:$0x1E800] =	vst v63  }
0x6d: {  	_ =	swait.ge [sflag:s30], $0x2800  }
0x6e: {  	[sflag:s30] =	ssyncset.done $0x0  }
0x6f: {  	[sflag:s30] =	ssyncadd.s32 $0xFFFFD800  }
0x70: {  	[spmem:s1] =	stream.indirect.scatter.add.f32 [tilespmem:s22], [sflag:$0xA], $0x80, s31, s14, $0xb8;
	[tilespmem:$0x1E800] =	vst v63  }
0x71: {  	_ =	swait.ge [sflag:s0], $0x2800  }
0x72: {  	[sflag:s0] =	ssyncset.done $0x0  }
0x73: {  	[sflag:s0] =	ssyncadd.s32 $0xFFFFD800  }
0x74: {  	_ =	swait.ge [sflag:s2], $0x2800  }
0x75: {  	[sflag:s2] =	ssyncset.done $0x0  }
0x76: {  	[sflag:s2] =	ssyncadd.s32 $0xFFFFD800  }
0x77: {  	p0 =	sne.s32 s5, $0x7C0;
	_ =	swait.ge [sflag:s4], $0x2800  }
.Ltmp0:
0x78: {  	[sflag:s4] =	ssyncset.done $0x0;
	(pc) =	sbr.rel @p0 .LBB2_2-.Ltmp0, $4  }
0x79: {  	[sflag:s4] =	ssyncadd.s32 $0xFFFFD800  }
0x7a: {  	_ =	swait.ge [sflag:s7], $0x2800  }
0x7b: {  	[sflag:s7] =	ssyncset.done $0x0  }
0x7c: {  	s5 =	sadd.s32 $0x40, s5;
	[sflag:s7] =	ssyncadd.s32 $0xFFFFD800  }
0x7d: {  	[bflag:$0x0] =	sbarrier.arrive $0xFFFF  }
0x7e: {  	s10 =	rddreg [dreg:$0x9]  }
0x7f: {  	s5 =	rddreg [dreg:$0xa]  }
0x80: {  	s9 =	simm.s32 $0xB;
	s8 =	rddreg [dreg:$0xc]  }
0x81: {  	[hbm:s5], [sflag:s10] =	dma.local [spmem:s8], $0x2800  }
0x82: {  	_ =	swait.ge [sflag:s9], $0x2800  }
0x83: {  	s11 =	rddreg [dreg:$0xd]  }
0x84: {  	s5 =	rddreg [dreg:$0xb];
	s11 =	sadd.s32 $0x1, s11  }
0x85: {  	p0 =	sne.s32 s11, s5  }
.Ltmp1:
0x86: {  	_ = 	snop;
	(pc) =	sbr.rel @p0 .LBB2_1-.Ltmp1, $3  }
0x87: {  	_ =	sdelay $0x1  }
0x88: {  	[sflag:s9] =	ssyncset.done $0x0  }
0x89: {  	[sflag:s9] =	ssyncadd.s32 $0xFFFFD800;
	[dreg:$0xd] =	wrdreg s11;
	s11 =	simm.s32 $0x14200  }
0x8a: {  	_ =	sfence.sel $0x180000  }
0x8b: {  	[bflag:$0x0] =	sbarrier.arrive $0xFFFF  }
0x8c: {  	_ =	strace $0x9000004A  }
0x8d: {  	s0 =	stileid.u32;
	[bflag:$0x2] =	sbarrier.arrive $0xFFFF  }
0x8e: {  	p0 =	sne.s32 s0, $0x0;
	s0 =	rddreg [dreg:$0x4]  }
0x8f: {  	s0 =	sadd.s32 @!p0 $0x100000, s0  }
0x90: {  	[sflag:s0] =	ssyncadd.tile.s32 @!p0 $0x1;
	_ =	shalt  }
.Lfunc_end2:
_tile_overlayer_lowered:
.L_overlay_start_2:
0x91: {  	(tag) =	ssettag $0x2  }
0x92: {  	s0 =	rddreg [dreg:$0x0];
	s2 =	stileid.u32  }
0x93: {  	s1 =	rddreg [dreg:$0x1];
	p0 =	sne.s32 s2, $0x0  }
0x94: {  	s3 =	rddreg [dreg:$0x2];
	[bflag:$0x3] =	sbarrier.arrive $0xFFFF;
	s2 =	simm.s32 @!p0 $0x1C0B  }
0x95: {  	[timem:s3], [sflag:s2] =	dma.local @!p0 [hbm:s0], s1  }
0x96: {  	s0 =	simm.s32 @!p0 $0xB  }
0x97: {  	_ =	swait.ge @!p0 [sflag:s0], s1  }
0x98: {  	s1 =	ssub.s32 @!p0 $0x0, s1;
	[sflag:s0] =	ssyncset.done @!p0 $0x0  }
0x99: {  	[sflag:s0] =	ssyncadd.s32 @!p0 s1  }
0x9a: {  	[bflag:$0x3] =	sbarrier.arrive $0xFFFF  }
0x9b: {  	_ =	shalt  }

// kernel: kernel.16.cloned.1.call-start
scs
__scs_entry_jumppad:
0x0: {  	(pc) =	sbr.rel $0x88, $3  }
0x1: {  	(tag) =	ssettag $0x0;
	lr =	simm.s32 $0x1  }
0x2: {  	[smem:$0x3F97] =	sst lr;
	_ =	strace $0xD0000000  }
0x3: {  	_ = 	snop  }
0x4: {  	_ = 	snop  }
0x5: {  	_ = 	snop  }
0x6: {  	_ = 	snop  }
0x7: {  	_ = 	snop  }
__scs_overlays_trampoline_lowered:
0x8: {  	[smem:$0x3FA6] =	sst s0  }
0x9: {  	[smem:$0x3FA7] =	sst s1  }
0xa: {  	[smem:$0x3FA8] =	sst s2  }
0xb: {  	[smem:$0x3FA9] =	sst s3  }
0xc: {  	[smem:$0x3FAA] =	sst s4  }
0xd: {  	[smem:$0x3FAB] =	sst s5  }
0xe: {  	[smem:$0x3FAC] =	sst s6  }
0xf: {  	[smem:$0x3FAD] =	sst s7  }
0x10: {  	[smem:$0x3FAE] =	sst s8  }
0x11: {  	[smem:$0x3FAF] =	sst s9;
	s0 =	simm.s32 @!p0 $0x0  }
0x12: {  	s1 =	sld [smem:$0x3F95];
	s0 =	simm.s32 @p0 $0x1  }
0x13: {  	[smem:$0x3FB0] =	sst s0;
	s0 =	simm.s32 @!p1 $0x0  }
0x14: {  	s2 =	sld [smem:$0x3F94];
	s0 =	simm.s32 @p1 $0x1  }
0x15: {  	[smem:$0x3FB1] =	sst s0;
	s0 =	simm.s32 @!p2 $0x0  }
0x16: {  	s3 =	sld [smem:$0x3FDB];
	s0 =	simm.s32 @p2 $0x1  }
0x17: {  	s4 =	simm.s32 $0x1BF5;
	[smem:$0x3FB3] =	sst s0  }
0x18: {  	s0 =	sld [smem:$0x3F96];
	_ =	swait.ge [sflag:s4], $0x0  }
0x19: {  	s7 =	sld [smem:$0x3F97]  }
0x1a: {  	s8 =	sadd.s32 $0xFFFFE003, lr  }
0x1b: {  	s9 =	sadd.s32 $0xFFFFFEF7, lr;
	s5 =	simm.s32 $0xFFFFFFFF;
	p2 =	slt.u32 s8, $0xFFFFF086  }
0x1c: {  	p1 =	slt.u32 s9, $0xF7A;
	s5 =	simm.s32 @!p2 $0x0  }
0x1d: {  	s5 =	simm.s32 @p1 $0x1;
	p0 =	seq.s32 s7, s2  }
0x1e: {  	s7 =	smul.u32 @!p0 $0xF7A, s2;
	p2 =	seq.s32 @!p0 s5, $0x0  }
0x1f: {  	s9 =	smul.u32 $0xF7A, s1;
	s8 =	simm.s32 @!p0 $0x1BF5;
	p2 =	por !p2, p0  }
0x20: {  	[sflag:s8] =	ssyncset.s32 @!p0 $0xFFFFF086;
	s6 =	sadd.s32 @!p0 s3, s7;
	s7 =	simm.s32 @!p0 $0x108  }
0x21: {  	s3 =	sadd.s32 s3, s9;
	s6 =	sadd.s32 @!p0 $0x88, s6;
	s7 =	simm.s32 @p2 $0x1082  }
0x22: {  	[simem:s7], [sflag:s8] =	dma.local @!p0 [hbm:s6], $0xF7A  }
0x23: {  	s9 =	sor.u32 $0xD0000000, s2;
	s6 =	simm.s32 $0x108;
	_ =	swait.ge @!p0 [sflag:s8], $0x0  }
0x24: {  	s3 =	sadd.s32 $0x88, s3;
	s6 =	simm.s32 @!p1 $0x1082;
	[sflag:s4] =	ssyncset.s32 $0xFFFFF086  }
0x25: {  	[simem:s6], [sflag:s4] =	dma.local [hbm:s3], $0xF7A  }
0x26: {  	[smem:$0x3F97] =	sst s1;
	(tag) =	ssettag s2;
	_ =	strace s9  }
0x27: {  	s1 =	sld [smem:$0x3FA7]  }
0x28: {  	s2 =	sld [smem:$0x3FA8]  }
0x29: {  	s4 =	sld [smem:$0x3FAA]  }
0x2a: {  	p0 =	seq.s32 s5, $0x0;
	s5 =	sld [smem:$0x3FAB]  }
0x2b: {  	s6 =	sld [smem:$0x3FAC]  }
0x2c: {  	s7 =	sld [smem:$0x3FAD]  }
0x2d: {  	s3 =	simm.s32 $0x108;
	s8 =	sld [smem:$0x3FAE]  }
0x2e: {  	s3 =	simm.s32 @!p0 $0x1082;
	s9 =	sld [smem:$0x3FAF]  }
0x2f: {  	lr =	sadd.s32 s0, s3;
	s0 =	sld [smem:$0x3FA6]  }
0x30: {  	s3 =	sld [smem:$0x3FA9]  }
0x31: {  	[smem:$0x3FB2] =	sst s10  }
0x32: {  	s10 =	sld [smem:$0x3FB0];
	_ =	sdelay $0x3  }
0x33: {  	p0 =	seq.s32 s10, $0x1;
	s10 =	sld [smem:$0x3FB2];
	_ =	sdelay $0x3  }
0x34: {  	[smem:$0x3FB2] =	sst s10  }
0x35: {  	s10 =	sld [smem:$0x3FB1];
	_ =	sdelay $0x3  }
0x36: {  	p1 =	seq.s32 s10, $0x1;
	s10 =	sld [smem:$0x3FB2];
	_ =	sdelay $0x3  }
0x37: {  	[smem:$0x3FB2] =	sst s10  }
0x38: {  	s10 =	sld [smem:$0x3FB3]  }
0x39: {  	_ = 	snop;
	(pc) =	sbr.ind lr, $3  }
0x3a: {  	_ = 	snop  }
0x3b: {  	_ = 	snop  }
0x3c: {  	p2 =	seq.s32 s10, $0x1;
	s10 =	sld [smem:$0x3FB2]  }
0x3d: {  	_ =	shalt  }
0x3e: {  	_ =	shalt  }
0x3f: {  	_ =	shalt  }
0x40: {  	_ =	shalt  }
0x41: {  	_ =	shalt  }
0x42: {  	_ =	shalt  }
0x43: {  	_ =	shalt  }
0x44: {  	_ =	shalt  }
0x45: {  	_ =	shalt  }
0x46: {  	_ =	shalt  }
0x47: {  	_ =	shalt  }
0x48: {  	_ =	shalt  }
0x49: {  	_ =	shalt  }
0x4a: {  	_ =	shalt  }
0x4b: {  	_ =	shalt  }
0x4c: {  	_ =	shalt  }
0x4d: {  	_ =	shalt  }
0x4e: {  	_ =	shalt  }
0x4f: {  	_ =	shalt  }
0x50: {  	_ =	shalt  }
0x51: {  	_ =	shalt  }
0x52: {  	_ =	shalt  }
0x53: {  	_ =	shalt  }
0x54: {  	_ =	shalt  }
0x55: {  	_ =	shalt  }
0x56: {  	_ =	shalt  }
0x57: {  	_ =	shalt  }
0x58: {  	_ =	shalt  }
0x59: {  	_ =	shalt  }
0x5a: {  	_ =	shalt  }
0x5b: {  	_ =	shalt  }
0x5c: {  	_ =	shalt  }
0x5d: {  	_ =	shalt  }
0x5e: {  	_ =	shalt  }
0x5f: {  	_ =	shalt  }
0x60: {  	_ =	shalt  }
0x61: {  	_ =	shalt  }
0x62: {  	_ =	shalt  }
0x63: {  	_ =	shalt  }
0x64: {  	_ =	shalt  }
0x65: {  	_ =	shalt  }
0x66: {  	_ =	shalt  }
0x67: {  	_ =	shalt  }
0x68: {  	_ =	shalt  }
0x69: {  	_ =	shalt  }
0x6a: {  	_ =	shalt  }
0x6b: {  	_ =	shalt  }
0x6c: {  	_ =	shalt  }
0x6d: {  	_ =	shalt  }
0x6e: {  	_ =	shalt  }
0x6f: {  	_ =	shalt  }
0x70: {  	_ =	shalt  }
0x71: {  	_ =	shalt  }
0x72: {  	_ =	shalt  }
0x73: {  	_ =	shalt  }
0x74: {  	_ =	shalt  }
0x75: {  	_ =	shalt  }
0x76: {  	_ =	shalt  }
0x77: {  	_ =	shalt  }
0x78: {  	_ =	shalt  }
0x79: {  	_ =	shalt  }
0x7a: {  	_ =	shalt  }
0x7b: {  	_ =	shalt  }
0x7c: {  	_ =	shalt  }
0x7d: {  	_ =	shalt  }
0x7e: {  	_ =	shalt  }
0x7f: {  	_ =	shalt  }
0x80: {  	_ =	shalt  }
0x81: {  	_ =	shalt  }
0x82: {  	_ =	shalt  }
0x83: {  	_ =	shalt  }
0x84: {  	_ =	shalt  }
0x85: {  	_ =	shalt  }
0x86: {  	_ =	shalt  }
0x87: {  	_ =	shalt  }
.Lfunc_end0:
.L_simem_size_0:
called_computation.2_lowered:
.L_overlay_start_0:
0x88: {  	s2 =	sld [smem:$0x3FD9]  }
0x89: {  	s3 =	sld [smem:$0x3FFE];
	_ =	sdelay $0x1  }
0x8a: {  	s1 =	srdreg.scid  }
0x8b: {  	s0 =	sand.u32 $0x1, s1  }
0x8c: {  	s14 =	sshll.u32 s0, $0xA;
	s2 =	sadd.s32 s3, s2  }
0x8d: {  	s2 =	sadd.s32 s2, s14  }
0x8e: {  	[smem:$0x3FBE] =	sst s2  }
0x8f: {  	_ = 	snop  }
0x90: {  	s2 =	sld [smem:$0x3FD0];
	_ =	sdelay $0x2  }
0x91: {  	s15 =	simm.s32 $0xA;
	s4 =	simm.s32 $0x10  }
0x92: {  	[smem:s4], [sflag:s15] =	dma.local [hbm:s2], $0x1  }
0x93: {  	_ =	swait.eq [sflag:s15], $0x1  }
0x94: {  	[sflag:s15] =	ssyncset.done $0x0  }
0x95: {  	s16 =	sld [smem:$0x12];
	[sflag:s15] =	ssyncadd.s32 $0xFFFFFFFF  }
0x96: {  	s17 =	sld [smem:$0x13];
	(tm) =	ssettm $0x1  }
0x97: {  	s18 =	sld [smem:$0x3FFB];
	_ =	sdelay $0x3  }
0x98: {  	_ =	strace s18  }
0x99: {  	s4 =	sld [smem:$0x3FFC];
	_ =	sdelay $0x3  }
0x9a: {  	_ =	strace s4  }
0x9b: {  	s4 =	sld [smem:$0x3FFD];
	_ =	sdelay $0x3  }
0x9c: {  	_ =	strace s4  }
0x9d: {  	_ =	strace $0x8FFFFFFF  }
0x9e: {  	s19 =	sld [smem:$0x3FDB];
	_ =	sdelay $0x1  }
0x9f: {  	s5 =	simm.s32 $_scs_section_size  }
0xa0: {  	s6 =	simm.s32 $_size__tile_overlayer_lowered;
	s7 =	simm.s32 $_tile_overlayer_lowered  }
0xa1: {  	s22 =	simm.s32 $0x1BFF;
	s21 =	sshll.u32 s7, $0x1;
	s4 =	sadd.s32 s5, s19  }
0xa2: {  	s8 =	simm.s32 $0x0;
	s20 =	sshll.u32 s6, $0x1;
	s6 =	sadd.s32 s21, s4  }
0xa3: {  	[timem:s8], [sflag:s22] =	dma.local [hbm:s6], s20  }
0xa4: {  	_ =	swait.ge [sflag:s22], s20  }
0xa5: {  	s5 =	ssub.s32 $0x0, s20;
	[sflag:s22] =	ssyncset.done $0x0  }
0xa6: {  	[sflag:s22] =	ssyncadd.s32 s5;
	_ =	sdelay $0x1  }
0xa7: {  	s23 =	simm.s32 $0x1B8B  }
0xa8: {  	_ =	swait.ge [sflag:s23], $0x1  }
0xa9: {  	[sflag:s23] =	ssyncset.done $0x0  }
0xaa: {  	s25 =	simm.s32 $0x1B8E;
	s24 =	sld [smem:$0x3FFE];
	[sflag:s23] =	ssyncadd.s32 $0xFFFFFFFF  }
0xab: {  	s26 =	simm.s32 $execute0_lowered;
	[smem:$0x3FD2] =	sst s25  }
0xac: {  	s6 =	sshll.u32 s26, $0x1;
	_ =	strace $0x8000004C;
	[dreg:$0x1] =	wrdreg $0xFFFFFFFF  }
0xad: {  	s28 =	simm.s32 $_size_execute0_lowered;
	s4 =	sadd.s32 s4, s6;
	[dreg:$0x0] =	wrdreg $0x0  }
0xae: {  	s6 =	sshll.u32 s28, $0x1;
	[dreg:$0x2] =	wrdreg s4  }
0xaf: {  	[dreg:$0x3] =	wrdreg s6  }
0xb0: {  	[dreg:$0x4] =	wrdreg $0xC0  }
0xb1: {  	_ =	task [dreg:s8], $0x5FFFF  }
0xb2: {  	[dreg:$0x1] =	wrdreg $0xFFFFFFFF  }
0xb3: {  	[dreg:$0x0] =	wrdreg $0x60  }
0xb4: {  	[dreg:$0x2] =	wrdreg s24  }
0xb5: {  	[dreg:$0x3] =	wrdreg s17  }
0xb6: {  	[dreg:$0x4] =	wrdreg s16  }
0xb7: {  	[dreg:$0x5] =	wrdreg $0x0  }
0xb8: {  	[dreg:$0x6] =	wrdreg $0x9  }
0xb9: {  	_ =	task.clear_ibuf [dreg:s8], $0x7FFFF;
	_ =	strace $0x9000004C  }
0xba: {  	s29 =	simm.s32 $0x9;
	_ =	strace $0x8000004E  }
0xbb: {  	_ =	swait.ge [sflag:s29], $0x1  }
0xbc: {  	[sflag:s29] =	ssyncadd.s32 $0xFFFFFFFF  }
0xbd: {  	_ =	strace $0x9000004E  }
0xbe: {  	_ =	sfence  }
0xbf: {  	s30 =	sld [smem:$0x0];
	_ =	sdelay $0x2  }
0xc0: {  	s31 =	sshll.u32 s1, $0xD;
	s1 =	sshrl.u32 s1, $0x2  }
0xc1: {  	s3 =	sand.u32 $0x4000, s31;
	s1 =	sadd.s32 s1, s30  }
0xc2: {  	s0 =	sor.u32 s3, s0;
	s1 =	sshll.u32 s1, $0x11  }
0xc3: {  	s0 =	sor.u32 s1, s0  }
0xc4: {  	s0 =	sadd.s32 $0x8F2B, s0  }
0xc5: {  	[sflag:s0] =	ssyncadd.remote.s32 $0x1  }
0xc6: {  	_ =	sfence.sel $0xFFFF  }
0xc7: {  	[dreg:$0x0] =	wrdreg $0xFFFFFFFF;
	(pc) =	sbr.abs _section_cstart, $3  }
0xc8: {  	[dreg:$0x1] =	wrdreg $0xFFFFFFFF  }
0xc9: {  	_ =	task.clear_ibuf [dreg:s8], $0x2FFFF;
	_ =	strace $0x9FFFFFFF  }
0xca: {  	(tm) =	ssettm $0x7FFFFFFF  }
0xcb: {  	_ =	shalt  }
tec
execute0_lowered:
.L_overlay_start_1:
0x0: {  	(tag) =	ssettag $0x1  }
0x1: {  	s0 =	rddreg [dreg:$0x0]  }
0x2: {  	s2 =	rddreg [dreg:$0x1]  }
0x3: {  	s4 =	rddreg [dreg:$0x2]  }
0x4: {  	s1 =	rddreg [dreg:$0x3]  }
0x5: {  	s3 =	srdreg.scid;
	s11 =	stileid.u32  }
0x6: {  	s26 =	simm.s32 $0x14000;
	s12 =	simm.s32 $0x1;
	s13 =	simm.s32 $0x2  }
0x7: {  	s14 =	simm.s32 $0x50;
	s15 =	simm.s32 $0x14400;
	s16 =	simm.s32 $0x14800  }
0x8: {  	s17 =	simm.s32 $0x14480;
	s18 =	simm.s32 $0x17000;
	s19 =	simm.s32 $0x14500  }
0x9: {  	s20 =	simm.s32 $0x19800;
	s28 =	simm.s32 $0x5;
	s29 =	simm.s32 $0x14700  }
0xa: {  	s30 =	simm.s32 $0x6;
	s31 =	simm.s32 $0x14780;
	s7 =	smul.u32 $0x14000, s11  }
0xb: {  	s5 =	sand.u32 $0x1, s3;
	s3 =	simm.s32 $0x0;
	s8 =	smul.u32 $0x50000, s11  }
0xc: {  	s9 =	sadd.s32 $0x3C00, s0;
	s21 =	sshll.u32 s11, $0x6;
	s22 =	sshll.u32 s11, $0xB  }
0xd: {  	s11 =	simm.s32 $0x14200;
	s6 =	smul.u32 $0x140000, s5;
	[smem:$0x7FF] =	sst s3  }
0xe: {  	s5 =	ssub.s32 $0x2, s5;
	s23 =	sadd.s32 s22, s4;
	s25 =	sadd.s32 s22, s2  }
0xf: {  	s22 =	simm.s32 $0x1C000;
	_ =	strace $0x8000004D;
	[dreg:$0x5] =	wrdreg s23  }
0x10: {  	s2 =	simm.s32 $0x8;
	s4 =	simm.s32 $0x9;
	[dreg:$0x6] =	wrdreg s25  }
0x11: {  	s10 =	sshrl.u32 s5, $0x1;
	s8 =	sshrl.u32 s8, $0x2;
	[dreg:$0x7] =	wrdreg s26  }
0x12: {  	s23 =	simm.s32 $0x3;
	s25 =	simm.s32 $0x4;
	s26 =	simm.s32 $0x14680  }
0x13: {  	s7 =	sadd.s32 s7, s6;
	s5 =	ssub.s32 s5, s10;
	s8 =	sadd.s32 s8, s1  }
0x14: {  	s10 =	sor.u32 $0x1C0B, s21;
	s6 =	sshrl.u32 s6, $0x3;
	s21 =	simm.s32 $0x14580  }
0x15: {  	s7 =	sshrl.u32 s7, $0x3;
	s24 =	smax.u32 s5, $0x1;
	[dreg:$0x9] =	wrdreg s10  }
0x16: {  	s6 =	sadd.s32 s9, s6;
	s5 =	simm.s32 $0x0;
	[dreg:$0xb] =	wrdreg s24  }
0x17: {  	s8 =	sshrl.u32 s8, $0x3;
	s0 =	sadd.s32 s7, s0;
	[dreg:$0xd] =	wrdreg s5  }
0x18: {  	s7 =	sadd.s32 s9, s7;
	s9 =	simm.s32 $0xB;
	[dreg:$0xc] =	wrdreg s8  }
0x19: {  	s24 =	simm.s32 $0x14600;
	[dreg:$0x8] =	wrdreg s7;
	s0 =	sadd.s32 $0x53C00, s0  }
0x1a: {  	s7 =	simm.s32 $0xA;
	[dreg:$0xa] =	wrdreg s0;
	s0 =	simm.s32 $0x7  }
.LBB2_1:
0x1b: {  	s5 =	rddreg [dreg:$0x8]  }
0x1c: {  	[spmem:s8], [sflag:s10] =	dma.local [hbm:s5], $0x2800  }
0x1d: {  	_ =	swait.ge [sflag:s9], $0x2800  }
0x1e: {  	[sflag:s9] =	ssyncset.done $0x0  }
0x1f: {  	[sflag:s9] =	ssyncadd.s32 $0xFFFFD800  }
0x20: {  	s5 =	simm.s32 $0x0;
	[bflag:$0x0] =	sbarrier.arrive $0xFFFF  }
.LBB2_2:
0x21: {  	s9 =	rddreg [dreg:$0x6]  }
0x22: {  	s10 =	rddreg [dreg:$0x7]  }
0x23: {  	s8 =	rddreg [dreg:$0x5];
	s9 =	sadd.s32 s5, s9  }
0x24: {  	[tilespmem:s10], [sflag:$0x1] =	stream.linear.gather [hbm4b:s9+s3], $0x200, $0x38;
	[tilespmem:$0x1E800] =	vst v63  }
0x25: {  	s8 =	sadd.s32 s5, s8  }
0x26: {  	[tilespmem:s11], [sflag:$0x2] =	stream.linear.gather [hbm4b:s8+s3], $0x200, $0x38;
	[tilespmem:$0x1E800] =	vst v63  }
0x27: {  	_ =	swait.ge [sflag:s12], $0x200  }
0x28: {  	[sflag:s12] =	ssyncset.done $0x0  }
0x29: {  	[sflag:s12] =	ssyncadd.s32 $0xFFFFFE00  }
0x2a: {  	_ =	swait.ge [sflag:s13], $0x200  }
0x2b: {  	[sflag:s13] =	ssyncset.done $0x0  }
0x2c: {  	[sflag:s13] =	ssyncadd.s32 $0xFFFFFE00  }
0x2d: {  	v0 =	vld [tilespmem:$0x14000]  }
0x2e: {  	v1 =	vld [tilespmem:$0x14010]  }
0x2f: {  	v2 =	vld [tilespmem:$0x14020]  }
0x30: {  	v3 =	vld [tilespmem:$0x14030]  }
0x31: {  	v4 =	vld [tilespmem:$0x14040]  }
0x32: {  	v29 =	vld [tilespmem:$0x14200];
	[tilespmem:$0x14400] =	vst v0  }
0x33: {  	v30 =	vld [tilespmem:$0x14210];
	[tilespmem:$0x14410] =	vst v1  }
0x34: {  	v31 =	vld [tilespmem:$0x14220];
	[tilespmem:$0x14420] =	vst v2  }
0x35: {  	v32 =	vld [tilespmem:$0x14230];
	[tilespmem:$0x14430] =	vst v3  }
0x36: {  	v33 =	vld [tilespmem:$0x14240];
	[tilespmem:$0x14440] =	vst v4  }
0x37: {  	v34 =	vld [tilespmem:$0x14080];
	[tilespmem:$0x14600] =	vst v29  }
0x38: {  	v35 =	vld [tilespmem:$0x14090];
	[tilespmem:$0x14610] =	vst v30  }
0x39: {  	v36 =	vld [tilespmem:$0x140A0];
	[tilespmem:$0x14620] =	vst v31  }
0x3a: {  	v37 =	vld [tilespmem:$0x140B0];
	[tilespmem:$0x14630] =	vst v32  }
0x3b: {  	v38 =	vld [tilespmem:$0x140C0];
	[tilespmem:$0x14640] =	vst v33  }
0x3c: {  	v39 =	vld [tilespmem:$0x14280];
	[tilespmem:$0x14480] =	vst v34  }
0x3d: {  	v40 =	vld [tilespmem:$0x14290];
	[tilespmem:$0x14490] =	vst v35  }
0x3e: {  	v41 =	vld [tilespmem:$0x142A0];
	[tilespmem:$0x144A0] =	vst v36  }
0x3f: {  	v42 =	vld [tilespmem:$0x142B0];
	[tilespmem:$0x144B0] =	vst v37  }
0x40: {  	v43 =	vld [tilespmem:$0x142C0];
	[tilespmem:$0x144C0] =	vst v38  }
0x41: {  	v44 =	vld [tilespmem:$0x14100];
	[tilespmem:$0x14680] =	vst v39  }
0x42: {  	v45 =	vld [tilespmem:$0x14110];
	[tilespmem:$0x14690] =	vst v40  }
0x43: {  	v46 =	vld [tilespmem:$0x14120];
	[tilespmem:$0x146A0] =	vst v41  }
0x44: {  	v47 =	vld [tilespmem:$0x14130];
	[tilespmem:$0x146B0] =	vst v42  }
0x45: {  	v48 =	vld [tilespmem:$0x14140];
	[tilespmem:$0x146C0] =	vst v43  }
0x46: {  	v49 =	vld [tilespmem:$0x14300];
	[tilespmem:$0x14500] =	vst v44  }
0x47: {  	v50 =	vld [tilespmem:$0x14310];
	[tilespmem:$0x14510] =	vst v45  }
0x48: {  	v51 =	vld [tilespmem:$0x14320];
	[tilespmem:$0x14520] =	vst v46  }
0x49: {  	v52 =	vld [tilespmem:$0x14330];
	[tilespmem:$0x14530] =	vst v47  }
0x4a: {  	v53 =	vld [tilespmem:$0x14340];
	[tilespmem:$0x14540] =	vst v48  }
0x4b: {  	v54 =	vld [tilespmem:$0x14180];
	[tilespmem:$0x14700] =	vst v49  }
0x4c: {  	v55 =	vld [tilespmem:$0x14190];
	[tilespmem:$0x14710] =	vst v50  }
0x4d: {  	v56 =	vld [tilespmem:$0x141A0];
	[tilespmem:$0x14720] =	vst v51  }
0x4e: {  	v57 =	vld [tilespmem:$0x141B0];
	[tilespmem:$0x14730] =	vst v52  }
0x4f: {  	v58 =	vld [tilespmem:$0x141C0];
	[tilespmem:$0x14740] =	vst v53  }
0x50: {  	v59 =	vld [tilespmem:$0x14380];
	[tilespmem:$0x14580] =	vst v54  }
0x51: {  	v60 =	vld [tilespmem:$0x14390];
	[tilespmem:$0x14590] =	vst v55  }
0x52: {  	v61 =	vld [tilespmem:$0x143A0];
	[tilespmem:$0x145A0] =	vst v56  }
0x53: {  	v62 =	vld [tilespmem:$0x143B0];
	[tilespmem:$0x145B0] =	vst v57  }
0x54: {  	v63 =	vld [tilespmem:$0x143C0];
	[tilespmem:$0x145C0] =	vst v58  }
0x55: {  	[tilespmem:$0x14780] =	vst v59  }
0x56: {  	[tilespmem:$0x14790] =	vst v60  }
0x57: {  	[tilespmem:$0x147A0] =	vst v61  }
0x58: {  	[tilespmem:$0x147B0] =	vst v62  }
0x59: {  	[tilespmem:$0x147C0] =	vst v63  }
0x5a: {  	[tilespmem:s16], [sflag:$0x3] =	stream.indirect.gather [hbm4b:s6+s14], $0x80, s15, s14, $0xb8;
	[tilespmem:$0x1E800] =	vst v63  }
0x5b: {  	_ = 	snop  }
0x5c: {  	[tilespmem:s18], [sflag:$0x4] =	stream.indirect.gather [hbm4b:s6+s14], $0x80, s17, s14, $0xb8;
	[tilespmem:$0x1E800] =	vst v63  }
0x5d: {  	_ = 	snop  }
0x5e: {  	[tilespmem:s20], [sflag:$0x5] =	stream.indirect.gather [hbm4b:s6+s14], $0x80, s19, s14, $0xb8;
	[tilespmem:$0x1E800] =	vst v63  }
0x5f: {  	_ = 	snop  }
0x60: {  	[tilespmem:s22], [sflag:$0x6] =	stream.indirect.gather [hbm4b:s6+s14], $0x80, s21, s14, $0xb8;
	[tilespmem:$0x1E800] =	vst v63  }
0x61: {  	_ =	swait.ge [sflag:s23], $0x2800  }
0x62: {  	[sflag:s23] =	ssyncset.done $0x0  }
0x63: {  	[sflag:s23] =	ssyncadd.s32 $0xFFFFD800  }
0x64: {  	[spmem:s1] =	stream.indirect.scatter.add.f32 [tilespmem:s16], [sflag:$0x7], $0x80, s24, s14, $0xb8;
	[tilespmem:$0x1E800] =	vst v63  }
0x65: {  	_ =	swait.ge [sflag:s25], $0x2800  }
0x66: {  	[sflag:s25] =	ssyncset.done $0x0  }
0x67: {  	[sflag:s25] =	ssyncadd.s32 $0xFFFFD800  }
0x68: {  	[spmem:s1] =	stream.indirect.scatter.add.f32 [tilespmem:s18], [sflag:$0x8], $0x80, s26, s14, $0xb8;
	[tilespmem:$0x1E800] =	vst v63  }
0x69: {  	_ =	swait.ge [sflag:s28], $0x2800  }
0x6a: {  	[sflag:s28] =	ssyncset.done $0x0  }
0x6b: {  	[sflag:s28] =	ssyncadd.s32 $0xFFFFD800  }
0x6c: {  	[spmem:s1] =	stream.indirect.scatter.add.f32 [tilespmem:s20], [sflag:$0x9], $0x80, s29, s14, $0xb8;
	[tilespmem:$0x1E800] =	vst v63  }
0x6d: {  	_ =	swait.ge [sflag:s30], $0x2800  }
0x6e: {  	[sflag:s30] =	ssyncset.done $0x0  }
0x6f: {  	[sflag:s30] =	ssyncadd.s32 $0xFFFFD800  }
0x70: {  	[spmem:s1] =	stream.indirect.scatter.add.f32 [tilespmem:s22], [sflag:$0xA], $0x80, s31, s14, $0xb8;
	[tilespmem:$0x1E800] =	vst v63  }
0x71: {  	_ =	swait.ge [sflag:s0], $0x2800  }
0x72: {  	[sflag:s0] =	ssyncset.done $0x0  }
0x73: {  	[sflag:s0] =	ssyncadd.s32 $0xFFFFD800  }
0x74: {  	_ =	swait.ge [sflag:s2], $0x2800  }
0x75: {  	[sflag:s2] =	ssyncset.done $0x0  }
0x76: {  	[sflag:s2] =	ssyncadd.s32 $0xFFFFD800  }
0x77: {  	p0 =	sne.s32 s5, $0x7C0;
	_ =	swait.ge [sflag:s4], $0x2800  }
.Ltmp0:
0x78: {  	[sflag:s4] =	ssyncset.done $0x0;
	(pc) =	sbr.rel @p0 .LBB2_2-.Ltmp0, $4  }
0x79: {  	[sflag:s4] =	ssyncadd.s32 $0xFFFFD800  }
0x7a: {  	_ =	swait.ge [sflag:s7], $0x2800  }
0x7b: {  	[sflag:s7] =	ssyncset.done $0x0  }
0x7c: {  	s5 =	sadd.s32 $0x40, s5;
	[sflag:s7] =	ssyncadd.s32 $0xFFFFD800  }
0x7d: {  	[bflag:$0x0] =	sbarrier.arrive $0xFFFF  }
0x7e: {  	s10 =	rddreg [dreg:$0x9]  }
0x7f: {  	s5 =	rddreg [dreg:$0xa]  }
0x80: {  	s9 =	simm.s32 $0xB;
	s8 =	rddreg [dreg:$0xc]  }
0x81: {  	[hbm:s5], [sflag:s10] =	dma.local [spmem:s8], $0x2800  }
0x82: {  	_ =	swait.ge [sflag:s9], $0x2800  }
0x83: {  	s11 =	rddreg [dreg:$0xd]  }
0x84: {  	s5 =	rddreg [dreg:$0xb];
	s11 =	sadd.s32 $0x1, s11  }
0x85: {  	p0 =	sne.s32 s11, s5  }
.Ltmp1:
0x86: {  	_ = 	snop;
	(pc) =	sbr.rel @p0 .LBB2_1-.Ltmp1, $3  }
0x87: {  	_ =	sdelay $0x1  }
0x88: {  	[sflag:s9] =	ssyncset.done $0x0  }
0x89: {  	[sflag:s9] =	ssyncadd.s32 $0xFFFFD800;
	[dreg:$0xd] =	wrdreg s11;
	s11 =	simm.s32 $0x14200  }
0x8a: {  	_ =	sfence.sel $0x180000  }
0x8b: {  	[bflag:$0x0] =	sbarrier.arrive $0xFFFF  }
0x8c: {  	_ =	strace $0x9000004D  }
0x8d: {  	s0 =	stileid.u32;
	[bflag:$0x2] =	sbarrier.arrive $0xFFFF  }
0x8e: {  	p0 =	sne.s32 s0, $0x0;
	s0 =	rddreg [dreg:$0x4]  }
0x8f: {  	s0 =	sadd.s32 @!p0 $0x100000, s0  }
0x90: {  	[sflag:s0] =	ssyncadd.tile.s32 @!p0 $0x1;
	_ =	shalt  }
.Lfunc_end2:
_tile_overlayer_lowered:
.L_overlay_start_2:
0x91: {  	(tag) =	ssettag $0x2  }
0x92: {  	s0 =	rddreg [dreg:$0x0];
	s2 =	stileid.u32  }
0x93: {  	s1 =	rddreg [dreg:$0x1];
	p0 =	sne.s32 s2, $0x0  }
0x94: {  	s3 =	rddreg [dreg:$0x2];
	[bflag:$0x3] =	sbarrier.arrive $0xFFFF;
	s2 =	simm.s32 @!p0 $0x1C0B  }
0x95: {  	[timem:s3], [sflag:s2] =	dma.local @!p0 [hbm:s0], s1  }
0x96: {  	s0 =	simm.s32 @!p0 $0xB  }
0x97: {  	_ =	swait.ge @!p0 [sflag:s0], s1  }
0x98: {  	s1 =	ssub.s32 @!p0 $0x0, s1;
	[sflag:s0] =	ssyncset.done @!p0 $0x0  }
0x99: {  	[sflag:s0] =	ssyncadd.s32 @!p0 s1  }
0x9a: {  	[bflag:$0x3] =	sbarrier.arrive $0xFFFF  }
0x9b: {  	_ =	shalt  }

// kernel: kernel.19.cloned.1.call-start
scs
__scs_entry_jumppad:
0x0: {  	(pc) =	sbr.rel $0x88, $3  }
0x1: {  	(tag) =	ssettag $0x0;
	lr =	simm.s32 $0x1  }
0x2: {  	[smem:$0x3F97] =	sst lr;
	_ =	strace $0xD0000000  }
0x3: {  	_ = 	snop  }
0x4: {  	_ = 	snop  }
0x5: {  	_ = 	snop  }
0x6: {  	_ = 	snop  }
0x7: {  	_ = 	snop  }
__scs_overlays_trampoline_lowered:
0x8: {  	[smem:$0x3FA6] =	sst s0  }
0x9: {  	[smem:$0x3FA7] =	sst s1  }
0xa: {  	[smem:$0x3FA8] =	sst s2  }
0xb: {  	[smem:$0x3FA9] =	sst s3  }
0xc: {  	[smem:$0x3FAA] =	sst s4  }
0xd: {  	[smem:$0x3FAB] =	sst s5  }
0xe: {  	[smem:$0x3FAC] =	sst s6  }
0xf: {  	[smem:$0x3FAD] =	sst s7  }
0x10: {  	[smem:$0x3FAE] =	sst s8  }
0x11: {  	[smem:$0x3FAF] =	sst s9;
	s0 =	simm.s32 @!p0 $0x0  }
0x12: {  	s1 =	sld [smem:$0x3F95];
	s0 =	simm.s32 @p0 $0x1  }
0x13: {  	[smem:$0x3FB0] =	sst s0;
	s0 =	simm.s32 @!p1 $0x0  }
0x14: {  	s2 =	sld [smem:$0x3F94];
	s0 =	simm.s32 @p1 $0x1  }
0x15: {  	[smem:$0x3FB1] =	sst s0;
	s0 =	simm.s32 @!p2 $0x0  }
0x16: {  	s3 =	sld [smem:$0x3FDB];
	s0 =	simm.s32 @p2 $0x1  }
0x17: {  	s4 =	simm.s32 $0x1BF5;
	[smem:$0x3FB3] =	sst s0  }
0x18: {  	s0 =	sld [smem:$0x3F96];
	_ =	swait.ge [sflag:s4], $0x0  }
0x19: {  	s7 =	sld [smem:$0x3F97]  }
0x1a: {  	s8 =	sadd.s32 $0xFFFFE003, lr  }
0x1b: {  	s9 =	sadd.s32 $0xFFFFFEF7, lr;
	s5 =	simm.s32 $0xFFFFFFFF;
	p2 =	slt.u32 s8, $0xFFFFF086  }
0x1c: {  	p1 =	slt.u32 s9, $0xF7A;
	s5 =	simm.s32 @!p2 $0x0  }
0x1d: {  	s5 =	simm.s32 @p1 $0x1;
	p0 =	seq.s32 s7, s2  }
0x1e: {  	s7 =	smul.u32 @!p0 $0xF7A, s2;
	p2 =	seq.s32 @!p0 s5, $0x0  }
0x1f: {  	s9 =	smul.u32 $0xF7A, s1;
	s8 =	simm.s32 @!p0 $0x1BF5;
	p2 =	por !p2, p0  }
0x20: {  	[sflag:s8] =	ssyncset.s32 @!p0 $0xFFFFF086;
	s6 =	sadd.s32 @!p0 s3, s7;
	s7 =	simm.s32 @!p0 $0x108  }
0x21: {  	s3 =	sadd.s32 s3, s9;
	s6 =	sadd.s32 @!p0 $0x88, s6;
	s7 =	simm.s32 @p2 $0x1082  }
0x22: {  	[simem:s7], [sflag:s8] =	dma.local @!p0 [hbm:s6], $0xF7A  }
0x23: {  	s9 =	sor.u32 $0xD0000000, s2;
	s6 =	simm.s32 $0x108;
	_ =	swait.ge @!p0 [sflag:s8], $0x0  }
0x24: {  	s3 =	sadd.s32 $0x88, s3;
	s6 =	simm.s32 @!p1 $0x1082;
	[sflag:s4] =	ssyncset.s32 $0xFFFFF086  }
0x25: {  	[simem:s6], [sflag:s4] =	dma.local [hbm:s3], $0xF7A  }
0x26: {  	[smem:$0x3F97] =	sst s1;
	(tag) =	ssettag s2;
	_ =	strace s9  }
0x27: {  	s1 =	sld [smem:$0x3FA7]  }
0x28: {  	s2 =	sld [smem:$0x3FA8]  }
0x29: {  	s4 =	sld [smem:$0x3FAA]  }
0x2a: {  	p0 =	seq.s32 s5, $0x0;
	s5 =	sld [smem:$0x3FAB]  }
0x2b: {  	s6 =	sld [smem:$0x3FAC]  }
0x2c: {  	s7 =	sld [smem:$0x3FAD]  }
0x2d: {  	s3 =	simm.s32 $0x108;
	s8 =	sld [smem:$0x3FAE]  }
0x2e: {  	s3 =	simm.s32 @!p0 $0x1082;
	s9 =	sld [smem:$0x3FAF]  }
0x2f: {  	lr =	sadd.s32 s0, s3;
	s0 =	sld [smem:$0x3FA6]  }
0x30: {  	s3 =	sld [smem:$0x3FA9]  }
0x31: {  	[smem:$0x3FB2] =	sst s10  }
0x32: {  	s10 =	sld [smem:$0x3FB0];
	_ =	sdelay $0x3  }
0x33: {  	p0 =	seq.s32 s10, $0x1;
	s10 =	sld [smem:$0x3FB2];
	_ =	sdelay $0x3  }
0x34: {  	[smem:$0x3FB2] =	sst s10  }
0x35: {  	s10 =	sld [smem:$0x3FB1];
	_ =	sdelay $0x3  }
0x36: {  	p1 =	seq.s32 s10, $0x1;
	s10 =	sld [smem:$0x3FB2];
	_ =	sdelay $0x3  }
0x37: {  	[smem:$0x3FB2] =	sst s10  }
0x38: {  	s10 =	sld [smem:$0x3FB3]  }
0x39: {  	_ = 	snop;
	(pc) =	sbr.ind lr, $3  }
0x3a: {  	_ = 	snop  }
0x3b: {  	_ = 	snop  }
0x3c: {  	p2 =	seq.s32 s10, $0x1;
	s10 =	sld [smem:$0x3FB2]  }
0x3d: {  	_ =	shalt  }
0x3e: {  	_ =	shalt  }
0x3f: {  	_ =	shalt  }
0x40: {  	_ =	shalt  }
0x41: {  	_ =	shalt  }
0x42: {  	_ =	shalt  }
0x43: {  	_ =	shalt  }
0x44: {  	_ =	shalt  }
0x45: {  	_ =	shalt  }
0x46: {  	_ =	shalt  }
0x47: {  	_ =	shalt  }
0x48: {  	_ =	shalt  }
0x49: {  	_ =	shalt  }
0x4a: {  	_ =	shalt  }
0x4b: {  	_ =	shalt  }
0x4c: {  	_ =	shalt  }
0x4d: {  	_ =	shalt  }
0x4e: {  	_ =	shalt  }
0x4f: {  	_ =	shalt  }
0x50: {  	_ =	shalt  }
0x51: {  	_ =	shalt  }
0x52: {  	_ =	shalt  }
0x53: {  	_ =	shalt  }
0x54: {  	_ =	shalt  }
0x55: {  	_ =	shalt  }
0x56: {  	_ =	shalt  }
0x57: {  	_ =	shalt  }
0x58: {  	_ =	shalt  }
0x59: {  	_ =	shalt  }
0x5a: {  	_ =	shalt  }
0x5b: {  	_ =	shalt  }
0x5c: {  	_ =	shalt  }
0x5d: {  	_ =	shalt  }
0x5e: {  	_ =	shalt  }
0x5f: {  	_ =	shalt  }
0x60: {  	_ =	shalt  }
0x61: {  	_ =	shalt  }
0x62: {  	_ =	shalt  }
0x63: {  	_ =	shalt  }
0x64: {  	_ =	shalt  }
0x65: {  	_ =	shalt  }
0x66: {  	_ =	shalt  }
0x67: {  	_ =	shalt  }
0x68: {  	_ =	shalt  }
0x69: {  	_ =	shalt  }
0x6a: {  	_ =	shalt  }
0x6b: {  	_ =	shalt  }
0x6c: {  	_ =	shalt  }
0x6d: {  	_ =	shalt  }
0x6e: {  	_ =	shalt  }
0x6f: {  	_ =	shalt  }
0x70: {  	_ =	shalt  }
0x71: {  	_ =	shalt  }
0x72: {  	_ =	shalt  }
0x73: {  	_ =	shalt  }
0x74: {  	_ =	shalt  }
0x75: {  	_ =	shalt  }
0x76: {  	_ =	shalt  }
0x77: {  	_ =	shalt  }
0x78: {  	_ =	shalt  }
0x79: {  	_ =	shalt  }
0x7a: {  	_ =	shalt  }
0x7b: {  	_ =	shalt  }
0x7c: {  	_ =	shalt  }
0x7d: {  	_ =	shalt  }
0x7e: {  	_ =	shalt  }
0x7f: {  	_ =	shalt  }
0x80: {  	_ =	shalt  }
0x81: {  	_ =	shalt  }
0x82: {  	_ =	shalt  }
0x83: {  	_ =	shalt  }
0x84: {  	_ =	shalt  }
0x85: {  	_ =	shalt  }
0x86: {  	_ =	shalt  }
0x87: {  	_ =	shalt  }
.Lfunc_end0:
.L_simem_size_0:
called_computation.3_lowered:
.L_overlay_start_0:
0x88: {  	s2 =	sld [smem:$0x3FD9]  }
0x89: {  	s3 =	sld [smem:$0x3FFE];
	_ =	sdelay $0x1  }
0x8a: {  	s1 =	srdreg.scid  }
0x8b: {  	s0 =	sand.u32 $0x1, s1  }
0x8c: {  	s14 =	sshll.u32 s0, $0xA;
	s2 =	sadd.s32 s3, s2  }
0x8d: {  	s2 =	sadd.s32 s2, s14  }
0x8e: {  	[smem:$0x3FBE] =	sst s2  }
0x8f: {  	_ = 	snop  }
0x90: {  	s2 =	sld [smem:$0x3FD0];
	_ =	sdelay $0x2  }
0x91: {  	s15 =	simm.s32 $0xA;
	s4 =	simm.s32 $0x10  }
0x92: {  	[smem:s4], [sflag:s15] =	dma.local [hbm:s2], $0x1  }
0x93: {  	_ =	swait.eq [sflag:s15], $0x1  }
0x94: {  	[sflag:s15] =	ssyncset.done $0x0  }
0x95: {  	s16 =	sld [smem:$0x12];
	[sflag:s15] =	ssyncadd.s32 $0xFFFFFFFF  }
0x96: {  	s17 =	sld [smem:$0x13];
	(tm) =	ssettm $0x1  }
0x97: {  	s18 =	sld [smem:$0x3FFB];
	_ =	sdelay $0x3  }
0x98: {  	_ =	strace s18  }
0x99: {  	s4 =	sld [smem:$0x3FFC];
	_ =	sdelay $0x3  }
0x9a: {  	_ =	strace s4  }
0x9b: {  	s4 =	sld [smem:$0x3FFD];
	_ =	sdelay $0x3  }
0x9c: {  	_ =	strace s4  }
0x9d: {  	_ =	strace $0x8FFFFFFF  }
0x9e: {  	s19 =	sld [smem:$0x3FDB];
	_ =	sdelay $0x1  }
0x9f: {  	s5 =	simm.s32 $_scs_section_size  }
0xa0: {  	s6 =	simm.s32 $_size__tile_overlayer_lowered;
	s7 =	simm.s32 $_tile_overlayer_lowered  }
0xa1: {  	s22 =	simm.s32 $0x1BFF;
	s21 =	sshll.u32 s7, $0x1;
	s4 =	sadd.s32 s5, s19  }
0xa2: {  	s8 =	simm.s32 $0x0;
	s20 =	sshll.u32 s6, $0x1;
	s6 =	sadd.s32 s21, s4  }
0xa3: {  	[timem:s8], [sflag:s22] =	dma.local [hbm:s6], s20  }
0xa4: {  	_ =	swait.ge [sflag:s22], s20  }
0xa5: {  	s5 =	ssub.s32 $0x0, s20;
	[sflag:s22] =	ssyncset.done $0x0  }
0xa6: {  	[sflag:s22] =	ssyncadd.s32 s5;
	_ =	sdelay $0x1  }
0xa7: {  	s23 =	simm.s32 $0x1B8B  }
0xa8: {  	_ =	swait.ge [sflag:s23], $0x1  }
0xa9: {  	[sflag:s23] =	ssyncset.done $0x0  }
0xaa: {  	s25 =	simm.s32 $0x1B8E;
	s24 =	sld [smem:$0x3FFE];
	[sflag:s23] =	ssyncadd.s32 $0xFFFFFFFF  }
0xab: {  	s26 =	simm.s32 $execute0_lowered;
	[smem:$0x3FD2] =	sst s25  }
0xac: {  	s6 =	sshll.u32 s26, $0x1;
	_ =	strace $0x8000004F;
	[dreg:$0x1] =	wrdreg $0xFFFFFFFF  }
0xad: {  	s28 =	simm.s32 $_size_execute0_lowered;
	s4 =	sadd.s32 s4, s6;
	[dreg:$0x0] =	wrdreg $0x0  }
0xae: {  	s6 =	sshll.u32 s28, $0x1;
	[dreg:$0x2] =	wrdreg s4  }
0xaf: {  	[dreg:$0x3] =	wrdreg s6  }
0xb0: {  	[dreg:$0x4] =	wrdreg $0xC0  }
0xb1: {  	_ =	task [dreg:s8], $0x5FFFF  }
0xb2: {  	[dreg:$0x1] =	wrdreg $0xFFFFFFFF  }
0xb3: {  	[dreg:$0x0] =	wrdreg $0x60  }
0xb4: {  	[dreg:$0x2] =	wrdreg s24  }
0xb5: {  	[dreg:$0x3] =	wrdreg s17  }
0xb6: {  	[dreg:$0x4] =	wrdreg s16  }
0xb7: {  	[dreg:$0x5] =	wrdreg $0x0  }
0xb8: {  	[dreg:$0x6] =	wrdreg $0x9  }
0xb9: {  	_ =	task.clear_ibuf [dreg:s8], $0x7FFFF;
	_ =	strace $0x9000004F  }
0xba: {  	s29 =	simm.s32 $0x9;
	_ =	strace $0x80000051  }
0xbb: {  	_ =	swait.ge [sflag:s29], $0x1  }
0xbc: {  	[sflag:s29] =	ssyncadd.s32 $0xFFFFFFFF  }
0xbd: {  	_ =	strace $0x90000051  }
0xbe: {  	_ =	sfence  }
0xbf: {  	s30 =	sld [smem:$0x0];
	_ =	sdelay $0x2  }
0xc0: {  	s31 =	sshll.u32 s1, $0xD;
	s1 =	sshrl.u32 s1, $0x2  }
0xc1: {  	s3 =	sand.u32 $0x4000, s31;
	s1 =	sadd.s32 s1, s30  }
0xc2: {  	s0 =	sor.u32 s3, s0;
	s1 =	sshll.u32 s1, $0x11  }
0xc3: {  	s0 =	sor.u32 s1, s0  }
0xc4: {  	s0 =	sadd.s32 $0x8F2B, s0  }
0xc5: {  	[sflag:s0] =	ssyncadd.remote.s32 $0x1  }
0xc6: {  	_ =	sfence.sel $0xFFFF  }
0xc7: {  	[dreg:$0x0] =	wrdreg $0xFFFFFFFF;
	(pc) =	sbr.abs _section_cstart, $3  }
0xc8: {  	[dreg:$0x1] =	wrdreg $0xFFFFFFFF  }
0xc9: {  	_ =	task.clear_ibuf [dreg:s8], $0x2FFFF;
	_ =	strace $0x9FFFFFFF  }
0xca: {  	(tm) =	ssettm $0x7FFFFFFF  }
0xcb: {  	_ =	shalt  }
tec
execute0_lowered:
.L_overlay_start_1:
0x0: {  	(tag) =	ssettag $0x1  }
0x1: {  	s0 =	rddreg [dreg:$0x0]  }
0x2: {  	s2 =	rddreg [dreg:$0x1]  }
0x3: {  	s4 =	rddreg [dreg:$0x2]  }
0x4: {  	s1 =	rddreg [dreg:$0x3]  }
0x5: {  	s3 =	srdreg.scid;
	s11 =	stileid.u32  }
0x6: {  	s26 =	simm.s32 $0x14000;
	s12 =	simm.s32 $0x1;
	s13 =	simm.s32 $0x2  }
0x7: {  	s14 =	simm.s32 $0x50;
	s15 =	simm.s32 $0x14400;
	s16 =	simm.s32 $0x14800  }
0x8: {  	s17 =	simm.s32 $0x14480;
	s18 =	simm.s32 $0x17000;
	s19 =	simm.s32 $0x14500  }
0x9: {  	s20 =	simm.s32 $0x19800;
	s28 =	simm.s32 $0x5;
	s29 =	simm.s32 $0x14700  }
0xa: {  	s30 =	simm.s32 $0x6;
	s31 =	simm.s32 $0x14780;
	s7 =	smul.u32 $0x14000, s11  }
0xb: {  	s5 =	sand.u32 $0x1, s3;
	s3 =	simm.s32 $0x0;
	s8 =	smul.u32 $0x50000, s11  }
0xc: {  	s9 =	sadd.s32 $0x3C00, s0;
	s21 =	sshll.u32 s11, $0x6;
	s22 =	sshll.u32 s11, $0xB  }
0xd: {  	s11 =	simm.s32 $0x14200;
	s6 =	smul.u32 $0x140000, s5;
	[smem:$0x7FF] =	sst s3  }
0xe: {  	s5 =	ssub.s32 $0x2, s5;
	s23 =	sadd.s32 s22, s4;
	s25 =	sadd.s32 s22, s2  }
0xf: {  	s22 =	simm.s32 $0x1C000;
	_ =	strace $0x80000050;
	[dreg:$0x5] =	wrdreg s23  }
0x10: {  	s2 =	simm.s32 $0x8;
	s4 =	simm.s32 $0x9;
	[dreg:$0x6] =	wrdreg s25  }
0x11: {  	s10 =	sshrl.u32 s5, $0x1;
	s8 =	sshrl.u32 s8, $0x2;
	[dreg:$0x7] =	wrdreg s26  }
0x12: {  	s23 =	simm.s32 $0x3;
	s25 =	simm.s32 $0x4;
	s26 =	simm.s32 $0x14680  }
0x13: {  	s7 =	sadd.s32 s7, s6;
	s5 =	ssub.s32 s5, s10;
	s8 =	sadd.s32 s8, s1  }
0x14: {  	s10 =	sor.u32 $0x1C0B, s21;
	s6 =	sshrl.u32 s6, $0x3;
	s21 =	simm.s32 $0x14580  }
0x15: {  	s7 =	sshrl.u32 s7, $0x3;
	s24 =	smax.u32 s5, $0x1;
	[dreg:$0x9] =	wrdreg s10  }
0x16: {  	s6 =	sadd.s32 s9, s6;
	s5 =	simm.s32 $0x0;
	[dreg:$0xb] =	wrdreg s24  }
0x17: {  	s8 =	sshrl.u32 s8, $0x3;
	s0 =	sadd.s32 s7, s0;
	[dreg:$0xd] =	wrdreg s5  }
0x18: {  	s7 =	sadd.s32 s9, s7;
	s9 =	simm.s32 $0xB;
	[dreg:$0xc] =	wrdreg s8  }
0x19: {  	s24 =	simm.s32 $0x14600;
	[dreg:$0x8] =	wrdreg s7;
	s0 =	sadd.s32 $0x53C00, s0  }
0x1a: {  	s7 =	simm.s32 $0xA;
	[dreg:$0xa] =	wrdreg s0;
	s0 =	simm.s32 $0x7  }
.LBB2_1:
0x1b: {  	s5 =	rddreg [dreg:$0x8]  }
0x1c: {  	[spmem:s8], [sflag:s10] =	dma.local [hbm:s5], $0x2800  }
0x1d: {  	_ =	swait.ge [sflag:s9], $0x2800  }
0x1e: {  	[sflag:s9] =	ssyncset.done $0x0  }
0x1f: {  	[sflag:s9] =	ssyncadd.s32 $0xFFFFD800  }
0x20: {  	s5 =	simm.s32 $0x0;
	[bflag:$0x0] =	sbarrier.arrive $0xFFFF  }
.LBB2_2:
0x21: {  	s9 =	rddreg [dreg:$0x6]  }
0x22: {  	s10 =	rddreg [dreg:$0x7]  }
0x23: {  	s8 =	rddreg [dreg:$0x5];
	s9 =	sadd.s32 s5, s9  }
0x24: {  	[tilespmem:s10], [sflag:$0x1] =	stream.linear.gather [hbm4b:s9+s3], $0x200, $0x38;
	[tilespmem:$0x1E800] =	vst v63  }
0x25: {  	s8 =	sadd.s32 s5, s8  }
0x26: {  	[tilespmem:s11], [sflag:$0x2] =	stream.linear.gather [hbm4b:s8+s3], $0x200, $0x38;
	[tilespmem:$0x1E800] =	vst v63  }
0x27: {  	_ =	swait.ge [sflag:s12], $0x200  }
0x28: {  	[sflag:s12] =	ssyncset.done $0x0  }
0x29: {  	[sflag:s12] =	ssyncadd.s32 $0xFFFFFE00  }
0x2a: {  	_ =	swait.ge [sflag:s13], $0x200  }
0x2b: {  	[sflag:s13] =	ssyncset.done $0x0  }
0x2c: {  	[sflag:s13] =	ssyncadd.s32 $0xFFFFFE00  }
0x2d: {  	v0 =	vld [tilespmem:$0x14000]  }
0x2e: {  	v1 =	vld [tilespmem:$0x14010]  }
0x2f: {  	v2 =	vld [tilespmem:$0x14020]  }
0x30: {  	v3 =	vld [tilespmem:$0x14030]  }
0x31: {  	v4 =	vld [tilespmem:$0x14040]  }
0x32: {  	v29 =	vld [tilespmem:$0x14200];
	[tilespmem:$0x14400] =	vst v0  }
0x33: {  	v30 =	vld [tilespmem:$0x14210];
	[tilespmem:$0x14410] =	vst v1  }
0x34: {  	v31 =	vld [tilespmem:$0x14220];
	[tilespmem:$0x14420] =	vst v2  }
0x35: {  	v32 =	vld [tilespmem:$0x14230];
	[tilespmem:$0x14430] =	vst v3  }
0x36: {  	v33 =	vld [tilespmem:$0x14240];
	[tilespmem:$0x14440] =	vst v4  }
0x37: {  	v34 =	vld [tilespmem:$0x14080];
	[tilespmem:$0x14600] =	vst v29  }
0x38: {  	v35 =	vld [tilespmem:$0x14090];
	[tilespmem:$0x14610] =	vst v30  }
0x39: {  	v36 =	vld [tilespmem:$0x140A0];
	[tilespmem:$0x14620] =	vst v31  }
0x3a: {  	v37 =	vld [tilespmem:$0x140B0];
	[tilespmem:$0x14630] =	vst v32  }
0x3b: {  	v38 =	vld [tilespmem:$0x140C0];
	[tilespmem:$0x14640] =	vst v33  }
0x3c: {  	v39 =	vld [tilespmem:$0x14280];
	[tilespmem:$0x14480] =	vst v34  }
0x3d: {  	v40 =	vld [tilespmem:$0x14290];
	[tilespmem:$0x14490] =	vst v35  }
0x3e: {  	v41 =	vld [tilespmem:$0x142A0];
	[tilespmem:$0x144A0] =	vst v36  }
0x3f: {  	v42 =	vld [tilespmem:$0x142B0];
	[tilespmem:$0x144B0] =	vst v37  }
0x40: {  	v43 =	vld [tilespmem:$0x142C0];
	[tilespmem:$0x144C0] =	vst v38  }
0x41: {  	v44 =	vld [tilespmem:$0x14100];
	[tilespmem:$0x14680] =	vst v39  }
0x42: {  	v45 =	vld [tilespmem:$0x14110];
	[tilespmem:$0x14690] =	vst v40  }
0x43: {  	v46 =	vld [tilespmem:$0x14120];
	[tilespmem:$0x146A0] =	vst v41  }
0x44: {  	v47 =	vld [tilespmem:$0x14130];
	[tilespmem:$0x146B0] =	vst v42  }
0x45: {  	v48 =	vld [tilespmem:$0x14140];
	[tilespmem:$0x146C0] =	vst v43  }
0x46: {  	v49 =	vld [tilespmem:$0x14300];
	[tilespmem:$0x14500] =	vst v44  }
0x47: {  	v50 =	vld [tilespmem:$0x14310];
	[tilespmem:$0x14510] =	vst v45  }
0x48: {  	v51 =	vld [tilespmem:$0x14320];
	[tilespmem:$0x14520] =	vst v46  }
0x49: {  	v52 =	vld [tilespmem:$0x14330];
	[tilespmem:$0x14530] =	vst v47  }
0x4a: {  	v53 =	vld [tilespmem:$0x14340];
	[tilespmem:$0x14540] =	vst v48  }
0x4b: {  	v54 =	vld [tilespmem:$0x14180];
	[tilespmem:$0x14700] =	vst v49  }
0x4c: {  	v55 =	vld [tilespmem:$0x14190];
	[tilespmem:$0x14710] =	vst v50  }
0x4d: {  	v56 =	vld [tilespmem:$0x141A0];
	[tilespmem:$0x14720] =	vst v51  }
0x4e: {  	v57 =	vld [tilespmem:$0x141B0];
	[tilespmem:$0x14730] =	vst v52  }
0x4f: {  	v58 =	vld [tilespmem:$0x141C0];
	[tilespmem:$0x14740] =	vst v53  }
0x50: {  	v59 =	vld [tilespmem:$0x14380];
	[tilespmem:$0x14580] =	vst v54  }
0x51: {  	v60 =	vld [tilespmem:$0x14390];
	[tilespmem:$0x14590] =	vst v55  }
0x52: {  	v61 =	vld [tilespmem:$0x143A0];
	[tilespmem:$0x145A0] =	vst v56  }
0x53: {  	v62 =	vld [tilespmem:$0x143B0];
	[tilespmem:$0x145B0] =	vst v57  }
0x54: {  	v63 =	vld [tilespmem:$0x143C0];
	[tilespmem:$0x145C0] =	vst v58  }
0x55: {  	[tilespmem:$0x14780] =	vst v59  }
0x56: {  	[tilespmem:$0x14790] =	vst v60  }
0x57: {  	[tilespmem:$0x147A0] =	vst v61  }
0x58: {  	[tilespmem:$0x147B0] =	vst v62  }
0x59: {  	[tilespmem:$0x147C0] =	vst v63  }
0x5a: {  	[tilespmem:s16], [sflag:$0x3] =	stream.indirect.gather [hbm4b:s6+s14], $0x80, s15, s14, $0xb8;
	[tilespmem:$0x1E800] =	vst v63  }
0x5b: {  	_ = 	snop  }
0x5c: {  	[tilespmem:s18], [sflag:$0x4] =	stream.indirect.gather [hbm4b:s6+s14], $0x80, s17, s14, $0xb8;
	[tilespmem:$0x1E800] =	vst v63  }
0x5d: {  	_ = 	snop  }
0x5e: {  	[tilespmem:s20], [sflag:$0x5] =	stream.indirect.gather [hbm4b:s6+s14], $0x80, s19, s14, $0xb8;
	[tilespmem:$0x1E800] =	vst v63  }
0x5f: {  	_ = 	snop  }
0x60: {  	[tilespmem:s22], [sflag:$0x6] =	stream.indirect.gather [hbm4b:s6+s14], $0x80, s21, s14, $0xb8;
	[tilespmem:$0x1E800] =	vst v63  }
0x61: {  	_ =	swait.ge [sflag:s23], $0x2800  }
0x62: {  	[sflag:s23] =	ssyncset.done $0x0  }
0x63: {  	[sflag:s23] =	ssyncadd.s32 $0xFFFFD800  }
0x64: {  	[spmem:s1] =	stream.indirect.scatter.add.f32 [tilespmem:s16], [sflag:$0x7], $0x80, s24, s14, $0xb8;
	[tilespmem:$0x1E800] =	vst v63  }
0x65: {  	_ =	swait.ge [sflag:s25], $0x2800  }
0x66: {  	[sflag:s25] =	ssyncset.done $0x0  }
0x67: {  	[sflag:s25] =	ssyncadd.s32 $0xFFFFD800  }
0x68: {  	[spmem:s1] =	stream.indirect.scatter.add.f32 [tilespmem:s18], [sflag:$0x8], $0x80, s26, s14, $0xb8;
	[tilespmem:$0x1E800] =	vst v63  }
0x69: {  	_ =	swait.ge [sflag:s28], $0x2800  }
0x6a: {  	[sflag:s28] =	ssyncset.done $0x0  }
0x6b: {  	[sflag:s28] =	ssyncadd.s32 $0xFFFFD800  }
0x6c: {  	[spmem:s1] =	stream.indirect.scatter.add.f32 [tilespmem:s20], [sflag:$0x9], $0x80, s29, s14, $0xb8;
	[tilespmem:$0x1E800] =	vst v63  }
0x6d: {  	_ =	swait.ge [sflag:s30], $0x2800  }
0x6e: {  	[sflag:s30] =	ssyncset.done $0x0  }
0x6f: {  	[sflag:s30] =	ssyncadd.s32 $0xFFFFD800  }
0x70: {  	[spmem:s1] =	stream.indirect.scatter.add.f32 [tilespmem:s22], [sflag:$0xA], $0x80, s31, s14, $0xb8;
	[tilespmem:$0x1E800] =	vst v63  }
0x71: {  	_ =	swait.ge [sflag:s0], $0x2800  }
0x72: {  	[sflag:s0] =	ssyncset.done $0x0  }
0x73: {  	[sflag:s0] =	ssyncadd.s32 $0xFFFFD800  }
0x74: {  	_ =	swait.ge [sflag:s2], $0x2800  }
0x75: {  	[sflag:s2] =	ssyncset.done $0x0  }
0x76: {  	[sflag:s2] =	ssyncadd.s32 $0xFFFFD800  }
0x77: {  	p0 =	sne.s32 s5, $0x7C0;
	_ =	swait.ge [sflag:s4], $0x2800  }
.Ltmp0:
0x78: {  	[sflag:s4] =	ssyncset.done $0x0;
	(pc) =	sbr.rel @p0 .LBB2_2-.Ltmp0, $4  }
0x79: {  	[sflag:s4] =	ssyncadd.s32 $0xFFFFD800  }
0x7a: {  	_ =	swait.ge [sflag:s7], $0x2800  }
0x7b: {  	[sflag:s7] =	ssyncset.done $0x0  }
0x7c: {  	s5 =	sadd.s32 $0x40, s5;
	[sflag:s7] =	ssyncadd.s32 $0xFFFFD800  }
0x7d: {  	[bflag:$0x0] =	sbarrier.arrive $0xFFFF  }
0x7e: {  	s10 =	rddreg [dreg:$0x9]  }
0x7f: {  	s5 =	rddreg [dreg:$0xa]  }
0x80: {  	s9 =	simm.s32 $0xB;
	s8 =	rddreg [dreg:$0xc]  }
0x81: {  	[hbm:s5], [sflag:s10] =	dma.local [spmem:s8], $0x2800  }
0x82: {  	_ =	swait.ge [sflag:s9], $0x2800  }
0x83: {  	s11 =	rddreg [dreg:$0xd]  }
0x84: {  	s5 =	rddreg [dreg:$0xb];
	s11 =	sadd.s32 $0x1, s11  }
0x85: {  	p0 =	sne.s32 s11, s5  }
.Ltmp1:
0x86: {  	_ = 	snop;
	(pc) =	sbr.rel @p0 .LBB2_1-.Ltmp1, $3  }
0x87: {  	_ =	sdelay $0x1  }
0x88: {  	[sflag:s9] =	ssyncset.done $0x0  }
0x89: {  	[sflag:s9] =	ssyncadd.s32 $0xFFFFD800;
	[dreg:$0xd] =	wrdreg s11;
	s11 =	simm.s32 $0x14200  }
0x8a: {  	_ =	sfence.sel $0x180000  }
0x8b: {  	[bflag:$0x0] =	sbarrier.arrive $0xFFFF  }
0x8c: {  	_ =	strace $0x90000050  }
0x8d: {  	s0 =	stileid.u32;
	[bflag:$0x2] =	sbarrier.arrive $0xFFFF  }
0x8e: {  	p0 =	sne.s32 s0, $0x0;
	s0 =	rddreg [dreg:$0x4]  }
0x8f: {  	s0 =	sadd.s32 @!p0 $0x100000, s0  }
0x90: {  	[sflag:s0] =	ssyncadd.tile.s32 @!p0 $0x1;
	_ =	shalt  }
.Lfunc_end2:
_tile_overlayer_lowered:
.L_overlay_start_2:
0x91: {  	(tag) =	ssettag $0x2  }
0x92: {  	s0 =	rddreg [dreg:$0x0];
	s2 =	stileid.u32  }
0x93: {  	s1 =	rddreg [dreg:$0x1];
	p0 =	sne.s32 s2, $0x0  }
0x94: {  	s3 =	rddreg [dreg:$0x2];
	[bflag:$0x3] =	sbarrier.arrive $0xFFFF;
	s2 =	simm.s32 @!p0 $0x1C0B  }
0x95: {  	[timem:s3], [sflag:s2] =	dma.local @!p0 [hbm:s0], s1  }
0x96: {  	s0 =	simm.s32 @!p0 $0xB  }
0x97: {  	_ =	swait.ge @!p0 [sflag:s0], s1  }
0x98: {  	s1 =	ssub.s32 @!p0 $0x0, s1;
	[sflag:s0] =	ssyncset.done @!p0 $0x0  }
0x99: {  	[sflag:s0] =	ssyncadd.s32 @!p0 s1  }
0x9a: {  	[bflag:$0x3] =	sbarrier.arrive $0xFFFF  }
0x9b: {  	_ =	shalt  }

</sc_bundles>
